<compile_context>
chip_gen: v7x
topology: tpu7x:2x2x1
jax: 0.10.2.dev20260603
libtpu: 0.0.44.dev20260713+nightly
codegen_flags: <defaults>
</compile_context>

<pallas_src>
import functools

import jax
import jax.numpy as jnp
from jax import lax
from jax.experimental import pallas as pl
from jax.experimental.pallas import tpu as pltpu
from jax.experimental.pallas import tpu_sc as plsc

_info = plsc.get_sparse_core_info()
_NC, _NS, _L = _info.num_cores, _info.num_subcores, _info.num_lanes
_NW = _NC * _NS
_CHUNK = 128


def _full(v):
    return jnp.full((_L,), v, jnp.int32)


@functools.cache
def _make_sc_kernel(B, V):
    bpw = B // _NW
    nchunks = bpw // _CHUNK
    mesh = plsc.VectorSubcoreMesh(core_axis_name="c", subcore_axis_name="s")

    @functools.partial(
        pl.kernel,
        mesh=mesh,
        compiler_params=pltpu.CompilerParams(
            needs_layout_passes=False, use_tc_tiling_on_sc=False),
        out_type=[
            jax.ShapeDtypeStruct((B, 16), jnp.float32),
            jax.ShapeDtypeStruct((B, 16), jnp.float32),
        ],
        scratch_types=[
            pltpu.VMEM((nchunks, _CHUNK), jnp.int32),
            pltpu.VMEM((bpw,), jnp.int32),
            pltpu.VMEM((16, bpw), jnp.float32),
            pltpu.VMEM((8, 16), jnp.float32),
            pltpu.VMEM((8, 16), jnp.float32),
            pltpu.VMEM((bpw, 16), jnp.float32),
            pltpu.VMEM((bpw, 16), jnp.float32),
        ] + [pltpu.SemaphoreType.DMA] * (bpw // _CHUNK),
    )
    def k(*refs):
        (fidx_hbm, cidx_hbm) = refs[0:2]
        rtabs = refs[2:6]
        tabs = [rtabs[e // 4].at[e % 4] for e in range(16)]
        (cam_hbm, proj_hbm, pose_out, proj_out,
         fidx_v, cidx_v, planes_v, cam_t, proj_t, pose_v, proj_v) = refs[6:17]
        sems = refs[17:]
        wid = lax.axis_index("s") * _NC + lax.axis_index("c")
        base = wid * bpw

        pltpu.sync_copy(fidx_hbm.at[pl.ds(wid * nchunks, nchunks)], fidx_v)

        copies = [
            [
                pltpu.async_copy(
                    tabs[e].at[fidx_v.at[j]],
                    planes_v.at[e, pl.ds(j * _CHUNK, _CHUNK)],
                    sems[j],
                )
                for e in range(16)
            ]
            for j in range(nchunks)
        ]

        pltpu.sync_copy(cidx_hbm.at[pl.ds(base, bpw)], cidx_v)
        pltpu.sync_copy(cam_hbm, cam_t)
        pltpu.sync_copy(proj_hbm, proj_t)

        lanes = lax.iota(jnp.int32, _L)

        def group(g, carry):
            item = g * _L + lanes
            cam_i = cidx_v[pl.ds(g * _L, _L)]
            for e in range(9):
                pe = plsc.load_gather(proj_t, [cam_i, _full(e)])
                plsc.store_scatter(proj_v, [item, _full(e)], pe)
            rig_e = [[planes_v[4 * kk + cc, pl.ds(g * _L, _L)]
                      for cc in range(4)] for kk in range(4)]
            for r in range(4):
                cam_k = [plsc.load_gather(cam_t, [cam_i, _full(4 * r + kk)])
                         for kk in range(4)]
                for cc in range(4):
                    acc = cam_k[0] * rig_e[0][cc]
                    acc = acc + cam_k[1] * rig_e[1][cc]
                    acc = acc + cam_k[2] * rig_e[2][cc]
                    acc = acc + cam_k[3] * rig_e[3][cc]
                    plsc.store_scatter(pose_v, [item, _full(4 * r + cc)], acc)
            return carry

        gpc = _CHUNK // _L
        for j in range(nchunks):
            for cp in copies[j]:
                cp.wait()
            lax.fori_loop(j * gpc, (j + 1) * gpc, group, 0)

        pltpu.sync_copy(pose_v, pose_out.at[pl.ds(base, bpw)])
        pltpu.sync_copy(proj_v, proj_out.at[pl.ds(base, bpw)])

    return k


def kernel(image_idx, rig_t_world, camera_t_rig, projection):
    B = image_idx.shape[0]
    V = rig_t_world.shape[0]
    fidx = image_idx[:, 0].astype(jnp.int32).reshape(B // _CHUNK, _CHUNK)
    cidx = image_idx[:, 1].astype(jnp.int32)
    rig_T = jnp.transpose(rig_t_world, (1, 2, 0))
    planes = [rig_T[r] for r in range(4)]
    cam_flat = camera_t_rig.reshape(8, 16)
    proj_pad = jnp.pad(projection.reshape(8, 9), ((0, 0), (0, 7)))
    pose, proj = _make_sc_kernel(B, V)(fidx, cidx, *planes, cam_flat,
                                       proj_pad)
    return pose.reshape(B, 4, 4), proj[:, :9].reshape(B, 3, 3)

# --- scband reference (transcript-rebuilt; emitter-appended) ---
"""Pipeline reference for scband-camera-rig-table-30296699306453 (READ-ONLY COPY).

The authoritative reference and input builder live on the scoring server;
editing this copy changes nothing except your own understanding.
"""

import jax, jax.numpy as jnp
import numpy as np

NUM_FRAMES = 1000000
NUM_CAMERAS = 8
BATCH = 16384


def setup_inputs(seed: int = 0) -> dict:
    key = jax.random.key(seed)
    k1, k2, k3, k4, k5 = jax.random.split(key, 5)
    # Learned parameters sized per init_kwargs
    rig_t_world = jax.random.normal(k1, (NUM_FRAMES, 4, 4), dtype=jnp.float32)
    camera_t_rig = jax.random.normal(k2, (NUM_CAMERAS, 4, 4), dtype=jnp.float32)
    projection = jax.random.normal(k3, (NUM_CAMERAS, 3, 3), dtype=jnp.float32)
    # image_idx: Nx2, column 0 = frame index, column 1 = camera-in-rig index
    frame_idx = jax.random.randint(k4, (BATCH,), 0, NUM_FRAMES)
    cam_idx = jax.random.randint(k5, (BATCH,), 0, NUM_CAMERAS)
    image_idx = jnp.stack([frame_idx, cam_idx], axis=-1)
    return {
        "image_idx": image_idx,
        "rig_t_world": rig_t_world,
        "camera_t_rig": camera_t_rig,
        "projection": projection,
    }


def reference(image_idx, rig_t_world, camera_t_rig, projection):
    # RigPoseTable: camera_t_world = camera_t_rig[cam_idx] @ rig_t_world[frame_idx]
    rig = jnp.take(rig_t_world, image_idx[:, 0], axis=0)      # [N, 4, 4] gather from big table
    cam = jnp.take(camera_t_rig, image_idx[:, 1], axis=0)     # [N, 4, 4]
    camera_t_world = jnp.einsum('nij,njk->nik', cam, rig)     # pose composition
    proj = jnp.take(projection, image_idx[:, 1], axis=0)      # [N, 3, 3]
    return camera_t_world, proj

if __name__ == "__main__":
    import jax
    _d = setup_inputs()
    print(jax.jit(kernel)(*tuple(_d.values())))

</pallas_src>

<mosaic_0001>
#map = affine_map<(d0, d1) -> (0, 0)>
#map1 = affine_map<(d0, d1) -> (0)>
module attributes {stable_mosaic.version = 14 : i64} {
  func.func @k(%arg0: i32, %arg1: i32, %arg2: memref<128x128xi32, #tpu.memory_space<hbm>>, %arg3: memref<16384xi32, #tpu.memory_space<hbm>>, %arg4: memref<4x1000000xf32, #tpu.memory_space<hbm>>, %arg5: memref<4x1000000xf32, #tpu.memory_space<hbm>>, %arg6: memref<4x1000000xf32, #tpu.memory_space<hbm>>, %arg7: memref<4x1000000xf32, #tpu.memory_space<hbm>>, %arg8: memref<8x16xf32, #tpu.memory_space<hbm>>, %arg9: memref<8x16xf32, #tpu.memory_space<hbm>>, %arg10: memref<16384x16xf32, #tpu.memory_space<hbm>>, %arg11: memref<16384x16xf32, #tpu.memory_space<hbm>>, %arg12: memref<4x128xi32, #tpu.memory_space<vmem>>, %arg13: memref<512xi32, #tpu.memory_space<vmem>>, %arg14: memref<16x512xf32, #tpu.memory_space<vmem>>, %arg15: memref<8x16xf32, #tpu.memory_space<vmem>>, %arg16: memref<8x16xf32, #tpu.memory_space<vmem>>, %arg17: memref<512x16xf32, #tpu.memory_space<vmem>>, %arg18: memref<512x16xf32, #tpu.memory_space<vmem>>, %arg19: memref<!tpu.dma_semaphore, #tpu.memory_space<semaphore_mem>>, %arg20: memref<!tpu.dma_semaphore, #tpu.memory_space<semaphore_mem>>, %arg21: memref<!tpu.dma_semaphore, #tpu.memory_space<semaphore_mem>>, %arg22: memref<!tpu.dma_semaphore, #tpu.memory_space<semaphore_mem>>) attributes {dimension_semantics = [#tpu.dimension_semantics<core_parallel>, #tpu.dimension_semantics<subcore_parallel>], iteration_bounds = array<i64: 2, 16>, scalar_prefetch = 0 : i64, scratch_operands = 11 : i64, tpu.core_type = #tpu.core_type<sc_vector_subcore>, window_params = [{transform_indices = #map}, {transform_indices = #map1}, {transform_indices = #map}, {transform_indices = #map}, {transform_indices = #map}, {transform_indices = #map}, {transform_indices = #map}, {transform_indices = #map}, {transform_indices = #map}, {transform_indices = #map}]} {
    %mul3A = arith.constant 2 : i32
    %mul3A_0 = arith.muli %arg1, %mul3A : i32
    %add3A = arith.addi %mul3A_0, %arg0 : i32
    %mul3A_1 = arith.constant 512 : i32
    %mul3A_2 = arith.muli %add3A, %mul3A_1 : i32
    %mul3A_3 = arith.constant 4 : i32
    %mul3A_4 = arith.muli %add3A, %mul3A_3 : i32
    "tpu.region"() ({
      %run_scoped3A = tpu.sem_alloc : memref<!tpu.dma_semaphore, #tpu.memory_space<semaphore_mem>>
      %dma_start3A_1818 = arith.constant 0 : i32
      %dma_start3A_1819 = tpu.memref_slice %arg2[%mul3A_4, %dma_start3A_1818] : memref<128x128xi32, #tpu.memory_space<hbm>> -> memref<4x128xi32, #tpu.memory_space<hbm>>
      %dma_start3A_1820 = arith.constant 0 : i32
      %dma_start3A_1821 = tpu.memref_slice %arg2[%mul3A_4, %dma_start3A_1820] : memref<128x128xi32, #tpu.memory_space<hbm>> -> memref<4x128xi32, #tpu.memory_space<hbm>>
      tpu.enqueue_dma source(%dma_start3A_1821 : memref<4x128xi32, #tpu.memory_space<hbm>>) target(%arg12 : memref<4x128xi32, #tpu.memory_space<vmem>>) target_semaphore(%run_scoped3A : memref<!tpu.dma_semaphore, #tpu.memory_space<semaphore_mem>>)
      %dma_wait3A_1822 = arith.constant 0 : i32
      %dma_wait3A_1823 = tpu.memref_slice %arg2[%mul3A_4, %dma_wait3A_1822] : memref<128x128xi32, #tpu.memory_space<hbm>> -> memref<4x128xi32, #tpu.memory_space<hbm>>
      %dma_wait3A_1824 = arith.constant 0 : i32
      %dma_wait3A_1825 = tpu.memref_slice %arg2[%mul3A_4, %dma_wait3A_1824] : memref<128x128xi32, #tpu.memory_space<hbm>> -> memref<4x128xi32, #tpu.memory_space<hbm>>
      tpu.wait_dma2 semaphore(%run_scoped3A : memref<!tpu.dma_semaphore, #tpu.memory_space<semaphore_mem>>) src(%dma_wait3A_1825 : memref<4x128xi32, #tpu.memory_space<hbm>>) dst(%arg12 : memref<4x128xi32, #tpu.memory_space<vmem>>)
      tpu.yield
    }) : () -> ()
    %dma_start3A = arith.constant 0 : i32
    %dma_start3A_5 = arith.constant 0 : i32
    %dma_start3A_6 = arith.constant 0 : i32
    %dma_start3A_7 = arith.constant 0 : i32
    %dma_start3A_8 = tpu.memref_slice %arg14[%dma_start3A_6, %dma_start3A_7] : memref<16x512xf32, #tpu.memory_space<vmem>> -> memref<1x128xf32, #tpu.memory_space<vmem>>
    %dma_start3A_9 = tpu.memref_squeeze %dma_start3A_8 : memref<1x128xf32, #tpu.memory_space<vmem>> -> memref<128xf32, #tpu.memory_space<vmem>>
    %dma_start3A_10 = arith.constant 0 : i32
    %dma_start3A_11 = tpu.memref_slice %arg12[%dma_start3A_5, %dma_start3A_10] : memref<4x128xi32, #tpu.memory_space<vmem>> -> memref<1x128xi32, #tpu.memory_space<vmem>>
    %dma_start3A_12 = tpu.memref_squeeze %dma_start3A_11 : memref<1x128xi32, #tpu.memory_space<vmem>> -> memref<128xi32, #tpu.memory_space<vmem>>
    %dma_start3A_13 = arith.constant 0 : i32
    %dma_start3A_14 = tpu.memref_slice %arg4[%dma_start3A, %dma_start3A_13] : memref<4x1000000xf32, #tpu.memory_space<hbm>> -> memref<1x1000000xf32, #tpu.memory_space<hbm>>
    %dma_start3A_15 = tpu.memref_squeeze %dma_start3A_14 : memref<1x1000000xf32, #tpu.memory_space<hbm>> -> memref<1000000xf32, #tpu.memory_space<hbm>>
    %dma_start3A_16 = arith.constant 0 : i32
    %dma_start3A_17 = tpu.memref_slice %dma_start3A_15[%dma_start3A_16] : memref<1000000xf32, #tpu.memory_space<hbm>> -> memref<1000000xf32, #tpu.memory_space<hbm>>
    tpu.enqueue_indirect_dma source(%dma_start3A_17 : memref<1000000xf32, #tpu.memory_space<hbm>>) target(%dma_start3A_9 : memref<128xf32, #tpu.memory_space<vmem>>) offsets(%dma_start3A_12 : memref<128xi32, #tpu.memory_space<vmem>>) semaphore(%arg19 : memref<!tpu.dma_semaphore, #tpu.memory_space<semaphore_mem>>)
    %dma_start3A_18 = arith.constant 1 : i32
    %dma_start3A_19 = arith.constant 0 : i32
    %dma_start3A_20 = arith.constant 1 : i32
    %dma_start3A_21 = arith.constant 0 : i32
    %dma_start3A_22 = tpu.memref_slice %arg14[%dma_start3A_20, %dma_start3A_21] : memref<16x512xf32, #tpu.memory_space<vmem>> -> memref<1x128xf32, #tpu.memory_space<vmem>>
    %dma_start3A_23 = tpu.memref_squeeze %dma_start3A_22 : memref<1x128xf32, #tpu.memory_space<vmem>> -> memref<128xf32, #tpu.memory_space<vmem>>
    %dma_start3A_24 = arith.constant 0 : i32
    %dma_start3A_25 = tpu.memref_slice %arg12[%dma_start3A_19, %dma_start3A_24] : memref<4x128xi32, #tpu.memory_space<vmem>> -> memref<1x128xi32, #tpu.memory_space<vmem>>
    %dma_start3A_26 = tpu.memref_squeeze %dma_start3A_25 : memref<1x128xi32, #tpu.memory_space<vmem>> -> memref<128xi32, #tpu.memory_space<vmem>>
    %dma_start3A_27 = arith.constant 0 : i32
    %dma_start3A_28 = tpu.memref_slice %arg4[%dma_start3A_18, %dma_start3A_27] : memref<4x1000000xf32, #tpu.memory_space<hbm>> -> memref<1x1000000xf32, #tpu.memory_space<hbm>>
    %dma_start3A_29 = tpu.memref_squeeze %dma_start3A_28 : memref<1x1000000xf32, #tpu.memory_space<hbm>> -> memref<1000000xf32, #tpu.memory_space<hbm>>
    %dma_start3A_30 = arith.constant 0 : i32
    %dma_start3A_31 = tpu.memref_slice %dma_start3A_29[%dma_start3A_30] : memref<1000000xf32, #tpu.memory_space<hbm>> -> memref<1000000xf32, #tpu.memory_space<hbm>>
    tpu.enqueue_indirect_dma source(%dma_start3A_31 : memref<1000000xf32, #tpu.memory_space<hbm>>) target(%dma_start3A_23 : memref<128xf32, #tpu.memory_space<vmem>>) offsets(%dma_start3A_26 : memref<128xi32, #tpu.memory_space<vmem>>) semaphore(%arg19 : memref<!tpu.dma_semaphore, #tpu.memory_space<semaphore_mem>>)
    %dma_start3A_32 = arith.constant 2 : i32
    %dma_start3A_33 = arith.constant 0 : i32
    %dma_start3A_34 = arith.constant 2 : i32
    %dma_start3A_35 = arith.constant 0 : i32
    %dma_start3A_36 = tpu.memref_slice %arg14[%dma_start3A_34, %dma_start3A_35] : memref<16x512xf32, #tpu.memory_space<vmem>> -> memref<1x128xf32, #tpu.memory_space<vmem>>
    %dma_start3A_37 = tpu.memref_squeeze %dma_start3A_36 : memref<1x128xf32, #tpu.memory_space<vmem>> -> memref<128xf32, #tpu.memory_space<vmem>>
    %dma_start3A_38 = arith.constant 0 : i32
    %dma_start3A_39 = tpu.memref_slice %arg12[%dma_start3A_33, %dma_start3A_38] : memref<4x128xi32, #tpu.memory_space<vmem>> -> memref<1x128xi32, #tpu.memory_space<vmem>>
    %dma_start3A_40 = tpu.memref_squeeze %dma_start3A_39 : memref<1x128xi32, #tpu.memory_space<vmem>> -> memref<128xi32, #tpu.memory_space<vmem>>
    %dma_start3A_41 = arith.constant 0 : i32
    %dma_start3A_42 = tpu.memref_slice %arg4[%dma_start3A_32, %dma_start3A_41] : memref<4x1000000xf32, #tpu.memory_space<hbm>> -> memref<1x1000000xf32, #tpu.memory_space<hbm>>
    %dma_start3A_43 = tpu.memref_squeeze %dma_start3A_42 : memref<1x1000000xf32, #tpu.memory_space<hbm>> -> memref<1000000xf32, #tpu.memory_space<hbm>>
    %dma_start3A_44 = arith.constant 0 : i32
    %dma_start3A_45 = tpu.memref_slice %dma_start3A_43[%dma_start3A_44] : memref<1000000xf32, #tpu.memory_space<hbm>> -> memref<1000000xf32, #tpu.memory_space<hbm>>
    tpu.enqueue_indirect_dma source(%dma_start3A_45 : memref<1000000xf32, #tpu.memory_space<hbm>>) target(%dma_start3A_37 : memref<128xf32, #tpu.memory_space<vmem>>) offsets(%dma_start3A_40 : memref<128xi32, #tpu.memory_space<vmem>>) semaphore(%arg19 : memref<!tpu.dma_semaphore, #tpu.memory_space<semaphore_mem>>)
    %dma_start3A_46 = arith.constant 3 : i32
    %dma_start3A_47 = arith.constant 0 : i32
    %dma_start3A_48 = arith.constant 3 : i32
    %dma_start3A_49 = arith.constant 0 : i32
    %dma_start3A_50 = tpu.memref_slice %arg14[%dma_start3A_48, %dma_start3A_49] : memref<16x512xf32, #tpu.memory_space<vmem>> -> memref<1x128xf32, #tpu.memory_space<vmem>>
    %dma_start3A_51 = tpu.memref_squeeze %dma_start3A_50 : memref<1x128xf32, #tpu.memory_space<vmem>> -> memref<128xf32, #tpu.memory_space<vmem>>
    %dma_start3A_52 = arith.constant 0 : i32
    %dma_start3A_53 = tpu.memref_slice %arg12[%dma_start3A_47, %dma_start3A_52] : memref<4x128xi32, #tpu.memory_space<vmem>> -> memref<1x128xi32, #tpu.memory_space<vmem>>
    %dma_start3A_54 = tpu.memref_squeeze %dma_start3A_53 : memref<1x128xi32, #tpu.memory_space<vmem>> -> memref<128xi32, #tpu.memory_space<vmem>>
    %dma_start3A_55 = arith.constant 0 : i32
    %dma_start3A_56 = tpu.memref_slice %arg4[%dma_start3A_46, %dma_start3A_55] : memref<4x1000000xf32, #tpu.memory_space<hbm>> -> memref<1x1000000xf32, #tpu.memory_space<hbm>>
    %dma_start3A_57 = tpu.memref_squeeze %dma_start3A_56 : memref<1x1000000xf32, #tpu.memory_space<hbm>> -> memref<1000000xf32, #tpu.memory_space<hbm>>
    %dma_start3A_58 = arith.constant 0 : i32
    %dma_start3A_59 = tpu.memref_slice %dma_start3A_57[%dma_start3A_58] : memref<1000000xf32, #tpu.memory_space<hbm>> -> memref<1000000xf32, #tpu.memory_space<hbm>>
    tpu.enqueue_indirect_dma source(%dma_start3A_59 : memref<1000000xf32, #tpu.memory_space<hbm>>) target(%dma_start3A_51 : memref<128xf32, #tpu.memory_space<vmem>>) offsets(%dma_start3A_54 : memref<128xi32, #tpu.memory_space<vmem>>) semaphore(%arg19 : memref<!tpu.dma_semaphore, #tpu.memory_space<semaphore_mem>>)
    %dma_start3A_60 = arith.constant 0 : i32
    %dma_start3A_61 = arith.constant 0 : i32
    %dma_start3A_62 = arith.constant 4 : i32
    %dma_start3A_63 = arith.constant 0 : i32
    %dma_start3A_64 = tpu.memref_slice %arg14[%dma_start3A_62, %dma_start3A_63] : memref<16x512xf32, #tpu.memory_space<vmem>> -> memref<1x128xf32, #tpu.memory_space<vmem>>
    %dma_start3A_65 = tpu.memref_squeeze %dma_start3A_64 : memref<1x128xf32, #tpu.memory_space<vmem>> -> memref<128xf32, #tpu.memory_space<vmem>>
    %dma_start3A_66 = arith.constant 0 : i32
    %dma_start3A_67 = tpu.memref_slice %arg12[%dma_start3A_61, %dma_start3A_66] : memref<4x128xi32, #tpu.memory_space<vmem>> -> memref<1x128xi32, #tpu.memory_space<vmem>>
    %dma_start3A_68 = tpu.memref_squeeze %dma_start3A_67 : memref<1x128xi32, #tpu.memory_space<vmem>> -> memref<128xi32, #tpu.memory_space<vmem>>
    %dma_start3A_69 = arith.constant 0 : i32
    %dma_start3A_70 = tpu.memref_slice %arg5[%dma_start3A_60, %dma_start3A_69] : memref<4x1000000xf32, #tpu.memory_space<hbm>> -> memref<1x1000000xf32, #tpu.memory_space<hbm>>
    %dma_start3A_71 = tpu.memref_squeeze %dma_start3A_70 : memref<1x1000000xf32, #tpu.memory_space<hbm>> -> memref<1000000xf32, #tpu.memory_space<hbm>>
    %dma_start3A_72 = arith.constant 0 : i32
    %dma_start3A_73 = tpu.memref_slice %dma_start3A_71[%dma_start3A_72] : memref<1000000xf32, #tpu.memory_space<hbm>> -> memref<1000000xf32, #tpu.memory_space<hbm>>
    tpu.enqueue_indirect_dma source(%dma_start3A_73 : memref<1000000xf32, #tpu.memory_space<hbm>>) target(%dma_start3A_65 : memref<128xf32, #tpu.memory_space<vmem>>) offsets(%dma_start3A_68 : memref<128xi32, #tpu.memory_space<vmem>>) semaphore(%arg19 : memref<!tpu.dma_semaphore, #tpu.memory_space<semaphore_mem>>)
    %dma_start3A_74 = arith.constant 1 : i32
    %dma_start3A_75 = arith.constant 0 : i32
    %dma_start3A_76 = arith.constant 5 : i32
    %dma_start3A_77 = arith.constant 0 : i32
    %dma_start3A_78 = tpu.memref_slice %arg14[%dma_start3A_76, %dma_start3A_77] : memref<16x512xf32, #tpu.memory_space<vmem>> -> memref<1x128xf32, #tpu.memory_space<vmem>>
    %dma_start3A_79 = tpu.memref_squeeze %dma_start3A_78 : memref<1x128xf32, #tpu.memory_space<vmem>> -> memref<128xf32, #tpu.memory_space<vmem>>
    %dma_start3A_80 = arith.constant 0 : i32
    %dma_start3A_81 = tpu.memref_slice %arg12[%dma_start3A_75, %dma_start3A_80] : memref<4x128xi32, #tpu.memory_space<vmem>> -> memref<1x128xi32, #tpu.memory_space<vmem>>
    %dma_start3A_82 = tpu.memref_squeeze %dma_start3A_81 : memref<1x128xi32, #tpu.memory_space<vmem>> -> memref<128xi32, #tpu.memory_space<vmem>>
    %dma_start3A_83 = arith.constant 0 : i32
    %dma_start3A_84 = tpu.memref_slice %arg5[%dma_start3A_74, %dma_start3A_83] : memref<4x1000000xf32, #tpu.memory_space<hbm>> -> memref<1x1000000xf32, #tpu.memory_space<hbm>>
    %dma_start3A_85 = tpu.memref_squeeze %dma_start3A_84 : memref<1x1000000xf32, #tpu.memory_space<hbm>> -> memref<1000000xf32, #tpu.memory_space<hbm>>
    %dma_start3A_86 = arith.constant 0 : i32
    %dma_start3A_87 = tpu.memref_slice %dma_start3A_85[%dma_start3A_86] : memref<1000000xf32, #tpu.memory_space<hbm>> -> memref<1000000xf32, #tpu.memory_space<hbm>>
    tpu.enqueue_indirect_dma source(%dma_start3A_87 : memref<1000000xf32, #tpu.memory_space<hbm>>) target(%dma_start3A_79 : memref<128xf32, #tpu.memory_space<vmem>>) offsets(%dma_start3A_82 : memref<128xi32, #tpu.memory_space<vmem>>) semaphore(%arg19 : memref<!tpu.dma_semaphore, #tpu.memory_space<semaphore_mem>>)
    %dma_start3A_88 = arith.constant 2 : i32
    %dma_start3A_89 = arith.constant 0 : i32
    %dma_start3A_90 = arith.constant 6 : i32
    %dma_start3A_91 = arith.constant 0 : i32
    %dma_start3A_92 = tpu.memref_slice %arg14[%dma_start3A_90, %dma_start3A_91] : memref<16x512xf32, #tpu.memory_space<vmem>> -> memref<1x128xf32, #tpu.memory_space<vmem>>
    %dma_start3A_93 = tpu.memref_squeeze %dma_start3A_92 : memref<1x128xf32, #tpu.memory_space<vmem>> -> memref<128xf32, #tpu.memory_space<vmem>>
    %dma_start3A_94 = arith.constant 0 : i32
    %dma_start3A_95 = tpu.memref_slice %arg12[%dma_start3A_89, %dma_start3A_94] : memref<4x128xi32, #tpu.memory_space<vmem>> -> memref<1x128xi32, #tpu.memory_space<vmem>>
    %dma_start3A_96 = tpu.memref_squeeze %dma_start3A_95 : memref<1x128xi32, #tpu.memory_space<vmem>> -> memref<128xi32, #tpu.memory_space<vmem>>
    %dma_start3A_97 = arith.constant 0 : i32
    %dma_start3A_98 = tpu.memref_slice %arg5[%dma_start3A_88, %dma_start3A_97] : memref<4x1000000xf32, #tpu.memory_space<hbm>> -> memref<1x1000000xf32, #tpu.memory_space<hbm>>
    %dma_start3A_99 = tpu.memref_squeeze %dma_start3A_98 : memref<1x1000000xf32, #tpu.memory_space<hbm>> -> memref<1000000xf32, #tpu.memory_space<hbm>>
    %dma_start3A_100 = arith.constant 0 : i32
    %dma_start3A_101 = tpu.memref_slice %dma_start3A_99[%dma_start3A_100] : memref<1000000xf32, #tpu.memory_space<hbm>> -> memref<1000000xf32, #tpu.memory_space<hbm>>
    tpu.enqueue_indirect_dma source(%dma_start3A_101 : memref<1000000xf32, #tpu.memory_space<hbm>>) target(%dma_start3A_93 : memref<128xf32, #tpu.memory_space<vmem>>) offsets(%dma_start3A_96 : memref<128xi32, #tpu.memory_space<vmem>>) semaphore(%arg19 : memref<!tpu.dma_semaphore, #tpu.memory_space<semaphore_mem>>)
    %dma_start3A_102 = arith.constant 3 : i32
    %dma_start3A_103 = arith.constant 0 : i32
    %dma_start3A_104 = arith.constant 7 : i32
    %dma_start3A_105 = arith.constant 0 : i32
    %dma_start3A_106 = tpu.memref_slice %arg14[%dma_start3A_104, %dma_start3A_105] : memref<16x512xf32, #tpu.memory_space<vmem>> -> memref<1x128xf32, #tpu.memory_space<vmem>>
    %dma_start3A_107 = tpu.memref_squeeze %dma_start3A_106 : memref<1x128xf32, #tpu.memory_space<vmem>> -> memref<128xf32, #tpu.memory_space<vmem>>
    %dma_start3A_108 = arith.constant 0 : i32
    %dma_start3A_109 = tpu.memref_slice %arg12[%dma_start3A_103, %dma_start3A_108] : memref<4x128xi32, #tpu.memory_space<vmem>> -> memref<1x128xi32, #tpu.memory_space<vmem>>
    %dma_start3A_110 = tpu.memref_squeeze %dma_start3A_109 : memref<1x128xi32, #tpu.memory_space<vmem>> -> memref<128xi32, #tpu.memory_space<vmem>>
    %dma_start3A_111 = arith.constant 0 : i32
    %dma_start3A_112 = tpu.memref_slice %arg5[%dma_start3A_102, %dma_start3A_111] : memref<4x1000000xf32, #tpu.memory_space<hbm>> -> memref<1x1000000xf32, #tpu.memory_space<hbm>>
    %dma_start3A_113 = tpu.memref_squeeze %dma_start3A_112 : memref<1x1000000xf32, #tpu.memory_space<hbm>> -> memref<1000000xf32, #tpu.memory_space<hbm>>
    %dma_start3A_114 = arith.constant 0 : i32
    %dma_start3A_115 = tpu.memref_slice %dma_start3A_113[%dma_start3A_114] : memref<1000000xf32, #tpu.memory_space<hbm>> -> memref<1000000xf32, #tpu.memory_space<hbm>>
    tpu.enqueue_indirect_dma source(%dma_start3A_115 : memref<1000000xf32, #tpu.memory_space<hbm>>) target(%dma_start3A_107 : memref<128xf32, #tpu.memory_space<vmem>>) offsets(%dma_start3A_110 : memref<128xi32, #tpu.memory_space<vmem>>) semaphore(%arg19 : memref<!tpu.dma_semaphore, #tpu.memory_space<semaphore_mem>>)
    %dma_start3A_116 = arith.constant 0 : i32
    %dma_start3A_117 = arith.constant 0 : i32
    %dma_start3A_118 = arith.constant 8 : i32
    %dma_start3A_119 = arith.constant 0 : i32
    %dma_start3A_120 = tpu.memref_slice %arg14[%dma_start3A_118, %dma_start3A_119] : memref<16x512xf32, #tpu.memory_space<vmem>> -> memref<1x128xf32, #tpu.memory_space<vmem>>
    %dma_start3A_121 = tpu.memref_squeeze %dma_start3A_120 : memref<1x128xf32, #tpu.memory_space<vmem>> -> memref<128xf32, #tpu.memory_space<vmem>>
    %dma_start3A_122 = arith.constant 0 : i32
    %dma_start3A_123 = tpu.memref_slice %arg12[%dma_start3A_117, %dma_start3A_122] : memref<4x128xi32, #tpu.memory_space<vmem>> -> memref<1x128xi32, #tpu.memory_space<vmem>>
    %dma_start3A_124 = tpu.memref_squeeze %dma_start3A_123 : memref<1x128xi32, #tpu.memory_space<vmem>> -> memref<128xi32, #tpu.memory_space<vmem>>
    %dma_start3A_125 = arith.constant 0 : i32
    %dma_start3A_126 = tpu.memref_slice %arg6[%dma_start3A_116, %dma_start3A_125] : memref<4x1000000xf32, #tpu.memory_space<hbm>> -> memref<1x1000000xf32, #tpu.memory_space<hbm>>
    %dma_start3A_127 = tpu.memref_squeeze %dma_start3A_126 : memref<1x1000000xf32, #tpu.memory_space<hbm>> -> memref<1000000xf32, #tpu.memory_space<hbm>>
    %dma_start3A_128 = arith.constant 0 : i32
    %dma_start3A_129 = tpu.memref_slice %dma_start3A_127[%dma_start3A_128] : memref<1000000xf32, #tpu.memory_space<hbm>> -> memref<1000000xf32, #tpu.memory_space<hbm>>
    tpu.enqueue_indirect_dma source(%dma_start3A_129 : memref<1000000xf32, #tpu.memory_space<hbm>>) target(%dma_start3A_121 : memref<128xf32, #tpu.memory_space<vmem>>) offsets(%dma_start3A_124 : memref<128xi32, #tpu.memory_space<vmem>>) semaphore(%arg19 : memref<!tpu.dma_semaphore, #tpu.memory_space<semaphore_mem>>)
    %dma_start3A_130 = arith.constant 1 : i32
    %dma_start3A_131 = arith.constant 0 : i32
    %dma_start3A_132 = arith.constant 9 : i32
    %dma_start3A_133 = arith.constant 0 : i32
    %dma_start3A_134 = tpu.memref_slice %arg14[%dma_start3A_132, %dma_start3A_133] : memref<16x512xf32, #tpu.memory_space<vmem>> -> memref<1x128xf32, #tpu.memory_space<vmem>>
    %dma_start3A_135 = tpu.memref_squeeze %dma_start3A_134 : memref<1x128xf32, #tpu.memory_space<vmem>> -> memref<128xf32, #tpu.memory_space<vmem>>
    %dma_start3A_136 = arith.constant 0 : i32
    %dma_start3A_137 = tpu.memref_slice %arg12[%dma_start3A_131, %dma_start3A_136] : memref<4x128xi32, #tpu.memory_space<vmem>> -> memref<1x128xi32, #tpu.memory_space<vmem>>
    %dma_start3A_138 = tpu.memref_squeeze %dma_start3A_137 : memref<1x128xi32, #tpu.memory_space<vmem>> -> memref<128xi32, #tpu.memory_space<vmem>>
    %dma_start3A_139 = arith.constant 0 : i32
    %dma_start3A_140 = tpu.memref_slice %arg6[%dma_start3A_130, %dma_start3A_139] : memref<4x1000000xf32, #tpu.memory_space<hbm>> -> memref<1x1000000xf32, #tpu.memory_space<hbm>>
    %dma_start3A_141 = tpu.memref_squeeze %dma_start3A_140 : memref<1x1000000xf32, #tpu.memory_space<hbm>> -> memref<1000000xf32, #tpu.memory_space<hbm>>
    %dma_start3A_142 = arith.constant 0 : i32
    %dma_start3A_143 = tpu.memref_slice %dma_start3A_141[%dma_start3A_142] : memref<1000000xf32, #tpu.memory_space<hbm>> -> memref<1000000xf32, #tpu.memory_space<hbm>>
    tpu.enqueue_indirect_dma source(%dma_start3A_143 : memref<1000000xf32, #tpu.memory_space<hbm>>) target(%dma_start3A_135 : memref<128xf32, #tpu.memory_space<vmem>>) offsets(%dma_start3A_138 : memref<128xi32, #tpu.memory_space<vmem>>) semaphore(%arg19 : memref<!tpu.dma_semaphore, #tpu.memory_space<semaphore_mem>>)
    %dma_start3A_144 = arith.constant 2 : i32
    %dma_start3A_145 = arith.constant 0 : i32
    %dma_start3A_146 = arith.constant 10 : i32
    %dma_start3A_147 = arith.constant 0 : i32
    %dma_start3A_148 = tpu.memref_slice %arg14[%dma_start3A_146, %dma_start3A_147] : memref<16x512xf32, #tpu.memory_space<vmem>> -> memref<1x128xf32, #tpu.memory_space<vmem>>
    %dma_start3A_149 = tpu.memref_squeeze %dma_start3A_148 : memref<1x128xf32, #tpu.memory_space<vmem>> -> memref<128xf32, #tpu.memory_space<vmem>>
    %dma_start3A_150 = arith.constant 0 : i32
    %dma_start3A_151 = tpu.memref_slice %arg12[%dma_start3A_145, %dma_start3A_150] : memref<4x128xi32, #tpu.memory_space<vmem>> -> memref<1x128xi32, #tpu.memory_space<vmem>>
    %dma_start3A_152 = tpu.memref_squeeze %dma_start3A_151 : memref<1x128xi32, #tpu.memory_space<vmem>> -> memref<128xi32, #tpu.memory_space<vmem>>
    %dma_start3A_153 = arith.constant 0 : i32
    %dma_start3A_154 = tpu.memref_slice %arg6[%dma_start3A_144, %dma_start3A_153] : memref<4x1000000xf32, #tpu.memory_space<hbm>> -> memref<1x1000000xf32, #tpu.memory_space<hbm>>
    %dma_start3A_155 = tpu.memref_squeeze %dma_start3A_154 : memref<1x1000000xf32, #tpu.memory_space<hbm>> -> memref<1000000xf32, #tpu.memory_space<hbm>>
    %dma_start3A_156 = arith.constant 0 : i32
    %dma_start3A_157 = tpu.memref_slice %dma_start3A_155[%dma_start3A_156] : memref<1000000xf32, #tpu.memory_space<hbm>> -> memref<1000000xf32, #tpu.memory_space<hbm>>
    tpu.enqueue_indirect_dma source(%dma_start3A_157 : memref<1000000xf32, #tpu.memory_space<hbm>>) target(%dma_start3A_149 : memref<128xf32, #tpu.memory_space<vmem>>) offsets(%dma_start3A_152 : memref<128xi32, #tpu.memory_space<vmem>>) semaphore(%arg19 : memref<!tpu.dma_semaphore, #tpu.memory_space<semaphore_mem>>)
    %dma_start3A_158 = arith.constant 3 : i32
    %dma_start3A_159 = arith.constant 0 : i32
    %dma_start3A_160 = arith.constant 11 : i32
    %dma_start3A_161 = arith.constant 0 : i32
    %dma_start3A_162 = tpu.memref_slice %arg14[%dma_start3A_160, %dma_start3A_161] : memref<16x512xf32, #tpu.memory_space<vmem>> -> memref<1x128xf32, #tpu.memory_space<vmem>>
    %dma_start3A_163 = tpu.memref_squeeze %dma_start3A_162 : memref<1x128xf32, #tpu.memory_space<vmem>> -> memref<128xf32, #tpu.memory_space<vmem>>
    %dma_start3A_164 = arith.constant 0 : i32
    %dma_start3A_165 = tpu.memref_slice %arg12[%dma_start3A_159, %dma_start3A_164] : memref<4x128xi32, #tpu.memory_space<vmem>> -> memref<1x128xi32, #tpu.memory_space<vmem>>
    %dma_start3A_166 = tpu.memref_squeeze %dma_start3A_165 : memref<1x128xi32, #tpu.memory_space<vmem>> -> memref<128xi32, #tpu.memory_space<vmem>>
    %dma_start3A_167 = arith.constant 0 : i32
    %dma_start3A_168 = tpu.memref_slice %arg6[%dma_start3A_158, %dma_start3A_167] : memref<4x1000000xf32, #tpu.memory_space<hbm>> -> memref<1x1000000xf32, #tpu.memory_space<hbm>>
    %dma_start3A_169 = tpu.memref_squeeze %dma_start3A_168 : memref<1x1000000xf32, #tpu.memory_space<hbm>> -> memref<1000000xf32, #tpu.memory_space<hbm>>
    %dma_start3A_170 = arith.constant 0 : i32
    %dma_start3A_171 = tpu.memref_slice %dma_start3A_169[%dma_start3A_170] : memref<1000000xf32, #tpu.memory_space<hbm>> -> memref<1000000xf32, #tpu.memory_space<hbm>>
    tpu.enqueue_indirect_dma source(%dma_start3A_171 : memref<1000000xf32, #tpu.memory_space<hbm>>) target(%dma_start3A_163 : memref<128xf32, #tpu.memory_space<vmem>>) offsets(%dma_start3A_166 : memref<128xi32, #tpu.memory_space<vmem>>) semaphore(%arg19 : memref<!tpu.dma_semaphore, #tpu.memory_space<semaphore_mem>>)
    %dma_start3A_172 = arith.constant 0 : i32
    %dma_start3A_173 = arith.constant 0 : i32
    %dma_start3A_174 = arith.constant 12 : i32
    %dma_start3A_175 = arith.constant 0 : i32
    %dma_start3A_176 = tpu.memref_slice %arg14[%dma_start3A_174, %dma_start3A_175] : memref<16x512xf32, #tpu.memory_space<vmem>> -> memref<1x128xf32, #tpu.memory_space<vmem>>
    %dma_start3A_177 = tpu.memref_squeeze %dma_start3A_176 : memref<1x128xf32, #tpu.memory_space<vmem>> -> memref<128xf32, #tpu.memory_space<vmem>>
    %dma_start3A_178 = arith.constant 0 : i32
    %dma_start3A_179 = tpu.memref_slice %arg12[%dma_start3A_173, %dma_start3A_178] : memref<4x128xi32, #tpu.memory_space<vmem>> -> memref<1x128xi32, #tpu.memory_space<vmem>>
    %dma_start3A_180 = tpu.memref_squeeze %dma_start3A_179 : memref<1x128xi32, #tpu.memory_space<vmem>> -> memref<128xi32, #tpu.memory_space<vmem>>
    %dma_start3A_181 = arith.constant 0 : i32
    %dma_start3A_182 = tpu.memref_slice %arg7[%dma_start3A_172, %dma_start3A_181] : memref<4x1000000xf32, #tpu.memory_space<hbm>> -> memref<1x1000000xf32, #tpu.memory_space<hbm>>
    %dma_start3A_183 = tpu.memref_squeeze %dma_start3A_182 : memref<1x1000000xf32, #tpu.memory_space<hbm>> -> memref<1000000xf32, #tpu.memory_space<hbm>>
    %dma_start3A_184 = arith.constant 0 : i32
    %dma_start3A_185 = tpu.memref_slice %dma_start3A_183[%dma_start3A_184] : memref<1000000xf32, #tpu.memory_space<hbm>> -> memref<1000000xf32, #tpu.memory_space<hbm>>
    tpu.enqueue_indirect_dma source(%dma_start3A_185 : memref<1000000xf32, #tpu.memory_space<hbm>>) target(%dma_start3A_177 : memref<128xf32, #tpu.memory_space<vmem>>) offsets(%dma_start3A_180 : memref<128xi32, #tpu.memory_space<vmem>>) semaphore(%arg19 : memref<!tpu.dma_semaphore, #tpu.memory_space<semaphore_mem>>)
    %dma_start3A_186 = arith.constant 1 : i32
    %dma_start3A_187 = arith.constant 0 : i32
    %dma_start3A_188 = arith.constant 13 : i32
    %dma_start3A_189 = arith.constant 0 : i32
    %dma_start3A_190 = tpu.memref_slice %arg14[%dma_start3A_188, %dma_start3A_189] : memref<16x512xf32, #tpu.memory_space<vmem>> -> memref<1x128xf32, #tpu.memory_space<vmem>>
    %dma_start3A_191 = tpu.memref_squeeze %dma_start3A_190 : memref<1x128xf32, #tpu.memory_space<vmem>> -> memref<128xf32, #tpu.memory_space<vmem>>
    %dma_start3A_192 = arith.constant 0 : i32
    %dma_start3A_193 = tpu.memref_slice %arg12[%dma_start3A_187, %dma_start3A_192] : memref<4x128xi32, #tpu.memory_space<vmem>> -> memref<1x128xi32, #tpu.memory_space<vmem>>
    %dma_start3A_194 = tpu.memref_squeeze %dma_start3A_193 : memref<1x128xi32, #tpu.memory_space<vmem>> -> memref<128xi32, #tpu.memory_space<vmem>>
    %dma_start3A_195 = arith.constant 0 : i32
    %dma_start3A_196 = tpu.memref_slice %arg7[%dma_start3A_186, %dma_start3A_195] : memref<4x1000000xf32, #tpu.memory_space<hbm>> -> memref<1x1000000xf32, #tpu.memory_space<hbm>>
    %dma_start3A_197 = tpu.memref_squeeze %dma_start3A_196 : memref<1x1000000xf32, #tpu.memory_space<hbm>> -> memref<1000000xf32, #tpu.memory_space<hbm>>
    %dma_start3A_198 = arith.constant 0 : i32
    %dma_start3A_199 = tpu.memref_slice %dma_start3A_197[%dma_start3A_198] : memref<1000000xf32, #tpu.memory_space<hbm>> -> memref<1000000xf32, #tpu.memory_space<hbm>>
    tpu.enqueue_indirect_dma source(%dma_start3A_199 : memref<1000000xf32, #tpu.memory_space<hbm>>) target(%dma_start3A_191 : memref<128xf32, #tpu.memory_space<vmem>>) offsets(%dma_start3A_194 : memref<128xi32, #tpu.memory_space<vmem>>) semaphore(%arg19 : memref<!tpu.dma_semaphore, #tpu.memory_space<semaphore_mem>>)
    %dma_start3A_200 = arith.constant 2 : i32
    %dma_start3A_201 = arith.constant 0 : i32
    %dma_start3A_202 = arith.constant 14 : i32
    %dma_start3A_203 = arith.constant 0 : i32
    %dma_start3A_204 = tpu.memref_slice %arg14[%dma_start3A_202, %dma_start3A_203] : memref<16x512xf32, #tpu.memory_space<vmem>> -> memref<1x128xf32, #tpu.memory_space<vmem>>
    %dma_start3A_205 = tpu.memref_squeeze %dma_start3A_204 : memref<1x128xf32, #tpu.memory_space<vmem>> -> memref<128xf32, #tpu.memory_space<vmem>>
    %dma_start3A_206 = arith.constant 0 : i32
    %dma_start3A_207 = tpu.memref_slice %arg12[%dma_start3A_201, %dma_start3A_206] : memref<4x128xi32, #tpu.memory_space<vmem>> -> memref<1x128xi32, #tpu.memory_space<vmem>>
    %dma_start3A_208 = tpu.memref_squeeze %dma_start3A_207 : memref<1x128xi32, #tpu.memory_space<vmem>> -> memref<128xi32, #tpu.memory_space<vmem>>
    %dma_start3A_209 = arith.constant 0 : i32
    %dma_start3A_210 = tpu.memref_slice %arg7[%dma_start3A_200, %dma_start3A_209] : memref<4x1000000xf32, #tpu.memory_space<hbm>> -> memref<1x1000000xf32, #tpu.memory_space<hbm>>
    %dma_start3A_211 = tpu.memref_squeeze %dma_start3A_210 : memref<1x1000000xf32, #tpu.memory_space<hbm>> -> memref<1000000xf32, #tpu.memory_space<hbm>>
    %dma_start3A_212 = arith.constant 0 : i32
    %dma_start3A_213 = tpu.memref_slice %dma_start3A_211[%dma_start3A_212] : memref<1000000xf32, #tpu.memory_space<hbm>> -> memref<1000000xf32, #tpu.memory_space<hbm>>
    tpu.enqueue_indirect_dma source(%dma_start3A_213 : memref<1000000xf32, #tpu.memory_space<hbm>>) target(%dma_start3A_205 : memref<128xf32, #tpu.memory_space<vmem>>) offsets(%dma_start3A_208 : memref<128xi32, #tpu.memory_space<vmem>>) semaphore(%arg19 : memref<!tpu.dma_semaphore, #tpu.memory_space<semaphore_mem>>)
    %dma_start3A_214 = arith.constant 3 : i32
    %dma_start3A_215 = arith.constant 0 : i32
    %dma_start3A_216 = arith.constant 15 : i32
    %dma_start3A_217 = arith.constant 0 : i32
    %dma_start3A_218 = tpu.memref_slice %arg14[%dma_start3A_216, %dma_start3A_217] : memref<16x512xf32, #tpu.memory_space<vmem>> -> memref<1x128xf32, #tpu.memory_space<vmem>>
    %dma_start3A_219 = tpu.memref_squeeze %dma_start3A_218 : memref<1x128xf32, #tpu.memory_space<vmem>> -> memref<128xf32, #tpu.memory_space<vmem>>
    %dma_start3A_220 = arith.constant 0 : i32
    %dma_start3A_221 = tpu.memref_slice %arg12[%dma_start3A_215, %dma_start3A_220] : memref<4x128xi32, #tpu.memory_space<vmem>> -> memref<1x128xi32, #tpu.memory_space<vmem>>
    %dma_start3A_222 = tpu.memref_squeeze %dma_start3A_221 : memref<1x128xi32, #tpu.memory_space<vmem>> -> memref<128xi32, #tpu.memory_space<vmem>>
    %dma_start3A_223 = arith.constant 0 : i32
    %dma_start3A_224 = tpu.memref_slice %arg7[%dma_start3A_214, %dma_start3A_223] : memref<4x1000000xf32, #tpu.memory_space<hbm>> -> memref<1x1000000xf32, #tpu.memory_space<hbm>>
    %dma_start3A_225 = tpu.memref_squeeze %dma_start3A_224 : memref<1x1000000xf32, #tpu.memory_space<hbm>> -> memref<1000000xf32, #tpu.memory_space<hbm>>
    %dma_start3A_226 = arith.constant 0 : i32
    %dma_start3A_227 = tpu.memref_slice %dma_start3A_225[%dma_start3A_226] : memref<1000000xf32, #tpu.memory_space<hbm>> -> memref<1000000xf32, #tpu.memory_space<hbm>>
    tpu.enqueue_indirect_dma source(%dma_start3A_227 : memref<1000000xf32, #tpu.memory_space<hbm>>) target(%dma_start3A_219 : memref<128xf32, #tpu.memory_space<vmem>>) offsets(%dma_start3A_222 : memref<128xi32, #tpu.memory_space<vmem>>) semaphore(%arg19 : memref<!tpu.dma_semaphore, #tpu.memory_space<semaphore_mem>>)
    %dma_start3A_228 = arith.constant 0 : i32
    %dma_start3A_229 = arith.constant 1 : i32
    %dma_start3A_230 = arith.constant 0 : i32
    %dma_start3A_231 = arith.constant 128 : i32
    %dma_start3A_232 = tpu.memref_slice %arg14[%dma_start3A_230, %dma_start3A_231] : memref<16x512xf32, #tpu.memory_space<vmem>> -> memref<1x128xf32, #tpu.memory_space<vmem>>
    %dma_start3A_233 = tpu.memref_squeeze %dma_start3A_232 : memref<1x128xf32, #tpu.memory_space<vmem>> -> memref<128xf32, #tpu.memory_space<vmem>>
    %dma_start3A_234 = arith.constant 0 : i32
    %dma_start3A_235 = tpu.memref_slice %arg12[%dma_start3A_229, %dma_start3A_234] : memref<4x128xi32, #tpu.memory_space<vmem>> -> memref<1x128xi32, #tpu.memory_space<vmem>>
    %dma_start3A_236 = tpu.memref_squeeze %dma_start3A_235 : memref<1x128xi32, #tpu.memory_space<vmem>> -> memref<128xi32, #tpu.memory_space<vmem>>
    %dma_start3A_237 = arith.constant 0 : i32
    %dma_start3A_238 = tpu.memref_slice %arg4[%dma_start3A_228, %dma_start3A_237] : memref<4x1000000xf32, #tpu.memory_space<hbm>> -> memref<1x1000000xf32, #tpu.memory_space<hbm>>
    %dma_start3A_239 = tpu.memref_squeeze %dma_start3A_238 : memref<1x1000000xf32, #tpu.memory_space<hbm>> -> memref<1000000xf32, #tpu.memory_space<hbm>>
    %dma_start3A_240 = arith.constant 0 : i32
    %dma_start3A_241 = tpu.memref_slice %dma_start3A_239[%dma_start3A_240] : memref<1000000xf32, #tpu.memory_space<hbm>> -> memref<1000000xf32, #tpu.memory_space<hbm>>
    tpu.enqueue_indirect_dma source(%dma_start3A_241 : memref<1000000xf32, #tpu.memory_space<hbm>>) target(%dma_start3A_233 : memref<128xf32, #tpu.memory_space<vmem>>) offsets(%dma_start3A_236 : memref<128xi32, #tpu.memory_space<vmem>>) semaphore(%arg20 : memref<!tpu.dma_semaphore, #tpu.memory_space<semaphore_mem>>)
    %dma_start3A_242 = arith.constant 1 : i32
    %dma_start3A_243 = arith.constant 1 : i32
    %dma_start3A_244 = arith.constant 1 : i32
    %dma_start3A_245 = arith.constant 128 : i32
    %dma_start3A_246 = tpu.memref_slice %arg14[%dma_start3A_244, %dma_start3A_245] : memref<16x512xf32, #tpu.memory_space<vmem>> -> memref<1x128xf32, #tpu.memory_space<vmem>>
    %dma_start3A_247 = tpu.memref_squeeze %dma_start3A_246 : memref<1x128xf32, #tpu.memory_space<vmem>> -> memref<128xf32, #tpu.memory_space<vmem>>
    %dma_start3A_248 = arith.constant 0 : i32
    %dma_start3A_249 = tpu.memref_slice %arg12[%dma_start3A_243, %dma_start3A_248] : memref<4x128xi32, #tpu.memory_space<vmem>> -> memref<1x128xi32, #tpu.memory_space<vmem>>
    %dma_start3A_250 = tpu.memref_squeeze %dma_start3A_249 : memref<1x128xi32, #tpu.memory_space<vmem>> -> memref<128xi32, #tpu.memory_space<vmem>>
    %dma_start3A_251 = arith.constant 0 : i32
    %dma_start3A_252 = tpu.memref_slice %arg4[%dma_start3A_242, %dma_start3A_251] : memref<4x1000000xf32, #tpu.memory_space<hbm>> -> memref<1x1000000xf32, #tpu.memory_space<hbm>>
    %dma_start3A_253 = tpu.memref_squeeze %dma_start3A_252 : memref<1x1000000xf32, #tpu.memory_space<hbm>> -> memref<1000000xf32, #tpu.memory_space<hbm>>
    %dma_start3A_254 = arith.constant 0 : i32
    %dma_start3A_255 = tpu.memref_slice %dma_start3A_253[%dma_start3A_254] : memref<1000000xf32, #tpu.memory_space<hbm>> -> memref<1000000xf32, #tpu.memory_space<hbm>>
    tpu.enqueue_indirect_dma source(%dma_start3A_255 : memref<1000000xf32, #tpu.memory_space<hbm>>) target(%dma_start3A_247 : memref<128xf32, #tpu.memory_space<vmem>>) offsets(%dma_start3A_250 : memref<128xi32, #tpu.memory_space<vmem>>) semaphore(%arg20 : memref<!tpu.dma_semaphore, #tpu.memory_space<semaphore_mem>>)
    %dma_start3A_256 = arith.constant 2 : i32
    %dma_start3A_257 = arith.constant 1 : i32
    %dma_start3A_258 = arith.constant 2 : i32
    %dma_start3A_259 = arith.constant 128 : i32
    %dma_start3A_260 = tpu.memref_slice %arg14[%dma_start3A_258, %dma_start3A_259] : memref<16x512xf32, #tpu.memory_space<vmem>> -> memref<1x128xf32, #tpu.memory_space<vmem>>
    %dma_start3A_261 = tpu.memref_squeeze %dma_start3A_260 : memref<1x128xf32, #tpu.memory_space<vmem>> -> memref<128xf32, #tpu.memory_space<vmem>>
    %dma_start3A_262 = arith.constant 0 : i32
    %dma_start3A_263 = tpu.memref_slice %arg12[%dma_start3A_257, %dma_start3A_262] : memref<4x128xi32, #tpu.memory_space<vmem>> -> memref<1x128xi32, #tpu.memory_space<vmem>>
    %dma_start3A_264 = tpu.memref_squeeze %dma_start3A_263 : memref<1x128xi32, #tpu.memory_space<vmem>> -> memref<128xi32, #tpu.memory_space<vmem>>
    %dma_start3A_265 = arith.constant 0 : i32
    %dma_start3A_266 = tpu.memref_slice %arg4[%dma_start3A_256, %dma_start3A_265] : memref<4x1000000xf32, #tpu.memory_space<hbm>> -> memref<1x1000000xf32, #tpu.memory_space<hbm>>
    %dma_start3A_267 = tpu.memref_squeeze %dma_start3A_266 : memref<1x1000000xf32, #tpu.memory_space<hbm>> -> memref<1000000xf32, #tpu.memory_space<hbm>>
    %dma_start3A_268 = arith.constant 0 : i32
    %dma_start3A_269 = tpu.memref_slice %dma_start3A_267[%dma_start3A_268] : memref<1000000xf32, #tpu.memory_space<hbm>> -> memref<1000000xf32, #tpu.memory_space<hbm>>
    tpu.enqueue_indirect_dma source(%dma_start3A_269 : memref<1000000xf32, #tpu.memory_space<hbm>>) target(%dma_start3A_261 : memref<128xf32, #tpu.memory_space<vmem>>) offsets(%dma_start3A_264 : memref<128xi32, #tpu.memory_space<vmem>>) semaphore(%arg20 : memref<!tpu.dma_semaphore, #tpu.memory_space<semaphore_mem>>)
    %dma_start3A_270 = arith.constant 3 : i32
    %dma_start3A_271 = arith.constant 1 : i32
    %dma_start3A_272 = arith.constant 3 : i32
    %dma_start3A_273 = arith.constant 128 : i32
    %dma_start3A_274 = tpu.memref_slice %arg14[%dma_start3A_272, %dma_start3A_273] : memref<16x512xf32, #tpu.memory_space<vmem>> -> memref<1x128xf32, #tpu.memory_space<vmem>>
    %dma_start3A_275 = tpu.memref_squeeze %dma_start3A_274 : memref<1x128xf32, #tpu.memory_space<vmem>> -> memref<128xf32, #tpu.memory_space<vmem>>
    %dma_start3A_276 = arith.constant 0 : i32
    %dma_start3A_277 = tpu.memref_slice %arg12[%dma_start3A_271, %dma_start3A_276] : memref<4x128xi32, #tpu.memory_space<vmem>> -> memref<1x128xi32, #tpu.memory_space<vmem>>
    %dma_start3A_278 = tpu.memref_squeeze %dma_start3A_277 : memref<1x128xi32, #tpu.memory_space<vmem>> -> memref<128xi32, #tpu.memory_space<vmem>>
    %dma_start3A_279 = arith.constant 0 : i32
    %dma_start3A_280 = tpu.memref_slice %arg4[%dma_start3A_270, %dma_start3A_279] : memref<4x1000000xf32, #tpu.memory_space<hbm>> -> memref<1x1000000xf32, #tpu.memory_space<hbm>>
    %dma_start3A_281 = tpu.memref_squeeze %dma_start3A_280 : memref<1x1000000xf32, #tpu.memory_space<hbm>> -> memref<1000000xf32, #tpu.memory_space<hbm>>
    %dma_start3A_282 = arith.constant 0 : i32
    %dma_start3A_283 = tpu.memref_slice %dma_start3A_281[%dma_start3A_282] : memref<1000000xf32, #tpu.memory_space<hbm>> -> memref<1000000xf32, #tpu.memory_space<hbm>>
    tpu.enqueue_indirect_dma source(%dma_start3A_283 : memref<1000000xf32, #tpu.memory_space<hbm>>) target(%dma_start3A_275 : memref<128xf32, #tpu.memory_space<vmem>>) offsets(%dma_start3A_278 : memref<128xi32, #tpu.memory_space<vmem>>) semaphore(%arg20 : memref<!tpu.dma_semaphore, #tpu.memory_space<semaphore_mem>>)
    %dma_start3A_284 = arith.constant 0 : i32
    %dma_start3A_285 = arith.constant 1 : i32
    %dma_start3A_286 = arith.constant 4 : i32
    %dma_start3A_287 = arith.constant 128 : i32
    %dma_start3A_288 = tpu.memref_slice %arg14[%dma_start3A_286, %dma_start3A_287] : memref<16x512xf32, #tpu.memory_space<vmem>> -> memref<1x128xf32, #tpu.memory_space<vmem>>
    %dma_start3A_289 = tpu.memref_squeeze %dma_start3A_288 : memref<1x128xf32, #tpu.memory_space<vmem>> -> memref<128xf32, #tpu.memory_space<vmem>>
    %dma_start3A_290 = arith.constant 0 : i32
    %dma_start3A_291 = tpu.memref_slice %arg12[%dma_start3A_285, %dma_start3A_290] : memref<4x128xi32, #tpu.memory_space<vmem>> -> memref<1x128xi32, #tpu.memory_space<vmem>>
    %dma_start3A_292 = tpu.memref_squeeze %dma_start3A_291 : memref<1x128xi32, #tpu.memory_space<vmem>> -> memref<128xi32, #tpu.memory_space<vmem>>
    %dma_start3A_293 = arith.constant 0 : i32
    %dma_start3A_294 = tpu.memref_slice %arg5[%dma_start3A_284, %dma_start3A_293] : memref<4x1000000xf32, #tpu.memory_space<hbm>> -> memref<1x1000000xf32, #tpu.memory_space<hbm>>
    %dma_start3A_295 = tpu.memref_squeeze %dma_start3A_294 : memref<1x1000000xf32, #tpu.memory_space<hbm>> -> memref<1000000xf32, #tpu.memory_space<hbm>>
    %dma_start3A_296 = arith.constant 0 : i32
    %dma_start3A_297 = tpu.memref_slice %dma_start3A_295[%dma_start3A_296] : memref<1000000xf32, #tpu.memory_space<hbm>> -> memref<1000000xf32, #tpu.memory_space<hbm>>
    tpu.enqueue_indirect_dma source(%dma_start3A_297 : memref<1000000xf32, #tpu.memory_space<hbm>>) target(%dma_start3A_289 : memref<128xf32, #tpu.memory_space<vmem>>) offsets(%dma_start3A_292 : memref<128xi32, #tpu.memory_space<vmem>>) semaphore(%arg20 : memref<!tpu.dma_semaphore, #tpu.memory_space<semaphore_mem>>)
    %dma_start3A_298 = arith.constant 1 : i32
    %dma_start3A_299 = arith.constant 1 : i32
    %dma_start3A_300 = arith.constant 5 : i32
    %dma_start3A_301 = arith.constant 128 : i32
    %dma_start3A_302 = tpu.memref_slice %arg14[%dma_start3A_300, %dma_start3A_301] : memref<16x512xf32, #tpu.memory_space<vmem>> -> memref<1x128xf32, #tpu.memory_space<vmem>>
    %dma_start3A_303 = tpu.memref_squeeze %dma_start3A_302 : memref<1x128xf32, #tpu.memory_space<vmem>> -> memref<128xf32, #tpu.memory_space<vmem>>
    %dma_start3A_304 = arith.constant 0 : i32
    %dma_start3A_305 = tpu.memref_slice %arg12[%dma_start3A_299, %dma_start3A_304] : memref<4x128xi32, #tpu.memory_space<vmem>> -> memref<1x128xi32, #tpu.memory_space<vmem>>
    %dma_start3A_306 = tpu.memref_squeeze %dma_start3A_305 : memref<1x128xi32, #tpu.memory_space<vmem>> -> memref<128xi32, #tpu.memory_space<vmem>>
    %dma_start3A_307 = arith.constant 0 : i32
    %dma_start3A_308 = tpu.memref_slice %arg5[%dma_start3A_298, %dma_start3A_307] : memref<4x1000000xf32, #tpu.memory_space<hbm>> -> memref<1x1000000xf32, #tpu.memory_space<hbm>>
    %dma_start3A_309 = tpu.memref_squeeze %dma_start3A_308 : memref<1x1000000xf32, #tpu.memory_space<hbm>> -> memref<1000000xf32, #tpu.memory_space<hbm>>
    %dma_start3A_310 = arith.constant 0 : i32
    %dma_start3A_311 = tpu.memref_slice %dma_start3A_309[%dma_start3A_310] : memref<1000000xf32, #tpu.memory_space<hbm>> -> memref<1000000xf32, #tpu.memory_space<hbm>>
    tpu.enqueue_indirect_dma source(%dma_start3A_311 : memref<1000000xf32, #tpu.memory_space<hbm>>) target(%dma_start3A_303 : memref<128xf32, #tpu.memory_space<vmem>>) offsets(%dma_start3A_306 : memref<128xi32, #tpu.memory_space<vmem>>) semaphore(%arg20 : memref<!tpu.dma_semaphore, #tpu.memory_space<semaphore_mem>>)
    %dma_start3A_312 = arith.constant 2 : i32
    %dma_start3A_313 = arith.constant 1 : i32
    %dma_start3A_314 = arith.constant 6 : i32
    %dma_start3A_315 = arith.constant 128 : i32
    %dma_start3A_316 = tpu.memref_slice %arg14[%dma_start3A_314, %dma_start3A_315] : memref<16x512xf32, #tpu.memory_space<vmem>> -> memref<1x128xf32, #tpu.memory_space<vmem>>
    %dma_start3A_317 = tpu.memref_squeeze %dma_start3A_316 : memref<1x128xf32, #tpu.memory_space<vmem>> -> memref<128xf32, #tpu.memory_space<vmem>>
    %dma_start3A_318 = arith.constant 0 : i32
    %dma_start3A_319 = tpu.memref_slice %arg12[%dma_start3A_313, %dma_start3A_318] : memref<4x128xi32, #tpu.memory_space<vmem>> -> memref<1x128xi32, #tpu.memory_space<vmem>>
    %dma_start3A_320 = tpu.memref_squeeze %dma_start3A_319 : memref<1x128xi32, #tpu.memory_space<vmem>> -> memref<128xi32, #tpu.memory_space<vmem>>
    %dma_start3A_321 = arith.constant 0 : i32
    %dma_start3A_322 = tpu.memref_slice %arg5[%dma_start3A_312, %dma_start3A_321] : memref<4x1000000xf32, #tpu.memory_space<hbm>> -> memref<1x1000000xf32, #tpu.memory_space<hbm>>
    %dma_start3A_323 = tpu.memref_squeeze %dma_start3A_322 : memref<1x1000000xf32, #tpu.memory_space<hbm>> -> memref<1000000xf32, #tpu.memory_space<hbm>>
    %dma_start3A_324 = arith.constant 0 : i32
    %dma_start3A_325 = tpu.memref_slice %dma_start3A_323[%dma_start3A_324] : memref<1000000xf32, #tpu.memory_space<hbm>> -> memref<1000000xf32, #tpu.memory_space<hbm>>
    tpu.enqueue_indirect_dma source(%dma_start3A_325 : memref<1000000xf32, #tpu.memory_space<hbm>>) target(%dma_start3A_317 : memref<128xf32, #tpu.memory_space<vmem>>) offsets(%dma_start3A_320 : memref<128xi32, #tpu.memory_space<vmem>>) semaphore(%arg20 : memref<!tpu.dma_semaphore, #tpu.memory_space<semaphore_mem>>)
    %dma_start3A_326 = arith.constant 3 : i32
    %dma_start3A_327 = arith.constant 1 : i32
    %dma_start3A_328 = arith.constant 7 : i32
    %dma_start3A_329 = arith.constant 128 : i32
    %dma_start3A_330 = tpu.memref_slice %arg14[%dma_start3A_328, %dma_start3A_329] : memref<16x512xf32, #tpu.memory_space<vmem>> -> memref<1x128xf32, #tpu.memory_space<vmem>>
    %dma_start3A_331 = tpu.memref_squeeze %dma_start3A_330 : memref<1x128xf32, #tpu.memory_space<vmem>> -> memref<128xf32, #tpu.memory_space<vmem>>
    %dma_start3A_332 = arith.constant 0 : i32
    %dma_start3A_333 = tpu.memref_slice %arg12[%dma_start3A_327, %dma_start3A_332] : memref<4x128xi32, #tpu.memory_space<vmem>> -> memref<1x128xi32, #tpu.memory_space<vmem>>
    %dma_start3A_334 = tpu.memref_squeeze %dma_start3A_333 : memref<1x128xi32, #tpu.memory_space<vmem>> -> memref<128xi32, #tpu.memory_space<vmem>>
    %dma_start3A_335 = arith.constant 0 : i32
    %dma_start3A_336 = tpu.memref_slice %arg5[%dma_start3A_326, %dma_start3A_335] : memref<4x1000000xf32, #tpu.memory_space<hbm>> -> memref<1x1000000xf32, #tpu.memory_space<hbm>>
    %dma_start3A_337 = tpu.memref_squeeze %dma_start3A_336 : memref<1x1000000xf32, #tpu.memory_space<hbm>> -> memref<1000000xf32, #tpu.memory_space<hbm>>
    %dma_start3A_338 = arith.constant 0 : i32
    %dma_start3A_339 = tpu.memref_slice %dma_start3A_337[%dma_start3A_338] : memref<1000000xf32, #tpu.memory_space<hbm>> -> memref<1000000xf32, #tpu.memory_space<hbm>>
    tpu.enqueue_indirect_dma source(%dma_start3A_339 : memref<1000000xf32, #tpu.memory_space<hbm>>) target(%dma_start3A_331 : memref<128xf32, #tpu.memory_space<vmem>>) offsets(%dma_start3A_334 : memref<128xi32, #tpu.memory_space<vmem>>) semaphore(%arg20 : memref<!tpu.dma_semaphore, #tpu.memory_space<semaphore_mem>>)
    %dma_start3A_340 = arith.constant 0 : i32
    %dma_start3A_341 = arith.constant 1 : i32
    %dma_start3A_342 = arith.constant 8 : i32
    %dma_start3A_343 = arith.constant 128 : i32
    %dma_start3A_344 = tpu.memref_slice %arg14[%dma_start3A_342, %dma_start3A_343] : memref<16x512xf32, #tpu.memory_space<vmem>> -> memref<1x128xf32, #tpu.memory_space<vmem>>
    %dma_start3A_345 = tpu.memref_squeeze %dma_start3A_344 : memref<1x128xf32, #tpu.memory_space<vmem>> -> memref<128xf32, #tpu.memory_space<vmem>>
    %dma_start3A_346 = arith.constant 0 : i32
    %dma_start3A_347 = tpu.memref_slice %arg12[%dma_start3A_341, %dma_start3A_346] : memref<4x128xi32, #tpu.memory_space<vmem>> -> memref<1x128xi32, #tpu.memory_space<vmem>>
    %dma_start3A_348 = tpu.memref_squeeze %dma_start3A_347 : memref<1x128xi32, #tpu.memory_space<vmem>> -> memref<128xi32, #tpu.memory_space<vmem>>
    %dma_start3A_349 = arith.constant 0 : i32
    %dma_start3A_350 = tpu.memref_slice %arg6[%dma_start3A_340, %dma_start3A_349] : memref<4x1000000xf32, #tpu.memory_space<hbm>> -> memref<1x1000000xf32, #tpu.memory_space<hbm>>
    %dma_start3A_351 = tpu.memref_squeeze %dma_start3A_350 : memref<1x1000000xf32, #tpu.memory_space<hbm>> -> memref<1000000xf32, #tpu.memory_space<hbm>>
    %dma_start3A_352 = arith.constant 0 : i32
    %dma_start3A_353 = tpu.memref_slice %dma_start3A_351[%dma_start3A_352] : memref<1000000xf32, #tpu.memory_space<hbm>> -> memref<1000000xf32, #tpu.memory_space<hbm>>
    tpu.enqueue_indirect_dma source(%dma_start3A_353 : memref<1000000xf32, #tpu.memory_space<hbm>>) target(%dma_start3A_345 : memref<128xf32, #tpu.memory_space<vmem>>) offsets(%dma_start3A_348 : memref<128xi32, #tpu.memory_space<vmem>>) semaphore(%arg20 : memref<!tpu.dma_semaphore, #tpu.memory_space<semaphore_mem>>)
    %dma_start3A_354 = arith.constant 1 : i32
    %dma_start3A_355 = arith.constant 1 : i32
    %dma_start3A_356 = arith.constant 9 : i32
    %dma_start3A_357 = arith.constant 128 : i32
    %dma_start3A_358 = tpu.memref_slice %arg14[%dma_start3A_356, %dma_start3A_357] : memref<16x512xf32, #tpu.memory_space<vmem>> -> memref<1x128xf32, #tpu.memory_space<vmem>>
    %dma_start3A_359 = tpu.memref_squeeze %dma_start3A_358 : memref<1x128xf32, #tpu.memory_space<vmem>> -> memref<128xf32, #tpu.memory_space<vmem>>
    %dma_start3A_360 = arith.constant 0 : i32
    %dma_start3A_361 = tpu.memref_slice %arg12[%dma_start3A_355, %dma_start3A_360] : memref<4x128xi32, #tpu.memory_space<vmem>> -> memref<1x128xi32, #tpu.memory_space<vmem>>
    %dma_start3A_362 = tpu.memref_squeeze %dma_start3A_361 : memref<1x128xi32, #tpu.memory_space<vmem>> -> memref<128xi32, #tpu.memory_space<vmem>>
    %dma_start3A_363 = arith.constant 0 : i32
    %dma_start3A_364 = tpu.memref_slice %arg6[%dma_start3A_354, %dma_start3A_363] : memref<4x1000000xf32, #tpu.memory_space<hbm>> -> memref<1x1000000xf32, #tpu.memory_space<hbm>>
    %dma_start3A_365 = tpu.memref_squeeze %dma_start3A_364 : memref<1x1000000xf32, #tpu.memory_space<hbm>> -> memref<1000000xf32, #tpu.memory_space<hbm>>
    %dma_start3A_366 = arith.constant 0 : i32
    %dma_start3A_367 = tpu.memref_slice %dma_start3A_365[%dma_start3A_366] : memref<1000000xf32, #tpu.memory_space<hbm>> -> memref<1000000xf32, #tpu.memory_space<hbm>>
    tpu.enqueue_indirect_dma source(%dma_start3A_367 : memref<1000000xf32, #tpu.memory_space<hbm>>) target(%dma_start3A_359 : memref<128xf32, #tpu.memory_space<vmem>>) offsets(%dma_start3A_362 : memref<128xi32, #tpu.memory_space<vmem>>) semaphore(%arg20 : memref<!tpu.dma_semaphore, #tpu.memory_space<semaphore_mem>>)
    %dma_start3A_368 = arith.constant 2 : i32
    %dma_start3A_369 = arith.constant 1 : i32
    %dma_start3A_370 = arith.constant 10 : i32
    %dma_start3A_371 = arith.constant 128 : i32
    %dma_start3A_372 = tpu.memref_slice %arg14[%dma_start3A_370, %dma_start3A_371] : memref<16x512xf32, #tpu.memory_space<vmem>> -> memref<1x128xf32, #tpu.memory_space<vmem>>
    %dma_start3A_373 = tpu.memref_squeeze %dma_start3A_372 : memref<1x128xf32, #tpu.memory_space<vmem>> -> memref<128xf32, #tpu.memory_space<vmem>>
    %dma_start3A_374 = arith.constant 0 : i32
    %dma_start3A_375 = tpu.memref_slice %arg12[%dma_start3A_369, %dma_start3A_374] : memref<4x128xi32, #tpu.memory_space<vmem>> -> memref<1x128xi32, #tpu.memory_space<vmem>>
    %dma_start3A_376 = tpu.memref_squeeze %dma_start3A_375 : memref<1x128xi32, #tpu.memory_space<vmem>> -> memref<128xi32, #tpu.memory_space<vmem>>
    %dma_start3A_377 = arith.constant 0 : i32
    %dma_start3A_378 = tpu.memref_slice %arg6[%dma_start3A_368, %dma_start3A_377] : memref<4x1000000xf32, #tpu.memory_space<hbm>> -> memref<1x1000000xf32, #tpu.memory_space<hbm>>
    %dma_start3A_379 = tpu.memref_squeeze %dma_start3A_378 : memref<1x1000000xf32, #tpu.memory_space<hbm>> -> memref<1000000xf32, #tpu.memory_space<hbm>>
    %dma_start3A_380 = arith.constant 0 : i32
    %dma_start3A_381 = tpu.memref_slice %dma_start3A_379[%dma_start3A_380] : memref<1000000xf32, #tpu.memory_space<hbm>> -> memref<1000000xf32, #tpu.memory_space<hbm>>
    tpu.enqueue_indirect_dma source(%dma_start3A_381 : memref<1000000xf32, #tpu.memory_space<hbm>>) target(%dma_start3A_373 : memref<128xf32, #tpu.memory_space<vmem>>) offsets(%dma_start3A_376 : memref<128xi32, #tpu.memory_space<vmem>>) semaphore(%arg20 : memref<!tpu.dma_semaphore, #tpu.memory_space<semaphore_mem>>)
    %dma_start3A_382 = arith.constant 3 : i32
    %dma_start3A_383 = arith.constant 1 : i32
    %dma_start3A_384 = arith.constant 11 : i32
    %dma_start3A_385 = arith.constant 128 : i32
    %dma_start3A_386 = tpu.memref_slice %arg14[%dma_start3A_384, %dma_start3A_385] : memref<16x512xf32, #tpu.memory_space<vmem>> -> memref<1x128xf32, #tpu.memory_space<vmem>>
    %dma_start3A_387 = tpu.memref_squeeze %dma_start3A_386 : memref<1x128xf32, #tpu.memory_space<vmem>> -> memref<128xf32, #tpu.memory_space<vmem>>
    %dma_start3A_388 = arith.constant 0 : i32
    %dma_start3A_389 = tpu.memref_slice %arg12[%dma_start3A_383, %dma_start3A_388] : memref<4x128xi32, #tpu.memory_space<vmem>> -> memref<1x128xi32, #tpu.memory_space<vmem>>
    %dma_start3A_390 = tpu.memref_squeeze %dma_start3A_389 : memref<1x128xi32, #tpu.memory_space<vmem>> -> memref<128xi32, #tpu.memory_space<vmem>>
    %dma_start3A_391 = arith.constant 0 : i32
    %dma_start3A_392 = tpu.memref_slice %arg6[%dma_start3A_382, %dma_start3A_391] : memref<4x1000000xf32, #tpu.memory_space<hbm>> -> memref<1x1000000xf32, #tpu.memory_space<hbm>>
    %dma_start3A_393 = tpu.memref_squeeze %dma_start3A_392 : memref<1x1000000xf32, #tpu.memory_space<hbm>> -> memref<1000000xf32, #tpu.memory_space<hbm>>
    %dma_start3A_394 = arith.constant 0 : i32
    %dma_start3A_395 = tpu.memref_slice %dma_start3A_393[%dma_start3A_394] : memref<1000000xf32, #tpu.memory_space<hbm>> -> memref<1000000xf32, #tpu.memory_space<hbm>>
    tpu.enqueue_indirect_dma source(%dma_start3A_395 : memref<1000000xf32, #tpu.memory_space<hbm>>) target(%dma_start3A_387 : memref<128xf32, #tpu.memory_space<vmem>>) offsets(%dma_start3A_390 : memref<128xi32, #tpu.memory_space<vmem>>) semaphore(%arg20 : memref<!tpu.dma_semaphore, #tpu.memory_space<semaphore_mem>>)
    %dma_start3A_396 = arith.constant 0 : i32
    %dma_start3A_397 = arith.constant 1 : i32
    %dma_start3A_398 = arith.constant 12 : i32
    %dma_start3A_399 = arith.constant 128 : i32
    %dma_start3A_400 = tpu.memref_slice %arg14[%dma_start3A_398, %dma_start3A_399] : memref<16x512xf32, #tpu.memory_space<vmem>> -> memref<1x128xf32, #tpu.memory_space<vmem>>
    %dma_start3A_401 = tpu.memref_squeeze %dma_start3A_400 : memref<1x128xf32, #tpu.memory_space<vmem>> -> memref<128xf32, #tpu.memory_space<vmem>>
    %dma_start3A_402 = arith.constant 0 : i32
    %dma_start3A_403 = tpu.memref_slice %arg12[%dma_start3A_397, %dma_start3A_402] : memref<4x128xi32, #tpu.memory_space<vmem>> -> memref<1x128xi32, #tpu.memory_space<vmem>>
    %dma_start3A_404 = tpu.memref_squeeze %dma_start3A_403 : memref<1x128xi32, #tpu.memory_space<vmem>> -> memref<128xi32, #tpu.memory_space<vmem>>
    %dma_start3A_405 = arith.constant 0 : i32
    %dma_start3A_406 = tpu.memref_slice %arg7[%dma_start3A_396, %dma_start3A_405] : memref<4x1000000xf32, #tpu.memory_space<hbm>> -> memref<1x1000000xf32, #tpu.memory_space<hbm>>
    %dma_start3A_407 = tpu.memref_squeeze %dma_start3A_406 : memref<1x1000000xf32, #tpu.memory_space<hbm>> -> memref<1000000xf32, #tpu.memory_space<hbm>>
    %dma_start3A_408 = arith.constant 0 : i32
    %dma_start3A_409 = tpu.memref_slice %dma_start3A_407[%dma_start3A_408] : memref<1000000xf32, #tpu.memory_space<hbm>> -> memref<1000000xf32, #tpu.memory_space<hbm>>
    tpu.enqueue_indirect_dma source(%dma_start3A_409 : memref<1000000xf32, #tpu.memory_space<hbm>>) target(%dma_start3A_401 : memref<128xf32, #tpu.memory_space<vmem>>) offsets(%dma_start3A_404 : memref<128xi32, #tpu.memory_space<vmem>>) semaphore(%arg20 : memref<!tpu.dma_semaphore, #tpu.memory_space<semaphore_mem>>)
    %dma_start3A_410 = arith.constant 1 : i32
    %dma_start3A_411 = arith.constant 1 : i32
    %dma_start3A_412 = arith.constant 13 : i32
    %dma_start3A_413 = arith.constant 128 : i32
    %dma_start3A_414 = tpu.memref_slice %arg14[%dma_start3A_412, %dma_start3A_413] : memref<16x512xf32, #tpu.memory_space<vmem>> -> memref<1x128xf32, #tpu.memory_space<vmem>>
    %dma_start3A_415 = tpu.memref_squeeze %dma_start3A_414 : memref<1x128xf32, #tpu.memory_space<vmem>> -> memref<128xf32, #tpu.memory_space<vmem>>
    %dma_start3A_416 = arith.constant 0 : i32
    %dma_start3A_417 = tpu.memref_slice %arg12[%dma_start3A_411, %dma_start3A_416] : memref<4x128xi32, #tpu.memory_space<vmem>> -> memref<1x128xi32, #tpu.memory_space<vmem>>
    %dma_start3A_418 = tpu.memref_squeeze %dma_start3A_417 : memref<1x128xi32, #tpu.memory_space<vmem>> -> memref<128xi32, #tpu.memory_space<vmem>>
    %dma_start3A_419 = arith.constant 0 : i32
    %dma_start3A_420 = tpu.memref_slice %arg7[%dma_start3A_410, %dma_start3A_419] : memref<4x1000000xf32, #tpu.memory_space<hbm>> -> memref<1x1000000xf32, #tpu.memory_space<hbm>>
    %dma_start3A_421 = tpu.memref_squeeze %dma_start3A_420 : memref<1x1000000xf32, #tpu.memory_space<hbm>> -> memref<1000000xf32, #tpu.memory_space<hbm>>
    %dma_start3A_422 = arith.constant 0 : i32
    %dma_start3A_423 = tpu.memref_slice %dma_start3A_421[%dma_start3A_422] : memref<1000000xf32, #tpu.memory_space<hbm>> -> memref<1000000xf32, #tpu.memory_space<hbm>>
    tpu.enqueue_indirect_dma source(%dma_start3A_423 : memref<1000000xf32, #tpu.memory_space<hbm>>) target(%dma_start3A_415 : memref<128xf32, #tpu.memory_space<vmem>>) offsets(%dma_start3A_418 : memref<128xi32, #tpu.memory_space<vmem>>) semaphore(%arg20 : memref<!tpu.dma_semaphore, #tpu.memory_space<semaphore_mem>>)
    %dma_start3A_424 = arith.constant 2 : i32
    %dma_start3A_425 = arith.constant 1 : i32
    %dma_start3A_426 = arith.constant 14 : i32
    %dma_start3A_427 = arith.constant 128 : i32
    %dma_start3A_428 = tpu.memref_slice %arg14[%dma_start3A_426, %dma_start3A_427] : memref<16x512xf32, #tpu.memory_space<vmem>> -> memref<1x128xf32, #tpu.memory_space<vmem>>
    %dma_start3A_429 = tpu.memref_squeeze %dma_start3A_428 : memref<1x128xf32, #tpu.memory_space<vmem>> -> memref<128xf32, #tpu.memory_space<vmem>>
    %dma_start3A_430 = arith.constant 0 : i32
    %dma_start3A_431 = tpu.memref_slice %arg12[%dma_start3A_425, %dma_start3A_430] : memref<4x128xi32, #tpu.memory_space<vmem>> -> memref<1x128xi32, #tpu.memory_space<vmem>>
    %dma_start3A_432 = tpu.memref_squeeze %dma_start3A_431 : memref<1x128xi32, #tpu.memory_space<vmem>> -> memref<128xi32, #tpu.memory_space<vmem>>
    %dma_start3A_433 = arith.constant 0 : i32
    %dma_start3A_434 = tpu.memref_slice %arg7[%dma_start3A_424, %dma_start3A_433] : memref<4x1000000xf32, #tpu.memory_space<hbm>> -> memref<1x1000000xf32, #tpu.memory_space<hbm>>
    %dma_start3A_435 = tpu.memref_squeeze %dma_start3A_434 : memref<1x1000000xf32, #tpu.memory_space<hbm>> -> memref<1000000xf32, #tpu.memory_space<hbm>>
    %dma_start3A_436 = arith.constant 0 : i32
    %dma_start3A_437 = tpu.memref_slice %dma_start3A_435[%dma_start3A_436] : memref<1000000xf32, #tpu.memory_space<hbm>> -> memref<1000000xf32, #tpu.memory_space<hbm>>
    tpu.enqueue_indirect_dma source(%dma_start3A_437 : memref<1000000xf32, #tpu.memory_space<hbm>>) target(%dma_start3A_429 : memref<128xf32, #tpu.memory_space<vmem>>) offsets(%dma_start3A_432 : memref<128xi32, #tpu.memory_space<vmem>>) semaphore(%arg20 : memref<!tpu.dma_semaphore, #tpu.memory_space<semaphore_mem>>)
    %dma_start3A_438 = arith.constant 3 : i32
    %dma_start3A_439 = arith.constant 1 : i32
    %dma_start3A_440 = arith.constant 15 : i32
    %dma_start3A_441 = arith.constant 128 : i32
    %dma_start3A_442 = tpu.memref_slice %arg14[%dma_start3A_440, %dma_start3A_441] : memref<16x512xf32, #tpu.memory_space<vmem>> -> memref<1x128xf32, #tpu.memory_space<vmem>>
    %dma_start3A_443 = tpu.memref_squeeze %dma_start3A_442 : memref<1x128xf32, #tpu.memory_space<vmem>> -> memref<128xf32, #tpu.memory_space<vmem>>
    %dma_start3A_444 = arith.constant 0 : i32
    %dma_start3A_445 = tpu.memref_slice %arg12[%dma_start3A_439, %dma_start3A_444] : memref<4x128xi32, #tpu.memory_space<vmem>> -> memref<1x128xi32, #tpu.memory_space<vmem>>
    %dma_start3A_446 = tpu.memref_squeeze %dma_start3A_445 : memref<1x128xi32, #tpu.memory_space<vmem>> -> memref<128xi32, #tpu.memory_space<vmem>>
    %dma_start3A_447 = arith.constant 0 : i32
    %dma_start3A_448 = tpu.memref_slice %arg7[%dma_start3A_438, %dma_start3A_447] : memref<4x1000000xf32, #tpu.memory_space<hbm>> -> memref<1x1000000xf32, #tpu.memory_space<hbm>>
    %dma_start3A_449 = tpu.memref_squeeze %dma_start3A_448 : memref<1x1000000xf32, #tpu.memory_space<hbm>> -> memref<1000000xf32, #tpu.memory_space<hbm>>
    %dma_start3A_450 = arith.constant 0 : i32
    %dma_start3A_451 = tpu.memref_slice %dma_start3A_449[%dma_start3A_450] : memref<1000000xf32, #tpu.memory_space<hbm>> -> memref<1000000xf32, #tpu.memory_space<hbm>>
    tpu.enqueue_indirect_dma source(%dma_start3A_451 : memref<1000000xf32, #tpu.memory_space<hbm>>) target(%dma_start3A_443 : memref<128xf32, #tpu.memory_space<vmem>>) offsets(%dma_start3A_446 : memref<128xi32, #tpu.memory_space<vmem>>) semaphore(%arg20 : memref<!tpu.dma_semaphore, #tpu.memory_space<semaphore_mem>>)
    %dma_start3A_452 = arith.constant 0 : i32
    %dma_start3A_453 = arith.constant 2 : i32
    %dma_start3A_454 = arith.constant 0 : i32
    %dma_start3A_455 = arith.constant 256 : i32
    %dma_start3A_456 = tpu.memref_slice %arg14[%dma_start3A_454, %dma_start3A_455] : memref<16x512xf32, #tpu.memory_space<vmem>> -> memref<1x128xf32, #tpu.memory_space<vmem>>
    %dma_start3A_457 = tpu.memref_squeeze %dma_start3A_456 : memref<1x128xf32, #tpu.memory_space<vmem>> -> memref<128xf32, #tpu.memory_space<vmem>>
    %dma_start3A_458 = arith.constant 0 : i32
    %dma_start3A_459 = tpu.memref_slice %arg12[%dma_start3A_453, %dma_start3A_458] : memref<4x128xi32, #tpu.memory_space<vmem>> -> memref<1x128xi32, #tpu.memory_space<vmem>>
    %dma_start3A_460 = tpu.memref_squeeze %dma_start3A_459 : memref<1x128xi32, #tpu.memory_space<vmem>> -> memref<128xi32, #tpu.memory_space<vmem>>
    %dma_start3A_461 = arith.constant 0 : i32
    %dma_start3A_462 = tpu.memref_slice %arg4[%dma_start3A_452, %dma_start3A_461] : memref<4x1000000xf32, #tpu.memory_space<hbm>> -> memref<1x1000000xf32, #tpu.memory_space<hbm>>
    %dma_start3A_463 = tpu.memref_squeeze %dma_start3A_462 : memref<1x1000000xf32, #tpu.memory_space<hbm>> -> memref<1000000xf32, #tpu.memory_space<hbm>>
    %dma_start3A_464 = arith.constant 0 : i32
    %dma_start3A_465 = tpu.memref_slice %dma_start3A_463[%dma_start3A_464] : memref<1000000xf32, #tpu.memory_space<hbm>> -> memref<1000000xf32, #tpu.memory_space<hbm>>
    tpu.enqueue_indirect_dma source(%dma_start3A_465 : memref<1000000xf32, #tpu.memory_space<hbm>>) target(%dma_start3A_457 : memref<128xf32, #tpu.memory_space<vmem>>) offsets(%dma_start3A_460 : memref<128xi32, #tpu.memory_space<vmem>>) semaphore(%arg21 : memref<!tpu.dma_semaphore, #tpu.memory_space<semaphore_mem>>)
    %dma_start3A_466 = arith.constant 1 : i32
    %dma_start3A_467 = arith.constant 2 : i32
    %dma_start3A_468 = arith.constant 1 : i32
    %dma_start3A_469 = arith.constant 256 : i32
    %dma_start3A_470 = tpu.memref_slice %arg14[%dma_start3A_468, %dma_start3A_469] : memref<16x512xf32, #tpu.memory_space<vmem>> -> memref<1x128xf32, #tpu.memory_space<vmem>>
    %dma_start3A_471 = tpu.memref_squeeze %dma_start3A_470 : memref<1x128xf32, #tpu.memory_space<vmem>> -> memref<128xf32, #tpu.memory_space<vmem>>
    %dma_start3A_472 = arith.constant 0 : i32
    %dma_start3A_473 = tpu.memref_slice %arg12[%dma_start3A_467, %dma_start3A_472] : memref<4x128xi32, #tpu.memory_space<vmem>> -> memref<1x128xi32, #tpu.memory_space<vmem>>
    %dma_start3A_474 = tpu.memref_squeeze %dma_start3A_473 : memref<1x128xi32, #tpu.memory_space<vmem>> -> memref<128xi32, #tpu.memory_space<vmem>>
    %dma_start3A_475 = arith.constant 0 : i32
    %dma_start3A_476 = tpu.memref_slice %arg4[%dma_start3A_466, %dma_start3A_475] : memref<4x1000000xf32, #tpu.memory_space<hbm>> -> memref<1x1000000xf32, #tpu.memory_space<hbm>>
    %dma_start3A_477 = tpu.memref_squeeze %dma_start3A_476 : memref<1x1000000xf32, #tpu.memory_space<hbm>> -> memref<1000000xf32, #tpu.memory_space<hbm>>
    %dma_start3A_478 = arith.constant 0 : i32
    %dma_start3A_479 = tpu.memref_slice %dma_start3A_477[%dma_start3A_478] : memref<1000000xf32, #tpu.memory_space<hbm>> -> memref<1000000xf32, #tpu.memory_space<hbm>>
    tpu.enqueue_indirect_dma source(%dma_start3A_479 : memref<1000000xf32, #tpu.memory_space<hbm>>) target(%dma_start3A_471 : memref<128xf32, #tpu.memory_space<vmem>>) offsets(%dma_start3A_474 : memref<128xi32, #tpu.memory_space<vmem>>) semaphore(%arg21 : memref<!tpu.dma_semaphore, #tpu.memory_space<semaphore_mem>>)
    %dma_start3A_480 = arith.constant 2 : i32
    %dma_start3A_481 = arith.constant 2 : i32
    %dma_start3A_482 = arith.constant 2 : i32
    %dma_start3A_483 = arith.constant 256 : i32
    %dma_start3A_484 = tpu.memref_slice %arg14[%dma_start3A_482, %dma_start3A_483] : memref<16x512xf32, #tpu.memory_space<vmem>> -> memref<1x128xf32, #tpu.memory_space<vmem>>
    %dma_start3A_485 = tpu.memref_squeeze %dma_start3A_484 : memref<1x128xf32, #tpu.memory_space<vmem>> -> memref<128xf32, #tpu.memory_space<vmem>>
    %dma_start3A_486 = arith.constant 0 : i32
    %dma_start3A_487 = tpu.memref_slice %arg12[%dma_start3A_481, %dma_start3A_486] : memref<4x128xi32, #tpu.memory_space<vmem>> -> memref<1x128xi32, #tpu.memory_space<vmem>>
    %dma_start3A_488 = tpu.memref_squeeze %dma_start3A_487 : memref<1x128xi32, #tpu.memory_space<vmem>> -> memref<128xi32, #tpu.memory_space<vmem>>
    %dma_start3A_489 = arith.constant 0 : i32
    %dma_start3A_490 = tpu.memref_slice %arg4[%dma_start3A_480, %dma_start3A_489] : memref<4x1000000xf32, #tpu.memory_space<hbm>> -> memref<1x1000000xf32, #tpu.memory_space<hbm>>
    %dma_start3A_491 = tpu.memref_squeeze %dma_start3A_490 : memref<1x1000000xf32, #tpu.memory_space<hbm>> -> memref<1000000xf32, #tpu.memory_space<hbm>>
    %dma_start3A_492 = arith.constant 0 : i32
    %dma_start3A_493 = tpu.memref_slice %dma_start3A_491[%dma_start3A_492] : memref<1000000xf32, #tpu.memory_space<hbm>> -> memref<1000000xf32, #tpu.memory_space<hbm>>
    tpu.enqueue_indirect_dma source(%dma_start3A_493 : memref<1000000xf32, #tpu.memory_space<hbm>>) target(%dma_start3A_485 : memref<128xf32, #tpu.memory_space<vmem>>) offsets(%dma_start3A_488 : memref<128xi32, #tpu.memory_space<vmem>>) semaphore(%arg21 : memref<!tpu.dma_semaphore, #tpu.memory_space<semaphore_mem>>)
    %dma_start3A_494 = arith.constant 3 : i32
    %dma_start3A_495 = arith.constant 2 : i32
    %dma_start3A_496 = arith.constant 3 : i32
    %dma_start3A_497 = arith.constant 256 : i32
    %dma_start3A_498 = tpu.memref_slice %arg14[%dma_start3A_496, %dma_start3A_497] : memref<16x512xf32, #tpu.memory_space<vmem>> -> memref<1x128xf32, #tpu.memory_space<vmem>>
    %dma_start3A_499 = tpu.memref_squeeze %dma_start3A_498 : memref<1x128xf32, #tpu.memory_space<vmem>> -> memref<128xf32, #tpu.memory_space<vmem>>
    %dma_start3A_500 = arith.constant 0 : i32
    %dma_start3A_501 = tpu.memref_slice %arg12[%dma_start3A_495, %dma_start3A_500] : memref<4x128xi32, #tpu.memory_space<vmem>> -> memref<1x128xi32, #tpu.memory_space<vmem>>
    %dma_start3A_502 = tpu.memref_squeeze %dma_start3A_501 : memref<1x128xi32, #tpu.memory_space<vmem>> -> memref<128xi32, #tpu.memory_space<vmem>>
    %dma_start3A_503 = arith.constant 0 : i32
    %dma_start3A_504 = tpu.memref_slice %arg4[%dma_start3A_494, %dma_start3A_503] : memref<4x1000000xf32, #tpu.memory_space<hbm>> -> memref<1x1000000xf32, #tpu.memory_space<hbm>>
    %dma_start3A_505 = tpu.memref_squeeze %dma_start3A_504 : memref<1x1000000xf32, #tpu.memory_space<hbm>> -> memref<1000000xf32, #tpu.memory_space<hbm>>
    %dma_start3A_506 = arith.constant 0 : i32
    %dma_start3A_507 = tpu.memref_slice %dma_start3A_505[%dma_start3A_506] : memref<1000000xf32, #tpu.memory_space<hbm>> -> memref<1000000xf32, #tpu.memory_space<hbm>>
    tpu.enqueue_indirect_dma source(%dma_start3A_507 : memref<1000000xf32, #tpu.memory_space<hbm>>) target(%dma_start3A_499 : memref<128xf32, #tpu.memory_space<vmem>>) offsets(%dma_start3A_502 : memref<128xi32, #tpu.memory_space<vmem>>) semaphore(%arg21 : memref<!tpu.dma_semaphore, #tpu.memory_space<semaphore_mem>>)
    %dma_start3A_508 = arith.constant 0 : i32
    %dma_start3A_509 = arith.constant 2 : i32
    %dma_start3A_510 = arith.constant 4 : i32
    %dma_start3A_511 = arith.constant 256 : i32
    %dma_start3A_512 = tpu.memref_slice %arg14[%dma_start3A_510, %dma_start3A_511] : memref<16x512xf32, #tpu.memory_space<vmem>> -> memref<1x128xf32, #tpu.memory_space<vmem>>
    %dma_start3A_513 = tpu.memref_squeeze %dma_start3A_512 : memref<1x128xf32, #tpu.memory_space<vmem>> -> memref<128xf32, #tpu.memory_space<vmem>>
    %dma_start3A_514 = arith.constant 0 : i32
    %dma_start3A_515 = tpu.memref_slice %arg12[%dma_start3A_509, %dma_start3A_514] : memref<4x128xi32, #tpu.memory_space<vmem>> -> memref<1x128xi32, #tpu.memory_space<vmem>>
    %dma_start3A_516 = tpu.memref_squeeze %dma_start3A_515 : memref<1x128xi32, #tpu.memory_space<vmem>> -> memref<128xi32, #tpu.memory_space<vmem>>
    %dma_start3A_517 = arith.constant 0 : i32
    %dma_start3A_518 = tpu.memref_slice %arg5[%dma_start3A_508, %dma_start3A_517] : memref<4x1000000xf32, #tpu.memory_space<hbm>> -> memref<1x1000000xf32, #tpu.memory_space<hbm>>
    %dma_start3A_519 = tpu.memref_squeeze %dma_start3A_518 : memref<1x1000000xf32, #tpu.memory_space<hbm>> -> memref<1000000xf32, #tpu.memory_space<hbm>>
    %dma_start3A_520 = arith.constant 0 : i32
    %dma_start3A_521 = tpu.memref_slice %dma_start3A_519[%dma_start3A_520] : memref<1000000xf32, #tpu.memory_space<hbm>> -> memref<1000000xf32, #tpu.memory_space<hbm>>
    tpu.enqueue_indirect_dma source(%dma_start3A_521 : memref<1000000xf32, #tpu.memory_space<hbm>>) target(%dma_start3A_513 : memref<128xf32, #tpu.memory_space<vmem>>) offsets(%dma_start3A_516 : memref<128xi32, #tpu.memory_space<vmem>>) semaphore(%arg21 : memref<!tpu.dma_semaphore, #tpu.memory_space<semaphore_mem>>)
    %dma_start3A_522 = arith.constant 1 : i32
    %dma_start3A_523 = arith.constant 2 : i32
    %dma_start3A_524 = arith.constant 5 : i32
    %dma_start3A_525 = arith.constant 256 : i32
    %dma_start3A_526 = tpu.memref_slice %arg14[%dma_start3A_524, %dma_start3A_525] : memref<16x512xf32, #tpu.memory_space<vmem>> -> memref<1x128xf32, #tpu.memory_space<vmem>>
    %dma_start3A_527 = tpu.memref_squeeze %dma_start3A_526 : memref<1x128xf32, #tpu.memory_space<vmem>> -> memref<128xf32, #tpu.memory_space<vmem>>
    %dma_start3A_528 = arith.constant 0 : i32
    %dma_start3A_529 = tpu.memref_slice %arg12[%dma_start3A_523, %dma_start3A_528] : memref<4x128xi32, #tpu.memory_space<vmem>> -> memref<1x128xi32, #tpu.memory_space<vmem>>
    %dma_start3A_530 = tpu.memref_squeeze %dma_start3A_529 : memref<1x128xi32, #tpu.memory_space<vmem>> -> memref<128xi32, #tpu.memory_space<vmem>>
    %dma_start3A_531 = arith.constant 0 : i32
    %dma_start3A_532 = tpu.memref_slice %arg5[%dma_start3A_522, %dma_start3A_531] : memref<4x1000000xf32, #tpu.memory_space<hbm>> -> memref<1x1000000xf32, #tpu.memory_space<hbm>>
    %dma_start3A_533 = tpu.memref_squeeze %dma_start3A_532 : memref<1x1000000xf32, #tpu.memory_space<hbm>> -> memref<1000000xf32, #tpu.memory_space<hbm>>
    %dma_start3A_534 = arith.constant 0 : i32
    %dma_start3A_535 = tpu.memref_slice %dma_start3A_533[%dma_start3A_534] : memref<1000000xf32, #tpu.memory_space<hbm>> -> memref<1000000xf32, #tpu.memory_space<hbm>>
    tpu.enqueue_indirect_dma source(%dma_start3A_535 : memref<1000000xf32, #tpu.memory_space<hbm>>) target(%dma_start3A_527 : memref<128xf32, #tpu.memory_space<vmem>>) offsets(%dma_start3A_530 : memref<128xi32, #tpu.memory_space<vmem>>) semaphore(%arg21 : memref<!tpu.dma_semaphore, #tpu.memory_space<semaphore_mem>>)
    %dma_start3A_536 = arith.constant 2 : i32
    %dma_start3A_537 = arith.constant 2 : i32
    %dma_start3A_538 = arith.constant 6 : i32
    %dma_start3A_539 = arith.constant 256 : i32
    %dma_start3A_540 = tpu.memref_slice %arg14[%dma_start3A_538, %dma_start3A_539] : memref<16x512xf32, #tpu.memory_space<vmem>> -> memref<1x128xf32, #tpu.memory_space<vmem>>
    %dma_start3A_541 = tpu.memref_squeeze %dma_start3A_540 : memref<1x128xf32, #tpu.memory_space<vmem>> -> memref<128xf32, #tpu.memory_space<vmem>>
    %dma_start3A_542 = arith.constant 0 : i32
    %dma_start3A_543 = tpu.memref_slice %arg12[%dma_start3A_537, %dma_start3A_542] : memref<4x128xi32, #tpu.memory_space<vmem>> -> memref<1x128xi32, #tpu.memory_space<vmem>>
    %dma_start3A_544 = tpu.memref_squeeze %dma_start3A_543 : memref<1x128xi32, #tpu.memory_space<vmem>> -> memref<128xi32, #tpu.memory_space<vmem>>
    %dma_start3A_545 = arith.constant 0 : i32
    %dma_start3A_546 = tpu.memref_slice %arg5[%dma_start3A_536, %dma_start3A_545] : memref<4x1000000xf32, #tpu.memory_space<hbm>> -> memref<1x1000000xf32, #tpu.memory_space<hbm>>
    %dma_start3A_547 = tpu.memref_squeeze %dma_start3A_546 : memref<1x1000000xf32, #tpu.memory_space<hbm>> -> memref<1000000xf32, #tpu.memory_space<hbm>>
    %dma_start3A_548 = arith.constant 0 : i32
    %dma_start3A_549 = tpu.memref_slice %dma_start3A_547[%dma_start3A_548] : memref<1000000xf32, #tpu.memory_space<hbm>> -> memref<1000000xf32, #tpu.memory_space<hbm>>
    tpu.enqueue_indirect_dma source(%dma_start3A_549 : memref<1000000xf32, #tpu.memory_space<hbm>>) target(%dma_start3A_541 : memref<128xf32, #tpu.memory_space<vmem>>) offsets(%dma_start3A_544 : memref<128xi32, #tpu.memory_space<vmem>>) semaphore(%arg21 : memref<!tpu.dma_semaphore, #tpu.memory_space<semaphore_mem>>)
    %dma_start3A_550 = arith.constant 3 : i32
    %dma_start3A_551 = arith.constant 2 : i32
    %dma_start3A_552 = arith.constant 7 : i32
    %dma_start3A_553 = arith.constant 256 : i32
    %dma_start3A_554 = tpu.memref_slice %arg14[%dma_start3A_552, %dma_start3A_553] : memref<16x512xf32, #tpu.memory_space<vmem>> -> memref<1x128xf32, #tpu.memory_space<vmem>>
    %dma_start3A_555 = tpu.memref_squeeze %dma_start3A_554 : memref<1x128xf32, #tpu.memory_space<vmem>> -> memref<128xf32, #tpu.memory_space<vmem>>
    %dma_start3A_556 = arith.constant 0 : i32
    %dma_start3A_557 = tpu.memref_slice %arg12[%dma_start3A_551, %dma_start3A_556] : memref<4x128xi32, #tpu.memory_space<vmem>> -> memref<1x128xi32, #tpu.memory_space<vmem>>
    %dma_start3A_558 = tpu.memref_squeeze %dma_start3A_557 : memref<1x128xi32, #tpu.memory_space<vmem>> -> memref<128xi32, #tpu.memory_space<vmem>>
    %dma_start3A_559 = arith.constant 0 : i32
    %dma_start3A_560 = tpu.memref_slice %arg5[%dma_start3A_550, %dma_start3A_559] : memref<4x1000000xf32, #tpu.memory_space<hbm>> -> memref<1x1000000xf32, #tpu.memory_space<hbm>>
    %dma_start3A_561 = tpu.memref_squeeze %dma_start3A_560 : memref<1x1000000xf32, #tpu.memory_space<hbm>> -> memref<1000000xf32, #tpu.memory_space<hbm>>
    %dma_start3A_562 = arith.constant 0 : i32
    %dma_start3A_563 = tpu.memref_slice %dma_start3A_561[%dma_start3A_562] : memref<1000000xf32, #tpu.memory_space<hbm>> -> memref<1000000xf32, #tpu.memory_space<hbm>>
    tpu.enqueue_indirect_dma source(%dma_start3A_563 : memref<1000000xf32, #tpu.memory_space<hbm>>) target(%dma_start3A_555 : memref<128xf32, #tpu.memory_space<vmem>>) offsets(%dma_start3A_558 : memref<128xi32, #tpu.memory_space<vmem>>) semaphore(%arg21 : memref<!tpu.dma_semaphore, #tpu.memory_space<semaphore_mem>>)
    %dma_start3A_564 = arith.constant 0 : i32
    %dma_start3A_565 = arith.constant 2 : i32
    %dma_start3A_566 = arith.constant 8 : i32
    %dma_start3A_567 = arith.constant 256 : i32
    %dma_start3A_568 = tpu.memref_slice %arg14[%dma_start3A_566, %dma_start3A_567] : memref<16x512xf32, #tpu.memory_space<vmem>> -> memref<1x128xf32, #tpu.memory_space<vmem>>
    %dma_start3A_569 = tpu.memref_squeeze %dma_start3A_568 : memref<1x128xf32, #tpu.memory_space<vmem>> -> memref<128xf32, #tpu.memory_space<vmem>>
    %dma_start3A_570 = arith.constant 0 : i32
    %dma_start3A_571 = tpu.memref_slice %arg12[%dma_start3A_565, %dma_start3A_570] : memref<4x128xi32, #tpu.memory_space<vmem>> -> memref<1x128xi32, #tpu.memory_space<vmem>>
    %dma_start3A_572 = tpu.memref_squeeze %dma_start3A_571 : memref<1x128xi32, #tpu.memory_space<vmem>> -> memref<128xi32, #tpu.memory_space<vmem>>
    %dma_start3A_573 = arith.constant 0 : i32
    %dma_start3A_574 = tpu.memref_slice %arg6[%dma_start3A_564, %dma_start3A_573] : memref<4x1000000xf32, #tpu.memory_space<hbm>> -> memref<1x1000000xf32, #tpu.memory_space<hbm>>
    %dma_start3A_575 = tpu.memref_squeeze %dma_start3A_574 : memref<1x1000000xf32, #tpu.memory_space<hbm>> -> memref<1000000xf32, #tpu.memory_space<hbm>>
    %dma_start3A_576 = arith.constant 0 : i32
    %dma_start3A_577 = tpu.memref_slice %dma_start3A_575[%dma_start3A_576] : memref<1000000xf32, #tpu.memory_space<hbm>> -> memref<1000000xf32, #tpu.memory_space<hbm>>
    tpu.enqueue_indirect_dma source(%dma_start3A_577 : memref<1000000xf32, #tpu.memory_space<hbm>>) target(%dma_start3A_569 : memref<128xf32, #tpu.memory_space<vmem>>) offsets(%dma_start3A_572 : memref<128xi32, #tpu.memory_space<vmem>>) semaphore(%arg21 : memref<!tpu.dma_semaphore, #tpu.memory_space<semaphore_mem>>)
    %dma_start3A_578 = arith.constant 1 : i32
    %dma_start3A_579 = arith.constant 2 : i32
    %dma_start3A_580 = arith.constant 9 : i32
    %dma_start3A_581 = arith.constant 256 : i32
    %dma_start3A_582 = tpu.memref_slice %arg14[%dma_start3A_580, %dma_start3A_581] : memref<16x512xf32, #tpu.memory_space<vmem>> -> memref<1x128xf32, #tpu.memory_space<vmem>>
    %dma_start3A_583 = tpu.memref_squeeze %dma_start3A_582 : memref<1x128xf32, #tpu.memory_space<vmem>> -> memref<128xf32, #tpu.memory_space<vmem>>
    %dma_start3A_584 = arith.constant 0 : i32
    %dma_start3A_585 = tpu.memref_slice %arg12[%dma_start3A_579, %dma_start3A_584] : memref<4x128xi32, #tpu.memory_space<vmem>> -> memref<1x128xi32, #tpu.memory_space<vmem>>
    %dma_start3A_586 = tpu.memref_squeeze %dma_start3A_585 : memref<1x128xi32, #tpu.memory_space<vmem>> -> memref<128xi32, #tpu.memory_space<vmem>>
    %dma_start3A_587 = arith.constant 0 : i32
    %dma_start3A_588 = tpu.memref_slice %arg6[%dma_start3A_578, %dma_start3A_587] : memref<4x1000000xf32, #tpu.memory_space<hbm>> -> memref<1x1000000xf32, #tpu.memory_space<hbm>>
    %dma_start3A_589 = tpu.memref_squeeze %dma_start3A_588 : memref<1x1000000xf32, #tpu.memory_space<hbm>> -> memref<1000000xf32, #tpu.memory_space<hbm>>
    %dma_start3A_590 = arith.constant 0 : i32
    %dma_start3A_591 = tpu.memref_slice %dma_start3A_589[%dma_start3A_590] : memref<1000000xf32, #tpu.memory_space<hbm>> -> memref<1000000xf32, #tpu.memory_space<hbm>>
    tpu.enqueue_indirect_dma source(%dma_start3A_591 : memref<1000000xf32, #tpu.memory_space<hbm>>) target(%dma_start3A_583 : memref<128xf32, #tpu.memory_space<vmem>>) offsets(%dma_start3A_586 : memref<128xi32, #tpu.memory_space<vmem>>) semaphore(%arg21 : memref<!tpu.dma_semaphore, #tpu.memory_space<semaphore_mem>>)
    %dma_start3A_592 = arith.constant 2 : i32
    %dma_start3A_593 = arith.constant 2 : i32
    %dma_start3A_594 = arith.constant 10 : i32
    %dma_start3A_595 = arith.constant 256 : i32
    %dma_start3A_596 = tpu.memref_slice %arg14[%dma_start3A_594, %dma_start3A_595] : memref<16x512xf32, #tpu.memory_space<vmem>> -> memref<1x128xf32, #tpu.memory_space<vmem>>
    %dma_start3A_597 = tpu.memref_squeeze %dma_start3A_596 : memref<1x128xf32, #tpu.memory_space<vmem>> -> memref<128xf32, #tpu.memory_space<vmem>>
    %dma_start3A_598 = arith.constant 0 : i32
    %dma_start3A_599 = tpu.memref_slice %arg12[%dma_start3A_593, %dma_start3A_598] : memref<4x128xi32, #tpu.memory_space<vmem>> -> memref<1x128xi32, #tpu.memory_space<vmem>>
    %dma_start3A_600 = tpu.memref_squeeze %dma_start3A_599 : memref<1x128xi32, #tpu.memory_space<vmem>> -> memref<128xi32, #tpu.memory_space<vmem>>
    %dma_start3A_601 = arith.constant 0 : i32
    %dma_start3A_602 = tpu.memref_slice %arg6[%dma_start3A_592, %dma_start3A_601] : memref<4x1000000xf32, #tpu.memory_space<hbm>> -> memref<1x1000000xf32, #tpu.memory_space<hbm>>
    %dma_start3A_603 = tpu.memref_squeeze %dma_start3A_602 : memref<1x1000000xf32, #tpu.memory_space<hbm>> -> memref<1000000xf32, #tpu.memory_space<hbm>>
    %dma_start3A_604 = arith.constant 0 : i32
    %dma_start3A_605 = tpu.memref_slice %dma_start3A_603[%dma_start3A_604] : memref<1000000xf32, #tpu.memory_space<hbm>> -> memref<1000000xf32, #tpu.memory_space<hbm>>
    tpu.enqueue_indirect_dma source(%dma_start3A_605 : memref<1000000xf32, #tpu.memory_space<hbm>>) target(%dma_start3A_597 : memref<128xf32, #tpu.memory_space<vmem>>) offsets(%dma_start3A_600 : memref<128xi32, #tpu.memory_space<vmem>>) semaphore(%arg21 : memref<!tpu.dma_semaphore, #tpu.memory_space<semaphore_mem>>)
    %dma_start3A_606 = arith.constant 3 : i32
    %dma_start3A_607 = arith.constant 2 : i32
    %dma_start3A_608 = arith.constant 11 : i32
    %dma_start3A_609 = arith.constant 256 : i32
    %dma_start3A_610 = tpu.memref_slice %arg14[%dma_start3A_608, %dma_start3A_609] : memref<16x512xf32, #tpu.memory_space<vmem>> -> memref<1x128xf32, #tpu.memory_space<vmem>>
    %dma_start3A_611 = tpu.memref_squeeze %dma_start3A_610 : memref<1x128xf32, #tpu.memory_space<vmem>> -> memref<128xf32, #tpu.memory_space<vmem>>
    %dma_start3A_612 = arith.constant 0 : i32
    %dma_start3A_613 = tpu.memref_slice %arg12[%dma_start3A_607, %dma_start3A_612] : memref<4x128xi32, #tpu.memory_space<vmem>> -> memref<1x128xi32, #tpu.memory_space<vmem>>
    %dma_start3A_614 = tpu.memref_squeeze %dma_start3A_613 : memref<1x128xi32, #tpu.memory_space<vmem>> -> memref<128xi32, #tpu.memory_space<vmem>>
    %dma_start3A_615 = arith.constant 0 : i32
    %dma_start3A_616 = tpu.memref_slice %arg6[%dma_start3A_606, %dma_start3A_615] : memref<4x1000000xf32, #tpu.memory_space<hbm>> -> memref<1x1000000xf32, #tpu.memory_space<hbm>>
    %dma_start3A_617 = tpu.memref_squeeze %dma_start3A_616 : memref<1x1000000xf32, #tpu.memory_space<hbm>> -> memref<1000000xf32, #tpu.memory_space<hbm>>
    %dma_start3A_618 = arith.constant 0 : i32
    %dma_start3A_619 = tpu.memref_slice %dma_start3A_617[%dma_start3A_618] : memref<1000000xf32, #tpu.memory_space<hbm>> -> memref<1000000xf32, #tpu.memory_space<hbm>>
    tpu.enqueue_indirect_dma source(%dma_start3A_619 : memref<1000000xf32, #tpu.memory_space<hbm>>) target(%dma_start3A_611 : memref<128xf32, #tpu.memory_space<vmem>>) offsets(%dma_start3A_614 : memref<128xi32, #tpu.memory_space<vmem>>) semaphore(%arg21 : memref<!tpu.dma_semaphore, #tpu.memory_space<semaphore_mem>>)
    %dma_start3A_620 = arith.constant 0 : i32
    %dma_start3A_621 = arith.constant 2 : i32
    %dma_start3A_622 = arith.constant 12 : i32
    %dma_start3A_623 = arith.constant 256 : i32
    %dma_start3A_624 = tpu.memref_slice %arg14[%dma_start3A_622, %dma_start3A_623] : memref<16x512xf32, #tpu.memory_space<vmem>> -> memref<1x128xf32, #tpu.memory_space<vmem>>
    %dma_start3A_625 = tpu.memref_squeeze %dma_start3A_624 : memref<1x128xf32, #tpu.memory_space<vmem>> -> memref<128xf32, #tpu.memory_space<vmem>>
    %dma_start3A_626 = arith.constant 0 : i32
    %dma_start3A_627 = tpu.memref_slice %arg12[%dma_start3A_621, %dma_start3A_626] : memref<4x128xi32, #tpu.memory_space<vmem>> -> memref<1x128xi32, #tpu.memory_space<vmem>>
    %dma_start3A_628 = tpu.memref_squeeze %dma_start3A_627 : memref<1x128xi32, #tpu.memory_space<vmem>> -> memref<128xi32, #tpu.memory_space<vmem>>
    %dma_start3A_629 = arith.constant 0 : i32
    %dma_start3A_630 = tpu.memref_slice %arg7[%dma_start3A_620, %dma_start3A_629] : memref<4x1000000xf32, #tpu.memory_space<hbm>> -> memref<1x1000000xf32, #tpu.memory_space<hbm>>
    %dma_start3A_631 = tpu.memref_squeeze %dma_start3A_630 : memref<1x1000000xf32, #tpu.memory_space<hbm>> -> memref<1000000xf32, #tpu.memory_space<hbm>>
    %dma_start3A_632 = arith.constant 0 : i32
    %dma_start3A_633 = tpu.memref_slice %dma_start3A_631[%dma_start3A_632] : memref<1000000xf32, #tpu.memory_space<hbm>> -> memref<1000000xf32, #tpu.memory_space<hbm>>
    tpu.enqueue_indirect_dma source(%dma_start3A_633 : memref<1000000xf32, #tpu.memory_space<hbm>>) target(%dma_start3A_625 : memref<128xf32, #tpu.memory_space<vmem>>) offsets(%dma_start3A_628 : memref<128xi32, #tpu.memory_space<vmem>>) semaphore(%arg21 : memref<!tpu.dma_semaphore, #tpu.memory_space<semaphore_mem>>)
    %dma_start3A_634 = arith.constant 1 : i32
    %dma_start3A_635 = arith.constant 2 : i32
    %dma_start3A_636 = arith.constant 13 : i32
    %dma_start3A_637 = arith.constant 256 : i32
    %dma_start3A_638 = tpu.memref_slice %arg14[%dma_start3A_636, %dma_start3A_637] : memref<16x512xf32, #tpu.memory_space<vmem>> -> memref<1x128xf32, #tpu.memory_space<vmem>>
    %dma_start3A_639 = tpu.memref_squeeze %dma_start3A_638 : memref<1x128xf32, #tpu.memory_space<vmem>> -> memref<128xf32, #tpu.memory_space<vmem>>
    %dma_start3A_640 = arith.constant 0 : i32
    %dma_start3A_641 = tpu.memref_slice %arg12[%dma_start3A_635, %dma_start3A_640] : memref<4x128xi32, #tpu.memory_space<vmem>> -> memref<1x128xi32, #tpu.memory_space<vmem>>
    %dma_start3A_642 = tpu.memref_squeeze %dma_start3A_641 : memref<1x128xi32, #tpu.memory_space<vmem>> -> memref<128xi32, #tpu.memory_space<vmem>>
    %dma_start3A_643 = arith.constant 0 : i32
    %dma_start3A_644 = tpu.memref_slice %arg7[%dma_start3A_634, %dma_start3A_643] : memref<4x1000000xf32, #tpu.memory_space<hbm>> -> memref<1x1000000xf32, #tpu.memory_space<hbm>>
    %dma_start3A_645 = tpu.memref_squeeze %dma_start3A_644 : memref<1x1000000xf32, #tpu.memory_space<hbm>> -> memref<1000000xf32, #tpu.memory_space<hbm>>
    %dma_start3A_646 = arith.constant 0 : i32
    %dma_start3A_647 = tpu.memref_slice %dma_start3A_645[%dma_start3A_646] : memref<1000000xf32, #tpu.memory_space<hbm>> -> memref<1000000xf32, #tpu.memory_space<hbm>>
    tpu.enqueue_indirect_dma source(%dma_start3A_647 : memref<1000000xf32, #tpu.memory_space<hbm>>) target(%dma_start3A_639 : memref<128xf32, #tpu.memory_space<vmem>>) offsets(%dma_start3A_642 : memref<128xi32, #tpu.memory_space<vmem>>) semaphore(%arg21 : memref<!tpu.dma_semaphore, #tpu.memory_space<semaphore_mem>>)
    %dma_start3A_648 = arith.constant 2 : i32
    %dma_start3A_649 = arith.constant 2 : i32
    %dma_start3A_650 = arith.constant 14 : i32
    %dma_start3A_651 = arith.constant 256 : i32
    %dma_start3A_652 = tpu.memref_slice %arg14[%dma_start3A_650, %dma_start3A_651] : memref<16x512xf32, #tpu.memory_space<vmem>> -> memref<1x128xf32, #tpu.memory_space<vmem>>
    %dma_start3A_653 = tpu.memref_squeeze %dma_start3A_652 : memref<1x128xf32, #tpu.memory_space<vmem>> -> memref<128xf32, #tpu.memory_space<vmem>>
    %dma_start3A_654 = arith.constant 0 : i32
    %dma_start3A_655 = tpu.memref_slice %arg12[%dma_start3A_649, %dma_start3A_654] : memref<4x128xi32, #tpu.memory_space<vmem>> -> memref<1x128xi32, #tpu.memory_space<vmem>>
    %dma_start3A_656 = tpu.memref_squeeze %dma_start3A_655 : memref<1x128xi32, #tpu.memory_space<vmem>> -> memref<128xi32, #tpu.memory_space<vmem>>
    %dma_start3A_657 = arith.constant 0 : i32
    %dma_start3A_658 = tpu.memref_slice %arg7[%dma_start3A_648, %dma_start3A_657] : memref<4x1000000xf32, #tpu.memory_space<hbm>> -> memref<1x1000000xf32, #tpu.memory_space<hbm>>
    %dma_start3A_659 = tpu.memref_squeeze %dma_start3A_658 : memref<1x1000000xf32, #tpu.memory_space<hbm>> -> memref<1000000xf32, #tpu.memory_space<hbm>>
    %dma_start3A_660 = arith.constant 0 : i32
    %dma_start3A_661 = tpu.memref_slice %dma_start3A_659[%dma_start3A_660] : memref<1000000xf32, #tpu.memory_space<hbm>> -> memref<1000000xf32, #tpu.memory_space<hbm>>
    tpu.enqueue_indirect_dma source(%dma_start3A_661 : memref<1000000xf32, #tpu.memory_space<hbm>>) target(%dma_start3A_653 : memref<128xf32, #tpu.memory_space<vmem>>) offsets(%dma_start3A_656 : memref<128xi32, #tpu.memory_space<vmem>>) semaphore(%arg21 : memref<!tpu.dma_semaphore, #tpu.memory_space<semaphore_mem>>)
    %dma_start3A_662 = arith.constant 3 : i32
    %dma_start3A_663 = arith.constant 2 : i32
    %dma_start3A_664 = arith.constant 15 : i32
    %dma_start3A_665 = arith.constant 256 : i32
    %dma_start3A_666 = tpu.memref_slice %arg14[%dma_start3A_664, %dma_start3A_665] : memref<16x512xf32, #tpu.memory_space<vmem>> -> memref<1x128xf32, #tpu.memory_space<vmem>>
    %dma_start3A_667 = tpu.memref_squeeze %dma_start3A_666 : memref<1x128xf32, #tpu.memory_space<vmem>> -> memref<128xf32, #tpu.memory_space<vmem>>
    %dma_start3A_668 = arith.constant 0 : i32
    %dma_start3A_669 = tpu.memref_slice %arg12[%dma_start3A_663, %dma_start3A_668] : memref<4x128xi32, #tpu.memory_space<vmem>> -> memref<1x128xi32, #tpu.memory_space<vmem>>
    %dma_start3A_670 = tpu.memref_squeeze %dma_start3A_669 : memref<1x128xi32, #tpu.memory_space<vmem>> -> memref<128xi32, #tpu.memory_space<vmem>>
    %dma_start3A_671 = arith.constant 0 : i32
    %dma_start3A_672 = tpu.memref_slice %arg7[%dma_start3A_662, %dma_start3A_671] : memref<4x1000000xf32, #tpu.memory_space<hbm>> -> memref<1x1000000xf32, #tpu.memory_space<hbm>>
    %dma_start3A_673 = tpu.memref_squeeze %dma_start3A_672 : memref<1x1000000xf32, #tpu.memory_space<hbm>> -> memref<1000000xf32, #tpu.memory_space<hbm>>
    %dma_start3A_674 = arith.constant 0 : i32
    %dma_start3A_675 = tpu.memref_slice %dma_start3A_673[%dma_start3A_674] : memref<1000000xf32, #tpu.memory_space<hbm>> -> memref<1000000xf32, #tpu.memory_space<hbm>>
    tpu.enqueue_indirect_dma source(%dma_start3A_675 : memref<1000000xf32, #tpu.memory_space<hbm>>) target(%dma_start3A_667 : memref<128xf32, #tpu.memory_space<vmem>>) offsets(%dma_start3A_670 : memref<128xi32, #tpu.memory_space<vmem>>) semaphore(%arg21 : memref<!tpu.dma_semaphore, #tpu.memory_space<semaphore_mem>>)
    %dma_start3A_676 = arith.constant 0 : i32
    %dma_start3A_677 = arith.constant 3 : i32
    %dma_start3A_678 = arith.constant 0 : i32
    %dma_start3A_679 = arith.constant 384 : i32
    %dma_start3A_680 = tpu.memref_slice %arg14[%dma_start3A_678, %dma_start3A_679] : memref<16x512xf32, #tpu.memory_space<vmem>> -> memref<1x128xf32, #tpu.memory_space<vmem>>
    %dma_start3A_681 = tpu.memref_squeeze %dma_start3A_680 : memref<1x128xf32, #tpu.memory_space<vmem>> -> memref<128xf32, #tpu.memory_space<vmem>>
    %dma_start3A_682 = arith.constant 0 : i32
    %dma_start3A_683 = tpu.memref_slice %arg12[%dma_start3A_677, %dma_start3A_682] : memref<4x128xi32, #tpu.memory_space<vmem>> -> memref<1x128xi32, #tpu.memory_space<vmem>>
    %dma_start3A_684 = tpu.memref_squeeze %dma_start3A_683 : memref<1x128xi32, #tpu.memory_space<vmem>> -> memref<128xi32, #tpu.memory_space<vmem>>
    %dma_start3A_685 = arith.constant 0 : i32
    %dma_start3A_686 = tpu.memref_slice %arg4[%dma_start3A_676, %dma_start3A_685] : memref<4x1000000xf32, #tpu.memory_space<hbm>> -> memref<1x1000000xf32, #tpu.memory_space<hbm>>
    %dma_start3A_687 = tpu.memref_squeeze %dma_start3A_686 : memref<1x1000000xf32, #tpu.memory_space<hbm>> -> memref<1000000xf32, #tpu.memory_space<hbm>>
    %dma_start3A_688 = arith.constant 0 : i32
    %dma_start3A_689 = tpu.memref_slice %dma_start3A_687[%dma_start3A_688] : memref<1000000xf32, #tpu.memory_space<hbm>> -> memref<1000000xf32, #tpu.memory_space<hbm>>
    tpu.enqueue_indirect_dma source(%dma_start3A_689 : memref<1000000xf32, #tpu.memory_space<hbm>>) target(%dma_start3A_681 : memref<128xf32, #tpu.memory_space<vmem>>) offsets(%dma_start3A_684 : memref<128xi32, #tpu.memory_space<vmem>>) semaphore(%arg22 : memref<!tpu.dma_semaphore, #tpu.memory_space<semaphore_mem>>)
    %dma_start3A_690 = arith.constant 1 : i32
    %dma_start3A_691 = arith.constant 3 : i32
    %dma_start3A_692 = arith.constant 1 : i32
    %dma_start3A_693 = arith.constant 384 : i32
    %dma_start3A_694 = tpu.memref_slice %arg14[%dma_start3A_692, %dma_start3A_693] : memref<16x512xf32, #tpu.memory_space<vmem>> -> memref<1x128xf32, #tpu.memory_space<vmem>>
    %dma_start3A_695 = tpu.memref_squeeze %dma_start3A_694 : memref<1x128xf32, #tpu.memory_space<vmem>> -> memref<128xf32, #tpu.memory_space<vmem>>
    %dma_start3A_696 = arith.constant 0 : i32
    %dma_start3A_697 = tpu.memref_slice %arg12[%dma_start3A_691, %dma_start3A_696] : memref<4x128xi32, #tpu.memory_space<vmem>> -> memref<1x128xi32, #tpu.memory_space<vmem>>
    %dma_start3A_698 = tpu.memref_squeeze %dma_start3A_697 : memref<1x128xi32, #tpu.memory_space<vmem>> -> memref<128xi32, #tpu.memory_space<vmem>>
    %dma_start3A_699 = arith.constant 0 : i32
    %dma_start3A_700 = tpu.memref_slice %arg4[%dma_start3A_690, %dma_start3A_699] : memref<4x1000000xf32, #tpu.memory_space<hbm>> -> memref<1x1000000xf32, #tpu.memory_space<hbm>>
    %dma_start3A_701 = tpu.memref_squeeze %dma_start3A_700 : memref<1x1000000xf32, #tpu.memory_space<hbm>> -> memref<1000000xf32, #tpu.memory_space<hbm>>
    %dma_start3A_702 = arith.constant 0 : i32
    %dma_start3A_703 = tpu.memref_slice %dma_start3A_701[%dma_start3A_702] : memref<1000000xf32, #tpu.memory_space<hbm>> -> memref<1000000xf32, #tpu.memory_space<hbm>>
    tpu.enqueue_indirect_dma source(%dma_start3A_703 : memref<1000000xf32, #tpu.memory_space<hbm>>) target(%dma_start3A_695 : memref<128xf32, #tpu.memory_space<vmem>>) offsets(%dma_start3A_698 : memref<128xi32, #tpu.memory_space<vmem>>) semaphore(%arg22 : memref<!tpu.dma_semaphore, #tpu.memory_space<semaphore_mem>>)
    %dma_start3A_704 = arith.constant 2 : i32
    %dma_start3A_705 = arith.constant 3 : i32
    %dma_start3A_706 = arith.constant 2 : i32
    %dma_start3A_707 = arith.constant 384 : i32
    %dma_start3A_708 = tpu.memref_slice %arg14[%dma_start3A_706, %dma_start3A_707] : memref<16x512xf32, #tpu.memory_space<vmem>> -> memref<1x128xf32, #tpu.memory_space<vmem>>
    %dma_start3A_709 = tpu.memref_squeeze %dma_start3A_708 : memref<1x128xf32, #tpu.memory_space<vmem>> -> memref<128xf32, #tpu.memory_space<vmem>>
    %dma_start3A_710 = arith.constant 0 : i32
    %dma_start3A_711 = tpu.memref_slice %arg12[%dma_start3A_705, %dma_start3A_710] : memref<4x128xi32, #tpu.memory_space<vmem>> -> memref<1x128xi32, #tpu.memory_space<vmem>>
    %dma_start3A_712 = tpu.memref_squeeze %dma_start3A_711 : memref<1x128xi32, #tpu.memory_space<vmem>> -> memref<128xi32, #tpu.memory_space<vmem>>
    %dma_start3A_713 = arith.constant 0 : i32
    %dma_start3A_714 = tpu.memref_slice %arg4[%dma_start3A_704, %dma_start3A_713] : memref<4x1000000xf32, #tpu.memory_space<hbm>> -> memref<1x1000000xf32, #tpu.memory_space<hbm>>
    %dma_start3A_715 = tpu.memref_squeeze %dma_start3A_714 : memref<1x1000000xf32, #tpu.memory_space<hbm>> -> memref<1000000xf32, #tpu.memory_space<hbm>>
    %dma_start3A_716 = arith.constant 0 : i32
    %dma_start3A_717 = tpu.memref_slice %dma_start3A_715[%dma_start3A_716] : memref<1000000xf32, #tpu.memory_space<hbm>> -> memref<1000000xf32, #tpu.memory_space<hbm>>
    tpu.enqueue_indirect_dma source(%dma_start3A_717 : memref<1000000xf32, #tpu.memory_space<hbm>>) target(%dma_start3A_709 : memref<128xf32, #tpu.memory_space<vmem>>) offsets(%dma_start3A_712 : memref<128xi32, #tpu.memory_space<vmem>>) semaphore(%arg22 : memref<!tpu.dma_semaphore, #tpu.memory_space<semaphore_mem>>)
    %dma_start3A_718 = arith.constant 3 : i32
    %dma_start3A_719 = arith.constant 3 : i32
    %dma_start3A_720 = arith.constant 3 : i32
    %dma_start3A_721 = arith.constant 384 : i32
    %dma_start3A_722 = tpu.memref_slice %arg14[%dma_start3A_720, %dma_start3A_721] : memref<16x512xf32, #tpu.memory_space<vmem>> -> memref<1x128xf32, #tpu.memory_space<vmem>>
    %dma_start3A_723 = tpu.memref_squeeze %dma_start3A_722 : memref<1x128xf32, #tpu.memory_space<vmem>> -> memref<128xf32, #tpu.memory_space<vmem>>
    %dma_start3A_724 = arith.constant 0 : i32
    %dma_start3A_725 = tpu.memref_slice %arg12[%dma_start3A_719, %dma_start3A_724] : memref<4x128xi32, #tpu.memory_space<vmem>> -> memref<1x128xi32, #tpu.memory_space<vmem>>
    %dma_start3A_726 = tpu.memref_squeeze %dma_start3A_725 : memref<1x128xi32, #tpu.memory_space<vmem>> -> memref<128xi32, #tpu.memory_space<vmem>>
    %dma_start3A_727 = arith.constant 0 : i32
    %dma_start3A_728 = tpu.memref_slice %arg4[%dma_start3A_718, %dma_start3A_727] : memref<4x1000000xf32, #tpu.memory_space<hbm>> -> memref<1x1000000xf32, #tpu.memory_space<hbm>>
    %dma_start3A_729 = tpu.memref_squeeze %dma_start3A_728 : memref<1x1000000xf32, #tpu.memory_space<hbm>> -> memref<1000000xf32, #tpu.memory_space<hbm>>
    %dma_start3A_730 = arith.constant 0 : i32
    %dma_start3A_731 = tpu.memref_slice %dma_start3A_729[%dma_start3A_730] : memref<1000000xf32, #tpu.memory_space<hbm>> -> memref<1000000xf32, #tpu.memory_space<hbm>>
    tpu.enqueue_indirect_dma source(%dma_start3A_731 : memref<1000000xf32, #tpu.memory_space<hbm>>) target(%dma_start3A_723 : memref<128xf32, #tpu.memory_space<vmem>>) offsets(%dma_start3A_726 : memref<128xi32, #tpu.memory_space<vmem>>) semaphore(%arg22 : memref<!tpu.dma_semaphore, #tpu.memory_space<semaphore_mem>>)
    %dma_start3A_732 = arith.constant 0 : i32
    %dma_start3A_733 = arith.constant 3 : i32
    %dma_start3A_734 = arith.constant 4 : i32
    %dma_start3A_735 = arith.constant 384 : i32
    %dma_start3A_736 = tpu.memref_slice %arg14[%dma_start3A_734, %dma_start3A_735] : memref<16x512xf32, #tpu.memory_space<vmem>> -> memref<1x128xf32, #tpu.memory_space<vmem>>
    %dma_start3A_737 = tpu.memref_squeeze %dma_start3A_736 : memref<1x128xf32, #tpu.memory_space<vmem>> -> memref<128xf32, #tpu.memory_space<vmem>>
    %dma_start3A_738 = arith.constant 0 : i32
    %dma_start3A_739 = tpu.memref_slice %arg12[%dma_start3A_733, %dma_start3A_738] : memref<4x128xi32, #tpu.memory_space<vmem>> -> memref<1x128xi32, #tpu.memory_space<vmem>>
    %dma_start3A_740 = tpu.memref_squeeze %dma_start3A_739 : memref<1x128xi32, #tpu.memory_space<vmem>> -> memref<128xi32, #tpu.memory_space<vmem>>
    %dma_start3A_741 = arith.constant 0 : i32
    %dma_start3A_742 = tpu.memref_slice %arg5[%dma_start3A_732, %dma_start3A_741] : memref<4x1000000xf32, #tpu.memory_space<hbm>> -> memref<1x1000000xf32, #tpu.memory_space<hbm>>
    %dma_start3A_743 = tpu.memref_squeeze %dma_start3A_742 : memref<1x1000000xf32, #tpu.memory_space<hbm>> -> memref<1000000xf32, #tpu.memory_space<hbm>>
    %dma_start3A_744 = arith.constant 0 : i32
    %dma_start3A_745 = tpu.memref_slice %dma_start3A_743[%dma_start3A_744] : memref<1000000xf32, #tpu.memory_space<hbm>> -> memref<1000000xf32, #tpu.memory_space<hbm>>
    tpu.enqueue_indirect_dma source(%dma_start3A_745 : memref<1000000xf32, #tpu.memory_space<hbm>>) target(%dma_start3A_737 : memref<128xf32, #tpu.memory_space<vmem>>) offsets(%dma_start3A_740 : memref<128xi32, #tpu.memory_space<vmem>>) semaphore(%arg22 : memref<!tpu.dma_semaphore, #tpu.memory_space<semaphore_mem>>)
    %dma_start3A_746 = arith.constant 1 : i32
    %dma_start3A_747 = arith.constant 3 : i32
    %dma_start3A_748 = arith.constant 5 : i32
    %dma_start3A_749 = arith.constant 384 : i32
    %dma_start3A_750 = tpu.memref_slice %arg14[%dma_start3A_748, %dma_start3A_749] : memref<16x512xf32, #tpu.memory_space<vmem>> -> memref<1x128xf32, #tpu.memory_space<vmem>>
    %dma_start3A_751 = tpu.memref_squeeze %dma_start3A_750 : memref<1x128xf32, #tpu.memory_space<vmem>> -> memref<128xf32, #tpu.memory_space<vmem>>
    %dma_start3A_752 = arith.constant 0 : i32
    %dma_start3A_753 = tpu.memref_slice %arg12[%dma_start3A_747, %dma_start3A_752] : memref<4x128xi32, #tpu.memory_space<vmem>> -> memref<1x128xi32, #tpu.memory_space<vmem>>
    %dma_start3A_754 = tpu.memref_squeeze %dma_start3A_753 : memref<1x128xi32, #tpu.memory_space<vmem>> -> memref<128xi32, #tpu.memory_space<vmem>>
    %dma_start3A_755 = arith.constant 0 : i32
    %dma_start3A_756 = tpu.memref_slice %arg5[%dma_start3A_746, %dma_start3A_755] : memref<4x1000000xf32, #tpu.memory_space<hbm>> -> memref<1x1000000xf32, #tpu.memory_space<hbm>>
    %dma_start3A_757 = tpu.memref_squeeze %dma_start3A_756 : memref<1x1000000xf32, #tpu.memory_space<hbm>> -> memref<1000000xf32, #tpu.memory_space<hbm>>
    %dma_start3A_758 = arith.constant 0 : i32
    %dma_start3A_759 = tpu.memref_slice %dma_start3A_757[%dma_start3A_758] : memref<1000000xf32, #tpu.memory_space<hbm>> -> memref<1000000xf32, #tpu.memory_space<hbm>>
    tpu.enqueue_indirect_dma source(%dma_start3A_759 : memref<1000000xf32, #tpu.memory_space<hbm>>) target(%dma_start3A_751 : memref<128xf32, #tpu.memory_space<vmem>>) offsets(%dma_start3A_754 : memref<128xi32, #tpu.memory_space<vmem>>) semaphore(%arg22 : memref<!tpu.dma_semaphore, #tpu.memory_space<semaphore_mem>>)
    %dma_start3A_760 = arith.constant 2 : i32
    %dma_start3A_761 = arith.constant 3 : i32
    %dma_start3A_762 = arith.constant 6 : i32
    %dma_start3A_763 = arith.constant 384 : i32
    %dma_start3A_764 = tpu.memref_slice %arg14[%dma_start3A_762, %dma_start3A_763] : memref<16x512xf32, #tpu.memory_space<vmem>> -> memref<1x128xf32, #tpu.memory_space<vmem>>
    %dma_start3A_765 = tpu.memref_squeeze %dma_start3A_764 : memref<1x128xf32, #tpu.memory_space<vmem>> -> memref<128xf32, #tpu.memory_space<vmem>>
    %dma_start3A_766 = arith.constant 0 : i32
    %dma_start3A_767 = tpu.memref_slice %arg12[%dma_start3A_761, %dma_start3A_766] : memref<4x128xi32, #tpu.memory_space<vmem>> -> memref<1x128xi32, #tpu.memory_space<vmem>>
    %dma_start3A_768 = tpu.memref_squeeze %dma_start3A_767 : memref<1x128xi32, #tpu.memory_space<vmem>> -> memref<128xi32, #tpu.memory_space<vmem>>
    %dma_start3A_769 = arith.constant 0 : i32
    %dma_start3A_770 = tpu.memref_slice %arg5[%dma_start3A_760, %dma_start3A_769] : memref<4x1000000xf32, #tpu.memory_space<hbm>> -> memref<1x1000000xf32, #tpu.memory_space<hbm>>
    %dma_start3A_771 = tpu.memref_squeeze %dma_start3A_770 : memref<1x1000000xf32, #tpu.memory_space<hbm>> -> memref<1000000xf32, #tpu.memory_space<hbm>>
    %dma_start3A_772 = arith.constant 0 : i32
    %dma_start3A_773 = tpu.memref_slice %dma_start3A_771[%dma_start3A_772] : memref<1000000xf32, #tpu.memory_space<hbm>> -> memref<1000000xf32, #tpu.memory_space<hbm>>
    tpu.enqueue_indirect_dma source(%dma_start3A_773 : memref<1000000xf32, #tpu.memory_space<hbm>>) target(%dma_start3A_765 : memref<128xf32, #tpu.memory_space<vmem>>) offsets(%dma_start3A_768 : memref<128xi32, #tpu.memory_space<vmem>>) semaphore(%arg22 : memref<!tpu.dma_semaphore, #tpu.memory_space<semaphore_mem>>)
    %dma_start3A_774 = arith.constant 3 : i32
    %dma_start3A_775 = arith.constant 3 : i32
    %dma_start3A_776 = arith.constant 7 : i32
    %dma_start3A_777 = arith.constant 384 : i32
    %dma_start3A_778 = tpu.memref_slice %arg14[%dma_start3A_776, %dma_start3A_777] : memref<16x512xf32, #tpu.memory_space<vmem>> -> memref<1x128xf32, #tpu.memory_space<vmem>>
    %dma_start3A_779 = tpu.memref_squeeze %dma_start3A_778 : memref<1x128xf32, #tpu.memory_space<vmem>> -> memref<128xf32, #tpu.memory_space<vmem>>
    %dma_start3A_780 = arith.constant 0 : i32
    %dma_start3A_781 = tpu.memref_slice %arg12[%dma_start3A_775, %dma_start3A_780] : memref<4x128xi32, #tpu.memory_space<vmem>> -> memref<1x128xi32, #tpu.memory_space<vmem>>
    %dma_start3A_782 = tpu.memref_squeeze %dma_start3A_781 : memref<1x128xi32, #tpu.memory_space<vmem>> -> memref<128xi32, #tpu.memory_space<vmem>>
    %dma_start3A_783 = arith.constant 0 : i32
    %dma_start3A_784 = tpu.memref_slice %arg5[%dma_start3A_774, %dma_start3A_783] : memref<4x1000000xf32, #tpu.memory_space<hbm>> -> memref<1x1000000xf32, #tpu.memory_space<hbm>>
    %dma_start3A_785 = tpu.memref_squeeze %dma_start3A_784 : memref<1x1000000xf32, #tpu.memory_space<hbm>> -> memref<1000000xf32, #tpu.memory_space<hbm>>
    %dma_start3A_786 = arith.constant 0 : i32
    %dma_start3A_787 = tpu.memref_slice %dma_start3A_785[%dma_start3A_786] : memref<1000000xf32, #tpu.memory_space<hbm>> -> memref<1000000xf32, #tpu.memory_space<hbm>>
    tpu.enqueue_indirect_dma source(%dma_start3A_787 : memref<1000000xf32, #tpu.memory_space<hbm>>) target(%dma_start3A_779 : memref<128xf32, #tpu.memory_space<vmem>>) offsets(%dma_start3A_782 : memref<128xi32, #tpu.memory_space<vmem>>) semaphore(%arg22 : memref<!tpu.dma_semaphore, #tpu.memory_space<semaphore_mem>>)
    %dma_start3A_788 = arith.constant 0 : i32
    %dma_start3A_789 = arith.constant 3 : i32
    %dma_start3A_790 = arith.constant 8 : i32
    %dma_start3A_791 = arith.constant 384 : i32
    %dma_start3A_792 = tpu.memref_slice %arg14[%dma_start3A_790, %dma_start3A_791] : memref<16x512xf32, #tpu.memory_space<vmem>> -> memref<1x128xf32, #tpu.memory_space<vmem>>
    %dma_start3A_793 = tpu.memref_squeeze %dma_start3A_792 : memref<1x128xf32, #tpu.memory_space<vmem>> -> memref<128xf32, #tpu.memory_space<vmem>>
    %dma_start3A_794 = arith.constant 0 : i32
    %dma_start3A_795 = tpu.memref_slice %arg12[%dma_start3A_789, %dma_start3A_794] : memref<4x128xi32, #tpu.memory_space<vmem>> -> memref<1x128xi32, #tpu.memory_space<vmem>>
    %dma_start3A_796 = tpu.memref_squeeze %dma_start3A_795 : memref<1x128xi32, #tpu.memory_space<vmem>> -> memref<128xi32, #tpu.memory_space<vmem>>
    %dma_start3A_797 = arith.constant 0 : i32
    %dma_start3A_798 = tpu.memref_slice %arg6[%dma_start3A_788, %dma_start3A_797] : memref<4x1000000xf32, #tpu.memory_space<hbm>> -> memref<1x1000000xf32, #tpu.memory_space<hbm>>
    %dma_start3A_799 = tpu.memref_squeeze %dma_start3A_798 : memref<1x1000000xf32, #tpu.memory_space<hbm>> -> memref<1000000xf32, #tpu.memory_space<hbm>>
    %dma_start3A_800 = arith.constant 0 : i32
    %dma_start3A_801 = tpu.memref_slice %dma_start3A_799[%dma_start3A_800] : memref<1000000xf32, #tpu.memory_space<hbm>> -> memref<1000000xf32, #tpu.memory_space<hbm>>
    tpu.enqueue_indirect_dma source(%dma_start3A_801 : memref<1000000xf32, #tpu.memory_space<hbm>>) target(%dma_start3A_793 : memref<128xf32, #tpu.memory_space<vmem>>) offsets(%dma_start3A_796 : memref<128xi32, #tpu.memory_space<vmem>>) semaphore(%arg22 : memref<!tpu.dma_semaphore, #tpu.memory_space<semaphore_mem>>)
    %dma_start3A_802 = arith.constant 1 : i32
    %dma_start3A_803 = arith.constant 3 : i32
    %dma_start3A_804 = arith.constant 9 : i32
    %dma_start3A_805 = arith.constant 384 : i32
    %dma_start3A_806 = tpu.memref_slice %arg14[%dma_start3A_804, %dma_start3A_805] : memref<16x512xf32, #tpu.memory_space<vmem>> -> memref<1x128xf32, #tpu.memory_space<vmem>>
    %dma_start3A_807 = tpu.memref_squeeze %dma_start3A_806 : memref<1x128xf32, #tpu.memory_space<vmem>> -> memref<128xf32, #tpu.memory_space<vmem>>
    %dma_start3A_808 = arith.constant 0 : i32
    %dma_start3A_809 = tpu.memref_slice %arg12[%dma_start3A_803, %dma_start3A_808] : memref<4x128xi32, #tpu.memory_space<vmem>> -> memref<1x128xi32, #tpu.memory_space<vmem>>
    %dma_start3A_810 = tpu.memref_squeeze %dma_start3A_809 : memref<1x128xi32, #tpu.memory_space<vmem>> -> memref<128xi32, #tpu.memory_space<vmem>>
    %dma_start3A_811 = arith.constant 0 : i32
    %dma_start3A_812 = tpu.memref_slice %arg6[%dma_start3A_802, %dma_start3A_811] : memref<4x1000000xf32, #tpu.memory_space<hbm>> -> memref<1x1000000xf32, #tpu.memory_space<hbm>>
    %dma_start3A_813 = tpu.memref_squeeze %dma_start3A_812 : memref<1x1000000xf32, #tpu.memory_space<hbm>> -> memref<1000000xf32, #tpu.memory_space<hbm>>
    %dma_start3A_814 = arith.constant 0 : i32
    %dma_start3A_815 = tpu.memref_slice %dma_start3A_813[%dma_start3A_814] : memref<1000000xf32, #tpu.memory_space<hbm>> -> memref<1000000xf32, #tpu.memory_space<hbm>>
    tpu.enqueue_indirect_dma source(%dma_start3A_815 : memref<1000000xf32, #tpu.memory_space<hbm>>) target(%dma_start3A_807 : memref<128xf32, #tpu.memory_space<vmem>>) offsets(%dma_start3A_810 : memref<128xi32, #tpu.memory_space<vmem>>) semaphore(%arg22 : memref<!tpu.dma_semaphore, #tpu.memory_space<semaphore_mem>>)
    %dma_start3A_816 = arith.constant 2 : i32
    %dma_start3A_817 = arith.constant 3 : i32
    %dma_start3A_818 = arith.constant 10 : i32
    %dma_start3A_819 = arith.constant 384 : i32
    %dma_start3A_820 = tpu.memref_slice %arg14[%dma_start3A_818, %dma_start3A_819] : memref<16x512xf32, #tpu.memory_space<vmem>> -> memref<1x128xf32, #tpu.memory_space<vmem>>
    %dma_start3A_821 = tpu.memref_squeeze %dma_start3A_820 : memref<1x128xf32, #tpu.memory_space<vmem>> -> memref<128xf32, #tpu.memory_space<vmem>>
    %dma_start3A_822 = arith.constant 0 : i32
    %dma_start3A_823 = tpu.memref_slice %arg12[%dma_start3A_817, %dma_start3A_822] : memref<4x128xi32, #tpu.memory_space<vmem>> -> memref<1x128xi32, #tpu.memory_space<vmem>>
    %dma_start3A_824 = tpu.memref_squeeze %dma_start3A_823 : memref<1x128xi32, #tpu.memory_space<vmem>> -> memref<128xi32, #tpu.memory_space<vmem>>
    %dma_start3A_825 = arith.constant 0 : i32
    %dma_start3A_826 = tpu.memref_slice %arg6[%dma_start3A_816, %dma_start3A_825] : memref<4x1000000xf32, #tpu.memory_space<hbm>> -> memref<1x1000000xf32, #tpu.memory_space<hbm>>
    %dma_start3A_827 = tpu.memref_squeeze %dma_start3A_826 : memref<1x1000000xf32, #tpu.memory_space<hbm>> -> memref<1000000xf32, #tpu.memory_space<hbm>>
    %dma_start3A_828 = arith.constant 0 : i32
    %dma_start3A_829 = tpu.memref_slice %dma_start3A_827[%dma_start3A_828] : memref<1000000xf32, #tpu.memory_space<hbm>> -> memref<1000000xf32, #tpu.memory_space<hbm>>
    tpu.enqueue_indirect_dma source(%dma_start3A_829 : memref<1000000xf32, #tpu.memory_space<hbm>>) target(%dma_start3A_821 : memref<128xf32, #tpu.memory_space<vmem>>) offsets(%dma_start3A_824 : memref<128xi32, #tpu.memory_space<vmem>>) semaphore(%arg22 : memref<!tpu.dma_semaphore, #tpu.memory_space<semaphore_mem>>)
    %dma_start3A_830 = arith.constant 3 : i32
    %dma_start3A_831 = arith.constant 3 : i32
    %dma_start3A_832 = arith.constant 11 : i32
    %dma_start3A_833 = arith.constant 384 : i32
    %dma_start3A_834 = tpu.memref_slice %arg14[%dma_start3A_832, %dma_start3A_833] : memref<16x512xf32, #tpu.memory_space<vmem>> -> memref<1x128xf32, #tpu.memory_space<vmem>>
    %dma_start3A_835 = tpu.memref_squeeze %dma_start3A_834 : memref<1x128xf32, #tpu.memory_space<vmem>> -> memref<128xf32, #tpu.memory_space<vmem>>
    %dma_start3A_836 = arith.constant 0 : i32
    %dma_start3A_837 = tpu.memref_slice %arg12[%dma_start3A_831, %dma_start3A_836] : memref<4x128xi32, #tpu.memory_space<vmem>> -> memref<1x128xi32, #tpu.memory_space<vmem>>
    %dma_start3A_838 = tpu.memref_squeeze %dma_start3A_837 : memref<1x128xi32, #tpu.memory_space<vmem>> -> memref<128xi32, #tpu.memory_space<vmem>>
    %dma_start3A_839 = arith.constant 0 : i32
    %dma_start3A_840 = tpu.memref_slice %arg6[%dma_start3A_830, %dma_start3A_839] : memref<4x1000000xf32, #tpu.memory_space<hbm>> -> memref<1x1000000xf32, #tpu.memory_space<hbm>>
    %dma_start3A_841 = tpu.memref_squeeze %dma_start3A_840 : memref<1x1000000xf32, #tpu.memory_space<hbm>> -> memref<1000000xf32, #tpu.memory_space<hbm>>
    %dma_start3A_842 = arith.constant 0 : i32
    %dma_start3A_843 = tpu.memref_slice %dma_start3A_841[%dma_start3A_842] : memref<1000000xf32, #tpu.memory_space<hbm>> -> memref<1000000xf32, #tpu.memory_space<hbm>>
    tpu.enqueue_indirect_dma source(%dma_start3A_843 : memref<1000000xf32, #tpu.memory_space<hbm>>) target(%dma_start3A_835 : memref<128xf32, #tpu.memory_space<vmem>>) offsets(%dma_start3A_838 : memref<128xi32, #tpu.memory_space<vmem>>) semaphore(%arg22 : memref<!tpu.dma_semaphore, #tpu.memory_space<semaphore_mem>>)
    %dma_start3A_844 = arith.constant 0 : i32
    %dma_start3A_845 = arith.constant 3 : i32
    %dma_start3A_846 = arith.constant 12 : i32
    %dma_start3A_847 = arith.constant 384 : i32
    %dma_start3A_848 = tpu.memref_slice %arg14[%dma_start3A_846, %dma_start3A_847] : memref<16x512xf32, #tpu.memory_space<vmem>> -> memref<1x128xf32, #tpu.memory_space<vmem>>
    %dma_start3A_849 = tpu.memref_squeeze %dma_start3A_848 : memref<1x128xf32, #tpu.memory_space<vmem>> -> memref<128xf32, #tpu.memory_space<vmem>>
    %dma_start3A_850 = arith.constant 0 : i32
    %dma_start3A_851 = tpu.memref_slice %arg12[%dma_start3A_845, %dma_start3A_850] : memref<4x128xi32, #tpu.memory_space<vmem>> -> memref<1x128xi32, #tpu.memory_space<vmem>>
    %dma_start3A_852 = tpu.memref_squeeze %dma_start3A_851 : memref<1x128xi32, #tpu.memory_space<vmem>> -> memref<128xi32, #tpu.memory_space<vmem>>
    %dma_start3A_853 = arith.constant 0 : i32
    %dma_start3A_854 = tpu.memref_slice %arg7[%dma_start3A_844, %dma_start3A_853] : memref<4x1000000xf32, #tpu.memory_space<hbm>> -> memref<1x1000000xf32, #tpu.memory_space<hbm>>
    %dma_start3A_855 = tpu.memref_squeeze %dma_start3A_854 : memref<1x1000000xf32, #tpu.memory_space<hbm>> -> memref<1000000xf32, #tpu.memory_space<hbm>>
    %dma_start3A_856 = arith.constant 0 : i32
    %dma_start3A_857 = tpu.memref_slice %dma_start3A_855[%dma_start3A_856] : memref<1000000xf32, #tpu.memory_space<hbm>> -> memref<1000000xf32, #tpu.memory_space<hbm>>
    tpu.enqueue_indirect_dma source(%dma_start3A_857 : memref<1000000xf32, #tpu.memory_space<hbm>>) target(%dma_start3A_849 : memref<128xf32, #tpu.memory_space<vmem>>) offsets(%dma_start3A_852 : memref<128xi32, #tpu.memory_space<vmem>>) semaphore(%arg22 : memref<!tpu.dma_semaphore, #tpu.memory_space<semaphore_mem>>)
    %dma_start3A_858 = arith.constant 1 : i32
    %dma_start3A_859 = arith.constant 3 : i32
    %dma_start3A_860 = arith.constant 13 : i32
    %dma_start3A_861 = arith.constant 384 : i32
    %dma_start3A_862 = tpu.memref_slice %arg14[%dma_start3A_860, %dma_start3A_861] : memref<16x512xf32, #tpu.memory_space<vmem>> -> memref<1x128xf32, #tpu.memory_space<vmem>>
    %dma_start3A_863 = tpu.memref_squeeze %dma_start3A_862 : memref<1x128xf32, #tpu.memory_space<vmem>> -> memref<128xf32, #tpu.memory_space<vmem>>
    %dma_start3A_864 = arith.constant 0 : i32
    %dma_start3A_865 = tpu.memref_slice %arg12[%dma_start3A_859, %dma_start3A_864] : memref<4x128xi32, #tpu.memory_space<vmem>> -> memref<1x128xi32, #tpu.memory_space<vmem>>
    %dma_start3A_866 = tpu.memref_squeeze %dma_start3A_865 : memref<1x128xi32, #tpu.memory_space<vmem>> -> memref<128xi32, #tpu.memory_space<vmem>>
    %dma_start3A_867 = arith.constant 0 : i32
    %dma_start3A_868 = tpu.memref_slice %arg7[%dma_start3A_858, %dma_start3A_867] : memref<4x1000000xf32, #tpu.memory_space<hbm>> -> memref<1x1000000xf32, #tpu.memory_space<hbm>>
    %dma_start3A_869 = tpu.memref_squeeze %dma_start3A_868 : memref<1x1000000xf32, #tpu.memory_space<hbm>> -> memref<1000000xf32, #tpu.memory_space<hbm>>
    %dma_start3A_870 = arith.constant 0 : i32
    %dma_start3A_871 = tpu.memref_slice %dma_start3A_869[%dma_start3A_870] : memref<1000000xf32, #tpu.memory_space<hbm>> -> memref<1000000xf32, #tpu.memory_space<hbm>>
    tpu.enqueue_indirect_dma source(%dma_start3A_871 : memref<1000000xf32, #tpu.memory_space<hbm>>) target(%dma_start3A_863 : memref<128xf32, #tpu.memory_space<vmem>>) offsets(%dma_start3A_866 : memref<128xi32, #tpu.memory_space<vmem>>) semaphore(%arg22 : memref<!tpu.dma_semaphore, #tpu.memory_space<semaphore_mem>>)
    %dma_start3A_872 = arith.constant 2 : i32
    %dma_start3A_873 = arith.constant 3 : i32
    %dma_start3A_874 = arith.constant 14 : i32
    %dma_start3A_875 = arith.constant 384 : i32
    %dma_start3A_876 = tpu.memref_slice %arg14[%dma_start3A_874, %dma_start3A_875] : memref<16x512xf32, #tpu.memory_space<vmem>> -> memref<1x128xf32, #tpu.memory_space<vmem>>
    %dma_start3A_877 = tpu.memref_squeeze %dma_start3A_876 : memref<1x128xf32, #tpu.memory_space<vmem>> -> memref<128xf32, #tpu.memory_space<vmem>>
    %dma_start3A_878 = arith.constant 0 : i32
    %dma_start3A_879 = tpu.memref_slice %arg12[%dma_start3A_873, %dma_start3A_878] : memref<4x128xi32, #tpu.memory_space<vmem>> -> memref<1x128xi32, #tpu.memory_space<vmem>>
    %dma_start3A_880 = tpu.memref_squeeze %dma_start3A_879 : memref<1x128xi32, #tpu.memory_space<vmem>> -> memref<128xi32, #tpu.memory_space<vmem>>
    %dma_start3A_881 = arith.constant 0 : i32
    %dma_start3A_882 = tpu.memref_slice %arg7[%dma_start3A_872, %dma_start3A_881] : memref<4x1000000xf32, #tpu.memory_space<hbm>> -> memref<1x1000000xf32, #tpu.memory_space<hbm>>
    %dma_start3A_883 = tpu.memref_squeeze %dma_start3A_882 : memref<1x1000000xf32, #tpu.memory_space<hbm>> -> memref<1000000xf32, #tpu.memory_space<hbm>>
    %dma_start3A_884 = arith.constant 0 : i32
    %dma_start3A_885 = tpu.memref_slice %dma_start3A_883[%dma_start3A_884] : memref<1000000xf32, #tpu.memory_space<hbm>> -> memref<1000000xf32, #tpu.memory_space<hbm>>
    tpu.enqueue_indirect_dma source(%dma_start3A_885 : memref<1000000xf32, #tpu.memory_space<hbm>>) target(%dma_start3A_877 : memref<128xf32, #tpu.memory_space<vmem>>) offsets(%dma_start3A_880 : memref<128xi32, #tpu.memory_space<vmem>>) semaphore(%arg22 : memref<!tpu.dma_semaphore, #tpu.memory_space<semaphore_mem>>)
    %dma_start3A_886 = arith.constant 3 : i32
    %dma_start3A_887 = arith.constant 3 : i32
    %dma_start3A_888 = arith.constant 15 : i32
    %dma_start3A_889 = arith.constant 384 : i32
    %dma_start3A_890 = tpu.memref_slice %arg14[%dma_start3A_888, %dma_start3A_889] : memref<16x512xf32, #tpu.memory_space<vmem>> -> memref<1x128xf32, #tpu.memory_space<vmem>>
    %dma_start3A_891 = tpu.memref_squeeze %dma_start3A_890 : memref<1x128xf32, #tpu.memory_space<vmem>> -> memref<128xf32, #tpu.memory_space<vmem>>
    %dma_start3A_892 = arith.constant 0 : i32
    %dma_start3A_893 = tpu.memref_slice %arg12[%dma_start3A_887, %dma_start3A_892] : memref<4x128xi32, #tpu.memory_space<vmem>> -> memref<1x128xi32, #tpu.memory_space<vmem>>
    %dma_start3A_894 = tpu.memref_squeeze %dma_start3A_893 : memref<1x128xi32, #tpu.memory_space<vmem>> -> memref<128xi32, #tpu.memory_space<vmem>>
    %dma_start3A_895 = arith.constant 0 : i32
    %dma_start3A_896 = tpu.memref_slice %arg7[%dma_start3A_886, %dma_start3A_895] : memref<4x1000000xf32, #tpu.memory_space<hbm>> -> memref<1x1000000xf32, #tpu.memory_space<hbm>>
    %dma_start3A_897 = tpu.memref_squeeze %dma_start3A_896 : memref<1x1000000xf32, #tpu.memory_space<hbm>> -> memref<1000000xf32, #tpu.memory_space<hbm>>
    %dma_start3A_898 = arith.constant 0 : i32
    %dma_start3A_899 = tpu.memref_slice %dma_start3A_897[%dma_start3A_898] : memref<1000000xf32, #tpu.memory_space<hbm>> -> memref<1000000xf32, #tpu.memory_space<hbm>>
    tpu.enqueue_indirect_dma source(%dma_start3A_899 : memref<1000000xf32, #tpu.memory_space<hbm>>) target(%dma_start3A_891 : memref<128xf32, #tpu.memory_space<vmem>>) offsets(%dma_start3A_894 : memref<128xi32, #tpu.memory_space<vmem>>) semaphore(%arg22 : memref<!tpu.dma_semaphore, #tpu.memory_space<semaphore_mem>>)
    "tpu.region"() ({
      %run_scoped3A = tpu.sem_alloc : memref<!tpu.dma_semaphore, #tpu.memory_space<semaphore_mem>>
      %dma_start3A_1818 = tpu.memref_slice %arg3[%mul3A_2] : memref<16384xi32, #tpu.memory_space<hbm>> -> memref<512xi32, #tpu.memory_space<hbm>>
      %dma_start3A_1819 = tpu.memref_slice %arg3[%mul3A_2] : memref<16384xi32, #tpu.memory_space<hbm>> -> memref<512xi32, #tpu.memory_space<hbm>>
      tpu.enqueue_dma source(%dma_start3A_1819 : memref<512xi32, #tpu.memory_space<hbm>>) target(%arg13 : memref<512xi32, #tpu.memory_space<vmem>>) target_semaphore(%run_scoped3A : memref<!tpu.dma_semaphore, #tpu.memory_space<semaphore_mem>>)
      %dma_wait3A_1820 = tpu.memref_slice %arg3[%mul3A_2] : memref<16384xi32, #tpu.memory_space<hbm>> -> memref<512xi32, #tpu.memory_space<hbm>>
      %dma_wait3A_1821 = tpu.memref_slice %arg3[%mul3A_2] : memref<16384xi32, #tpu.memory_space<hbm>> -> memref<512xi32, #tpu.memory_space<hbm>>
      tpu.wait_dma2 semaphore(%run_scoped3A : memref<!tpu.dma_semaphore, #tpu.memory_space<semaphore_mem>>) src(%dma_wait3A_1821 : memref<512xi32, #tpu.memory_space<hbm>>) dst(%arg13 : memref<512xi32, #tpu.memory_space<vmem>>)
      tpu.yield
    }) : () -> ()
    "tpu.region"() ({
      %run_scoped3A = tpu.sem_alloc : memref<!tpu.dma_semaphore, #tpu.memory_space<semaphore_mem>>
      tpu.enqueue_dma source(%arg8 : memref<8x16xf32, #tpu.memory_space<hbm>>) target(%arg15 : memref<8x16xf32, #tpu.memory_space<vmem>>) target_semaphore(%run_scoped3A : memref<!tpu.dma_semaphore, #tpu.memory_space<semaphore_mem>>)
      tpu.wait_dma2 semaphore(%run_scoped3A : memref<!tpu.dma_semaphore, #tpu.memory_space<semaphore_mem>>) src(%arg8 : memref<8x16xf32, #tpu.memory_space<hbm>>) dst(%arg15 : memref<8x16xf32, #tpu.memory_space<vmem>>)
      tpu.yield
    }) : () -> ()
    "tpu.region"() ({
      %run_scoped3A = tpu.sem_alloc : memref<!tpu.dma_semaphore, #tpu.memory_space<semaphore_mem>>
      tpu.enqueue_dma source(%arg9 : memref<8x16xf32, #tpu.memory_space<hbm>>) target(%arg16 : memref<8x16xf32, #tpu.memory_space<vmem>>) target_semaphore(%run_scoped3A : memref<!tpu.dma_semaphore, #tpu.memory_space<semaphore_mem>>)
      tpu.wait_dma2 semaphore(%run_scoped3A : memref<!tpu.dma_semaphore, #tpu.memory_space<semaphore_mem>>) src(%arg9 : memref<8x16xf32, #tpu.memory_space<hbm>>) dst(%arg16 : memref<8x16xf32, #tpu.memory_space<vmem>>)
      tpu.yield
    }) : () -> ()
    %iota3A = tpu.iota {dimensions = array<i32: 0>} : vector<16xi32>
    %dma_wait3A = arith.constant 0 : i32
    %dma_wait3A_900 = arith.constant 0 : i32
    %dma_wait3A_901 = arith.constant 0 : i32
    %dma_wait3A_902 = arith.constant 0 : i32
    %dma_wait3A_903 = tpu.memref_slice %arg14[%dma_wait3A_901, %dma_wait3A_902] : memref<16x512xf32, #tpu.memory_space<vmem>> -> memref<1x128xf32, #tpu.memory_space<vmem>>
    %dma_wait3A_904 = tpu.memref_squeeze %dma_wait3A_903 : memref<1x128xf32, #tpu.memory_space<vmem>> -> memref<128xf32, #tpu.memory_space<vmem>>
    %dma_wait3A_905 = arith.constant 0 : i32
    %dma_wait3A_906 = tpu.memref_slice %arg12[%dma_wait3A_900, %dma_wait3A_905] : memref<4x128xi32, #tpu.memory_space<vmem>> -> memref<1x128xi32, #tpu.memory_space<vmem>>
    %dma_wait3A_907 = tpu.memref_squeeze %dma_wait3A_906 : memref<1x128xi32, #tpu.memory_space<vmem>> -> memref<128xi32, #tpu.memory_space<vmem>>
    %dma_wait3A_908 = arith.constant 0 : i32
    %dma_wait3A_909 = tpu.memref_slice %arg4[%dma_wait3A, %dma_wait3A_908] : memref<4x1000000xf32, #tpu.memory_space<hbm>> -> memref<1x1000000xf32, #tpu.memory_space<hbm>>
    %dma_wait3A_910 = tpu.memref_squeeze %dma_wait3A_909 : memref<1x1000000xf32, #tpu.memory_space<hbm>> -> memref<1000000xf32, #tpu.memory_space<hbm>>
    %dma_wait3A_911 = arith.constant 0 : i32
    %dma_wait3A_912 = tpu.memref_slice %dma_wait3A_910[%dma_wait3A_911] : memref<1000000xf32, #tpu.memory_space<hbm>> -> memref<1000000xf32, #tpu.memory_space<hbm>>
    tpu.wait_indirect_dma semaphore(%arg19 : memref<!tpu.dma_semaphore, #tpu.memory_space<semaphore_mem>>) src(%dma_wait3A_912 : memref<1000000xf32, #tpu.memory_space<hbm>>) dst(%dma_wait3A_904 : memref<128xf32, #tpu.memory_space<vmem>>)
    %dma_wait3A_913 = arith.constant 1 : i32
    %dma_wait3A_914 = arith.constant 0 : i32
    %dma_wait3A_915 = arith.constant 1 : i32
    %dma_wait3A_916 = arith.constant 0 : i32
    %dma_wait3A_917 = tpu.memref_slice %arg14[%dma_wait3A_915, %dma_wait3A_916] : memref<16x512xf32, #tpu.memory_space<vmem>> -> memref<1x128xf32, #tpu.memory_space<vmem>>
    %dma_wait3A_918 = tpu.memref_squeeze %dma_wait3A_917 : memref<1x128xf32, #tpu.memory_space<vmem>> -> memref<128xf32, #tpu.memory_space<vmem>>
    %dma_wait3A_919 = arith.constant 0 : i32
    %dma_wait3A_920 = tpu.memref_slice %arg12[%dma_wait3A_914, %dma_wait3A_919] : memref<4x128xi32, #tpu.memory_space<vmem>> -> memref<1x128xi32, #tpu.memory_space<vmem>>
    %dma_wait3A_921 = tpu.memref_squeeze %dma_wait3A_920 : memref<1x128xi32, #tpu.memory_space<vmem>> -> memref<128xi32, #tpu.memory_space<vmem>>
    %dma_wait3A_922 = arith.constant 0 : i32
    %dma_wait3A_923 = tpu.memref_slice %arg4[%dma_wait3A_913, %dma_wait3A_922] : memref<4x1000000xf32, #tpu.memory_space<hbm>> -> memref<1x1000000xf32, #tpu.memory_space<hbm>>
    %dma_wait3A_924 = tpu.memref_squeeze %dma_wait3A_923 : memref<1x1000000xf32, #tpu.memory_space<hbm>> -> memref<1000000xf32, #tpu.memory_space<hbm>>
    %dma_wait3A_925 = arith.constant 0 : i32
    %dma_wait3A_926 = tpu.memref_slice %dma_wait3A_924[%dma_wait3A_925] : memref<1000000xf32, #tpu.memory_space<hbm>> -> memref<1000000xf32, #tpu.memory_space<hbm>>
    tpu.wait_indirect_dma semaphore(%arg19 : memref<!tpu.dma_semaphore, #tpu.memory_space<semaphore_mem>>) src(%dma_wait3A_926 : memref<1000000xf32, #tpu.memory_space<hbm>>) dst(%dma_wait3A_918 : memref<128xf32, #tpu.memory_space<vmem>>)
    %dma_wait3A_927 = arith.constant 2 : i32
    %dma_wait3A_928 = arith.constant 0 : i32
    %dma_wait3A_929 = arith.constant 2 : i32
    %dma_wait3A_930 = arith.constant 0 : i32
    %dma_wait3A_931 = tpu.memref_slice %arg14[%dma_wait3A_929, %dma_wait3A_930] : memref<16x512xf32, #tpu.memory_space<vmem>> -> memref<1x128xf32, #tpu.memory_space<vmem>>
    %dma_wait3A_932 = tpu.memref_squeeze %dma_wait3A_931 : memref<1x128xf32, #tpu.memory_space<vmem>> -> memref<128xf32, #tpu.memory_space<vmem>>
    %dma_wait3A_933 = arith.constant 0 : i32
    %dma_wait3A_934 = tpu.memref_slice %arg12[%dma_wait3A_928, %dma_wait3A_933] : memref<4x128xi32, #tpu.memory_space<vmem>> -> memref<1x128xi32, #tpu.memory_space<vmem>>
    %dma_wait3A_935 = tpu.memref_squeeze %dma_wait3A_934 : memref<1x128xi32, #tpu.memory_space<vmem>> -> memref<128xi32, #tpu.memory_space<vmem>>
    %dma_wait3A_936 = arith.constant 0 : i32
    %dma_wait3A_937 = tpu.memref_slice %arg4[%dma_wait3A_927, %dma_wait3A_936] : memref<4x1000000xf32, #tpu.memory_space<hbm>> -> memref<1x1000000xf32, #tpu.memory_space<hbm>>
    %dma_wait3A_938 = tpu.memref_squeeze %dma_wait3A_937 : memref<1x1000000xf32, #tpu.memory_space<hbm>> -> memref<1000000xf32, #tpu.memory_space<hbm>>
    %dma_wait3A_939 = arith.constant 0 : i32
    %dma_wait3A_940 = tpu.memref_slice %dma_wait3A_938[%dma_wait3A_939] : memref<1000000xf32, #tpu.memory_space<hbm>> -> memref<1000000xf32, #tpu.memory_space<hbm>>
    tpu.wait_indirect_dma semaphore(%arg19 : memref<!tpu.dma_semaphore, #tpu.memory_space<semaphore_mem>>) src(%dma_wait3A_940 : memref<1000000xf32, #tpu.memory_space<hbm>>) dst(%dma_wait3A_932 : memref<128xf32, #tpu.memory_space<vmem>>)
    %dma_wait3A_941 = arith.constant 3 : i32
    %dma_wait3A_942 = arith.constant 0 : i32
    %dma_wait3A_943 = arith.constant 3 : i32
    %dma_wait3A_944 = arith.constant 0 : i32
    %dma_wait3A_945 = tpu.memref_slice %arg14[%dma_wait3A_943, %dma_wait3A_944] : memref<16x512xf32, #tpu.memory_space<vmem>> -> memref<1x128xf32, #tpu.memory_space<vmem>>
    %dma_wait3A_946 = tpu.memref_squeeze %dma_wait3A_945 : memref<1x128xf32, #tpu.memory_space<vmem>> -> memref<128xf32, #tpu.memory_space<vmem>>
    %dma_wait3A_947 = arith.constant 0 : i32
    %dma_wait3A_948 = tpu.memref_slice %arg12[%dma_wait3A_942, %dma_wait3A_947] : memref<4x128xi32, #tpu.memory_space<vmem>> -> memref<1x128xi32, #tpu.memory_space<vmem>>
    %dma_wait3A_949 = tpu.memref_squeeze %dma_wait3A_948 : memref<1x128xi32, #tpu.memory_space<vmem>> -> memref<128xi32, #tpu.memory_space<vmem>>
    %dma_wait3A_950 = arith.constant 0 : i32
    %dma_wait3A_951 = tpu.memref_slice %arg4[%dma_wait3A_941, %dma_wait3A_950] : memref<4x1000000xf32, #tpu.memory_space<hbm>> -> memref<1x1000000xf32, #tpu.memory_space<hbm>>
    %dma_wait3A_952 = tpu.memref_squeeze %dma_wait3A_951 : memref<1x1000000xf32, #tpu.memory_space<hbm>> -> memref<1000000xf32, #tpu.memory_space<hbm>>
    %dma_wait3A_953 = arith.constant 0 : i32
    %dma_wait3A_954 = tpu.memref_slice %dma_wait3A_952[%dma_wait3A_953] : memref<1000000xf32, #tpu.memory_space<hbm>> -> memref<1000000xf32, #tpu.memory_space<hbm>>
    tpu.wait_indirect_dma semaphore(%arg19 : memref<!tpu.dma_semaphore, #tpu.memory_space<semaphore_mem>>) src(%dma_wait3A_954 : memref<1000000xf32, #tpu.memory_space<hbm>>) dst(%dma_wait3A_946 : memref<128xf32, #tpu.memory_space<vmem>>)
    %dma_wait3A_955 = arith.constant 0 : i32
    %dma_wait3A_956 = arith.constant 0 : i32
    %dma_wait3A_957 = arith.constant 4 : i32
    %dma_wait3A_958 = arith.constant 0 : i32
    %dma_wait3A_959 = tpu.memref_slice %arg14[%dma_wait3A_957, %dma_wait3A_958] : memref<16x512xf32, #tpu.memory_space<vmem>> -> memref<1x128xf32, #tpu.memory_space<vmem>>
    %dma_wait3A_960 = tpu.memref_squeeze %dma_wait3A_959 : memref<1x128xf32, #tpu.memory_space<vmem>> -> memref<128xf32, #tpu.memory_space<vmem>>
    %dma_wait3A_961 = arith.constant 0 : i32
    %dma_wait3A_962 = tpu.memref_slice %arg12[%dma_wait3A_956, %dma_wait3A_961] : memref<4x128xi32, #tpu.memory_space<vmem>> -> memref<1x128xi32, #tpu.memory_space<vmem>>
    %dma_wait3A_963 = tpu.memref_squeeze %dma_wait3A_962 : memref<1x128xi32, #tpu.memory_space<vmem>> -> memref<128xi32, #tpu.memory_space<vmem>>
    %dma_wait3A_964 = arith.constant 0 : i32
    %dma_wait3A_965 = tpu.memref_slice %arg5[%dma_wait3A_955, %dma_wait3A_964] : memref<4x1000000xf32, #tpu.memory_space<hbm>> -> memref<1x1000000xf32, #tpu.memory_space<hbm>>
    %dma_wait3A_966 = tpu.memref_squeeze %dma_wait3A_965 : memref<1x1000000xf32, #tpu.memory_space<hbm>> -> memref<1000000xf32, #tpu.memory_space<hbm>>
    %dma_wait3A_967 = arith.constant 0 : i32
    %dma_wait3A_968 = tpu.memref_slice %dma_wait3A_966[%dma_wait3A_967] : memref<1000000xf32, #tpu.memory_space<hbm>> -> memref<1000000xf32, #tpu.memory_space<hbm>>
    tpu.wait_indirect_dma semaphore(%arg19 : memref<!tpu.dma_semaphore, #tpu.memory_space<semaphore_mem>>) src(%dma_wait3A_968 : memref<1000000xf32, #tpu.memory_space<hbm>>) dst(%dma_wait3A_960 : memref<128xf32, #tpu.memory_space<vmem>>)
    %dma_wait3A_969 = arith.constant 1 : i32
    %dma_wait3A_970 = arith.constant 0 : i32
    %dma_wait3A_971 = arith.constant 5 : i32
    %dma_wait3A_972 = arith.constant 0 : i32
    %dma_wait3A_973 = tpu.memref_slice %arg14[%dma_wait3A_971, %dma_wait3A_972] : memref<16x512xf32, #tpu.memory_space<vmem>> -> memref<1x128xf32, #tpu.memory_space<vmem>>
    %dma_wait3A_974 = tpu.memref_squeeze %dma_wait3A_973 : memref<1x128xf32, #tpu.memory_space<vmem>> -> memref<128xf32, #tpu.memory_space<vmem>>
    %dma_wait3A_975 = arith.constant 0 : i32
    %dma_wait3A_976 = tpu.memref_slice %arg12[%dma_wait3A_970, %dma_wait3A_975] : memref<4x128xi32, #tpu.memory_space<vmem>> -> memref<1x128xi32, #tpu.memory_space<vmem>>
    %dma_wait3A_977 = tpu.memref_squeeze %dma_wait3A_976 : memref<1x128xi32, #tpu.memory_space<vmem>> -> memref<128xi32, #tpu.memory_space<vmem>>
    %dma_wait3A_978 = arith.constant 0 : i32
    %dma_wait3A_979 = tpu.memref_slice %arg5[%dma_wait3A_969, %dma_wait3A_978] : memref<4x1000000xf32, #tpu.memory_space<hbm>> -> memref<1x1000000xf32, #tpu.memory_space<hbm>>
    %dma_wait3A_980 = tpu.memref_squeeze %dma_wait3A_979 : memref<1x1000000xf32, #tpu.memory_space<hbm>> -> memref<1000000xf32, #tpu.memory_space<hbm>>
    %dma_wait3A_981 = arith.constant 0 : i32
    %dma_wait3A_982 = tpu.memref_slice %dma_wait3A_980[%dma_wait3A_981] : memref<1000000xf32, #tpu.memory_space<hbm>> -> memref<1000000xf32, #tpu.memory_space<hbm>>
    tpu.wait_indirect_dma semaphore(%arg19 : memref<!tpu.dma_semaphore, #tpu.memory_space<semaphore_mem>>) src(%dma_wait3A_982 : memref<1000000xf32, #tpu.memory_space<hbm>>) dst(%dma_wait3A_974 : memref<128xf32, #tpu.memory_space<vmem>>)
    %dma_wait3A_983 = arith.constant 2 : i32
    %dma_wait3A_984 = arith.constant 0 : i32
    %dma_wait3A_985 = arith.constant 6 : i32
    %dma_wait3A_986 = arith.constant 0 : i32
    %dma_wait3A_987 = tpu.memref_slice %arg14[%dma_wait3A_985, %dma_wait3A_986] : memref<16x512xf32, #tpu.memory_space<vmem>> -> memref<1x128xf32, #tpu.memory_space<vmem>>
    %dma_wait3A_988 = tpu.memref_squeeze %dma_wait3A_987 : memref<1x128xf32, #tpu.memory_space<vmem>> -> memref<128xf32, #tpu.memory_space<vmem>>
    %dma_wait3A_989 = arith.constant 0 : i32
    %dma_wait3A_990 = tpu.memref_slice %arg12[%dma_wait3A_984, %dma_wait3A_989] : memref<4x128xi32, #tpu.memory_space<vmem>> -> memref<1x128xi32, #tpu.memory_space<vmem>>
    %dma_wait3A_991 = tpu.memref_squeeze %dma_wait3A_990 : memref<1x128xi32, #tpu.memory_space<vmem>> -> memref<128xi32, #tpu.memory_space<vmem>>
    %dma_wait3A_992 = arith.constant 0 : i32
    %dma_wait3A_993 = tpu.memref_slice %arg5[%dma_wait3A_983, %dma_wait3A_992] : memref<4x1000000xf32, #tpu.memory_space<hbm>> -> memref<1x1000000xf32, #tpu.memory_space<hbm>>
    %dma_wait3A_994 = tpu.memref_squeeze %dma_wait3A_993 : memref<1x1000000xf32, #tpu.memory_space<hbm>> -> memref<1000000xf32, #tpu.memory_space<hbm>>
    %dma_wait3A_995 = arith.constant 0 : i32
    %dma_wait3A_996 = tpu.memref_slice %dma_wait3A_994[%dma_wait3A_995] : memref<1000000xf32, #tpu.memory_space<hbm>> -> memref<1000000xf32, #tpu.memory_space<hbm>>
    tpu.wait_indirect_dma semaphore(%arg19 : memref<!tpu.dma_semaphore, #tpu.memory_space<semaphore_mem>>) src(%dma_wait3A_996 : memref<1000000xf32, #tpu.memory_space<hbm>>) dst(%dma_wait3A_988 : memref<128xf32, #tpu.memory_space<vmem>>)
    %dma_wait3A_997 = arith.constant 3 : i32
    %dma_wait3A_998 = arith.constant 0 : i32
    %dma_wait3A_999 = arith.constant 7 : i32
    %dma_wait3A_1000 = arith.constant 0 : i32
    %dma_wait3A_1001 = tpu.memref_slice %arg14[%dma_wait3A_999, %dma_wait3A_1000] : memref<16x512xf32, #tpu.memory_space<vmem>> -> memref<1x128xf32, #tpu.memory_space<vmem>>
    %dma_wait3A_1002 = tpu.memref_squeeze %dma_wait3A_1001 : memref<1x128xf32, #tpu.memory_space<vmem>> -> memref<128xf32, #tpu.memory_space<vmem>>
    %dma_wait3A_1003 = arith.constant 0 : i32
    %dma_wait3A_1004 = tpu.memref_slice %arg12[%dma_wait3A_998, %dma_wait3A_1003] : memref<4x128xi32, #tpu.memory_space<vmem>> -> memref<1x128xi32, #tpu.memory_space<vmem>>
    %dma_wait3A_1005 = tpu.memref_squeeze %dma_wait3A_1004 : memref<1x128xi32, #tpu.memory_space<vmem>> -> memref<128xi32, #tpu.memory_space<vmem>>
    %dma_wait3A_1006 = arith.constant 0 : i32
    %dma_wait3A_1007 = tpu.memref_slice %arg5[%dma_wait3A_997, %dma_wait3A_1006] : memref<4x1000000xf32, #tpu.memory_space<hbm>> -> memref<1x1000000xf32, #tpu.memory_space<hbm>>
    %dma_wait3A_1008 = tpu.memref_squeeze %dma_wait3A_1007 : memref<1x1000000xf32, #tpu.memory_space<hbm>> -> memref<1000000xf32, #tpu.memory_space<hbm>>
    %dma_wait3A_1009 = arith.constant 0 : i32
    %dma_wait3A_1010 = tpu.memref_slice %dma_wait3A_1008[%dma_wait3A_1009] : memref<1000000xf32, #tpu.memory_space<hbm>> -> memref<1000000xf32, #tpu.memory_space<hbm>>
    tpu.wait_indirect_dma semaphore(%arg19 : memref<!tpu.dma_semaphore, #tpu.memory_space<semaphore_mem>>) src(%dma_wait3A_1010 : memref<1000000xf32, #tpu.memory_space<hbm>>) dst(%dma_wait3A_1002 : memref<128xf32, #tpu.memory_space<vmem>>)
    %dma_wait3A_1011 = arith.constant 0 : i32
    %dma_wait3A_1012 = arith.constant 0 : i32
    %dma_wait3A_1013 = arith.constant 8 : i32
    %dma_wait3A_1014 = arith.constant 0 : i32
    %dma_wait3A_1015 = tpu.memref_slice %arg14[%dma_wait3A_1013, %dma_wait3A_1014] : memref<16x512xf32, #tpu.memory_space<vmem>> -> memref<1x128xf32, #tpu.memory_space<vmem>>
    %dma_wait3A_1016 = tpu.memref_squeeze %dma_wait3A_1015 : memref<1x128xf32, #tpu.memory_space<vmem>> -> memref<128xf32, #tpu.memory_space<vmem>>
    %dma_wait3A_1017 = arith.constant 0 : i32
    %dma_wait3A_1018 = tpu.memref_slice %arg12[%dma_wait3A_1012, %dma_wait3A_1017] : memref<4x128xi32, #tpu.memory_space<vmem>> -> memref<1x128xi32, #tpu.memory_space<vmem>>
    %dma_wait3A_1019 = tpu.memref_squeeze %dma_wait3A_1018 : memref<1x128xi32, #tpu.memory_space<vmem>> -> memref<128xi32, #tpu.memory_space<vmem>>
    %dma_wait3A_1020 = arith.constant 0 : i32
    %dma_wait3A_1021 = tpu.memref_slice %arg6[%dma_wait3A_1011, %dma_wait3A_1020] : memref<4x1000000xf32, #tpu.memory_space<hbm>> -> memref<1x1000000xf32, #tpu.memory_space<hbm>>
    %dma_wait3A_1022 = tpu.memref_squeeze %dma_wait3A_1021 : memref<1x1000000xf32, #tpu.memory_space<hbm>> -> memref<1000000xf32, #tpu.memory_space<hbm>>
    %dma_wait3A_1023 = arith.constant 0 : i32
    %dma_wait3A_1024 = tpu.memref_slice %dma_wait3A_1022[%dma_wait3A_1023] : memref<1000000xf32, #tpu.memory_space<hbm>> -> memref<1000000xf32, #tpu.memory_space<hbm>>
    tpu.wait_indirect_dma semaphore(%arg19 : memref<!tpu.dma_semaphore, #tpu.memory_space<semaphore_mem>>) src(%dma_wait3A_1024 : memref<1000000xf32, #tpu.memory_space<hbm>>) dst(%dma_wait3A_1016 : memref<128xf32, #tpu.memory_space<vmem>>)
    %dma_wait3A_1025 = arith.constant 1 : i32
    %dma_wait3A_1026 = arith.constant 0 : i32
    %dma_wait3A_1027 = arith.constant 9 : i32
    %dma_wait3A_1028 = arith.constant 0 : i32
    %dma_wait3A_1029 = tpu.memref_slice %arg14[%dma_wait3A_1027, %dma_wait3A_1028] : memref<16x512xf32, #tpu.memory_space<vmem>> -> memref<1x128xf32, #tpu.memory_space<vmem>>
    %dma_wait3A_1030 = tpu.memref_squeeze %dma_wait3A_1029 : memref<1x128xf32, #tpu.memory_space<vmem>> -> memref<128xf32, #tpu.memory_space<vmem>>
    %dma_wait3A_1031 = arith.constant 0 : i32
    %dma_wait3A_1032 = tpu.memref_slice %arg12[%dma_wait3A_1026, %dma_wait3A_1031] : memref<4x128xi32, #tpu.memory_space<vmem>> -> memref<1x128xi32, #tpu.memory_space<vmem>>
    %dma_wait3A_1033 = tpu.memref_squeeze %dma_wait3A_1032 : memref<1x128xi32, #tpu.memory_space<vmem>> -> memref<128xi32, #tpu.memory_space<vmem>>
    %dma_wait3A_1034 = arith.constant 0 : i32
    %dma_wait3A_1035 = tpu.memref_slice %arg6[%dma_wait3A_1025, %dma_wait3A_1034] : memref<4x1000000xf32, #tpu.memory_space<hbm>> -> memref<1x1000000xf32, #tpu.memory_space<hbm>>
    %dma_wait3A_1036 = tpu.memref_squeeze %dma_wait3A_1035 : memref<1x1000000xf32, #tpu.memory_space<hbm>> -> memref<1000000xf32, #tpu.memory_space<hbm>>
    %dma_wait3A_1037 = arith.constant 0 : i32
    %dma_wait3A_1038 = tpu.memref_slice %dma_wait3A_1036[%dma_wait3A_1037] : memref<1000000xf32, #tpu.memory_space<hbm>> -> memref<1000000xf32, #tpu.memory_space<hbm>>
    tpu.wait_indirect_dma semaphore(%arg19 : memref<!tpu.dma_semaphore, #tpu.memory_space<semaphore_mem>>) src(%dma_wait3A_1038 : memref<1000000xf32, #tpu.memory_space<hbm>>) dst(%dma_wait3A_1030 : memref<128xf32, #tpu.memory_space<vmem>>)
    %dma_wait3A_1039 = arith.constant 2 : i32
    %dma_wait3A_1040 = arith.constant 0 : i32
    %dma_wait3A_1041 = arith.constant 10 : i32
    %dma_wait3A_1042 = arith.constant 0 : i32
    %dma_wait3A_1043 = tpu.memref_slice %arg14[%dma_wait3A_1041, %dma_wait3A_1042] : memref<16x512xf32, #tpu.memory_space<vmem>> -> memref<1x128xf32, #tpu.memory_space<vmem>>
    %dma_wait3A_1044 = tpu.memref_squeeze %dma_wait3A_1043 : memref<1x128xf32, #tpu.memory_space<vmem>> -> memref<128xf32, #tpu.memory_space<vmem>>
    %dma_wait3A_1045 = arith.constant 0 : i32
    %dma_wait3A_1046 = tpu.memref_slice %arg12[%dma_wait3A_1040, %dma_wait3A_1045] : memref<4x128xi32, #tpu.memory_space<vmem>> -> memref<1x128xi32, #tpu.memory_space<vmem>>
    %dma_wait3A_1047 = tpu.memref_squeeze %dma_wait3A_1046 : memref<1x128xi32, #tpu.memory_space<vmem>> -> memref<128xi32, #tpu.memory_space<vmem>>
    %dma_wait3A_1048 = arith.constant 0 : i32
    %dma_wait3A_1049 = tpu.memref_slice %arg6[%dma_wait3A_1039, %dma_wait3A_1048] : memref<4x1000000xf32, #tpu.memory_space<hbm>> -> memref<1x1000000xf32, #tpu.memory_space<hbm>>
    %dma_wait3A_1050 = tpu.memref_squeeze %dma_wait3A_1049 : memref<1x1000000xf32, #tpu.memory_space<hbm>> -> memref<1000000xf32, #tpu.memory_space<hbm>>
    %dma_wait3A_1051 = arith.constant 0 : i32
    %dma_wait3A_1052 = tpu.memref_slice %dma_wait3A_1050[%dma_wait3A_1051] : memref<1000000xf32, #tpu.memory_space<hbm>> -> memref<1000000xf32, #tpu.memory_space<hbm>>
    tpu.wait_indirect_dma semaphore(%arg19 : memref<!tpu.dma_semaphore, #tpu.memory_space<semaphore_mem>>) src(%dma_wait3A_1052 : memref<1000000xf32, #tpu.memory_space<hbm>>) dst(%dma_wait3A_1044 : memref<128xf32, #tpu.memory_space<vmem>>)
    %dma_wait3A_1053 = arith.constant 3 : i32
    %dma_wait3A_1054 = arith.constant 0 : i32
    %dma_wait3A_1055 = arith.constant 11 : i32
    %dma_wait3A_1056 = arith.constant 0 : i32
    %dma_wait3A_1057 = tpu.memref_slice %arg14[%dma_wait3A_1055, %dma_wait3A_1056] : memref<16x512xf32, #tpu.memory_space<vmem>> -> memref<1x128xf32, #tpu.memory_space<vmem>>
    %dma_wait3A_1058 = tpu.memref_squeeze %dma_wait3A_1057 : memref<1x128xf32, #tpu.memory_space<vmem>> -> memref<128xf32, #tpu.memory_space<vmem>>
    %dma_wait3A_1059 = arith.constant 0 : i32
    %dma_wait3A_1060 = tpu.memref_slice %arg12[%dma_wait3A_1054, %dma_wait3A_1059] : memref<4x128xi32, #tpu.memory_space<vmem>> -> memref<1x128xi32, #tpu.memory_space<vmem>>
    %dma_wait3A_1061 = tpu.memref_squeeze %dma_wait3A_1060 : memref<1x128xi32, #tpu.memory_space<vmem>> -> memref<128xi32, #tpu.memory_space<vmem>>
    %dma_wait3A_1062 = arith.constant 0 : i32
    %dma_wait3A_1063 = tpu.memref_slice %arg6[%dma_wait3A_1053, %dma_wait3A_1062] : memref<4x1000000xf32, #tpu.memory_space<hbm>> -> memref<1x1000000xf32, #tpu.memory_space<hbm>>
    %dma_wait3A_1064 = tpu.memref_squeeze %dma_wait3A_1063 : memref<1x1000000xf32, #tpu.memory_space<hbm>> -> memref<1000000xf32, #tpu.memory_space<hbm>>
    %dma_wait3A_1065 = arith.constant 0 : i32
    %dma_wait3A_1066 = tpu.memref_slice %dma_wait3A_1064[%dma_wait3A_1065] : memref<1000000xf32, #tpu.memory_space<hbm>> -> memref<1000000xf32, #tpu.memory_space<hbm>>
    tpu.wait_indirect_dma semaphore(%arg19 : memref<!tpu.dma_semaphore, #tpu.memory_space<semaphore_mem>>) src(%dma_wait3A_1066 : memref<1000000xf32, #tpu.memory_space<hbm>>) dst(%dma_wait3A_1058 : memref<128xf32, #tpu.memory_space<vmem>>)
    %dma_wait3A_1067 = arith.constant 0 : i32
    %dma_wait3A_1068 = arith.constant 0 : i32
    %dma_wait3A_1069 = arith.constant 12 : i32
    %dma_wait3A_1070 = arith.constant 0 : i32
    %dma_wait3A_1071 = tpu.memref_slice %arg14[%dma_wait3A_1069, %dma_wait3A_1070] : memref<16x512xf32, #tpu.memory_space<vmem>> -> memref<1x128xf32, #tpu.memory_space<vmem>>
    %dma_wait3A_1072 = tpu.memref_squeeze %dma_wait3A_1071 : memref<1x128xf32, #tpu.memory_space<vmem>> -> memref<128xf32, #tpu.memory_space<vmem>>
    %dma_wait3A_1073 = arith.constant 0 : i32
    %dma_wait3A_1074 = tpu.memref_slice %arg12[%dma_wait3A_1068, %dma_wait3A_1073] : memref<4x128xi32, #tpu.memory_space<vmem>> -> memref<1x128xi32, #tpu.memory_space<vmem>>
    %dma_wait3A_1075 = tpu.memref_squeeze %dma_wait3A_1074 : memref<1x128xi32, #tpu.memory_space<vmem>> -> memref<128xi32, #tpu.memory_space<vmem>>
    %dma_wait3A_1076 = arith.constant 0 : i32
    %dma_wait3A_1077 = tpu.memref_slice %arg7[%dma_wait3A_1067, %dma_wait3A_1076] : memref<4x1000000xf32, #tpu.memory_space<hbm>> -> memref<1x1000000xf32, #tpu.memory_space<hbm>>
    %dma_wait3A_1078 = tpu.memref_squeeze %dma_wait3A_1077 : memref<1x1000000xf32, #tpu.memory_space<hbm>> -> memref<1000000xf32, #tpu.memory_space<hbm>>
    %dma_wait3A_1079 = arith.constant 0 : i32
    %dma_wait3A_1080 = tpu.memref_slice %dma_wait3A_1078[%dma_wait3A_1079] : memref<1000000xf32, #tpu.memory_space<hbm>> -> memref<1000000xf32, #tpu.memory_space<hbm>>
    tpu.wait_indirect_dma semaphore(%arg19 : memref<!tpu.dma_semaphore, #tpu.memory_space<semaphore_mem>>) src(%dma_wait3A_1080 : memref<1000000xf32, #tpu.memory_space<hbm>>) dst(%dma_wait3A_1072 : memref<128xf32, #tpu.memory_space<vmem>>)
    %dma_wait3A_1081 = arith.constant 1 : i32
    %dma_wait3A_1082 = arith.constant 0 : i32
    %dma_wait3A_1083 = arith.constant 13 : i32
    %dma_wait3A_1084 = arith.constant 0 : i32
    %dma_wait3A_1085 = tpu.memref_slice %arg14[%dma_wait3A_1083, %dma_wait3A_1084] : memref<16x512xf32, #tpu.memory_space<vmem>> -> memref<1x128xf32, #tpu.memory_space<vmem>>
    %dma_wait3A_1086 = tpu.memref_squeeze %dma_wait3A_1085 : memref<1x128xf32, #tpu.memory_space<vmem>> -> memref<128xf32, #tpu.memory_space<vmem>>
    %dma_wait3A_1087 = arith.constant 0 : i32
    %dma_wait3A_1088 = tpu.memref_slice %arg12[%dma_wait3A_1082, %dma_wait3A_1087] : memref<4x128xi32, #tpu.memory_space<vmem>> -> memref<1x128xi32, #tpu.memory_space<vmem>>
    %dma_wait3A_1089 = tpu.memref_squeeze %dma_wait3A_1088 : memref<1x128xi32, #tpu.memory_space<vmem>> -> memref<128xi32, #tpu.memory_space<vmem>>
    %dma_wait3A_1090 = arith.constant 0 : i32
    %dma_wait3A_1091 = tpu.memref_slice %arg7[%dma_wait3A_1081, %dma_wait3A_1090] : memref<4x1000000xf32, #tpu.memory_space<hbm>> -> memref<1x1000000xf32, #tpu.memory_space<hbm>>
    %dma_wait3A_1092 = tpu.memref_squeeze %dma_wait3A_1091 : memref<1x1000000xf32, #tpu.memory_space<hbm>> -> memref<1000000xf32, #tpu.memory_space<hbm>>
    %dma_wait3A_1093 = arith.constant 0 : i32
    %dma_wait3A_1094 = tpu.memref_slice %dma_wait3A_1092[%dma_wait3A_1093] : memref<1000000xf32, #tpu.memory_space<hbm>> -> memref<1000000xf32, #tpu.memory_space<hbm>>
    tpu.wait_indirect_dma semaphore(%arg19 : memref<!tpu.dma_semaphore, #tpu.memory_space<semaphore_mem>>) src(%dma_wait3A_1094 : memref<1000000xf32, #tpu.memory_space<hbm>>) dst(%dma_wait3A_1086 : memref<128xf32, #tpu.memory_space<vmem>>)
    %dma_wait3A_1095 = arith.constant 2 : i32
    %dma_wait3A_1096 = arith.constant 0 : i32
    %dma_wait3A_1097 = arith.constant 14 : i32
    %dma_wait3A_1098 = arith.constant 0 : i32
    %dma_wait3A_1099 = tpu.memref_slice %arg14[%dma_wait3A_1097, %dma_wait3A_1098] : memref<16x512xf32, #tpu.memory_space<vmem>> -> memref<1x128xf32, #tpu.memory_space<vmem>>
    %dma_wait3A_1100 = tpu.memref_squeeze %dma_wait3A_1099 : memref<1x128xf32, #tpu.memory_space<vmem>> -> memref<128xf32, #tpu.memory_space<vmem>>
    %dma_wait3A_1101 = arith.constant 0 : i32
    %dma_wait3A_1102 = tpu.memref_slice %arg12[%dma_wait3A_1096, %dma_wait3A_1101] : memref<4x128xi32, #tpu.memory_space<vmem>> -> memref<1x128xi32, #tpu.memory_space<vmem>>
    %dma_wait3A_1103 = tpu.memref_squeeze %dma_wait3A_1102 : memref<1x128xi32, #tpu.memory_space<vmem>> -> memref<128xi32, #tpu.memory_space<vmem>>
    %dma_wait3A_1104 = arith.constant 0 : i32
    %dma_wait3A_1105 = tpu.memref_slice %arg7[%dma_wait3A_1095, %dma_wait3A_1104] : memref<4x1000000xf32, #tpu.memory_space<hbm>> -> memref<1x1000000xf32, #tpu.memory_space<hbm>>
    %dma_wait3A_1106 = tpu.memref_squeeze %dma_wait3A_1105 : memref<1x1000000xf32, #tpu.memory_space<hbm>> -> memref<1000000xf32, #tpu.memory_space<hbm>>
    %dma_wait3A_1107 = arith.constant 0 : i32
    %dma_wait3A_1108 = tpu.memref_slice %dma_wait3A_1106[%dma_wait3A_1107] : memref<1000000xf32, #tpu.memory_space<hbm>> -> memref<1000000xf32, #tpu.memory_space<hbm>>
    tpu.wait_indirect_dma semaphore(%arg19 : memref<!tpu.dma_semaphore, #tpu.memory_space<semaphore_mem>>) src(%dma_wait3A_1108 : memref<1000000xf32, #tpu.memory_space<hbm>>) dst(%dma_wait3A_1100 : memref<128xf32, #tpu.memory_space<vmem>>)
    %dma_wait3A_1109 = arith.constant 3 : i32
    %dma_wait3A_1110 = arith.constant 0 : i32
    %dma_wait3A_1111 = arith.constant 15 : i32
    %dma_wait3A_1112 = arith.constant 0 : i32
    %dma_wait3A_1113 = tpu.memref_slice %arg14[%dma_wait3A_1111, %dma_wait3A_1112] : memref<16x512xf32, #tpu.memory_space<vmem>> -> memref<1x128xf32, #tpu.memory_space<vmem>>
    %dma_wait3A_1114 = tpu.memref_squeeze %dma_wait3A_1113 : memref<1x128xf32, #tpu.memory_space<vmem>> -> memref<128xf32, #tpu.memory_space<vmem>>
    %dma_wait3A_1115 = arith.constant 0 : i32
    %dma_wait3A_1116 = tpu.memref_slice %arg12[%dma_wait3A_1110, %dma_wait3A_1115] : memref<4x128xi32, #tpu.memory_space<vmem>> -> memref<1x128xi32, #tpu.memory_space<vmem>>
    %dma_wait3A_1117 = tpu.memref_squeeze %dma_wait3A_1116 : memref<1x128xi32, #tpu.memory_space<vmem>> -> memref<128xi32, #tpu.memory_space<vmem>>
    %dma_wait3A_1118 = arith.constant 0 : i32
    %dma_wait3A_1119 = tpu.memref_slice %arg7[%dma_wait3A_1109, %dma_wait3A_1118] : memref<4x1000000xf32, #tpu.memory_space<hbm>> -> memref<1x1000000xf32, #tpu.memory_space<hbm>>
    %dma_wait3A_1120 = tpu.memref_squeeze %dma_wait3A_1119 : memref<1x1000000xf32, #tpu.memory_space<hbm>> -> memref<1000000xf32, #tpu.memory_space<hbm>>
    %dma_wait3A_1121 = arith.constant 0 : i32
    %dma_wait3A_1122 = tpu.memref_slice %dma_wait3A_1120[%dma_wait3A_1121] : memref<1000000xf32, #tpu.memory_space<hbm>> -> memref<1000000xf32, #tpu.memory_space<hbm>>
    tpu.wait_indirect_dma semaphore(%arg19 : memref<!tpu.dma_semaphore, #tpu.memory_space<semaphore_mem>>) src(%dma_wait3A_1122 : memref<1000000xf32, #tpu.memory_space<hbm>>) dst(%dma_wait3A_1114 : memref<128xf32, #tpu.memory_space<vmem>>)
    %scan3A = arith.constant 0 : i32
    %scan3A_1123 = arith.constant 0 : i32
    %scan3A_1124 = arith.constant 8 : i32
    %scan3A_1125 = arith.addi %scan3A_1123, %scan3A_1124 : i32
    %scan3A_1126 = arith.constant 1 : i32
    scf.for %scan3A_1818 = %scan3A_1123 to %scan3A_1125 step %scan3A_1126  : i32 {
      %mul3A_1819 = arith.constant 16 : i32
      %mul3A_1820 = arith.muli %scan3A_1818, %mul3A_1819 : i32
      %add3A_1821 = vector.broadcast %mul3A_1820 : i32 to vector<16xi32>
      %add3A_1822 = arith.addi %add3A_1821, %iota3A : vector<16xi32>
      %mul3A_1823 = arith.constant 16 : i32
      %mul3A_1824 = arith.muli %scan3A_1818, %mul3A_1823 : i32
      %get3A = arith.index_cast %mul3A_1824 : i32 to index
      %get3A_1825 = tpu.vector_load %arg13[%get3A] {strides = array<i32>} : memref<512xi32, #tpu.memory_space<vmem>>, vector<16xi32>,
      %broadcast_in_dim3A = arith.constant 0 : i32
      %broadcast_in_dim3A_1826 = vector.broadcast %broadcast_in_dim3A : i32 to vector<16xi32>
      %gather3A = tpu.vector_load_idx %arg16[%get3A_1825, %broadcast_in_dim3A_1826] : memref<8x16xf32, #tpu.memory_space<vmem>>[vector<16xi32>, vector<16xi32>], vector<16xf32>,
      %broadcast_in_dim3A_1827 = arith.constant 0 : i32
      %broadcast_in_dim3A_1828 = vector.broadcast %broadcast_in_dim3A_1827 : i32 to vector<16xi32>
      tpu.vector_store_idx %arg18[%add3A_1822, %broadcast_in_dim3A_1828], %gather3A : memref<512x16xf32, #tpu.memory_space<vmem>>[vector<16xi32>, vector<16xi32>], vector<16xf32>,
      %broadcast_in_dim3A_1829 = arith.constant 1 : i32
      %broadcast_in_dim3A_1830 = vector.broadcast %broadcast_in_dim3A_1829 : i32 to vector<16xi32>
      %gather3A_1831 = tpu.vector_load_idx %arg16[%get3A_1825, %broadcast_in_dim3A_1830] : memref<8x16xf32, #tpu.memory_space<vmem>>[vector<16xi32>, vector<16xi32>], vector<16xf32>,
      %broadcast_in_dim3A_1832 = arith.constant 1 : i32
      %broadcast_in_dim3A_1833 = vector.broadcast %broadcast_in_dim3A_1832 : i32 to vector<16xi32>
      tpu.vector_store_idx %arg18[%add3A_1822, %broadcast_in_dim3A_1833], %gather3A_1831 : memref<512x16xf32, #tpu.memory_space<vmem>>[vector<16xi32>, vector<16xi32>], vector<16xf32>,
      %broadcast_in_dim3A_1834 = arith.constant 2 : i32
      %broadcast_in_dim3A_1835 = vector.broadcast %broadcast_in_dim3A_1834 : i32 to vector<16xi32>
      %gather3A_1836 = tpu.vector_load_idx %arg16[%get3A_1825, %broadcast_in_dim3A_1835] : memref<8x16xf32, #tpu.memory_space<vmem>>[vector<16xi32>, vector<16xi32>], vector<16xf32>,
      %broadcast_in_dim3A_1837 = arith.constant 2 : i32
      %broadcast_in_dim3A_1838 = vector.broadcast %broadcast_in_dim3A_1837 : i32 to vector<16xi32>
      tpu.vector_store_idx %arg18[%add3A_1822, %broadcast_in_dim3A_1838], %gather3A_1836 : memref<512x16xf32, #tpu.memory_space<vmem>>[vector<16xi32>, vector<16xi32>], vector<16xf32>,
      %broadcast_in_dim3A_1839 = arith.constant 3 : i32
      %broadcast_in_dim3A_1840 = vector.broadcast %broadcast_in_dim3A_1839 : i32 to vector<16xi32>
      %gather3A_1841 = tpu.vector_load_idx %arg16[%get3A_1825, %broadcast_in_dim3A_1840] : memref<8x16xf32, #tpu.memory_space<vmem>>[vector<16xi32>, vector<16xi32>], vector<16xf32>,
      %broadcast_in_dim3A_1842 = arith.constant 3 : i32
      %broadcast_in_dim3A_1843 = vector.broadcast %broadcast_in_dim3A_1842 : i32 to vector<16xi32>
      tpu.vector_store_idx %arg18[%add3A_1822, %broadcast_in_dim3A_1843], %gather3A_1841 : memref<512x16xf32, #tpu.memory_space<vmem>>[vector<16xi32>, vector<16xi32>], vector<16xf32>,
      %broadcast_in_dim3A_1844 = arith.constant 4 : i32
      %broadcast_in_dim3A_1845 = vector.broadcast %broadcast_in_dim3A_1844 : i32 to vector<16xi32>
      %gather3A_1846 = tpu.vector_load_idx %arg16[%get3A_1825, %broadcast_in_dim3A_1845] : memref<8x16xf32, #tpu.memory_space<vmem>>[vector<16xi32>, vector<16xi32>], vector<16xf32>,
      %broadcast_in_dim3A_1847 = arith.constant 4 : i32
      %broadcast_in_dim3A_1848 = vector.broadcast %broadcast_in_dim3A_1847 : i32 to vector<16xi32>
      tpu.vector_store_idx %arg18[%add3A_1822, %broadcast_in_dim3A_1848], %gather3A_1846 : memref<512x16xf32, #tpu.memory_space<vmem>>[vector<16xi32>, vector<16xi32>], vector<16xf32>,
      %broadcast_in_dim3A_1849 = arith.constant 5 : i32
      %broadcast_in_dim3A_1850 = vector.broadcast %broadcast_in_dim3A_1849 : i32 to vector<16xi32>
      %gather3A_1851 = tpu.vector_load_idx %arg16[%get3A_1825, %broadcast_in_dim3A_1850] : memref<8x16xf32, #tpu.memory_space<vmem>>[vector<16xi32>, vector<16xi32>], vector<16xf32>,
      %broadcast_in_dim3A_1852 = arith.constant 5 : i32
      %broadcast_in_dim3A_1853 = vector.broadcast %broadcast_in_dim3A_1852 : i32 to vector<16xi32>
      tpu.vector_store_idx %arg18[%add3A_1822, %broadcast_in_dim3A_1853], %gather3A_1851 : memref<512x16xf32, #tpu.memory_space<vmem>>[vector<16xi32>, vector<16xi32>], vector<16xf32>,
      %broadcast_in_dim3A_1854 = arith.constant 6 : i32
      %broadcast_in_dim3A_1855 = vector.broadcast %broadcast_in_dim3A_1854 : i32 to vector<16xi32>
      %gather3A_1856 = tpu.vector_load_idx %arg16[%get3A_1825, %broadcast_in_dim3A_1855] : memref<8x16xf32, #tpu.memory_space<vmem>>[vector<16xi32>, vector<16xi32>], vector<16xf32>,
      %broadcast_in_dim3A_1857 = arith.constant 6 : i32
      %broadcast_in_dim3A_1858 = vector.broadcast %broadcast_in_dim3A_1857 : i32 to vector<16xi32>
      tpu.vector_store_idx %arg18[%add3A_1822, %broadcast_in_dim3A_1858], %gather3A_1856 : memref<512x16xf32, #tpu.memory_space<vmem>>[vector<16xi32>, vector<16xi32>], vector<16xf32>,
      %broadcast_in_dim3A_1859 = arith.constant 7 : i32
      %broadcast_in_dim3A_1860 = vector.broadcast %broadcast_in_dim3A_1859 : i32 to vector<16xi32>
      %gather3A_1861 = tpu.vector_load_idx %arg16[%get3A_1825, %broadcast_in_dim3A_1860] : memref<8x16xf32, #tpu.memory_space<vmem>>[vector<16xi32>, vector<16xi32>], vector<16xf32>,
      %broadcast_in_dim3A_1862 = arith.constant 7 : i32
      %broadcast_in_dim3A_1863 = vector.broadcast %broadcast_in_dim3A_1862 : i32 to vector<16xi32>
      tpu.vector_store_idx %arg18[%add3A_1822, %broadcast_in_dim3A_1863], %gather3A_1861 : memref<512x16xf32, #tpu.memory_space<vmem>>[vector<16xi32>, vector<16xi32>], vector<16xf32>,
      %broadcast_in_dim3A_1864 = arith.constant 8 : i32
      %broadcast_in_dim3A_1865 = vector.broadcast %broadcast_in_dim3A_1864 : i32 to vector<16xi32>
      %gather3A_1866 = tpu.vector_load_idx %arg16[%get3A_1825, %broadcast_in_dim3A_1865] : memref<8x16xf32, #tpu.memory_space<vmem>>[vector<16xi32>, vector<16xi32>], vector<16xf32>,
      %broadcast_in_dim3A_1867 = arith.constant 8 : i32
      %broadcast_in_dim3A_1868 = vector.broadcast %broadcast_in_dim3A_1867 : i32 to vector<16xi32>
      tpu.vector_store_idx %arg18[%add3A_1822, %broadcast_in_dim3A_1868], %gather3A_1866 : memref<512x16xf32, #tpu.memory_space<vmem>>[vector<16xi32>, vector<16xi32>], vector<16xf32>,
      %mul3A_1869 = arith.constant 16 : i32
      %mul3A_1870 = arith.muli %scan3A_1818, %mul3A_1869 : i32
      %get3A_1871 = arith.constant 0 : i32
      %get3A_1872 = arith.index_cast %get3A_1871 : i32 to index
      %get3A_1873 = arith.index_cast %mul3A_1870 : i32 to index
      %get3A_1874 = tpu.vector_load %arg14[%get3A_1872, %get3A_1873] {strides = array<i32>} : memref<16x512xf32, #tpu.memory_space<vmem>>, vector<16xf32>,
      %mul3A_1875 = arith.constant 16 : i32
      %mul3A_1876 = arith.muli %scan3A_1818, %mul3A_1875 : i32
      %get3A_1877 = arith.constant 1 : i32
      %get3A_1878 = arith.index_cast %get3A_1877 : i32 to index
      %get3A_1879 = arith.index_cast %mul3A_1876 : i32 to index
      %get3A_1880 = tpu.vector_load %arg14[%get3A_1878, %get3A_1879] {strides = array<i32>} : memref<16x512xf32, #tpu.memory_space<vmem>>, vector<16xf32>,
      %mul3A_1881 = arith.constant 16 : i32
      %mul3A_1882 = arith.muli %scan3A_1818, %mul3A_1881 : i32
      %get3A_1883 = arith.constant 2 : i32
      %get3A_1884 = arith.index_cast %get3A_1883 : i32 to index
      %get3A_1885 = arith.index_cast %mul3A_1882 : i32 to index
      %get3A_1886 = tpu.vector_load %arg14[%get3A_1884, %get3A_1885] {strides = array<i32>} : memref<16x512xf32, #tpu.memory_space<vmem>>, vector<16xf32>,
      %mul3A_1887 = arith.constant 16 : i32
      %mul3A_1888 = arith.muli %scan3A_1818, %mul3A_1887 : i32
      %get3A_1889 = arith.constant 3 : i32
      %get3A_1890 = arith.index_cast %get3A_1889 : i32 to index
      %get3A_1891 = arith.index_cast %mul3A_1888 : i32 to index
      %get3A_1892 = tpu.vector_load %arg14[%get3A_1890, %get3A_1891] {strides = array<i32>} : memref<16x512xf32, #tpu.memory_space<vmem>>, vector<16xf32>,
      %mul3A_1893 = arith.constant 16 : i32
      %mul3A_1894 = arith.muli %scan3A_1818, %mul3A_1893 : i32
      %get3A_1895 = arith.constant 4 : i32
      %get3A_1896 = arith.index_cast %get3A_1895 : i32 to index
      %get3A_1897 = arith.index_cast %mul3A_1894 : i32 to index
      %get3A_1898 = tpu.vector_load %arg14[%get3A_1896, %get3A_1897] {strides = array<i32>} : memref<16x512xf32, #tpu.memory_space<vmem>>, vector<16xf32>,
      %mul3A_1899 = arith.constant 16 : i32
      %mul3A_1900 = arith.muli %scan3A_1818, %mul3A_1899 : i32
      %get3A_1901 = arith.constant 5 : i32
      %get3A_1902 = arith.index_cast %get3A_1901 : i32 to index
      %get3A_1903 = arith.index_cast %mul3A_1900 : i32 to index
      %get3A_1904 = tpu.vector_load %arg14[%get3A_1902, %get3A_1903] {strides = array<i32>} : memref<16x512xf32, #tpu.memory_space<vmem>>, vector<16xf32>,
      %mul3A_1905 = arith.constant 16 : i32
      %mul3A_1906 = arith.muli %scan3A_1818, %mul3A_1905 : i32
      %get3A_1907 = arith.constant 6 : i32
      %get3A_1908 = arith.index_cast %get3A_1907 : i32 to index
      %get3A_1909 = arith.index_cast %mul3A_1906 : i32 to index
      %get3A_1910 = tpu.vector_load %arg14[%get3A_1908, %get3A_1909] {strides = array<i32>} : memref<16x512xf32, #tpu.memory_space<vmem>>, vector<16xf32>,
      %mul3A_1911 = arith.constant 16 : i32
      %mul3A_1912 = arith.muli %scan3A_1818, %mul3A_1911 : i32
      %get3A_1913 = arith.constant 7 : i32
      %get3A_1914 = arith.index_cast %get3A_1913 : i32 to index
      %get3A_1915 = arith.index_cast %mul3A_1912 : i32 to index
      %get3A_1916 = tpu.vector_load %arg14[%get3A_1914, %get3A_1915] {strides = array<i32>} : memref<16x512xf32, #tpu.memory_space<vmem>>, vector<16xf32>,
      %mul3A_1917 = arith.constant 16 : i32
      %mul3A_1918 = arith.muli %scan3A_1818, %mul3A_1917 : i32
      %get3A_1919 = arith.constant 8 : i32
      %get3A_1920 = arith.index_cast %get3A_1919 : i32 to index
      %get3A_1921 = arith.index_cast %mul3A_1918 : i32 to index
      %get3A_1922 = tpu.vector_load %arg14[%get3A_1920, %get3A_1921] {strides = array<i32>} : memref<16x512xf32, #tpu.memory_space<vmem>>, vector<16xf32>,
      %mul3A_1923 = arith.constant 16 : i32
      %mul3A_1924 = arith.muli %scan3A_1818, %mul3A_1923 : i32
      %get3A_1925 = arith.constant 9 : i32
      %get3A_1926 = arith.index_cast %get3A_1925 : i32 to index
      %get3A_1927 = arith.index_cast %mul3A_1924 : i32 to index
      %get3A_1928 = tpu.vector_load %arg14[%get3A_1926, %get3A_1927] {strides = array<i32>} : memref<16x512xf32, #tpu.memory_space<vmem>>, vector<16xf32>,
      %mul3A_1929 = arith.constant 16 : i32
      %mul3A_1930 = arith.muli %scan3A_1818, %mul3A_1929 : i32
      %get3A_1931 = arith.constant 10 : i32
      %get3A_1932 = arith.index_cast %get3A_1931 : i32 to index
      %get3A_1933 = arith.index_cast %mul3A_1930 : i32 to index
      %get3A_1934 = tpu.vector_load %arg14[%get3A_1932, %get3A_1933] {strides = array<i32>} : memref<16x512xf32, #tpu.memory_space<vmem>>, vector<16xf32>,
      %mul3A_1935 = arith.constant 16 : i32
      %mul3A_1936 = arith.muli %scan3A_1818, %mul3A_1935 : i32
      %get3A_1937 = arith.constant 11 : i32
      %get3A_1938 = arith.index_cast %get3A_1937 : i32 to index
      %get3A_1939 = arith.index_cast %mul3A_1936 : i32 to index
      %get3A_1940 = tpu.vector_load %arg14[%get3A_1938, %get3A_1939] {strides = array<i32>} : memref<16x512xf32, #tpu.memory_space<vmem>>, vector<16xf32>,
      %mul3A_1941 = arith.constant 16 : i32
      %mul3A_1942 = arith.muli %scan3A_1818, %mul3A_1941 : i32
      %get3A_1943 = arith.constant 12 : i32
      %get3A_1944 = arith.index_cast %get3A_1943 : i32 to index
      %get3A_1945 = arith.index_cast %mul3A_1942 : i32 to index
      %get3A_1946 = tpu.vector_load %arg14[%get3A_1944, %get3A_1945] {strides = array<i32>} : memref<16x512xf32, #tpu.memory_space<vmem>>, vector<16xf32>,
      %mul3A_1947 = arith.constant 16 : i32
      %mul3A_1948 = arith.muli %scan3A_1818, %mul3A_1947 : i32
      %get3A_1949 = arith.constant 13 : i32
      %get3A_1950 = arith.index_cast %get3A_1949 : i32 to index
      %get3A_1951 = arith.index_cast %mul3A_1948 : i32 to index
      %get3A_1952 = tpu.vector_load %arg14[%get3A_1950, %get3A_1951] {strides = array<i32>} : memref<16x512xf32, #tpu.memory_space<vmem>>, vector<16xf32>,
      %mul3A_1953 = arith.constant 16 : i32
      %mul3A_1954 = arith.muli %scan3A_1818, %mul3A_1953 : i32
      %get3A_1955 = arith.constant 14 : i32
      %get3A_1956 = arith.index_cast %get3A_1955 : i32 to index
      %get3A_1957 = arith.index_cast %mul3A_1954 : i32 to index
      %get3A_1958 = tpu.vector_load %arg14[%get3A_1956, %get3A_1957] {strides = array<i32>} : memref<16x512xf32, #tpu.memory_space<vmem>>, vector<16xf32>,
      %mul3A_1959 = arith.constant 16 : i32
      %mul3A_1960 = arith.muli %scan3A_1818, %mul3A_1959 : i32
      %get3A_1961 = arith.constant 15 : i32
      %get3A_1962 = arith.index_cast %get3A_1961 : i32 to index
      %get3A_1963 = arith.index_cast %mul3A_1960 : i32 to index
      %get3A_1964 = tpu.vector_load %arg14[%get3A_1962, %get3A_1963] {strides = array<i32>} : memref<16x512xf32, #tpu.memory_space<vmem>>, vector<16xf32>,
      %broadcast_in_dim3A_1965 = arith.constant 0 : i32
      %broadcast_in_dim3A_1966 = vector.broadcast %broadcast_in_dim3A_1965 : i32 to vector<16xi32>
      %gather3A_1967 = tpu.vector_load_idx %arg15[%get3A_1825, %broadcast_in_dim3A_1966] : memref<8x16xf32, #tpu.memory_space<vmem>>[vector<16xi32>, vector<16xi32>], vector<16xf32>,
      %broadcast_in_dim3A_1968 = arith.constant 1 : i32
      %broadcast_in_dim3A_1969 = vector.broadcast %broadcast_in_dim3A_1968 : i32 to vector<16xi32>
      %gather3A_1970 = tpu.vector_load_idx %arg15[%get3A_1825, %broadcast_in_dim3A_1969] : memref<8x16xf32, #tpu.memory_space<vmem>>[vector<16xi32>, vector<16xi32>], vector<16xf32>,
      %broadcast_in_dim3A_1971 = arith.constant 2 : i32
      %broadcast_in_dim3A_1972 = vector.broadcast %broadcast_in_dim3A_1971 : i32 to vector<16xi32>
      %gather3A_1973 = tpu.vector_load_idx %arg15[%get3A_1825, %broadcast_in_dim3A_1972] : memref<8x16xf32, #tpu.memory_space<vmem>>[vector<16xi32>, vector<16xi32>], vector<16xf32>,
      %broadcast_in_dim3A_1974 = arith.constant 3 : i32
      %broadcast_in_dim3A_1975 = vector.broadcast %broadcast_in_dim3A_1974 : i32 to vector<16xi32>
      %gather3A_1976 = tpu.vector_load_idx %arg15[%get3A_1825, %broadcast_in_dim3A_1975] : memref<8x16xf32, #tpu.memory_space<vmem>>[vector<16xi32>, vector<16xi32>], vector<16xf32>,
      %mul3A_1977 = arith.mulf %gather3A_1967, %get3A_1874 : vector<16xf32>
      %mul3A_1978 = arith.mulf %gather3A_1970, %get3A_1898 : vector<16xf32>
      %add3A_1979 = arith.addf %mul3A_1977, %mul3A_1978 : vector<16xf32>
      %mul3A_1980 = arith.mulf %gather3A_1973, %get3A_1922 : vector<16xf32>
      %add3A_1981 = arith.addf %add3A_1979, %mul3A_1980 : vector<16xf32>
      %mul3A_1982 = arith.mulf %gather3A_1976, %get3A_1946 : vector<16xf32>
      %add3A_1983 = arith.addf %add3A_1981, %mul3A_1982 : vector<16xf32>
      %broadcast_in_dim3A_1984 = arith.constant 0 : i32
      %broadcast_in_dim3A_1985 = vector.broadcast %broadcast_in_dim3A_1984 : i32 to vector<16xi32>
      tpu.vector_store_idx %arg17[%add3A_1822, %broadcast_in_dim3A_1985], %add3A_1983 : memref<512x16xf32, #tpu.memory_space<vmem>>[vector<16xi32>, vector<16xi32>], vector<16xf32>,
      %mul3A_1986 = arith.mulf %gather3A_1967, %get3A_1880 : vector<16xf32>
      %mul3A_1987 = arith.mulf %gather3A_1970, %get3A_1904 : vector<16xf32>
      %add3A_1988 = arith.addf %mul3A_1986, %mul3A_1987 : vector<16xf32>
      %mul3A_1989 = arith.mulf %gather3A_1973, %get3A_1928 : vector<16xf32>
      %add3A_1990 = arith.addf %add3A_1988, %mul3A_1989 : vector<16xf32>
      %mul3A_1991 = arith.mulf %gather3A_1976, %get3A_1952 : vector<16xf32>
      %add3A_1992 = arith.addf %add3A_1990, %mul3A_1991 : vector<16xf32>
      %broadcast_in_dim3A_1993 = arith.constant 1 : i32
      %broadcast_in_dim3A_1994 = vector.broadcast %broadcast_in_dim3A_1993 : i32 to vector<16xi32>
      tpu.vector_store_idx %arg17[%add3A_1822, %broadcast_in_dim3A_1994], %add3A_1992 : memref<512x16xf32, #tpu.memory_space<vmem>>[vector<16xi32>, vector<16xi32>], vector<16xf32>,
      %mul3A_1995 = arith.mulf %gather3A_1967, %get3A_1886 : vector<16xf32>
      %mul3A_1996 = arith.mulf %gather3A_1970, %get3A_1910 : vector<16xf32>
      %add3A_1997 = arith.addf %mul3A_1995, %mul3A_1996 : vector<16xf32>
      %mul3A_1998 = arith.mulf %gather3A_1973, %get3A_1934 : vector<16xf32>
      %add3A_1999 = arith.addf %add3A_1997, %mul3A_1998 : vector<16xf32>
      %mul3A_2000 = arith.mulf %gather3A_1976, %get3A_1958 : vector<16xf32>
      %add3A_2001 = arith.addf %add3A_1999, %mul3A_2000 : vector<16xf32>
      %broadcast_in_dim3A_2002 = arith.constant 2 : i32
      %broadcast_in_dim3A_2003 = vector.broadcast %broadcast_in_dim3A_2002 : i32 to vector<16xi32>
      tpu.vector_store_idx %arg17[%add3A_1822, %broadcast_in_dim3A_2003], %add3A_2001 : memref<512x16xf32, #tpu.memory_space<vmem>>[vector<16xi32>, vector<16xi32>], vector<16xf32>,
      %mul3A_2004 = arith.mulf %gather3A_1967, %get3A_1892 : vector<16xf32>
      %mul3A_2005 = arith.mulf %gather3A_1970, %get3A_1916 : vector<16xf32>
      %add3A_2006 = arith.addf %mul3A_2004, %mul3A_2005 : vector<16xf32>
      %mul3A_2007 = arith.mulf %gather3A_1973, %get3A_1940 : vector<16xf32>
      %add3A_2008 = arith.addf %add3A_2006, %mul3A_2007 : vector<16xf32>
      %mul3A_2009 = arith.mulf %gather3A_1976, %get3A_1964 : vector<16xf32>
      %add3A_2010 = arith.addf %add3A_2008, %mul3A_2009 : vector<16xf32>
      %broadcast_in_dim3A_2011 = arith.constant 3 : i32
      %broadcast_in_dim3A_2012 = vector.broadcast %broadcast_in_dim3A_2011 : i32 to vector<16xi32>
      tpu.vector_store_idx %arg17[%add3A_1822, %broadcast_in_dim3A_2012], %add3A_2010 : memref<512x16xf32, #tpu.memory_space<vmem>>[vector<16xi32>, vector<16xi32>], vector<16xf32>,
      %broadcast_in_dim3A_2013 = arith.constant 4 : i32
      %broadcast_in_dim3A_2014 = vector.broadcast %broadcast_in_dim3A_2013 : i32 to vector<16xi32>
      %gather3A_2015 = tpu.vector_load_idx %arg15[%get3A_1825, %broadcast_in_dim3A_2014] : memref<8x16xf32, #tpu.memory_space<vmem>>[vector<16xi32>, vector<16xi32>], vector<16xf32>,
      %broadcast_in_dim3A_2016 = arith.constant 5 : i32
      %broadcast_in_dim3A_2017 = vector.broadcast %broadcast_in_dim3A_2016 : i32 to vector<16xi32>
      %gather3A_2018 = tpu.vector_load_idx %arg15[%get3A_1825, %broadcast_in_dim3A_2017] : memref<8x16xf32, #tpu.memory_space<vmem>>[vector<16xi32>, vector<16xi32>], vector<16xf32>,
      %broadcast_in_dim3A_2019 = arith.constant 6 : i32
      %broadcast_in_dim3A_2020 = vector.broadcast %broadcast_in_dim3A_2019 : i32 to vector<16xi32>
      %gather3A_2021 = tpu.vector_load_idx %arg15[%get3A_1825, %broadcast_in_dim3A_2020] : memref<8x16xf32, #tpu.memory_space<vmem>>[vector<16xi32>, vector<16xi32>], vector<16xf32>,
      %broadcast_in_dim3A_2022 = arith.constant 7 : i32
      %broadcast_in_dim3A_2023 = vector.broadcast %broadcast_in_dim3A_2022 : i32 to vector<16xi32>
      %gather3A_2024 = tpu.vector_load_idx %arg15[%get3A_1825, %broadcast_in_dim3A_2023] : memref<8x16xf32, #tpu.memory_space<vmem>>[vector<16xi32>, vector<16xi32>], vector<16xf32>,
      %mul3A_2025 = arith.mulf %gather3A_2015, %get3A_1874 : vector<16xf32>
      %mul3A_2026 = arith.mulf %gather3A_2018, %get3A_1898 : vector<16xf32>
      %add3A_2027 = arith.addf %mul3A_2025, %mul3A_2026 : vector<16xf32>
      %mul3A_2028 = arith.mulf %gather3A_2021, %get3A_1922 : vector<16xf32>
      %add3A_2029 = arith.addf %add3A_2027, %mul3A_2028 : vector<16xf32>
      %mul3A_2030 = arith.mulf %gather3A_2024, %get3A_1946 : vector<16xf32>
      %add3A_2031 = arith.addf %add3A_2029, %mul3A_2030 : vector<16xf32>
      %broadcast_in_dim3A_2032 = arith.constant 4 : i32
      %broadcast_in_dim3A_2033 = vector.broadcast %broadcast_in_dim3A_2032 : i32 to vector<16xi32>
      tpu.vector_store_idx %arg17[%add3A_1822, %broadcast_in_dim3A_2033], %add3A_2031 : memref<512x16xf32, #tpu.memory_space<vmem>>[vector<16xi32>, vector<16xi32>], vector<16xf32>,
      %mul3A_2034 = arith.mulf %gather3A_2015, %get3A_1880 : vector<16xf32>
      %mul3A_2035 = arith.mulf %gather3A_2018, %get3A_1904 : vector<16xf32>
      %add3A_2036 = arith.addf %mul3A_2034, %mul3A_2035 : vector<16xf32>
      %mul3A_2037 = arith.mulf %gather3A_2021, %get3A_1928 : vector<16xf32>
      %add3A_2038 = arith.addf %add3A_2036, %mul3A_2037 : vector<16xf32>
      %mul3A_2039 = arith.mulf %gather3A_2024, %get3A_1952 : vector<16xf32>
      %add3A_2040 = arith.addf %add3A_2038, %mul3A_2039 : vector<16xf32>
      %broadcast_in_dim3A_2041 = arith.constant 5 : i32
      %broadcast_in_dim3A_2042 = vector.broadcast %broadcast_in_dim3A_2041 : i32 to vector<16xi32>
      tpu.vector_store_idx %arg17[%add3A_1822, %broadcast_in_dim3A_2042], %add3A_2040 : memref<512x16xf32, #tpu.memory_space<vmem>>[vector<16xi32>, vector<16xi32>], vector<16xf32>,
      %mul3A_2043 = arith.mulf %gather3A_2015, %get3A_1886 : vector<16xf32>
      %mul3A_2044 = arith.mulf %gather3A_2018, %get3A_1910 : vector<16xf32>
      %add3A_2045 = arith.addf %mul3A_2043, %mul3A_2044 : vector<16xf32>
      %mul3A_2046 = arith.mulf %gather3A_2021, %get3A_1934 : vector<16xf32>
      %add3A_2047 = arith.addf %add3A_2045, %mul3A_2046 : vector<16xf32>
      %mul3A_2048 = arith.mulf %gather3A_2024, %get3A_1958 : vector<16xf32>
      %add3A_2049 = arith.addf %add3A_2047, %mul3A_2048 : vector<16xf32>
      %broadcast_in_dim3A_2050 = arith.constant 6 : i32
      %broadcast_in_dim3A_2051 = vector.broadcast %broadcast_in_dim3A_2050 : i32 to vector<16xi32>
      tpu.vector_store_idx %arg17[%add3A_1822, %broadcast_in_dim3A_2051], %add3A_2049 : memref<512x16xf32, #tpu.memory_space<vmem>>[vector<16xi32>, vector<16xi32>], vector<16xf32>,
      %mul3A_2052 = arith.mulf %gather3A_2015, %get3A_1892 : vector<16xf32>
      %mul3A_2053 = arith.mulf %gather3A_2018, %get3A_1916 : vector<16xf32>
      %add3A_2054 = arith.addf %mul3A_2052, %mul3A_2053 : vector<16xf32>
      %mul3A_2055 = arith.mulf %gather3A_2021, %get3A_1940 : vector<16xf32>
      %add3A_2056 = arith.addf %add3A_2054, %mul3A_2055 : vector<16xf32>
      %mul3A_2057 = arith.mulf %gather3A_2024, %get3A_1964 : vector<16xf32>
      %add3A_2058 = arith.addf %add3A_2056, %mul3A_2057 : vector<16xf32>
      %broadcast_in_dim3A_2059 = arith.constant 7 : i32
      %broadcast_in_dim3A_2060 = vector.broadcast %broadcast_in_dim3A_2059 : i32 to vector<16xi32>
      tpu.vector_store_idx %arg17[%add3A_1822, %broadcast_in_dim3A_2060], %add3A_2058 : memref<512x16xf32, #tpu.memory_space<vmem>>[vector<16xi32>, vector<16xi32>], vector<16xf32>,
      %broadcast_in_dim3A_2061 = arith.constant 8 : i32
      %broadcast_in_dim3A_2062 = vector.broadcast %broadcast_in_dim3A_2061 : i32 to vector<16xi32>
      %gather3A_2063 = tpu.vector_load_idx %arg15[%get3A_1825, %broadcast_in_dim3A_2062] : memref<8x16xf32, #tpu.memory_space<vmem>>[vector<16xi32>, vector<16xi32>], vector<16xf32>,
      %broadcast_in_dim3A_2064 = arith.constant 9 : i32
      %broadcast_in_dim3A_2065 = vector.broadcast %broadcast_in_dim3A_2064 : i32 to vector<16xi32>
      %gather3A_2066 = tpu.vector_load_idx %arg15[%get3A_1825, %broadcast_in_dim3A_2065] : memref<8x16xf32, #tpu.memory_space<vmem>>[vector<16xi32>, vector<16xi32>], vector<16xf32>,
      %broadcast_in_dim3A_2067 = arith.constant 10 : i32
      %broadcast_in_dim3A_2068 = vector.broadcast %broadcast_in_dim3A_2067 : i32 to vector<16xi32>
      %gather3A_2069 = tpu.vector_load_idx %arg15[%get3A_1825, %broadcast_in_dim3A_2068] : memref<8x16xf32, #tpu.memory_space<vmem>>[vector<16xi32>, vector<16xi32>], vector<16xf32>,
      %broadcast_in_dim3A_2070 = arith.constant 11 : i32
      %broadcast_in_dim3A_2071 = vector.broadcast %broadcast_in_dim3A_2070 : i32 to vector<16xi32>
      %gather3A_2072 = tpu.vector_load_idx %arg15[%get3A_1825, %broadcast_in_dim3A_2071] : memref<8x16xf32, #tpu.memory_space<vmem>>[vector<16xi32>, vector<16xi32>], vector<16xf32>,
      %mul3A_2073 = arith.mulf %gather3A_2063, %get3A_1874 : vector<16xf32>
      %mul3A_2074 = arith.mulf %gather3A_2066, %get3A_1898 : vector<16xf32>
      %add3A_2075 = arith.addf %mul3A_2073, %mul3A_2074 : vector<16xf32>
      %mul3A_2076 = arith.mulf %gather3A_2069, %get3A_1922 : vector<16xf32>
      %add3A_2077 = arith.addf %add3A_2075, %mul3A_2076 : vector<16xf32>
      %mul3A_2078 = arith.mulf %gather3A_2072, %get3A_1946 : vector<16xf32>
      %add3A_2079 = arith.addf %add3A_2077, %mul3A_2078 : vector<16xf32>
      %broadcast_in_dim3A_2080 = arith.constant 8 : i32
      %broadcast_in_dim3A_2081 = vector.broadcast %broadcast_in_dim3A_2080 : i32 to vector<16xi32>
      tpu.vector_store_idx %arg17[%add3A_1822, %broadcast_in_dim3A_2081], %add3A_2079 : memref<512x16xf32, #tpu.memory_space<vmem>>[vector<16xi32>, vector<16xi32>], vector<16xf32>,
      %mul3A_2082 = arith.mulf %gather3A_2063, %get3A_1880 : vector<16xf32>
      %mul3A_2083 = arith.mulf %gather3A_2066, %get3A_1904 : vector<16xf32>
      %add3A_2084 = arith.addf %mul3A_2082, %mul3A_2083 : vector<16xf32>
      %mul3A_2085 = arith.mulf %gather3A_2069, %get3A_1928 : vector<16xf32>
      %add3A_2086 = arith.addf %add3A_2084, %mul3A_2085 : vector<16xf32>
      %mul3A_2087 = arith.mulf %gather3A_2072, %get3A_1952 : vector<16xf32>
      %add3A_2088 = arith.addf %add3A_2086, %mul3A_2087 : vector<16xf32>
      %broadcast_in_dim3A_2089 = arith.constant 9 : i32
      %broadcast_in_dim3A_2090 = vector.broadcast %broadcast_in_dim3A_2089 : i32 to vector<16xi32>
      tpu.vector_store_idx %arg17[%add3A_1822, %broadcast_in_dim3A_2090], %add3A_2088 : memref<512x16xf32, #tpu.memory_space<vmem>>[vector<16xi32>, vector<16xi32>], vector<16xf32>,
      %mul3A_2091 = arith.mulf %gather3A_2063, %get3A_1886 : vector<16xf32>
      %mul3A_2092 = arith.mulf %gather3A_2066, %get3A_1910 : vector<16xf32>
      %add3A_2093 = arith.addf %mul3A_2091, %mul3A_2092 : vector<16xf32>
      %mul3A_2094 = arith.mulf %gather3A_2069, %get3A_1934 : vector<16xf32>
      %add3A_2095 = arith.addf %add3A_2093, %mul3A_2094 : vector<16xf32>
      %mul3A_2096 = arith.mulf %gather3A_2072, %get3A_1958 : vector<16xf32>
      %add3A_2097 = arith.addf %add3A_2095, %mul3A_2096 : vector<16xf32>
      %broadcast_in_dim3A_2098 = arith.constant 10 : i32
      %broadcast_in_dim3A_2099 = vector.broadcast %broadcast_in_dim3A_2098 : i32 to vector<16xi32>
      tpu.vector_store_idx %arg17[%add3A_1822, %broadcast_in_dim3A_2099], %add3A_2097 : memref<512x16xf32, #tpu.memory_space<vmem>>[vector<16xi32>, vector<16xi32>], vector<16xf32>,
      %mul3A_2100 = arith.mulf %gather3A_2063, %get3A_1892 : vector<16xf32>
      %mul3A_2101 = arith.mulf %gather3A_2066, %get3A_1916 : vector<16xf32>
      %add3A_2102 = arith.addf %mul3A_2100, %mul3A_2101 : vector<16xf32>
      %mul3A_2103 = arith.mulf %gather3A_2069, %get3A_1940 : vector<16xf32>
      %add3A_2104 = arith.addf %add3A_2102, %mul3A_2103 : vector<16xf32>
      %mul3A_2105 = arith.mulf %gather3A_2072, %get3A_1964 : vector<16xf32>
      %add3A_2106 = arith.addf %add3A_2104, %mul3A_2105 : vector<16xf32>
      %broadcast_in_dim3A_2107 = arith.constant 11 : i32
      %broadcast_in_dim3A_2108 = vector.broadcast %broadcast_in_dim3A_2107 : i32 to vector<16xi32>
      tpu.vector_store_idx %arg17[%add3A_1822, %broadcast_in_dim3A_2108], %add3A_2106 : memref<512x16xf32, #tpu.memory_space<vmem>>[vector<16xi32>, vector<16xi32>], vector<16xf32>,
      %broadcast_in_dim3A_2109 = arith.constant 12 : i32
      %broadcast_in_dim3A_2110 = vector.broadcast %broadcast_in_dim3A_2109 : i32 to vector<16xi32>
      %gather3A_2111 = tpu.vector_load_idx %arg15[%get3A_1825, %broadcast_in_dim3A_2110] : memref<8x16xf32, #tpu.memory_space<vmem>>[vector<16xi32>, vector<16xi32>], vector<16xf32>,
      %broadcast_in_dim3A_2112 = arith.constant 13 : i32
      %broadcast_in_dim3A_2113 = vector.broadcast %broadcast_in_dim3A_2112 : i32 to vector<16xi32>
      %gather3A_2114 = tpu.vector_load_idx %arg15[%get3A_1825, %broadcast_in_dim3A_2113] : memref<8x16xf32, #tpu.memory_space<vmem>>[vector<16xi32>, vector<16xi32>], vector<16xf32>,
      %broadcast_in_dim3A_2115 = arith.constant 14 : i32
      %broadcast_in_dim3A_2116 = vector.broadcast %broadcast_in_dim3A_2115 : i32 to vector<16xi32>
      %gather3A_2117 = tpu.vector_load_idx %arg15[%get3A_1825, %broadcast_in_dim3A_2116] : memref<8x16xf32, #tpu.memory_space<vmem>>[vector<16xi32>, vector<16xi32>], vector<16xf32>,
      %broadcast_in_dim3A_2118 = arith.constant 15 : i32
      %broadcast_in_dim3A_2119 = vector.broadcast %broadcast_in_dim3A_2118 : i32 to vector<16xi32>
      %gather3A_2120 = tpu.vector_load_idx %arg15[%get3A_1825, %broadcast_in_dim3A_2119] : memref<8x16xf32, #tpu.memory_space<vmem>>[vector<16xi32>, vector<16xi32>], vector<16xf32>,
      %mul3A_2121 = arith.mulf %gather3A_2111, %get3A_1874 : vector<16xf32>
      %mul3A_2122 = arith.mulf %gather3A_2114, %get3A_1898 : vector<16xf32>
      %add3A_2123 = arith.addf %mul3A_2121, %mul3A_2122 : vector<16xf32>
      %mul3A_2124 = arith.mulf %gather3A_2117, %get3A_1922 : vector<16xf32>
      %add3A_2125 = arith.addf %add3A_2123, %mul3A_2124 : vector<16xf32>
      %mul3A_2126 = arith.mulf %gather3A_2120, %get3A_1946 : vector<16xf32>
      %add3A_2127 = arith.addf %add3A_2125, %mul3A_2126 : vector<16xf32>
      %broadcast_in_dim3A_2128 = arith.constant 12 : i32
      %broadcast_in_dim3A_2129 = vector.broadcast %broadcast_in_dim3A_2128 : i32 to vector<16xi32>
      tpu.vector_store_idx %arg17[%add3A_1822, %broadcast_in_dim3A_2129], %add3A_2127 : memref<512x16xf32, #tpu.memory_space<vmem>>[vector<16xi32>, vector<16xi32>], vector<16xf32>,
      %mul3A_2130 = arith.mulf %gather3A_2111, %get3A_1880 : vector<16xf32>
      %mul3A_2131 = arith.mulf %gather3A_2114, %get3A_1904 : vector<16xf32>
      %add3A_2132 = arith.addf %mul3A_2130, %mul3A_2131 : vector<16xf32>
      %mul3A_2133 = arith.mulf %gather3A_2117, %get3A_1928 : vector<16xf32>
      %add3A_2134 = arith.addf %add3A_2132, %mul3A_2133 : vector<16xf32>
      %mul3A_2135 = arith.mulf %gather3A_2120, %get3A_1952 : vector<16xf32>
      %add3A_2136 = arith.addf %add3A_2134, %mul3A_2135 : vector<16xf32>
      %broadcast_in_dim3A_2137 = arith.constant 13 : i32
      %broadcast_in_dim3A_2138 = vector.broadcast %broadcast_in_dim3A_2137 : i32 to vector<16xi32>
      tpu.vector_store_idx %arg17[%add3A_1822, %broadcast_in_dim3A_2138], %add3A_2136 : memref<512x16xf32, #tpu.memory_space<vmem>>[vector<16xi32>, vector<16xi32>], vector<16xf32>,
      %mul3A_2139 = arith.mulf %gather3A_2111, %get3A_1886 : vector<16xf32>
      %mul3A_2140 = arith.mulf %gather3A_2114, %get3A_1910 : vector<16xf32>
      %add3A_2141 = arith.addf %mul3A_2139, %mul3A_2140 : vector<16xf32>
      %mul3A_2142 = arith.mulf %gather3A_2117, %get3A_1934 : vector<16xf32>
      %add3A_2143 = arith.addf %add3A_2141, %mul3A_2142 : vector<16xf32>
      %mul3A_2144 = arith.mulf %gather3A_2120, %get3A_1958 : vector<16xf32>
      %add3A_2145 = arith.addf %add3A_2143, %mul3A_2144 : vector<16xf32>
      %broadcast_in_dim3A_2146 = arith.constant 14 : i32
      %broadcast_in_dim3A_2147 = vector.broadcast %broadcast_in_dim3A_2146 : i32 to vector<16xi32>
      tpu.vector_store_idx %arg17[%add3A_1822, %broadcast_in_dim3A_2147], %add3A_2145 : memref<512x16xf32, #tpu.memory_space<vmem>>[vector<16xi32>, vector<16xi32>], vector<16xf32>,
      %mul3A_2148 = arith.mulf %gather3A_2111, %get3A_1892 : vector<16xf32>
      %mul3A_2149 = arith.mulf %gather3A_2114, %get3A_1916 : vector<16xf32>
      %add3A_2150 = arith.addf %mul3A_2148, %mul3A_2149 : vector<16xf32>
      %mul3A_2151 = arith.mulf %gather3A_2117, %get3A_1940 : vector<16xf32>
      %add3A_2152 = arith.addf %add3A_2150, %mul3A_2151 : vector<16xf32>
      %mul3A_2153 = arith.mulf %gather3A_2120, %get3A_1964 : vector<16xf32>
      %add3A_2154 = arith.addf %add3A_2152, %mul3A_2153 : vector<16xf32>
      %broadcast_in_dim3A_2155 = arith.constant 15 : i32
      %broadcast_in_dim3A_2156 = vector.broadcast %broadcast_in_dim3A_2155 : i32 to vector<16xi32>
      tpu.vector_store_idx %arg17[%add3A_1822, %broadcast_in_dim3A_2156], %add3A_2154 : memref<512x16xf32, #tpu.memory_space<vmem>>[vector<16xi32>, vector<16xi32>], vector<16xf32>,
    }
    %scan3A_1127 = arith.constant 8 : i32
    %dma_wait3A_1128 = arith.constant 0 : i32
    %dma_wait3A_1129 = arith.constant 1 : i32
    %dma_wait3A_1130 = arith.constant 0 : i32
    %dma_wait3A_1131 = arith.constant 128 : i32
    %dma_wait3A_1132 = tpu.memref_slice %arg14[%dma_wait3A_1130, %dma_wait3A_1131] : memref<16x512xf32, #tpu.memory_space<vmem>> -> memref<1x128xf32, #tpu.memory_space<vmem>>
    %dma_wait3A_1133 = tpu.memref_squeeze %dma_wait3A_1132 : memref<1x128xf32, #tpu.memory_space<vmem>> -> memref<128xf32, #tpu.memory_space<vmem>>
    %dma_wait3A_1134 = arith.constant 0 : i32
    %dma_wait3A_1135 = tpu.memref_slice %arg12[%dma_wait3A_1129, %dma_wait3A_1134] : memref<4x128xi32, #tpu.memory_space<vmem>> -> memref<1x128xi32, #tpu.memory_space<vmem>>
    %dma_wait3A_1136 = tpu.memref_squeeze %dma_wait3A_1135 : memref<1x128xi32, #tpu.memory_space<vmem>> -> memref<128xi32, #tpu.memory_space<vmem>>
    %dma_wait3A_1137 = arith.constant 0 : i32
    %dma_wait3A_1138 = tpu.memref_slice %arg4[%dma_wait3A_1128, %dma_wait3A_1137] : memref<4x1000000xf32, #tpu.memory_space<hbm>> -> memref<1x1000000xf32, #tpu.memory_space<hbm>>
    %dma_wait3A_1139 = tpu.memref_squeeze %dma_wait3A_1138 : memref<1x1000000xf32, #tpu.memory_space<hbm>> -> memref<1000000xf32, #tpu.memory_space<hbm>>
    %dma_wait3A_1140 = arith.constant 0 : i32
    %dma_wait3A_1141 = tpu.memref_slice %dma_wait3A_1139[%dma_wait3A_1140] : memref<1000000xf32, #tpu.memory_space<hbm>> -> memref<1000000xf32, #tpu.memory_space<hbm>>
    tpu.wait_indirect_dma semaphore(%arg20 : memref<!tpu.dma_semaphore, #tpu.memory_space<semaphore_mem>>) src(%dma_wait3A_1141 : memref<1000000xf32, #tpu.memory_space<hbm>>) dst(%dma_wait3A_1133 : memref<128xf32, #tpu.memory_space<vmem>>)
    %dma_wait3A_1142 = arith.constant 1 : i32
    %dma_wait3A_1143 = arith.constant 1 : i32
    %dma_wait3A_1144 = arith.constant 1 : i32
    %dma_wait3A_1145 = arith.constant 128 : i32
    %dma_wait3A_1146 = tpu.memref_slice %arg14[%dma_wait3A_1144, %dma_wait3A_1145] : memref<16x512xf32, #tpu.memory_space<vmem>> -> memref<1x128xf32, #tpu.memory_space<vmem>>
    %dma_wait3A_1147 = tpu.memref_squeeze %dma_wait3A_1146 : memref<1x128xf32, #tpu.memory_space<vmem>> -> memref<128xf32, #tpu.memory_space<vmem>>
    %dma_wait3A_1148 = arith.constant 0 : i32
    %dma_wait3A_1149 = tpu.memref_slice %arg12[%dma_wait3A_1143, %dma_wait3A_1148] : memref<4x128xi32, #tpu.memory_space<vmem>> -> memref<1x128xi32, #tpu.memory_space<vmem>>
    %dma_wait3A_1150 = tpu.memref_squeeze %dma_wait3A_1149 : memref<1x128xi32, #tpu.memory_space<vmem>> -> memref<128xi32, #tpu.memory_space<vmem>>
    %dma_wait3A_1151 = arith.constant 0 : i32
    %dma_wait3A_1152 = tpu.memref_slice %arg4[%dma_wait3A_1142, %dma_wait3A_1151] : memref<4x1000000xf32, #tpu.memory_space<hbm>> -> memref<1x1000000xf32, #tpu.memory_space<hbm>>
    %dma_wait3A_1153 = tpu.memref_squeeze %dma_wait3A_1152 : memref<1x1000000xf32, #tpu.memory_space<hbm>> -> memref<1000000xf32, #tpu.memory_space<hbm>>
    %dma_wait3A_1154 = arith.constant 0 : i32
    %dma_wait3A_1155 = tpu.memref_slice %dma_wait3A_1153[%dma_wait3A_1154] : memref<1000000xf32, #tpu.memory_space<hbm>> -> memref<1000000xf32, #tpu.memory_space<hbm>>
    tpu.wait_indirect_dma semaphore(%arg20 : memref<!tpu.dma_semaphore, #tpu.memory_space<semaphore_mem>>) src(%dma_wait3A_1155 : memref<1000000xf32, #tpu.memory_space<hbm>>) dst(%dma_wait3A_1147 : memref<128xf32, #tpu.memory_space<vmem>>)
    %dma_wait3A_1156 = arith.constant 2 : i32
    %dma_wait3A_1157 = arith.constant 1 : i32
    %dma_wait3A_1158 = arith.constant 2 : i32
    %dma_wait3A_1159 = arith.constant 128 : i32
    %dma_wait3A_1160 = tpu.memref_slice %arg14[%dma_wait3A_1158, %dma_wait3A_1159] : memref<16x512xf32, #tpu.memory_space<vmem>> -> memref<1x128xf32, #tpu.memory_space<vmem>>
    %dma_wait3A_1161 = tpu.memref_squeeze %dma_wait3A_1160 : memref<1x128xf32, #tpu.memory_space<vmem>> -> memref<128xf32, #tpu.memory_space<vmem>>
    %dma_wait3A_1162 = arith.constant 0 : i32
    %dma_wait3A_1163 = tpu.memref_slice %arg12[%dma_wait3A_1157, %dma_wait3A_1162] : memref<4x128xi32, #tpu.memory_space<vmem>> -> memref<1x128xi32, #tpu.memory_space<vmem>>
    %dma_wait3A_1164 = tpu.memref_squeeze %dma_wait3A_1163 : memref<1x128xi32, #tpu.memory_space<vmem>> -> memref<128xi32, #tpu.memory_space<vmem>>
    %dma_wait3A_1165 = arith.constant 0 : i32
    %dma_wait3A_1166 = tpu.memref_slice %arg4[%dma_wait3A_1156, %dma_wait3A_1165] : memref<4x1000000xf32, #tpu.memory_space<hbm>> -> memref<1x1000000xf32, #tpu.memory_space<hbm>>
    %dma_wait3A_1167 = tpu.memref_squeeze %dma_wait3A_1166 : memref<1x1000000xf32, #tpu.memory_space<hbm>> -> memref<1000000xf32, #tpu.memory_space<hbm>>
    %dma_wait3A_1168 = arith.constant 0 : i32
    %dma_wait3A_1169 = tpu.memref_slice %dma_wait3A_1167[%dma_wait3A_1168] : memref<1000000xf32, #tpu.memory_space<hbm>> -> memref<1000000xf32, #tpu.memory_space<hbm>>
    tpu.wait_indirect_dma semaphore(%arg20 : memref<!tpu.dma_semaphore, #tpu.memory_space<semaphore_mem>>) src(%dma_wait3A_1169 : memref<1000000xf32, #tpu.memory_space<hbm>>) dst(%dma_wait3A_1161 : memref<128xf32, #tpu.memory_space<vmem>>)
    %dma_wait3A_1170 = arith.constant 3 : i32
    %dma_wait3A_1171 = arith.constant 1 : i32
    %dma_wait3A_1172 = arith.constant 3 : i32
    %dma_wait3A_1173 = arith.constant 128 : i32
    %dma_wait3A_1174 = tpu.memref_slice %arg14[%dma_wait3A_1172, %dma_wait3A_1173] : memref<16x512xf32, #tpu.memory_space<vmem>> -> memref<1x128xf32, #tpu.memory_space<vmem>>
    %dma_wait3A_1175 = tpu.memref_squeeze %dma_wait3A_1174 : memref<1x128xf32, #tpu.memory_space<vmem>> -> memref<128xf32, #tpu.memory_space<vmem>>
    %dma_wait3A_1176 = arith.constant 0 : i32
    %dma_wait3A_1177 = tpu.memref_slice %arg12[%dma_wait3A_1171, %dma_wait3A_1176] : memref<4x128xi32, #tpu.memory_space<vmem>> -> memref<1x128xi32, #tpu.memory_space<vmem>>
    %dma_wait3A_1178 = tpu.memref_squeeze %dma_wait3A_1177 : memref<1x128xi32, #tpu.memory_space<vmem>> -> memref<128xi32, #tpu.memory_space<vmem>>
    %dma_wait3A_1179 = arith.constant 0 : i32
    %dma_wait3A_1180 = tpu.memref_slice %arg4[%dma_wait3A_1170, %dma_wait3A_1179] : memref<4x1000000xf32, #tpu.memory_space<hbm>> -> memref<1x1000000xf32, #tpu.memory_space<hbm>>
    %dma_wait3A_1181 = tpu.memref_squeeze %dma_wait3A_1180 : memref<1x1000000xf32, #tpu.memory_space<hbm>> -> memref<1000000xf32, #tpu.memory_space<hbm>>
    %dma_wait3A_1182 = arith.constant 0 : i32
    %dma_wait3A_1183 = tpu.memref_slice %dma_wait3A_1181[%dma_wait3A_1182] : memref<1000000xf32, #tpu.memory_space<hbm>> -> memref<1000000xf32, #tpu.memory_space<hbm>>
    tpu.wait_indirect_dma semaphore(%arg20 : memref<!tpu.dma_semaphore, #tpu.memory_space<semaphore_mem>>) src(%dma_wait3A_1183 : memref<1000000xf32, #tpu.memory_space<hbm>>) dst(%dma_wait3A_1175 : memref<128xf32, #tpu.memory_space<vmem>>)
    %dma_wait3A_1184 = arith.constant 0 : i32
    %dma_wait3A_1185 = arith.constant 1 : i32
    %dma_wait3A_1186 = arith.constant 4 : i32
    %dma_wait3A_1187 = arith.constant 128 : i32
    %dma_wait3A_1188 = tpu.memref_slice %arg14[%dma_wait3A_1186, %dma_wait3A_1187] : memref<16x512xf32, #tpu.memory_space<vmem>> -> memref<1x128xf32, #tpu.memory_space<vmem>>
    %dma_wait3A_1189 = tpu.memref_squeeze %dma_wait3A_1188 : memref<1x128xf32, #tpu.memory_space<vmem>> -> memref<128xf32, #tpu.memory_space<vmem>>
    %dma_wait3A_1190 = arith.constant 0 : i32
    %dma_wait3A_1191 = tpu.memref_slice %arg12[%dma_wait3A_1185, %dma_wait3A_1190] : memref<4x128xi32, #tpu.memory_space<vmem>> -> memref<1x128xi32, #tpu.memory_space<vmem>>
    %dma_wait3A_1192 = tpu.memref_squeeze %dma_wait3A_1191 : memref<1x128xi32, #tpu.memory_space<vmem>> -> memref<128xi32, #tpu.memory_space<vmem>>
    %dma_wait3A_1193 = arith.constant 0 : i32
    %dma_wait3A_1194 = tpu.memref_slice %arg5[%dma_wait3A_1184, %dma_wait3A_1193] : memref<4x1000000xf32, #tpu.memory_space<hbm>> -> memref<1x1000000xf32, #tpu.memory_space<hbm>>
    %dma_wait3A_1195 = tpu.memref_squeeze %dma_wait3A_1194 : memref<1x1000000xf32, #tpu.memory_space<hbm>> -> memref<1000000xf32, #tpu.memory_space<hbm>>
    %dma_wait3A_1196 = arith.constant 0 : i32
    %dma_wait3A_1197 = tpu.memref_slice %dma_wait3A_1195[%dma_wait3A_1196] : memref<1000000xf32, #tpu.memory_space<hbm>> -> memref<1000000xf32, #tpu.memory_space<hbm>>
    tpu.wait_indirect_dma semaphore(%arg20 : memref<!tpu.dma_semaphore, #tpu.memory_space<semaphore_mem>>) src(%dma_wait3A_1197 : memref<1000000xf32, #tpu.memory_space<hbm>>) dst(%dma_wait3A_1189 : memref<128xf32, #tpu.memory_space<vmem>>)
    %dma_wait3A_1198 = arith.constant 1 : i32
    %dma_wait3A_1199 = arith.constant 1 : i32
    %dma_wait3A_1200 = arith.constant 5 : i32
    %dma_wait3A_1201 = arith.constant 128 : i32
    %dma_wait3A_1202 = tpu.memref_slice %arg14[%dma_wait3A_1200, %dma_wait3A_1201] : memref<16x512xf32, #tpu.memory_space<vmem>> -> memref<1x128xf32, #tpu.memory_space<vmem>>
    %dma_wait3A_1203 = tpu.memref_squeeze %dma_wait3A_1202 : memref<1x128xf32, #tpu.memory_space<vmem>> -> memref<128xf32, #tpu.memory_space<vmem>>
    %dma_wait3A_1204 = arith.constant 0 : i32
    %dma_wait3A_1205 = tpu.memref_slice %arg12[%dma_wait3A_1199, %dma_wait3A_1204] : memref<4x128xi32, #tpu.memory_space<vmem>> -> memref<1x128xi32, #tpu.memory_space<vmem>>
    %dma_wait3A_1206 = tpu.memref_squeeze %dma_wait3A_1205 : memref<1x128xi32, #tpu.memory_space<vmem>> -> memref<128xi32, #tpu.memory_space<vmem>>
    %dma_wait3A_1207 = arith.constant 0 : i32
    %dma_wait3A_1208 = tpu.memref_slice %arg5[%dma_wait3A_1198, %dma_wait3A_1207] : memref<4x1000000xf32, #tpu.memory_space<hbm>> -> memref<1x1000000xf32, #tpu.memory_space<hbm>>
    %dma_wait3A_1209 = tpu.memref_squeeze %dma_wait3A_1208 : memref<1x1000000xf32, #tpu.memory_space<hbm>> -> memref<1000000xf32, #tpu.memory_space<hbm>>
    %dma_wait3A_1210 = arith.constant 0 : i32
    %dma_wait3A_1211 = tpu.memref_slice %dma_wait3A_1209[%dma_wait3A_1210] : memref<1000000xf32, #tpu.memory_space<hbm>> -> memref<1000000xf32, #tpu.memory_space<hbm>>
    tpu.wait_indirect_dma semaphore(%arg20 : memref<!tpu.dma_semaphore, #tpu.memory_space<semaphore_mem>>) src(%dma_wait3A_1211 : memref<1000000xf32, #tpu.memory_space<hbm>>) dst(%dma_wait3A_1203 : memref<128xf32, #tpu.memory_space<vmem>>)
    %dma_wait3A_1212 = arith.constant 2 : i32
    %dma_wait3A_1213 = arith.constant 1 : i32
    %dma_wait3A_1214 = arith.constant 6 : i32
    %dma_wait3A_1215 = arith.constant 128 : i32
    %dma_wait3A_1216 = tpu.memref_slice %arg14[%dma_wait3A_1214, %dma_wait3A_1215] : memref<16x512xf32, #tpu.memory_space<vmem>> -> memref<1x128xf32, #tpu.memory_space<vmem>>
    %dma_wait3A_1217 = tpu.memref_squeeze %dma_wait3A_1216 : memref<1x128xf32, #tpu.memory_space<vmem>> -> memref<128xf32, #tpu.memory_space<vmem>>
    %dma_wait3A_1218 = arith.constant 0 : i32
    %dma_wait3A_1219 = tpu.memref_slice %arg12[%dma_wait3A_1213, %dma_wait3A_1218] : memref<4x128xi32, #tpu.memory_space<vmem>> -> memref<1x128xi32, #tpu.memory_space<vmem>>
    %dma_wait3A_1220 = tpu.memref_squeeze %dma_wait3A_1219 : memref<1x128xi32, #tpu.memory_space<vmem>> -> memref<128xi32, #tpu.memory_space<vmem>>
    %dma_wait3A_1221 = arith.constant 0 : i32
    %dma_wait3A_1222 = tpu.memref_slice %arg5[%dma_wait3A_1212, %dma_wait3A_1221] : memref<4x1000000xf32, #tpu.memory_space<hbm>> -> memref<1x1000000xf32, #tpu.memory_space<hbm>>
    %dma_wait3A_1223 = tpu.memref_squeeze %dma_wait3A_1222 : memref<1x1000000xf32, #tpu.memory_space<hbm>> -> memref<1000000xf32, #tpu.memory_space<hbm>>
    %dma_wait3A_1224 = arith.constant 0 : i32
    %dma_wait3A_1225 = tpu.memref_slice %dma_wait3A_1223[%dma_wait3A_1224] : memref<1000000xf32, #tpu.memory_space<hbm>> -> memref<1000000xf32, #tpu.memory_space<hbm>>
    tpu.wait_indirect_dma semaphore(%arg20 : memref<!tpu.dma_semaphore, #tpu.memory_space<semaphore_mem>>) src(%dma_wait3A_1225 : memref<1000000xf32, #tpu.memory_space<hbm>>) dst(%dma_wait3A_1217 : memref<128xf32, #tpu.memory_space<vmem>>)
    %dma_wait3A_1226 = arith.constant 3 : i32
    %dma_wait3A_1227 = arith.constant 1 : i32
    %dma_wait3A_1228 = arith.constant 7 : i32
    %dma_wait3A_1229 = arith.constant 128 : i32
    %dma_wait3A_1230 = tpu.memref_slice %arg14[%dma_wait3A_1228, %dma_wait3A_1229] : memref<16x512xf32, #tpu.memory_space<vmem>> -> memref<1x128xf32, #tpu.memory_space<vmem>>
    %dma_wait3A_1231 = tpu.memref_squeeze %dma_wait3A_1230 : memref<1x128xf32, #tpu.memory_space<vmem>> -> memref<128xf32, #tpu.memory_space<vmem>>
    %dma_wait3A_1232 = arith.constant 0 : i32
    %dma_wait3A_1233 = tpu.memref_slice %arg12[%dma_wait3A_1227, %dma_wait3A_1232] : memref<4x128xi32, #tpu.memory_space<vmem>> -> memref<1x128xi32, #tpu.memory_space<vmem>>
    %dma_wait3A_1234 = tpu.memref_squeeze %dma_wait3A_1233 : memref<1x128xi32, #tpu.memory_space<vmem>> -> memref<128xi32, #tpu.memory_space<vmem>>
    %dma_wait3A_1235 = arith.constant 0 : i32
    %dma_wait3A_1236 = tpu.memref_slice %arg5[%dma_wait3A_1226, %dma_wait3A_1235] : memref<4x1000000xf32, #tpu.memory_space<hbm>> -> memref<1x1000000xf32, #tpu.memory_space<hbm>>
    %dma_wait3A_1237 = tpu.memref_squeeze %dma_wait3A_1236 : memref<1x1000000xf32, #tpu.memory_space<hbm>> -> memref<1000000xf32, #tpu.memory_space<hbm>>
    %dma_wait3A_1238 = arith.constant 0 : i32
    %dma_wait3A_1239 = tpu.memref_slice %dma_wait3A_1237[%dma_wait3A_1238] : memref<1000000xf32, #tpu.memory_space<hbm>> -> memref<1000000xf32, #tpu.memory_space<hbm>>
    tpu.wait_indirect_dma semaphore(%arg20 : memref<!tpu.dma_semaphore, #tpu.memory_space<semaphore_mem>>) src(%dma_wait3A_1239 : memref<1000000xf32, #tpu.memory_space<hbm>>) dst(%dma_wait3A_1231 : memref<128xf32, #tpu.memory_space<vmem>>)
    %dma_wait3A_1240 = arith.constant 0 : i32
    %dma_wait3A_1241 = arith.constant 1 : i32
    %dma_wait3A_1242 = arith.constant 8 : i32
    %dma_wait3A_1243 = arith.constant 128 : i32
    %dma_wait3A_1244 = tpu.memref_slice %arg14[%dma_wait3A_1242, %dma_wait3A_1243] : memref<16x512xf32, #tpu.memory_space<vmem>> -> memref<1x128xf32, #tpu.memory_space<vmem>>
    %dma_wait3A_1245 = tpu.memref_squeeze %dma_wait3A_1244 : memref<1x128xf32, #tpu.memory_space<vmem>> -> memref<128xf32, #tpu.memory_space<vmem>>
    %dma_wait3A_1246 = arith.constant 0 : i32
    %dma_wait3A_1247 = tpu.memref_slice %arg12[%dma_wait3A_1241, %dma_wait3A_1246] : memref<4x128xi32, #tpu.memory_space<vmem>> -> memref<1x128xi32, #tpu.memory_space<vmem>>
    %dma_wait3A_1248 = tpu.memref_squeeze %dma_wait3A_1247 : memref<1x128xi32, #tpu.memory_space<vmem>> -> memref<128xi32, #tpu.memory_space<vmem>>
    %dma_wait3A_1249 = arith.constant 0 : i32
    %dma_wait3A_1250 = tpu.memref_slice %arg6[%dma_wait3A_1240, %dma_wait3A_1249] : memref<4x1000000xf32, #tpu.memory_space<hbm>> -> memref<1x1000000xf32, #tpu.memory_space<hbm>>
    %dma_wait3A_1251 = tpu.memref_squeeze %dma_wait3A_1250 : memref<1x1000000xf32, #tpu.memory_space<hbm>> -> memref<1000000xf32, #tpu.memory_space<hbm>>
    %dma_wait3A_1252 = arith.constant 0 : i32
    %dma_wait3A_1253 = tpu.memref_slice %dma_wait3A_1251[%dma_wait3A_1252] : memref<1000000xf32, #tpu.memory_space<hbm>> -> memref<1000000xf32, #tpu.memory_space<hbm>>
    tpu.wait_indirect_dma semaphore(%arg20 : memref<!tpu.dma_semaphore, #tpu.memory_space<semaphore_mem>>) src(%dma_wait3A_1253 : memref<1000000xf32, #tpu.memory_space<hbm>>) dst(%dma_wait3A_1245 : memref<128xf32, #tpu.memory_space<vmem>>)
    %dma_wait3A_1254 = arith.constant 1 : i32
    %dma_wait3A_1255 = arith.constant 1 : i32
    %dma_wait3A_1256 = arith.constant 9 : i32
    %dma_wait3A_1257 = arith.constant 128 : i32
    %dma_wait3A_1258 = tpu.memref_slice %arg14[%dma_wait3A_1256, %dma_wait3A_1257] : memref<16x512xf32, #tpu.memory_space<vmem>> -> memref<1x128xf32, #tpu.memory_space<vmem>>
    %dma_wait3A_1259 = tpu.memref_squeeze %dma_wait3A_1258 : memref<1x128xf32, #tpu.memory_space<vmem>> -> memref<128xf32, #tpu.memory_space<vmem>>
    %dma_wait3A_1260 = arith.constant 0 : i32
    %dma_wait3A_1261 = tpu.memref_slice %arg12[%dma_wait3A_1255, %dma_wait3A_1260] : memref<4x128xi32, #tpu.memory_space<vmem>> -> memref<1x128xi32, #tpu.memory_space<vmem>>
    %dma_wait3A_1262 = tpu.memref_squeeze %dma_wait3A_1261 : memref<1x128xi32, #tpu.memory_space<vmem>> -> memref<128xi32, #tpu.memory_space<vmem>>
    %dma_wait3A_1263 = arith.constant 0 : i32
    %dma_wait3A_1264 = tpu.memref_slice %arg6[%dma_wait3A_1254, %dma_wait3A_1263] : memref<4x1000000xf32, #tpu.memory_space<hbm>> -> memref<1x1000000xf32, #tpu.memory_space<hbm>>
    %dma_wait3A_1265 = tpu.memref_squeeze %dma_wait3A_1264 : memref<1x1000000xf32, #tpu.memory_space<hbm>> -> memref<1000000xf32, #tpu.memory_space<hbm>>
    %dma_wait3A_1266 = arith.constant 0 : i32
    %dma_wait3A_1267 = tpu.memref_slice %dma_wait3A_1265[%dma_wait3A_1266] : memref<1000000xf32, #tpu.memory_space<hbm>> -> memref<1000000xf32, #tpu.memory_space<hbm>>
    tpu.wait_indirect_dma semaphore(%arg20 : memref<!tpu.dma_semaphore, #tpu.memory_space<semaphore_mem>>) src(%dma_wait3A_1267 : memref<1000000xf32, #tpu.memory_space<hbm>>) dst(%dma_wait3A_1259 : memref<128xf32, #tpu.memory_space<vmem>>)
    %dma_wait3A_1268 = arith.constant 2 : i32
    %dma_wait3A_1269 = arith.constant 1 : i32
    %dma_wait3A_1270 = arith.constant 10 : i32
    %dma_wait3A_1271 = arith.constant 128 : i32
    %dma_wait3A_1272 = tpu.memref_slice %arg14[%dma_wait3A_1270, %dma_wait3A_1271] : memref<16x512xf32, #tpu.memory_space<vmem>> -> memref<1x128xf32, #tpu.memory_space<vmem>>
    %dma_wait3A_1273 = tpu.memref_squeeze %dma_wait3A_1272 : memref<1x128xf32, #tpu.memory_space<vmem>> -> memref<128xf32, #tpu.memory_space<vmem>>
    %dma_wait3A_1274 = arith.constant 0 : i32
    %dma_wait3A_1275 = tpu.memref_slice %arg12[%dma_wait3A_1269, %dma_wait3A_1274] : memref<4x128xi32, #tpu.memory_space<vmem>> -> memref<1x128xi32, #tpu.memory_space<vmem>>
    %dma_wait3A_1276 = tpu.memref_squeeze %dma_wait3A_1275 : memref<1x128xi32, #tpu.memory_space<vmem>> -> memref<128xi32, #tpu.memory_space<vmem>>
    %dma_wait3A_1277 = arith.constant 0 : i32
    %dma_wait3A_1278 = tpu.memref_slice %arg6[%dma_wait3A_1268, %dma_wait3A_1277] : memref<4x1000000xf32, #tpu.memory_space<hbm>> -> memref<1x1000000xf32, #tpu.memory_space<hbm>>
    %dma_wait3A_1279 = tpu.memref_squeeze %dma_wait3A_1278 : memref<1x1000000xf32, #tpu.memory_space<hbm>> -> memref<1000000xf32, #tpu.memory_space<hbm>>
    %dma_wait3A_1280 = arith.constant 0 : i32
    %dma_wait3A_1281 = tpu.memref_slice %dma_wait3A_1279[%dma_wait3A_1280] : memref<1000000xf32, #tpu.memory_space<hbm>> -> memref<1000000xf32, #tpu.memory_space<hbm>>
    tpu.wait_indirect_dma semaphore(%arg20 : memref<!tpu.dma_semaphore, #tpu.memory_space<semaphore_mem>>) src(%dma_wait3A_1281 : memref<1000000xf32, #tpu.memory_space<hbm>>) dst(%dma_wait3A_1273 : memref<128xf32, #tpu.memory_space<vmem>>)
    %dma_wait3A_1282 = arith.constant 3 : i32
    %dma_wait3A_1283 = arith.constant 1 : i32
    %dma_wait3A_1284 = arith.constant 11 : i32
    %dma_wait3A_1285 = arith.constant 128 : i32
    %dma_wait3A_1286 = tpu.memref_slice %arg14[%dma_wait3A_1284, %dma_wait3A_1285] : memref<16x512xf32, #tpu.memory_space<vmem>> -> memref<1x128xf32, #tpu.memory_space<vmem>>
    %dma_wait3A_1287 = tpu.memref_squeeze %dma_wait3A_1286 : memref<1x128xf32, #tpu.memory_space<vmem>> -> memref<128xf32, #tpu.memory_space<vmem>>
    %dma_wait3A_1288 = arith.constant 0 : i32
    %dma_wait3A_1289 = tpu.memref_slice %arg12[%dma_wait3A_1283, %dma_wait3A_1288] : memref<4x128xi32, #tpu.memory_space<vmem>> -> memref<1x128xi32, #tpu.memory_space<vmem>>
    %dma_wait3A_1290 = tpu.memref_squeeze %dma_wait3A_1289 : memref<1x128xi32, #tpu.memory_space<vmem>> -> memref<128xi32, #tpu.memory_space<vmem>>
    %dma_wait3A_1291 = arith.constant 0 : i32
    %dma_wait3A_1292 = tpu.memref_slice %arg6[%dma_wait3A_1282, %dma_wait3A_1291] : memref<4x1000000xf32, #tpu.memory_space<hbm>> -> memref<1x1000000xf32, #tpu.memory_space<hbm>>
    %dma_wait3A_1293 = tpu.memref_squeeze %dma_wait3A_1292 : memref<1x1000000xf32, #tpu.memory_space<hbm>> -> memref<1000000xf32, #tpu.memory_space<hbm>>
    %dma_wait3A_1294 = arith.constant 0 : i32
    %dma_wait3A_1295 = tpu.memref_slice %dma_wait3A_1293[%dma_wait3A_1294] : memref<1000000xf32, #tpu.memory_space<hbm>> -> memref<1000000xf32, #tpu.memory_space<hbm>>
    tpu.wait_indirect_dma semaphore(%arg20 : memref<!tpu.dma_semaphore, #tpu.memory_space<semaphore_mem>>) src(%dma_wait3A_1295 : memref<1000000xf32, #tpu.memory_space<hbm>>) dst(%dma_wait3A_1287 : memref<128xf32, #tpu.memory_space<vmem>>)
    %dma_wait3A_1296 = arith.constant 0 : i32
    %dma_wait3A_1297 = arith.constant 1 : i32
    %dma_wait3A_1298 = arith.constant 12 : i32
    %dma_wait3A_1299 = arith.constant 128 : i32
    %dma_wait3A_1300 = tpu.memref_slice %arg14[%dma_wait3A_1298, %dma_wait3A_1299] : memref<16x512xf32, #tpu.memory_space<vmem>> -> memref<1x128xf32, #tpu.memory_space<vmem>>
    %dma_wait3A_1301 = tpu.memref_squeeze %dma_wait3A_1300 : memref<1x128xf32, #tpu.memory_space<vmem>> -> memref<128xf32, #tpu.memory_space<vmem>>
    %dma_wait3A_1302 = arith.constant 0 : i32
    %dma_wait3A_1303 = tpu.memref_slice %arg12[%dma_wait3A_1297, %dma_wait3A_1302] : memref<4x128xi32, #tpu.memory_space<vmem>> -> memref<1x128xi32, #tpu.memory_space<vmem>>
    %dma_wait3A_1304 = tpu.memref_squeeze %dma_wait3A_1303 : memref<1x128xi32, #tpu.memory_space<vmem>> -> memref<128xi32, #tpu.memory_space<vmem>>
    %dma_wait3A_1305 = arith.constant 0 : i32
    %dma_wait3A_1306 = tpu.memref_slice %arg7[%dma_wait3A_1296, %dma_wait3A_1305] : memref<4x1000000xf32, #tpu.memory_space<hbm>> -> memref<1x1000000xf32, #tpu.memory_space<hbm>>
    %dma_wait3A_1307 = tpu.memref_squeeze %dma_wait3A_1306 : memref<1x1000000xf32, #tpu.memory_space<hbm>> -> memref<1000000xf32, #tpu.memory_space<hbm>>
    %dma_wait3A_1308 = arith.constant 0 : i32
    %dma_wait3A_1309 = tpu.memref_slice %dma_wait3A_1307[%dma_wait3A_1308] : memref<1000000xf32, #tpu.memory_space<hbm>> -> memref<1000000xf32, #tpu.memory_space<hbm>>
    tpu.wait_indirect_dma semaphore(%arg20 : memref<!tpu.dma_semaphore, #tpu.memory_space<semaphore_mem>>) src(%dma_wait3A_1309 : memref<1000000xf32, #tpu.memory_space<hbm>>) dst(%dma_wait3A_1301 : memref<128xf32, #tpu.memory_space<vmem>>)
    %dma_wait3A_1310 = arith.constant 1 : i32
    %dma_wait3A_1311 = arith.constant 1 : i32
    %dma_wait3A_1312 = arith.constant 13 : i32
    %dma_wait3A_1313 = arith.constant 128 : i32
    %dma_wait3A_1314 = tpu.memref_slice %arg14[%dma_wait3A_1312, %dma_wait3A_1313] : memref<16x512xf32, #tpu.memory_space<vmem>> -> memref<1x128xf32, #tpu.memory_space<vmem>>
    %dma_wait3A_1315 = tpu.memref_squeeze %dma_wait3A_1314 : memref<1x128xf32, #tpu.memory_space<vmem>> -> memref<128xf32, #tpu.memory_space<vmem>>
    %dma_wait3A_1316 = arith.constant 0 : i32
    %dma_wait3A_1317 = tpu.memref_slice %arg12[%dma_wait3A_1311, %dma_wait3A_1316] : memref<4x128xi32, #tpu.memory_space<vmem>> -> memref<1x128xi32, #tpu.memory_space<vmem>>
    %dma_wait3A_1318 = tpu.memref_squeeze %dma_wait3A_1317 : memref<1x128xi32, #tpu.memory_space<vmem>> -> memref<128xi32, #tpu.memory_space<vmem>>
    %dma_wait3A_1319 = arith.constant 0 : i32
    %dma_wait3A_1320 = tpu.memref_slice %arg7[%dma_wait3A_1310, %dma_wait3A_1319] : memref<4x1000000xf32, #tpu.memory_space<hbm>> -> memref<1x1000000xf32, #tpu.memory_space<hbm>>
    %dma_wait3A_1321 = tpu.memref_squeeze %dma_wait3A_1320 : memref<1x1000000xf32, #tpu.memory_space<hbm>> -> memref<1000000xf32, #tpu.memory_space<hbm>>
    %dma_wait3A_1322 = arith.constant 0 : i32
    %dma_wait3A_1323 = tpu.memref_slice %dma_wait3A_1321[%dma_wait3A_1322] : memref<1000000xf32, #tpu.memory_space<hbm>> -> memref<1000000xf32, #tpu.memory_space<hbm>>
    tpu.wait_indirect_dma semaphore(%arg20 : memref<!tpu.dma_semaphore, #tpu.memory_space<semaphore_mem>>) src(%dma_wait3A_1323 : memref<1000000xf32, #tpu.memory_space<hbm>>) dst(%dma_wait3A_1315 : memref<128xf32, #tpu.memory_space<vmem>>)
    %dma_wait3A_1324 = arith.constant 2 : i32
    %dma_wait3A_1325 = arith.constant 1 : i32
    %dma_wait3A_1326 = arith.constant 14 : i32
    %dma_wait3A_1327 = arith.constant 128 : i32
    %dma_wait3A_1328 = tpu.memref_slice %arg14[%dma_wait3A_1326, %dma_wait3A_1327] : memref<16x512xf32, #tpu.memory_space<vmem>> -> memref<1x128xf32, #tpu.memory_space<vmem>>
    %dma_wait3A_1329 = tpu.memref_squeeze %dma_wait3A_1328 : memref<1x128xf32, #tpu.memory_space<vmem>> -> memref<128xf32, #tpu.memory_space<vmem>>
    %dma_wait3A_1330 = arith.constant 0 : i32
    %dma_wait3A_1331 = tpu.memref_slice %arg12[%dma_wait3A_1325, %dma_wait3A_1330] : memref<4x128xi32, #tpu.memory_space<vmem>> -> memref<1x128xi32, #tpu.memory_space<vmem>>
    %dma_wait3A_1332 = tpu.memref_squeeze %dma_wait3A_1331 : memref<1x128xi32, #tpu.memory_space<vmem>> -> memref<128xi32, #tpu.memory_space<vmem>>
    %dma_wait3A_1333 = arith.constant 0 : i32
    %dma_wait3A_1334 = tpu.memref_slice %arg7[%dma_wait3A_1324, %dma_wait3A_1333] : memref<4x1000000xf32, #tpu.memory_space<hbm>> -> memref<1x1000000xf32, #tpu.memory_space<hbm>>
    %dma_wait3A_1335 = tpu.memref_squeeze %dma_wait3A_1334 : memref<1x1000000xf32, #tpu.memory_space<hbm>> -> memref<1000000xf32, #tpu.memory_space<hbm>>
    %dma_wait3A_1336 = arith.constant 0 : i32
    %dma_wait3A_1337 = tpu.memref_slice %dma_wait3A_1335[%dma_wait3A_1336] : memref<1000000xf32, #tpu.memory_space<hbm>> -> memref<1000000xf32, #tpu.memory_space<hbm>>
    tpu.wait_indirect_dma semaphore(%arg20 : memref<!tpu.dma_semaphore, #tpu.memory_space<semaphore_mem>>) src(%dma_wait3A_1337 : memref<1000000xf32, #tpu.memory_space<hbm>>) dst(%dma_wait3A_1329 : memref<128xf32, #tpu.memory_space<vmem>>)
    %dma_wait3A_1338 = arith.constant 3 : i32
    %dma_wait3A_1339 = arith.constant 1 : i32
    %dma_wait3A_1340 = arith.constant 15 : i32
    %dma_wait3A_1341 = arith.constant 128 : i32
    %dma_wait3A_1342 = tpu.memref_slice %arg14[%dma_wait3A_1340, %dma_wait3A_1341] : memref<16x512xf32, #tpu.memory_space<vmem>> -> memref<1x128xf32, #tpu.memory_space<vmem>>
    %dma_wait3A_1343 = tpu.memref_squeeze %dma_wait3A_1342 : memref<1x128xf32, #tpu.memory_space<vmem>> -> memref<128xf32, #tpu.memory_space<vmem>>
    %dma_wait3A_1344 = arith.constant 0 : i32
    %dma_wait3A_1345 = tpu.memref_slice %arg12[%dma_wait3A_1339, %dma_wait3A_1344] : memref<4x128xi32, #tpu.memory_space<vmem>> -> memref<1x128xi32, #tpu.memory_space<vmem>>
    %dma_wait3A_1346 = tpu.memref_squeeze %dma_wait3A_1345 : memref<1x128xi32, #tpu.memory_space<vmem>> -> memref<128xi32, #tpu.memory_space<vmem>>
    %dma_wait3A_1347 = arith.constant 0 : i32
    %dma_wait3A_1348 = tpu.memref_slice %arg7[%dma_wait3A_1338, %dma_wait3A_1347] : memref<4x1000000xf32, #tpu.memory_space<hbm>> -> memref<1x1000000xf32, #tpu.memory_space<hbm>>
    %dma_wait3A_1349 = tpu.memref_squeeze %dma_wait3A_1348 : memref<1x1000000xf32, #tpu.memory_space<hbm>> -> memref<1000000xf32, #tpu.memory_space<hbm>>
    %dma_wait3A_1350 = arith.constant 0 : i32
    %dma_wait3A_1351 = tpu.memref_slice %dma_wait3A_1349[%dma_wait3A_1350] : memref<1000000xf32, #tpu.memory_space<hbm>> -> memref<1000000xf32, #tpu.memory_space<hbm>>
    tpu.wait_indirect_dma semaphore(%arg20 : memref<!tpu.dma_semaphore, #tpu.memory_space<semaphore_mem>>) src(%dma_wait3A_1351 : memref<1000000xf32, #tpu.memory_space<hbm>>) dst(%dma_wait3A_1343 : memref<128xf32, #tpu.memory_space<vmem>>)
    %scan3A_1352 = arith.constant 0 : i32
    %scan3A_1353 = arith.constant 8 : i32
    %scan3A_1354 = arith.constant 8 : i32
    %scan3A_1355 = arith.addi %scan3A_1353, %scan3A_1354 : i32
    %scan3A_1356 = arith.constant 1 : i32
    scf.for %scan3A_1818 = %scan3A_1353 to %scan3A_1355 step %scan3A_1356  : i32 {
      %mul3A_1819 = arith.constant 16 : i32
      %mul3A_1820 = arith.muli %scan3A_1818, %mul3A_1819 : i32
      %add3A_1821 = vector.broadcast %mul3A_1820 : i32 to vector<16xi32>
      %add3A_1822 = arith.addi %add3A_1821, %iota3A : vector<16xi32>
      %mul3A_1823 = arith.constant 16 : i32
      %mul3A_1824 = arith.muli %scan3A_1818, %mul3A_1823 : i32
      %get3A = arith.index_cast %mul3A_1824 : i32 to index
      %get3A_1825 = tpu.vector_load %arg13[%get3A] {strides = array<i32>} : memref<512xi32, #tpu.memory_space<vmem>>, vector<16xi32>,
      %broadcast_in_dim3A = arith.constant 0 : i32
      %broadcast_in_dim3A_1826 = vector.broadcast %broadcast_in_dim3A : i32 to vector<16xi32>
      %gather3A = tpu.vector_load_idx %arg16[%get3A_1825, %broadcast_in_dim3A_1826] : memref<8x16xf32, #tpu.memory_space<vmem>>[vector<16xi32>, vector<16xi32>], vector<16xf32>,
      %broadcast_in_dim3A_1827 = arith.constant 0 : i32
      %broadcast_in_dim3A_1828 = vector.broadcast %broadcast_in_dim3A_1827 : i32 to vector<16xi32>
      tpu.vector_store_idx %arg18[%add3A_1822, %broadcast_in_dim3A_1828], %gather3A : memref<512x16xf32, #tpu.memory_space<vmem>>[vector<16xi32>, vector<16xi32>], vector<16xf32>,
      %broadcast_in_dim3A_1829 = arith.constant 1 : i32
      %broadcast_in_dim3A_1830 = vector.broadcast %broadcast_in_dim3A_1829 : i32 to vector<16xi32>
      %gather3A_1831 = tpu.vector_load_idx %arg16[%get3A_1825, %broadcast_in_dim3A_1830] : memref<8x16xf32, #tpu.memory_space<vmem>>[vector<16xi32>, vector<16xi32>], vector<16xf32>,
      %broadcast_in_dim3A_1832 = arith.constant 1 : i32
      %broadcast_in_dim3A_1833 = vector.broadcast %broadcast_in_dim3A_1832 : i32 to vector<16xi32>
      tpu.vector_store_idx %arg18[%add3A_1822, %broadcast_in_dim3A_1833], %gather3A_1831 : memref<512x16xf32, #tpu.memory_space<vmem>>[vector<16xi32>, vector<16xi32>], vector<16xf32>,
      %broadcast_in_dim3A_1834 = arith.constant 2 : i32
      %broadcast_in_dim3A_1835 = vector.broadcast %broadcast_in_dim3A_1834 : i32 to vector<16xi32>
      %gather3A_1836 = tpu.vector_load_idx %arg16[%get3A_1825, %broadcast_in_dim3A_1835] : memref<8x16xf32, #tpu.memory_space<vmem>>[vector<16xi32>, vector<16xi32>], vector<16xf32>,
      %broadcast_in_dim3A_1837 = arith.constant 2 : i32
      %broadcast_in_dim3A_1838 = vector.broadcast %broadcast_in_dim3A_1837 : i32 to vector<16xi32>
      tpu.vector_store_idx %arg18[%add3A_1822, %broadcast_in_dim3A_1838], %gather3A_1836 : memref<512x16xf32, #tpu.memory_space<vmem>>[vector<16xi32>, vector<16xi32>], vector<16xf32>,
      %broadcast_in_dim3A_1839 = arith.constant 3 : i32
      %broadcast_in_dim3A_1840 = vector.broadcast %broadcast_in_dim3A_1839 : i32 to vector<16xi32>
      %gather3A_1841 = tpu.vector_load_idx %arg16[%get3A_1825, %broadcast_in_dim3A_1840] : memref<8x16xf32, #tpu.memory_space<vmem>>[vector<16xi32>, vector<16xi32>], vector<16xf32>,
      %broadcast_in_dim3A_1842 = arith.constant 3 : i32
      %broadcast_in_dim3A_1843 = vector.broadcast %broadcast_in_dim3A_1842 : i32 to vector<16xi32>
      tpu.vector_store_idx %arg18[%add3A_1822, %broadcast_in_dim3A_1843], %gather3A_1841 : memref<512x16xf32, #tpu.memory_space<vmem>>[vector<16xi32>, vector<16xi32>], vector<16xf32>,
      %broadcast_in_dim3A_1844 = arith.constant 4 : i32
      %broadcast_in_dim3A_1845 = vector.broadcast %broadcast_in_dim3A_1844 : i32 to vector<16xi32>
      %gather3A_1846 = tpu.vector_load_idx %arg16[%get3A_1825, %broadcast_in_dim3A_1845] : memref<8x16xf32, #tpu.memory_space<vmem>>[vector<16xi32>, vector<16xi32>], vector<16xf32>,
      %broadcast_in_dim3A_1847 = arith.constant 4 : i32
      %broadcast_in_dim3A_1848 = vector.broadcast %broadcast_in_dim3A_1847 : i32 to vector<16xi32>
      tpu.vector_store_idx %arg18[%add3A_1822, %broadcast_in_dim3A_1848], %gather3A_1846 : memref<512x16xf32, #tpu.memory_space<vmem>>[vector<16xi32>, vector<16xi32>], vector<16xf32>,
      %broadcast_in_dim3A_1849 = arith.constant 5 : i32
      %broadcast_in_dim3A_1850 = vector.broadcast %broadcast_in_dim3A_1849 : i32 to vector<16xi32>
      %gather3A_1851 = tpu.vector_load_idx %arg16[%get3A_1825, %broadcast_in_dim3A_1850] : memref<8x16xf32, #tpu.memory_space<vmem>>[vector<16xi32>, vector<16xi32>], vector<16xf32>,
      %broadcast_in_dim3A_1852 = arith.constant 5 : i32
      %broadcast_in_dim3A_1853 = vector.broadcast %broadcast_in_dim3A_1852 : i32 to vector<16xi32>
      tpu.vector_store_idx %arg18[%add3A_1822, %broadcast_in_dim3A_1853], %gather3A_1851 : memref<512x16xf32, #tpu.memory_space<vmem>>[vector<16xi32>, vector<16xi32>], vector<16xf32>,
      %broadcast_in_dim3A_1854 = arith.constant 6 : i32
      %broadcast_in_dim3A_1855 = vector.broadcast %broadcast_in_dim3A_1854 : i32 to vector<16xi32>
      %gather3A_1856 = tpu.vector_load_idx %arg16[%get3A_1825, %broadcast_in_dim3A_1855] : memref<8x16xf32, #tpu.memory_space<vmem>>[vector<16xi32>, vector<16xi32>], vector<16xf32>,
      %broadcast_in_dim3A_1857 = arith.constant 6 : i32
      %broadcast_in_dim3A_1858 = vector.broadcast %broadcast_in_dim3A_1857 : i32 to vector<16xi32>
      tpu.vector_store_idx %arg18[%add3A_1822, %broadcast_in_dim3A_1858], %gather3A_1856 : memref<512x16xf32, #tpu.memory_space<vmem>>[vector<16xi32>, vector<16xi32>], vector<16xf32>,
      %broadcast_in_dim3A_1859 = arith.constant 7 : i32
      %broadcast_in_dim3A_1860 = vector.broadcast %broadcast_in_dim3A_1859 : i32 to vector<16xi32>
      %gather3A_1861 = tpu.vector_load_idx %arg16[%get3A_1825, %broadcast_in_dim3A_1860] : memref<8x16xf32, #tpu.memory_space<vmem>>[vector<16xi32>, vector<16xi32>], vector<16xf32>,
      %broadcast_in_dim3A_1862 = arith.constant 7 : i32
      %broadcast_in_dim3A_1863 = vector.broadcast %broadcast_in_dim3A_1862 : i32 to vector<16xi32>
      tpu.vector_store_idx %arg18[%add3A_1822, %broadcast_in_dim3A_1863], %gather3A_1861 : memref<512x16xf32, #tpu.memory_space<vmem>>[vector<16xi32>, vector<16xi32>], vector<16xf32>,
      %broadcast_in_dim3A_1864 = arith.constant 8 : i32
      %broadcast_in_dim3A_1865 = vector.broadcast %broadcast_in_dim3A_1864 : i32 to vector<16xi32>
      %gather3A_1866 = tpu.vector_load_idx %arg16[%get3A_1825, %broadcast_in_dim3A_1865] : memref<8x16xf32, #tpu.memory_space<vmem>>[vector<16xi32>, vector<16xi32>], vector<16xf32>,
      %broadcast_in_dim3A_1867 = arith.constant 8 : i32
      %broadcast_in_dim3A_1868 = vector.broadcast %broadcast_in_dim3A_1867 : i32 to vector<16xi32>
      tpu.vector_store_idx %arg18[%add3A_1822, %broadcast_in_dim3A_1868], %gather3A_1866 : memref<512x16xf32, #tpu.memory_space<vmem>>[vector<16xi32>, vector<16xi32>], vector<16xf32>,
      %mul3A_1869 = arith.constant 16 : i32
      %mul3A_1870 = arith.muli %scan3A_1818, %mul3A_1869 : i32
      %get3A_1871 = arith.constant 0 : i32
      %get3A_1872 = arith.index_cast %get3A_1871 : i32 to index
      %get3A_1873 = arith.index_cast %mul3A_1870 : i32 to index
      %get3A_1874 = tpu.vector_load %arg14[%get3A_1872, %get3A_1873] {strides = array<i32>} : memref<16x512xf32, #tpu.memory_space<vmem>>, vector<16xf32>,
      %mul3A_1875 = arith.constant 16 : i32
      %mul3A_1876 = arith.muli %scan3A_1818, %mul3A_1875 : i32
      %get3A_1877 = arith.constant 1 : i32
      %get3A_1878 = arith.index_cast %get3A_1877 : i32 to index
      %get3A_1879 = arith.index_cast %mul3A_1876 : i32 to index
      %get3A_1880 = tpu.vector_load %arg14[%get3A_1878, %get3A_1879] {strides = array<i32>} : memref<16x512xf32, #tpu.memory_space<vmem>>, vector<16xf32>,
      %mul3A_1881 = arith.constant 16 : i32
      %mul3A_1882 = arith.muli %scan3A_1818, %mul3A_1881 : i32
      %get3A_1883 = arith.constant 2 : i32
      %get3A_1884 = arith.index_cast %get3A_1883 : i32 to index
      %get3A_1885 = arith.index_cast %mul3A_1882 : i32 to index
      %get3A_1886 = tpu.vector_load %arg14[%get3A_1884, %get3A_1885] {strides = array<i32>} : memref<16x512xf32, #tpu.memory_space<vmem>>, vector<16xf32>,
      %mul3A_1887 = arith.constant 16 : i32
      %mul3A_1888 = arith.muli %scan3A_1818, %mul3A_1887 : i32
      %get3A_1889 = arith.constant 3 : i32
      %get3A_1890 = arith.index_cast %get3A_1889 : i32 to index
      %get3A_1891 = arith.index_cast %mul3A_1888 : i32 to index
      %get3A_1892 = tpu.vector_load %arg14[%get3A_1890, %get3A_1891] {strides = array<i32>} : memref<16x512xf32, #tpu.memory_space<vmem>>, vector<16xf32>,
      %mul3A_1893 = arith.constant 16 : i32
      %mul3A_1894 = arith.muli %scan3A_1818, %mul3A_1893 : i32
      %get3A_1895 = arith.constant 4 : i32
      %get3A_1896 = arith.index_cast %get3A_1895 : i32 to index
      %get3A_1897 = arith.index_cast %mul3A_1894 : i32 to index
      %get3A_1898 = tpu.vector_load %arg14[%get3A_1896, %get3A_1897] {strides = array<i32>} : memref<16x512xf32, #tpu.memory_space<vmem>>, vector<16xf32>,
      %mul3A_1899 = arith.constant 16 : i32
      %mul3A_1900 = arith.muli %scan3A_1818, %mul3A_1899 : i32
      %get3A_1901 = arith.constant 5 : i32
      %get3A_1902 = arith.index_cast %get3A_1901 : i32 to index
      %get3A_1903 = arith.index_cast %mul3A_1900 : i32 to index
      %get3A_1904 = tpu.vector_load %arg14[%get3A_1902, %get3A_1903] {strides = array<i32>} : memref<16x512xf32, #tpu.memory_space<vmem>>, vector<16xf32>,
      %mul3A_1905 = arith.constant 16 : i32
      %mul3A_1906 = arith.muli %scan3A_1818, %mul3A_1905 : i32
      %get3A_1907 = arith.constant 6 : i32
      %get3A_1908 = arith.index_cast %get3A_1907 : i32 to index
      %get3A_1909 = arith.index_cast %mul3A_1906 : i32 to index
      %get3A_1910 = tpu.vector_load %arg14[%get3A_1908, %get3A_1909] {strides = array<i32>} : memref<16x512xf32, #tpu.memory_space<vmem>>, vector<16xf32>,
      %mul3A_1911 = arith.constant 16 : i32
      %mul3A_1912 = arith.muli %scan3A_1818, %mul3A_1911 : i32
      %get3A_1913 = arith.constant 7 : i32
      %get3A_1914 = arith.index_cast %get3A_1913 : i32 to index
      %get3A_1915 = arith.index_cast %mul3A_1912 : i32 to index
      %get3A_1916 = tpu.vector_load %arg14[%get3A_1914, %get3A_1915] {strides = array<i32>} : memref<16x512xf32, #tpu.memory_space<vmem>>, vector<16xf32>,
      %mul3A_1917 = arith.constant 16 : i32
      %mul3A_1918 = arith.muli %scan3A_1818, %mul3A_1917 : i32
      %get3A_1919 = arith.constant 8 : i32
      %get3A_1920 = arith.index_cast %get3A_1919 : i32 to index
      %get3A_1921 = arith.index_cast %mul3A_1918 : i32 to index
      %get3A_1922 = tpu.vector_load %arg14[%get3A_1920, %get3A_1921] {strides = array<i32>} : memref<16x512xf32, #tpu.memory_space<vmem>>, vector<16xf32>,
      %mul3A_1923 = arith.constant 16 : i32
      %mul3A_1924 = arith.muli %scan3A_1818, %mul3A_1923 : i32
      %get3A_1925 = arith.constant 9 : i32
      %get3A_1926 = arith.index_cast %get3A_1925 : i32 to index
      %get3A_1927 = arith.index_cast %mul3A_1924 : i32 to index
      %get3A_1928 = tpu.vector_load %arg14[%get3A_1926, %get3A_1927] {strides = array<i32>} : memref<16x512xf32, #tpu.memory_space<vmem>>, vector<16xf32>,
      %mul3A_1929 = arith.constant 16 : i32
      %mul3A_1930 = arith.muli %scan3A_1818, %mul3A_1929 : i32
      %get3A_1931 = arith.constant 10 : i32
      %get3A_1932 = arith.index_cast %get3A_1931 : i32 to index
      %get3A_1933 = arith.index_cast %mul3A_1930 : i32 to index
      %get3A_1934 = tpu.vector_load %arg14[%get3A_1932, %get3A_1933] {strides = array<i32>} : memref<16x512xf32, #tpu.memory_space<vmem>>, vector<16xf32>,
      %mul3A_1935 = arith.constant 16 : i32
      %mul3A_1936 = arith.muli %scan3A_1818, %mul3A_1935 : i32
      %get3A_1937 = arith.constant 11 : i32
      %get3A_1938 = arith.index_cast %get3A_1937 : i32 to index
      %get3A_1939 = arith.index_cast %mul3A_1936 : i32 to index
      %get3A_1940 = tpu.vector_load %arg14[%get3A_1938, %get3A_1939] {strides = array<i32>} : memref<16x512xf32, #tpu.memory_space<vmem>>, vector<16xf32>,
      %mul3A_1941 = arith.constant 16 : i32
      %mul3A_1942 = arith.muli %scan3A_1818, %mul3A_1941 : i32
      %get3A_1943 = arith.constant 12 : i32
      %get3A_1944 = arith.index_cast %get3A_1943 : i32 to index
      %get3A_1945 = arith.index_cast %mul3A_1942 : i32 to index
      %get3A_1946 = tpu.vector_load %arg14[%get3A_1944, %get3A_1945] {strides = array<i32>} : memref<16x512xf32, #tpu.memory_space<vmem>>, vector<16xf32>,
      %mul3A_1947 = arith.constant 16 : i32
      %mul3A_1948 = arith.muli %scan3A_1818, %mul3A_1947 : i32
      %get3A_1949 = arith.constant 13 : i32
      %get3A_1950 = arith.index_cast %get3A_1949 : i32 to index
      %get3A_1951 = arith.index_cast %mul3A_1948 : i32 to index
      %get3A_1952 = tpu.vector_load %arg14[%get3A_1950, %get3A_1951] {strides = array<i32>} : memref<16x512xf32, #tpu.memory_space<vmem>>, vector<16xf32>,
      %mul3A_1953 = arith.constant 16 : i32
      %mul3A_1954 = arith.muli %scan3A_1818, %mul3A_1953 : i32
      %get3A_1955 = arith.constant 14 : i32
      %get3A_1956 = arith.index_cast %get3A_1955 : i32 to index
      %get3A_1957 = arith.index_cast %mul3A_1954 : i32 to index
      %get3A_1958 = tpu.vector_load %arg14[%get3A_1956, %get3A_1957] {strides = array<i32>} : memref<16x512xf32, #tpu.memory_space<vmem>>, vector<16xf32>,
      %mul3A_1959 = arith.constant 16 : i32
      %mul3A_1960 = arith.muli %scan3A_1818, %mul3A_1959 : i32
      %get3A_1961 = arith.constant 15 : i32
      %get3A_1962 = arith.index_cast %get3A_1961 : i32 to index
      %get3A_1963 = arith.index_cast %mul3A_1960 : i32 to index
      %get3A_1964 = tpu.vector_load %arg14[%get3A_1962, %get3A_1963] {strides = array<i32>} : memref<16x512xf32, #tpu.memory_space<vmem>>, vector<16xf32>,
      %broadcast_in_dim3A_1965 = arith.constant 0 : i32
      %broadcast_in_dim3A_1966 = vector.broadcast %broadcast_in_dim3A_1965 : i32 to vector<16xi32>
      %gather3A_1967 = tpu.vector_load_idx %arg15[%get3A_1825, %broadcast_in_dim3A_1966] : memref<8x16xf32, #tpu.memory_space<vmem>>[vector<16xi32>, vector<16xi32>], vector<16xf32>,
      %broadcast_in_dim3A_1968 = arith.constant 1 : i32
      %broadcast_in_dim3A_1969 = vector.broadcast %broadcast_in_dim3A_1968 : i32 to vector<16xi32>
      %gather3A_1970 = tpu.vector_load_idx %arg15[%get3A_1825, %broadcast_in_dim3A_1969] : memref<8x16xf32, #tpu.memory_space<vmem>>[vector<16xi32>, vector<16xi32>], vector<16xf32>,
      %broadcast_in_dim3A_1971 = arith.constant 2 : i32
      %broadcast_in_dim3A_1972 = vector.broadcast %broadcast_in_dim3A_1971 : i32 to vector<16xi32>
      %gather3A_1973 = tpu.vector_load_idx %arg15[%get3A_1825, %broadcast_in_dim3A_1972] : memref<8x16xf32, #tpu.memory_space<vmem>>[vector<16xi32>, vector<16xi32>], vector<16xf32>,
      %broadcast_in_dim3A_1974 = arith.constant 3 : i32
      %broadcast_in_dim3A_1975 = vector.broadcast %broadcast_in_dim3A_1974 : i32 to vector<16xi32>
      %gather3A_1976 = tpu.vector_load_idx %arg15[%get3A_1825, %broadcast_in_dim3A_1975] : memref<8x16xf32, #tpu.memory_space<vmem>>[vector<16xi32>, vector<16xi32>], vector<16xf32>,
      %mul3A_1977 = arith.mulf %gather3A_1967, %get3A_1874 : vector<16xf32>
      %mul3A_1978 = arith.mulf %gather3A_1970, %get3A_1898 : vector<16xf32>
      %add3A_1979 = arith.addf %mul3A_1977, %mul3A_1978 : vector<16xf32>
      %mul3A_1980 = arith.mulf %gather3A_1973, %get3A_1922 : vector<16xf32>
      %add3A_1981 = arith.addf %add3A_1979, %mul3A_1980 : vector<16xf32>
      %mul3A_1982 = arith.mulf %gather3A_1976, %get3A_1946 : vector<16xf32>
      %add3A_1983 = arith.addf %add3A_1981, %mul3A_1982 : vector<16xf32>
      %broadcast_in_dim3A_1984 = arith.constant 0 : i32
      %broadcast_in_dim3A_1985 = vector.broadcast %broadcast_in_dim3A_1984 : i32 to vector<16xi32>
      tpu.vector_store_idx %arg17[%add3A_1822, %broadcast_in_dim3A_1985], %add3A_1983 : memref<512x16xf32, #tpu.memory_space<vmem>>[vector<16xi32>, vector<16xi32>], vector<16xf32>,
      %mul3A_1986 = arith.mulf %gather3A_1967, %get3A_1880 : vector<16xf32>
      %mul3A_1987 = arith.mulf %gather3A_1970, %get3A_1904 : vector<16xf32>
      %add3A_1988 = arith.addf %mul3A_1986, %mul3A_1987 : vector<16xf32>
      %mul3A_1989 = arith.mulf %gather3A_1973, %get3A_1928 : vector<16xf32>
      %add3A_1990 = arith.addf %add3A_1988, %mul3A_1989 : vector<16xf32>
      %mul3A_1991 = arith.mulf %gather3A_1976, %get3A_1952 : vector<16xf32>
      %add3A_1992 = arith.addf %add3A_1990, %mul3A_1991 : vector<16xf32>
      %broadcast_in_dim3A_1993 = arith.constant 1 : i32
      %broadcast_in_dim3A_1994 = vector.broadcast %broadcast_in_dim3A_1993 : i32 to vector<16xi32>
      tpu.vector_store_idx %arg17[%add3A_1822, %broadcast_in_dim3A_1994], %add3A_1992 : memref<512x16xf32, #tpu.memory_space<vmem>>[vector<16xi32>, vector<16xi32>], vector<16xf32>,
      %mul3A_1995 = arith.mulf %gather3A_1967, %get3A_1886 : vector<16xf32>
      %mul3A_1996 = arith.mulf %gather3A_1970, %get3A_1910 : vector<16xf32>
      %add3A_1997 = arith.addf %mul3A_1995, %mul3A_1996 : vector<16xf32>
      %mul3A_1998 = arith.mulf %gather3A_1973, %get3A_1934 : vector<16xf32>
      %add3A_1999 = arith.addf %add3A_1997, %mul3A_1998 : vector<16xf32>
      %mul3A_2000 = arith.mulf %gather3A_1976, %get3A_1958 : vector<16xf32>
      %add3A_2001 = arith.addf %add3A_1999, %mul3A_2000 : vector<16xf32>
      %broadcast_in_dim3A_2002 = arith.constant 2 : i32
      %broadcast_in_dim3A_2003 = vector.broadcast %broadcast_in_dim3A_2002 : i32 to vector<16xi32>
      tpu.vector_store_idx %arg17[%add3A_1822, %broadcast_in_dim3A_2003], %add3A_2001 : memref<512x16xf32, #tpu.memory_space<vmem>>[vector<16xi32>, vector<16xi32>], vector<16xf32>,
      %mul3A_2004 = arith.mulf %gather3A_1967, %get3A_1892 : vector<16xf32>
      %mul3A_2005 = arith.mulf %gather3A_1970, %get3A_1916 : vector<16xf32>
      %add3A_2006 = arith.addf %mul3A_2004, %mul3A_2005 : vector<16xf32>
      %mul3A_2007 = arith.mulf %gather3A_1973, %get3A_1940 : vector<16xf32>
      %add3A_2008 = arith.addf %add3A_2006, %mul3A_2007 : vector<16xf32>
      %mul3A_2009 = arith.mulf %gather3A_1976, %get3A_1964 : vector<16xf32>
      %add3A_2010 = arith.addf %add3A_2008, %mul3A_2009 : vector<16xf32>
      %broadcast_in_dim3A_2011 = arith.constant 3 : i32
      %broadcast_in_dim3A_2012 = vector.broadcast %broadcast_in_dim3A_2011 : i32 to vector<16xi32>
      tpu.vector_store_idx %arg17[%add3A_1822, %broadcast_in_dim3A_2012], %add3A_2010 : memref<512x16xf32, #tpu.memory_space<vmem>>[vector<16xi32>, vector<16xi32>], vector<16xf32>,
      %broadcast_in_dim3A_2013 = arith.constant 4 : i32
      %broadcast_in_dim3A_2014 = vector.broadcast %broadcast_in_dim3A_2013 : i32 to vector<16xi32>
      %gather3A_2015 = tpu.vector_load_idx %arg15[%get3A_1825, %broadcast_in_dim3A_2014] : memref<8x16xf32, #tpu.memory_space<vmem>>[vector<16xi32>, vector<16xi32>], vector<16xf32>,
      %broadcast_in_dim3A_2016 = arith.constant 5 : i32
      %broadcast_in_dim3A_2017 = vector.broadcast %broadcast_in_dim3A_2016 : i32 to vector<16xi32>
      %gather3A_2018 = tpu.vector_load_idx %arg15[%get3A_1825, %broadcast_in_dim3A_2017] : memref<8x16xf32, #tpu.memory_space<vmem>>[vector<16xi32>, vector<16xi32>], vector<16xf32>,
      %broadcast_in_dim3A_2019 = arith.constant 6 : i32
      %broadcast_in_dim3A_2020 = vector.broadcast %broadcast_in_dim3A_2019 : i32 to vector<16xi32>
      %gather3A_2021 = tpu.vector_load_idx %arg15[%get3A_1825, %broadcast_in_dim3A_2020] : memref<8x16xf32, #tpu.memory_space<vmem>>[vector<16xi32>, vector<16xi32>], vector<16xf32>,
      %broadcast_in_dim3A_2022 = arith.constant 7 : i32
      %broadcast_in_dim3A_2023 = vector.broadcast %broadcast_in_dim3A_2022 : i32 to vector<16xi32>
      %gather3A_2024 = tpu.vector_load_idx %arg15[%get3A_1825, %broadcast_in_dim3A_2023] : memref<8x16xf32, #tpu.memory_space<vmem>>[vector<16xi32>, vector<16xi32>], vector<16xf32>,
      %mul3A_2025 = arith.mulf %gather3A_2015, %get3A_1874 : vector<16xf32>
      %mul3A_2026 = arith.mulf %gather3A_2018, %get3A_1898 : vector<16xf32>
      %add3A_2027 = arith.addf %mul3A_2025, %mul3A_2026 : vector<16xf32>
      %mul3A_2028 = arith.mulf %gather3A_2021, %get3A_1922 : vector<16xf32>
      %add3A_2029 = arith.addf %add3A_2027, %mul3A_2028 : vector<16xf32>
      %mul3A_2030 = arith.mulf %gather3A_2024, %get3A_1946 : vector<16xf32>
      %add3A_2031 = arith.addf %add3A_2029, %mul3A_2030 : vector<16xf32>
      %broadcast_in_dim3A_2032 = arith.constant 4 : i32
      %broadcast_in_dim3A_2033 = vector.broadcast %broadcast_in_dim3A_2032 : i32 to vector<16xi32>
      tpu.vector_store_idx %arg17[%add3A_1822, %broadcast_in_dim3A_2033], %add3A_2031 : memref<512x16xf32, #tpu.memory_space<vmem>>[vector<16xi32>, vector<16xi32>], vector<16xf32>,
      %mul3A_2034 = arith.mulf %gather3A_2015, %get3A_1880 : vector<16xf32>
      %mul3A_2035 = arith.mulf %gather3A_2018, %get3A_1904 : vector<16xf32>
      %add3A_2036 = arith.addf %mul3A_2034, %mul3A_2035 : vector<16xf32>
      %mul3A_2037 = arith.mulf %gather3A_2021, %get3A_1928 : vector<16xf32>
      %add3A_2038 = arith.addf %add3A_2036, %mul3A_2037 : vector<16xf32>
      %mul3A_2039 = arith.mulf %gather3A_2024, %get3A_1952 : vector<16xf32>
      %add3A_2040 = arith.addf %add3A_2038, %mul3A_2039 : vector<16xf32>
      %broadcast_in_dim3A_2041 = arith.constant 5 : i32
      %broadcast_in_dim3A_2042 = vector.broadcast %broadcast_in_dim3A_2041 : i32 to vector<16xi32>
      tpu.vector_store_idx %arg17[%add3A_1822, %broadcast_in_dim3A_2042], %add3A_2040 : memref<512x16xf32, #tpu.memory_space<vmem>>[vector<16xi32>, vector<16xi32>], vector<16xf32>,
      %mul3A_2043 = arith.mulf %gather3A_2015, %get3A_1886 : vector<16xf32>
      %mul3A_2044 = arith.mulf %gather3A_2018, %get3A_1910 : vector<16xf32>
      %add3A_2045 = arith.addf %mul3A_2043, %mul3A_2044 : vector<16xf32>
      %mul3A_2046 = arith.mulf %gather3A_2021, %get3A_1934 : vector<16xf32>
      %add3A_2047 = arith.addf %add3A_2045, %mul3A_2046 : vector<16xf32>
      %mul3A_2048 = arith.mulf %gather3A_2024, %get3A_1958 : vector<16xf32>
      %add3A_2049 = arith.addf %add3A_2047, %mul3A_2048 : vector<16xf32>
      %broadcast_in_dim3A_2050 = arith.constant 6 : i32
      %broadcast_in_dim3A_2051 = vector.broadcast %broadcast_in_dim3A_2050 : i32 to vector<16xi32>
      tpu.vector_store_idx %arg17[%add3A_1822, %broadcast_in_dim3A_2051], %add3A_2049 : memref<512x16xf32, #tpu.memory_space<vmem>>[vector<16xi32>, vector<16xi32>], vector<16xf32>,
      %mul3A_2052 = arith.mulf %gather3A_2015, %get3A_1892 : vector<16xf32>
      %mul3A_2053 = arith.mulf %gather3A_2018, %get3A_1916 : vector<16xf32>
      %add3A_2054 = arith.addf %mul3A_2052, %mul3A_2053 : vector<16xf32>
      %mul3A_2055 = arith.mulf %gather3A_2021, %get3A_1940 : vector<16xf32>
      %add3A_2056 = arith.addf %add3A_2054, %mul3A_2055 : vector<16xf32>
      %mul3A_2057 = arith.mulf %gather3A_2024, %get3A_1964 : vector<16xf32>
      %add3A_2058 = arith.addf %add3A_2056, %mul3A_2057 : vector<16xf32>
      %broadcast_in_dim3A_2059 = arith.constant 7 : i32
      %broadcast_in_dim3A_2060 = vector.broadcast %broadcast_in_dim3A_2059 : i32 to vector<16xi32>
      tpu.vector_store_idx %arg17[%add3A_1822, %broadcast_in_dim3A_2060], %add3A_2058 : memref<512x16xf32, #tpu.memory_space<vmem>>[vector<16xi32>, vector<16xi32>], vector<16xf32>,
      %broadcast_in_dim3A_2061 = arith.constant 8 : i32
      %broadcast_in_dim3A_2062 = vector.broadcast %broadcast_in_dim3A_2061 : i32 to vector<16xi32>
      %gather3A_2063 = tpu.vector_load_idx %arg15[%get3A_1825, %broadcast_in_dim3A_2062] : memref<8x16xf32, #tpu.memory_space<vmem>>[vector<16xi32>, vector<16xi32>], vector<16xf32>,
      %broadcast_in_dim3A_2064 = arith.constant 9 : i32
      %broadcast_in_dim3A_2065 = vector.broadcast %broadcast_in_dim3A_2064 : i32 to vector<16xi32>
      %gather3A_2066 = tpu.vector_load_idx %arg15[%get3A_1825, %broadcast_in_dim3A_2065] : memref<8x16xf32, #tpu.memory_space<vmem>>[vector<16xi32>, vector<16xi32>], vector<16xf32>,
      %broadcast_in_dim3A_2067 = arith.constant 10 : i32
      %broadcast_in_dim3A_2068 = vector.broadcast %broadcast_in_dim3A_2067 : i32 to vector<16xi32>
      %gather3A_2069 = tpu.vector_load_idx %arg15[%get3A_1825, %broadcast_in_dim3A_2068] : memref<8x16xf32, #tpu.memory_space<vmem>>[vector<16xi32>, vector<16xi32>], vector<16xf32>,
      %broadcast_in_dim3A_2070 = arith.constant 11 : i32
      %broadcast_in_dim3A_2071 = vector.broadcast %broadcast_in_dim3A_2070 : i32 to vector<16xi32>
      %gather3A_2072 = tpu.vector_load_idx %arg15[%get3A_1825, %broadcast_in_dim3A_2071] : memref<8x16xf32, #tpu.memory_space<vmem>>[vector<16xi32>, vector<16xi32>], vector<16xf32>,
      %mul3A_2073 = arith.mulf %gather3A_2063, %get3A_1874 : vector<16xf32>
      %mul3A_2074 = arith.mulf %gather3A_2066, %get3A_1898 : vector<16xf32>
      %add3A_2075 = arith.addf %mul3A_2073, %mul3A_2074 : vector<16xf32>
      %mul3A_2076 = arith.mulf %gather3A_2069, %get3A_1922 : vector<16xf32>
      %add3A_2077 = arith.addf %add3A_2075, %mul3A_2076 : vector<16xf32>
      %mul3A_2078 = arith.mulf %gather3A_2072, %get3A_1946 : vector<16xf32>
      %add3A_2079 = arith.addf %add3A_2077, %mul3A_2078 : vector<16xf32>
      %broadcast_in_dim3A_2080 = arith.constant 8 : i32
      %broadcast_in_dim3A_2081 = vector.broadcast %broadcast_in_dim3A_2080 : i32 to vector<16xi32>
      tpu.vector_store_idx %arg17[%add3A_1822, %broadcast_in_dim3A_2081], %add3A_2079 : memref<512x16xf32, #tpu.memory_space<vmem>>[vector<16xi32>, vector<16xi32>], vector<16xf32>,
      %mul3A_2082 = arith.mulf %gather3A_2063, %get3A_1880 : vector<16xf32>
      %mul3A_2083 = arith.mulf %gather3A_2066, %get3A_1904 : vector<16xf32>
      %add3A_2084 = arith.addf %mul3A_2082, %mul3A_2083 : vector<16xf32>
      %mul3A_2085 = arith.mulf %gather3A_2069, %get3A_1928 : vector<16xf32>
      %add3A_2086 = arith.addf %add3A_2084, %mul3A_2085 : vector<16xf32>
      %mul3A_2087 = arith.mulf %gather3A_2072, %get3A_1952 : vector<16xf32>
      %add3A_2088 = arith.addf %add3A_2086, %mul3A_2087 : vector<16xf32>
      %broadcast_in_dim3A_2089 = arith.constant 9 : i32
      %broadcast_in_dim3A_2090 = vector.broadcast %broadcast_in_dim3A_2089 : i32 to vector<16xi32>
      tpu.vector_store_idx %arg17[%add3A_1822, %broadcast_in_dim3A_2090], %add3A_2088 : memref<512x16xf32, #tpu.memory_space<vmem>>[vector<16xi32>, vector<16xi32>], vector<16xf32>,
      %mul3A_2091 = arith.mulf %gather3A_2063, %get3A_1886 : vector<16xf32>
      %mul3A_2092 = arith.mulf %gather3A_2066, %get3A_1910 : vector<16xf32>
      %add3A_2093 = arith.addf %mul3A_2091, %mul3A_2092 : vector<16xf32>
      %mul3A_2094 = arith.mulf %gather3A_2069, %get3A_1934 : vector<16xf32>
      %add3A_2095 = arith.addf %add3A_2093, %mul3A_2094 : vector<16xf32>
      %mul3A_2096 = arith.mulf %gather3A_2072, %get3A_1958 : vector<16xf32>
      %add3A_2097 = arith.addf %add3A_2095, %mul3A_2096 : vector<16xf32>
      %broadcast_in_dim3A_2098 = arith.constant 10 : i32
      %broadcast_in_dim3A_2099 = vector.broadcast %broadcast_in_dim3A_2098 : i32 to vector<16xi32>
      tpu.vector_store_idx %arg17[%add3A_1822, %broadcast_in_dim3A_2099], %add3A_2097 : memref<512x16xf32, #tpu.memory_space<vmem>>[vector<16xi32>, vector<16xi32>], vector<16xf32>,
      %mul3A_2100 = arith.mulf %gather3A_2063, %get3A_1892 : vector<16xf32>
      %mul3A_2101 = arith.mulf %gather3A_2066, %get3A_1916 : vector<16xf32>
      %add3A_2102 = arith.addf %mul3A_2100, %mul3A_2101 : vector<16xf32>
      %mul3A_2103 = arith.mulf %gather3A_2069, %get3A_1940 : vector<16xf32>
      %add3A_2104 = arith.addf %add3A_2102, %mul3A_2103 : vector<16xf32>
      %mul3A_2105 = arith.mulf %gather3A_2072, %get3A_1964 : vector<16xf32>
      %add3A_2106 = arith.addf %add3A_2104, %mul3A_2105 : vector<16xf32>
      %broadcast_in_dim3A_2107 = arith.constant 11 : i32
      %broadcast_in_dim3A_2108 = vector.broadcast %broadcast_in_dim3A_2107 : i32 to vector<16xi32>
      tpu.vector_store_idx %arg17[%add3A_1822, %broadcast_in_dim3A_2108], %add3A_2106 : memref<512x16xf32, #tpu.memory_space<vmem>>[vector<16xi32>, vector<16xi32>], vector<16xf32>,
      %broadcast_in_dim3A_2109 = arith.constant 12 : i32
      %broadcast_in_dim3A_2110 = vector.broadcast %broadcast_in_dim3A_2109 : i32 to vector<16xi32>
      %gather3A_2111 = tpu.vector_load_idx %arg15[%get3A_1825, %broadcast_in_dim3A_2110] : memref<8x16xf32, #tpu.memory_space<vmem>>[vector<16xi32>, vector<16xi32>], vector<16xf32>,
      %broadcast_in_dim3A_2112 = arith.constant 13 : i32
      %broadcast_in_dim3A_2113 = vector.broadcast %broadcast_in_dim3A_2112 : i32 to vector<16xi32>
      %gather3A_2114 = tpu.vector_load_idx %arg15[%get3A_1825, %broadcast_in_dim3A_2113] : memref<8x16xf32, #tpu.memory_space<vmem>>[vector<16xi32>, vector<16xi32>], vector<16xf32>,
      %broadcast_in_dim3A_2115 = arith.constant 14 : i32
      %broadcast_in_dim3A_2116 = vector.broadcast %broadcast_in_dim3A_2115 : i32 to vector<16xi32>
      %gather3A_2117 = tpu.vector_load_idx %arg15[%get3A_1825, %broadcast_in_dim3A_2116] : memref<8x16xf32, #tpu.memory_space<vmem>>[vector<16xi32>, vector<16xi32>], vector<16xf32>,
      %broadcast_in_dim3A_2118 = arith.constant 15 : i32
      %broadcast_in_dim3A_2119 = vector.broadcast %broadcast_in_dim3A_2118 : i32 to vector<16xi32>
      %gather3A_2120 = tpu.vector_load_idx %arg15[%get3A_1825, %broadcast_in_dim3A_2119] : memref<8x16xf32, #tpu.memory_space<vmem>>[vector<16xi32>, vector<16xi32>], vector<16xf32>,
      %mul3A_2121 = arith.mulf %gather3A_2111, %get3A_1874 : vector<16xf32>
      %mul3A_2122 = arith.mulf %gather3A_2114, %get3A_1898 : vector<16xf32>
      %add3A_2123 = arith.addf %mul3A_2121, %mul3A_2122 : vector<16xf32>
      %mul3A_2124 = arith.mulf %gather3A_2117, %get3A_1922 : vector<16xf32>
      %add3A_2125 = arith.addf %add3A_2123, %mul3A_2124 : vector<16xf32>
      %mul3A_2126 = arith.mulf %gather3A_2120, %get3A_1946 : vector<16xf32>
      %add3A_2127 = arith.addf %add3A_2125, %mul3A_2126 : vector<16xf32>
      %broadcast_in_dim3A_2128 = arith.constant 12 : i32
      %broadcast_in_dim3A_2129 = vector.broadcast %broadcast_in_dim3A_2128 : i32 to vector<16xi32>
      tpu.vector_store_idx %arg17[%add3A_1822, %broadcast_in_dim3A_2129], %add3A_2127 : memref<512x16xf32, #tpu.memory_space<vmem>>[vector<16xi32>, vector<16xi32>], vector<16xf32>,
      %mul3A_2130 = arith.mulf %gather3A_2111, %get3A_1880 : vector<16xf32>
      %mul3A_2131 = arith.mulf %gather3A_2114, %get3A_1904 : vector<16xf32>
      %add3A_2132 = arith.addf %mul3A_2130, %mul3A_2131 : vector<16xf32>
      %mul3A_2133 = arith.mulf %gather3A_2117, %get3A_1928 : vector<16xf32>
      %add3A_2134 = arith.addf %add3A_2132, %mul3A_2133 : vector<16xf32>
      %mul3A_2135 = arith.mulf %gather3A_2120, %get3A_1952 : vector<16xf32>
      %add3A_2136 = arith.addf %add3A_2134, %mul3A_2135 : vector<16xf32>
      %broadcast_in_dim3A_2137 = arith.constant 13 : i32
      %broadcast_in_dim3A_2138 = vector.broadcast %broadcast_in_dim3A_2137 : i32 to vector<16xi32>
      tpu.vector_store_idx %arg17[%add3A_1822, %broadcast_in_dim3A_2138], %add3A_2136 : memref<512x16xf32, #tpu.memory_space<vmem>>[vector<16xi32>, vector<16xi32>], vector<16xf32>,
      %mul3A_2139 = arith.mulf %gather3A_2111, %get3A_1886 : vector<16xf32>
      %mul3A_2140 = arith.mulf %gather3A_2114, %get3A_1910 : vector<16xf32>
      %add3A_2141 = arith.addf %mul3A_2139, %mul3A_2140 : vector<16xf32>
      %mul3A_2142 = arith.mulf %gather3A_2117, %get3A_1934 : vector<16xf32>
      %add3A_2143 = arith.addf %add3A_2141, %mul3A_2142 : vector<16xf32>
      %mul3A_2144 = arith.mulf %gather3A_2120, %get3A_1958 : vector<16xf32>
      %add3A_2145 = arith.addf %add3A_2143, %mul3A_2144 : vector<16xf32>
      %broadcast_in_dim3A_2146 = arith.constant 14 : i32
      %broadcast_in_dim3A_2147 = vector.broadcast %broadcast_in_dim3A_2146 : i32 to vector<16xi32>
      tpu.vector_store_idx %arg17[%add3A_1822, %broadcast_in_dim3A_2147], %add3A_2145 : memref<512x16xf32, #tpu.memory_space<vmem>>[vector<16xi32>, vector<16xi32>], vector<16xf32>,
      %mul3A_2148 = arith.mulf %gather3A_2111, %get3A_1892 : vector<16xf32>
      %mul3A_2149 = arith.mulf %gather3A_2114, %get3A_1916 : vector<16xf32>
      %add3A_2150 = arith.addf %mul3A_2148, %mul3A_2149 : vector<16xf32>
      %mul3A_2151 = arith.mulf %gather3A_2117, %get3A_1940 : vector<16xf32>
      %add3A_2152 = arith.addf %add3A_2150, %mul3A_2151 : vector<16xf32>
      %mul3A_2153 = arith.mulf %gather3A_2120, %get3A_1964 : vector<16xf32>
      %add3A_2154 = arith.addf %add3A_2152, %mul3A_2153 : vector<16xf32>
      %broadcast_in_dim3A_2155 = arith.constant 15 : i32
      %broadcast_in_dim3A_2156 = vector.broadcast %broadcast_in_dim3A_2155 : i32 to vector<16xi32>
      tpu.vector_store_idx %arg17[%add3A_1822, %broadcast_in_dim3A_2156], %add3A_2154 : memref<512x16xf32, #tpu.memory_space<vmem>>[vector<16xi32>, vector<16xi32>], vector<16xf32>,
    }
    %scan3A_1357 = arith.constant 8 : i32
    %dma_wait3A_1358 = arith.constant 0 : i32
    %dma_wait3A_1359 = arith.constant 2 : i32
    %dma_wait3A_1360 = arith.constant 0 : i32
    %dma_wait3A_1361 = arith.constant 256 : i32
    %dma_wait3A_1362 = tpu.memref_slice %arg14[%dma_wait3A_1360, %dma_wait3A_1361] : memref<16x512xf32, #tpu.memory_space<vmem>> -> memref<1x128xf32, #tpu.memory_space<vmem>>
    %dma_wait3A_1363 = tpu.memref_squeeze %dma_wait3A_1362 : memref<1x128xf32, #tpu.memory_space<vmem>> -> memref<128xf32, #tpu.memory_space<vmem>>
    %dma_wait3A_1364 = arith.constant 0 : i32
    %dma_wait3A_1365 = tpu.memref_slice %arg12[%dma_wait3A_1359, %dma_wait3A_1364] : memref<4x128xi32, #tpu.memory_space<vmem>> -> memref<1x128xi32, #tpu.memory_space<vmem>>
    %dma_wait3A_1366 = tpu.memref_squeeze %dma_wait3A_1365 : memref<1x128xi32, #tpu.memory_space<vmem>> -> memref<128xi32, #tpu.memory_space<vmem>>
    %dma_wait3A_1367 = arith.constant 0 : i32
    %dma_wait3A_1368 = tpu.memref_slice %arg4[%dma_wait3A_1358, %dma_wait3A_1367] : memref<4x1000000xf32, #tpu.memory_space<hbm>> -> memref<1x1000000xf32, #tpu.memory_space<hbm>>
    %dma_wait3A_1369 = tpu.memref_squeeze %dma_wait3A_1368 : memref<1x1000000xf32, #tpu.memory_space<hbm>> -> memref<1000000xf32, #tpu.memory_space<hbm>>
    %dma_wait3A_1370 = arith.constant 0 : i32
    %dma_wait3A_1371 = tpu.memref_slice %dma_wait3A_1369[%dma_wait3A_1370] : memref<1000000xf32, #tpu.memory_space<hbm>> -> memref<1000000xf32, #tpu.memory_space<hbm>>
    tpu.wait_indirect_dma semaphore(%arg21 : memref<!tpu.dma_semaphore, #tpu.memory_space<semaphore_mem>>) src(%dma_wait3A_1371 : memref<1000000xf32, #tpu.memory_space<hbm>>) dst(%dma_wait3A_1363 : memref<128xf32, #tpu.memory_space<vmem>>)
    %dma_wait3A_1372 = arith.constant 1 : i32
    %dma_wait3A_1373 = arith.constant 2 : i32
    %dma_wait3A_1374 = arith.constant 1 : i32
    %dma_wait3A_1375 = arith.constant 256 : i32
    %dma_wait3A_1376 = tpu.memref_slice %arg14[%dma_wait3A_1374, %dma_wait3A_1375] : memref<16x512xf32, #tpu.memory_space<vmem>> -> memref<1x128xf32, #tpu.memory_space<vmem>>
    %dma_wait3A_1377 = tpu.memref_squeeze %dma_wait3A_1376 : memref<1x128xf32, #tpu.memory_space<vmem>> -> memref<128xf32, #tpu.memory_space<vmem>>
    %dma_wait3A_1378 = arith.constant 0 : i32
    %dma_wait3A_1379 = tpu.memref_slice %arg12[%dma_wait3A_1373, %dma_wait3A_1378] : memref<4x128xi32, #tpu.memory_space<vmem>> -> memref<1x128xi32, #tpu.memory_space<vmem>>
    %dma_wait3A_1380 = tpu.memref_squeeze %dma_wait3A_1379 : memref<1x128xi32, #tpu.memory_space<vmem>> -> memref<128xi32, #tpu.memory_space<vmem>>
    %dma_wait3A_1381 = arith.constant 0 : i32
    %dma_wait3A_1382 = tpu.memref_slice %arg4[%dma_wait3A_1372, %dma_wait3A_1381] : memref<4x1000000xf32, #tpu.memory_space<hbm>> -> memref<1x1000000xf32, #tpu.memory_space<hbm>>
    %dma_wait3A_1383 = tpu.memref_squeeze %dma_wait3A_1382 : memref<1x1000000xf32, #tpu.memory_space<hbm>> -> memref<1000000xf32, #tpu.memory_space<hbm>>
    %dma_wait3A_1384 = arith.constant 0 : i32
    %dma_wait3A_1385 = tpu.memref_slice %dma_wait3A_1383[%dma_wait3A_1384] : memref<1000000xf32, #tpu.memory_space<hbm>> -> memref<1000000xf32, #tpu.memory_space<hbm>>
    tpu.wait_indirect_dma semaphore(%arg21 : memref<!tpu.dma_semaphore, #tpu.memory_space<semaphore_mem>>) src(%dma_wait3A_1385 : memref<1000000xf32, #tpu.memory_space<hbm>>) dst(%dma_wait3A_1377 : memref<128xf32, #tpu.memory_space<vmem>>)
    %dma_wait3A_1386 = arith.constant 2 : i32
    %dma_wait3A_1387 = arith.constant 2 : i32
    %dma_wait3A_1388 = arith.constant 2 : i32
    %dma_wait3A_1389 = arith.constant 256 : i32
    %dma_wait3A_1390 = tpu.memref_slice %arg14[%dma_wait3A_1388, %dma_wait3A_1389] : memref<16x512xf32, #tpu.memory_space<vmem>> -> memref<1x128xf32, #tpu.memory_space<vmem>>
    %dma_wait3A_1391 = tpu.memref_squeeze %dma_wait3A_1390 : memref<1x128xf32, #tpu.memory_space<vmem>> -> memref<128xf32, #tpu.memory_space<vmem>>
    %dma_wait3A_1392 = arith.constant 0 : i32
    %dma_wait3A_1393 = tpu.memref_slice %arg12[%dma_wait3A_1387, %dma_wait3A_1392] : memref<4x128xi32, #tpu.memory_space<vmem>> -> memref<1x128xi32, #tpu.memory_space<vmem>>
    %dma_wait3A_1394 = tpu.memref_squeeze %dma_wait3A_1393 : memref<1x128xi32, #tpu.memory_space<vmem>> -> memref<128xi32, #tpu.memory_space<vmem>>
    %dma_wait3A_1395 = arith.constant 0 : i32
    %dma_wait3A_1396 = tpu.memref_slice %arg4[%dma_wait3A_1386, %dma_wait3A_1395] : memref<4x1000000xf32, #tpu.memory_space<hbm>> -> memref<1x1000000xf32, #tpu.memory_space<hbm>>
    %dma_wait3A_1397 = tpu.memref_squeeze %dma_wait3A_1396 : memref<1x1000000xf32, #tpu.memory_space<hbm>> -> memref<1000000xf32, #tpu.memory_space<hbm>>
    %dma_wait3A_1398 = arith.constant 0 : i32
    %dma_wait3A_1399 = tpu.memref_slice %dma_wait3A_1397[%dma_wait3A_1398] : memref<1000000xf32, #tpu.memory_space<hbm>> -> memref<1000000xf32, #tpu.memory_space<hbm>>
    tpu.wait_indirect_dma semaphore(%arg21 : memref<!tpu.dma_semaphore, #tpu.memory_space<semaphore_mem>>) src(%dma_wait3A_1399 : memref<1000000xf32, #tpu.memory_space<hbm>>) dst(%dma_wait3A_1391 : memref<128xf32, #tpu.memory_space<vmem>>)
    %dma_wait3A_1400 = arith.constant 3 : i32
    %dma_wait3A_1401 = arith.constant 2 : i32
    %dma_wait3A_1402 = arith.constant 3 : i32
    %dma_wait3A_1403 = arith.constant 256 : i32
    %dma_wait3A_1404 = tpu.memref_slice %arg14[%dma_wait3A_1402, %dma_wait3A_1403] : memref<16x512xf32, #tpu.memory_space<vmem>> -> memref<1x128xf32, #tpu.memory_space<vmem>>
    %dma_wait3A_1405 = tpu.memref_squeeze %dma_wait3A_1404 : memref<1x128xf32, #tpu.memory_space<vmem>> -> memref<128xf32, #tpu.memory_space<vmem>>
    %dma_wait3A_1406 = arith.constant 0 : i32
    %dma_wait3A_1407 = tpu.memref_slice %arg12[%dma_wait3A_1401, %dma_wait3A_1406] : memref<4x128xi32, #tpu.memory_space<vmem>> -> memref<1x128xi32, #tpu.memory_space<vmem>>
    %dma_wait3A_1408 = tpu.memref_squeeze %dma_wait3A_1407 : memref<1x128xi32, #tpu.memory_space<vmem>> -> memref<128xi32, #tpu.memory_space<vmem>>
    %dma_wait3A_1409 = arith.constant 0 : i32
    %dma_wait3A_1410 = tpu.memref_slice %arg4[%dma_wait3A_1400, %dma_wait3A_1409] : memref<4x1000000xf32, #tpu.memory_space<hbm>> -> memref<1x1000000xf32, #tpu.memory_space<hbm>>
    %dma_wait3A_1411 = tpu.memref_squeeze %dma_wait3A_1410 : memref<1x1000000xf32, #tpu.memory_space<hbm>> -> memref<1000000xf32, #tpu.memory_space<hbm>>
    %dma_wait3A_1412 = arith.constant 0 : i32
    %dma_wait3A_1413 = tpu.memref_slice %dma_wait3A_1411[%dma_wait3A_1412] : memref<1000000xf32, #tpu.memory_space<hbm>> -> memref<1000000xf32, #tpu.memory_space<hbm>>
    tpu.wait_indirect_dma semaphore(%arg21 : memref<!tpu.dma_semaphore, #tpu.memory_space<semaphore_mem>>) src(%dma_wait3A_1413 : memref<1000000xf32, #tpu.memory_space<hbm>>) dst(%dma_wait3A_1405 : memref<128xf32, #tpu.memory_space<vmem>>)
    %dma_wait3A_1414 = arith.constant 0 : i32
    %dma_wait3A_1415 = arith.constant 2 : i32
    %dma_wait3A_1416 = arith.constant 4 : i32
    %dma_wait3A_1417 = arith.constant 256 : i32
    %dma_wait3A_1418 = tpu.memref_slice %arg14[%dma_wait3A_1416, %dma_wait3A_1417] : memref<16x512xf32, #tpu.memory_space<vmem>> -> memref<1x128xf32, #tpu.memory_space<vmem>>
    %dma_wait3A_1419 = tpu.memref_squeeze %dma_wait3A_1418 : memref<1x128xf32, #tpu.memory_space<vmem>> -> memref<128xf32, #tpu.memory_space<vmem>>
    %dma_wait3A_1420 = arith.constant 0 : i32
    %dma_wait3A_1421 = tpu.memref_slice %arg12[%dma_wait3A_1415, %dma_wait3A_1420] : memref<4x128xi32, #tpu.memory_space<vmem>> -> memref<1x128xi32, #tpu.memory_space<vmem>>
    %dma_wait3A_1422 = tpu.memref_squeeze %dma_wait3A_1421 : memref<1x128xi32, #tpu.memory_space<vmem>> -> memref<128xi32, #tpu.memory_space<vmem>>
    %dma_wait3A_1423 = arith.constant 0 : i32
    %dma_wait3A_1424 = tpu.memref_slice %arg5[%dma_wait3A_1414, %dma_wait3A_1423] : memref<4x1000000xf32, #tpu.memory_space<hbm>> -> memref<1x1000000xf32, #tpu.memory_space<hbm>>
    %dma_wait3A_1425 = tpu.memref_squeeze %dma_wait3A_1424 : memref<1x1000000xf32, #tpu.memory_space<hbm>> -> memref<1000000xf32, #tpu.memory_space<hbm>>
    %dma_wait3A_1426 = arith.constant 0 : i32
    %dma_wait3A_1427 = tpu.memref_slice %dma_wait3A_1425[%dma_wait3A_1426] : memref<1000000xf32, #tpu.memory_space<hbm>> -> memref<1000000xf32, #tpu.memory_space<hbm>>
    tpu.wait_indirect_dma semaphore(%arg21 : memref<!tpu.dma_semaphore, #tpu.memory_space<semaphore_mem>>) src(%dma_wait3A_1427 : memref<1000000xf32, #tpu.memory_space<hbm>>) dst(%dma_wait3A_1419 : memref<128xf32, #tpu.memory_space<vmem>>)
    %dma_wait3A_1428 = arith.constant 1 : i32
    %dma_wait3A_1429 = arith.constant 2 : i32
    %dma_wait3A_1430 = arith.constant 5 : i32
    %dma_wait3A_1431 = arith.constant 256 : i32
    %dma_wait3A_1432 = tpu.memref_slice %arg14[%dma_wait3A_1430, %dma_wait3A_1431] : memref<16x512xf32, #tpu.memory_space<vmem>> -> memref<1x128xf32, #tpu.memory_space<vmem>>
    %dma_wait3A_1433 = tpu.memref_squeeze %dma_wait3A_1432 : memref<1x128xf32, #tpu.memory_space<vmem>> -> memref<128xf32, #tpu.memory_space<vmem>>
    %dma_wait3A_1434 = arith.constant 0 : i32
    %dma_wait3A_1435 = tpu.memref_slice %arg12[%dma_wait3A_1429, %dma_wait3A_1434] : memref<4x128xi32, #tpu.memory_space<vmem>> -> memref<1x128xi32, #tpu.memory_space<vmem>>
    %dma_wait3A_1436 = tpu.memref_squeeze %dma_wait3A_1435 : memref<1x128xi32, #tpu.memory_space<vmem>> -> memref<128xi32, #tpu.memory_space<vmem>>
    %dma_wait3A_1437 = arith.constant 0 : i32
    %dma_wait3A_1438 = tpu.memref_slice %arg5[%dma_wait3A_1428, %dma_wait3A_1437] : memref<4x1000000xf32, #tpu.memory_space<hbm>> -> memref<1x1000000xf32, #tpu.memory_space<hbm>>
    %dma_wait3A_1439 = tpu.memref_squeeze %dma_wait3A_1438 : memref<1x1000000xf32, #tpu.memory_space<hbm>> -> memref<1000000xf32, #tpu.memory_space<hbm>>
    %dma_wait3A_1440 = arith.constant 0 : i32
    %dma_wait3A_1441 = tpu.memref_slice %dma_wait3A_1439[%dma_wait3A_1440] : memref<1000000xf32, #tpu.memory_space<hbm>> -> memref<1000000xf32, #tpu.memory_space<hbm>>
    tpu.wait_indirect_dma semaphore(%arg21 : memref<!tpu.dma_semaphore, #tpu.memory_space<semaphore_mem>>) src(%dma_wait3A_1441 : memref<1000000xf32, #tpu.memory_space<hbm>>) dst(%dma_wait3A_1433 : memref<128xf32, #tpu.memory_space<vmem>>)
    %dma_wait3A_1442 = arith.constant 2 : i32
    %dma_wait3A_1443 = arith.constant 2 : i32
    %dma_wait3A_1444 = arith.constant 6 : i32
    %dma_wait3A_1445 = arith.constant 256 : i32
    %dma_wait3A_1446 = tpu.memref_slice %arg14[%dma_wait3A_1444, %dma_wait3A_1445] : memref<16x512xf32, #tpu.memory_space<vmem>> -> memref<1x128xf32, #tpu.memory_space<vmem>>
    %dma_wait3A_1447 = tpu.memref_squeeze %dma_wait3A_1446 : memref<1x128xf32, #tpu.memory_space<vmem>> -> memref<128xf32, #tpu.memory_space<vmem>>
    %dma_wait3A_1448 = arith.constant 0 : i32
    %dma_wait3A_1449 = tpu.memref_slice %arg12[%dma_wait3A_1443, %dma_wait3A_1448] : memref<4x128xi32, #tpu.memory_space<vmem>> -> memref<1x128xi32, #tpu.memory_space<vmem>>
    %dma_wait3A_1450 = tpu.memref_squeeze %dma_wait3A_1449 : memref<1x128xi32, #tpu.memory_space<vmem>> -> memref<128xi32, #tpu.memory_space<vmem>>
    %dma_wait3A_1451 = arith.constant 0 : i32
    %dma_wait3A_1452 = tpu.memref_slice %arg5[%dma_wait3A_1442, %dma_wait3A_1451] : memref<4x1000000xf32, #tpu.memory_space<hbm>> -> memref<1x1000000xf32, #tpu.memory_space<hbm>>
    %dma_wait3A_1453 = tpu.memref_squeeze %dma_wait3A_1452 : memref<1x1000000xf32, #tpu.memory_space<hbm>> -> memref<1000000xf32, #tpu.memory_space<hbm>>
    %dma_wait3A_1454 = arith.constant 0 : i32
    %dma_wait3A_1455 = tpu.memref_slice %dma_wait3A_1453[%dma_wait3A_1454] : memref<1000000xf32, #tpu.memory_space<hbm>> -> memref<1000000xf32, #tpu.memory_space<hbm>>
    tpu.wait_indirect_dma semaphore(%arg21 : memref<!tpu.dma_semaphore, #tpu.memory_space<semaphore_mem>>) src(%dma_wait3A_1455 : memref<1000000xf32, #tpu.memory_space<hbm>>) dst(%dma_wait3A_1447 : memref<128xf32, #tpu.memory_space<vmem>>)
    %dma_wait3A_1456 = arith.constant 3 : i32
    %dma_wait3A_1457 = arith.constant 2 : i32
    %dma_wait3A_1458 = arith.constant 7 : i32
    %dma_wait3A_1459 = arith.constant 256 : i32
    %dma_wait3A_1460 = tpu.memref_slice %arg14[%dma_wait3A_1458, %dma_wait3A_1459] : memref<16x512xf32, #tpu.memory_space<vmem>> -> memref<1x128xf32, #tpu.memory_space<vmem>>
    %dma_wait3A_1461 = tpu.memref_squeeze %dma_wait3A_1460 : memref<1x128xf32, #tpu.memory_space<vmem>> -> memref<128xf32, #tpu.memory_space<vmem>>
    %dma_wait3A_1462 = arith.constant 0 : i32
    %dma_wait3A_1463 = tpu.memref_slice %arg12[%dma_wait3A_1457, %dma_wait3A_1462] : memref<4x128xi32, #tpu.memory_space<vmem>> -> memref<1x128xi32, #tpu.memory_space<vmem>>
    %dma_wait3A_1464 = tpu.memref_squeeze %dma_wait3A_1463 : memref<1x128xi32, #tpu.memory_space<vmem>> -> memref<128xi32, #tpu.memory_space<vmem>>
    %dma_wait3A_1465 = arith.constant 0 : i32
    %dma_wait3A_1466 = tpu.memref_slice %arg5[%dma_wait3A_1456, %dma_wait3A_1465] : memref<4x1000000xf32, #tpu.memory_space<hbm>> -> memref<1x1000000xf32, #tpu.memory_space<hbm>>
    %dma_wait3A_1467 = tpu.memref_squeeze %dma_wait3A_1466 : memref<1x1000000xf32, #tpu.memory_space<hbm>> -> memref<1000000xf32, #tpu.memory_space<hbm>>
    %dma_wait3A_1468 = arith.constant 0 : i32
    %dma_wait3A_1469 = tpu.memref_slice %dma_wait3A_1467[%dma_wait3A_1468] : memref<1000000xf32, #tpu.memory_space<hbm>> -> memref<1000000xf32, #tpu.memory_space<hbm>>
    tpu.wait_indirect_dma semaphore(%arg21 : memref<!tpu.dma_semaphore, #tpu.memory_space<semaphore_mem>>) src(%dma_wait3A_1469 : memref<1000000xf32, #tpu.memory_space<hbm>>) dst(%dma_wait3A_1461 : memref<128xf32, #tpu.memory_space<vmem>>)
    %dma_wait3A_1470 = arith.constant 0 : i32
    %dma_wait3A_1471 = arith.constant 2 : i32
    %dma_wait3A_1472 = arith.constant 8 : i32
    %dma_wait3A_1473 = arith.constant 256 : i32
    %dma_wait3A_1474 = tpu.memref_slice %arg14[%dma_wait3A_1472, %dma_wait3A_1473] : memref<16x512xf32, #tpu.memory_space<vmem>> -> memref<1x128xf32, #tpu.memory_space<vmem>>
    %dma_wait3A_1475 = tpu.memref_squeeze %dma_wait3A_1474 : memref<1x128xf32, #tpu.memory_space<vmem>> -> memref<128xf32, #tpu.memory_space<vmem>>
    %dma_wait3A_1476 = arith.constant 0 : i32
    %dma_wait3A_1477 = tpu.memref_slice %arg12[%dma_wait3A_1471, %dma_wait3A_1476] : memref<4x128xi32, #tpu.memory_space<vmem>> -> memref<1x128xi32, #tpu.memory_space<vmem>>
    %dma_wait3A_1478 = tpu.memref_squeeze %dma_wait3A_1477 : memref<1x128xi32, #tpu.memory_space<vmem>> -> memref<128xi32, #tpu.memory_space<vmem>>
    %dma_wait3A_1479 = arith.constant 0 : i32
    %dma_wait3A_1480 = tpu.memref_slice %arg6[%dma_wait3A_1470, %dma_wait3A_1479] : memref<4x1000000xf32, #tpu.memory_space<hbm>> -> memref<1x1000000xf32, #tpu.memory_space<hbm>>
    %dma_wait3A_1481 = tpu.memref_squeeze %dma_wait3A_1480 : memref<1x1000000xf32, #tpu.memory_space<hbm>> -> memref<1000000xf32, #tpu.memory_space<hbm>>
    %dma_wait3A_1482 = arith.constant 0 : i32
    %dma_wait3A_1483 = tpu.memref_slice %dma_wait3A_1481[%dma_wait3A_1482] : memref<1000000xf32, #tpu.memory_space<hbm>> -> memref<1000000xf32, #tpu.memory_space<hbm>>
    tpu.wait_indirect_dma semaphore(%arg21 : memref<!tpu.dma_semaphore, #tpu.memory_space<semaphore_mem>>) src(%dma_wait3A_1483 : memref<1000000xf32, #tpu.memory_space<hbm>>) dst(%dma_wait3A_1475 : memref<128xf32, #tpu.memory_space<vmem>>)
    %dma_wait3A_1484 = arith.constant 1 : i32
    %dma_wait3A_1485 = arith.constant 2 : i32
    %dma_wait3A_1486 = arith.constant 9 : i32
    %dma_wait3A_1487 = arith.constant 256 : i32
    %dma_wait3A_1488 = tpu.memref_slice %arg14[%dma_wait3A_1486, %dma_wait3A_1487] : memref<16x512xf32, #tpu.memory_space<vmem>> -> memref<1x128xf32, #tpu.memory_space<vmem>>
    %dma_wait3A_1489 = tpu.memref_squeeze %dma_wait3A_1488 : memref<1x128xf32, #tpu.memory_space<vmem>> -> memref<128xf32, #tpu.memory_space<vmem>>
    %dma_wait3A_1490 = arith.constant 0 : i32
    %dma_wait3A_1491 = tpu.memref_slice %arg12[%dma_wait3A_1485, %dma_wait3A_1490] : memref<4x128xi32, #tpu.memory_space<vmem>> -> memref<1x128xi32, #tpu.memory_space<vmem>>
    %dma_wait3A_1492 = tpu.memref_squeeze %dma_wait3A_1491 : memref<1x128xi32, #tpu.memory_space<vmem>> -> memref<128xi32, #tpu.memory_space<vmem>>
    %dma_wait3A_1493 = arith.constant 0 : i32
    %dma_wait3A_1494 = tpu.memref_slice %arg6[%dma_wait3A_1484, %dma_wait3A_1493] : memref<4x1000000xf32, #tpu.memory_space<hbm>> -> memref<1x1000000xf32, #tpu.memory_space<hbm>>
    %dma_wait3A_1495 = tpu.memref_squeeze %dma_wait3A_1494 : memref<1x1000000xf32, #tpu.memory_space<hbm>> -> memref<1000000xf32, #tpu.memory_space<hbm>>
    %dma_wait3A_1496 = arith.constant 0 : i32
    %dma_wait3A_1497 = tpu.memref_slice %dma_wait3A_1495[%dma_wait3A_1496] : memref<1000000xf32, #tpu.memory_space<hbm>> -> memref<1000000xf32, #tpu.memory_space<hbm>>
    tpu.wait_indirect_dma semaphore(%arg21 : memref<!tpu.dma_semaphore, #tpu.memory_space<semaphore_mem>>) src(%dma_wait3A_1497 : memref<1000000xf32, #tpu.memory_space<hbm>>) dst(%dma_wait3A_1489 : memref<128xf32, #tpu.memory_space<vmem>>)
    %dma_wait3A_1498 = arith.constant 2 : i32
    %dma_wait3A_1499 = arith.constant 2 : i32
    %dma_wait3A_1500 = arith.constant 10 : i32
    %dma_wait3A_1501 = arith.constant 256 : i32
    %dma_wait3A_1502 = tpu.memref_slice %arg14[%dma_wait3A_1500, %dma_wait3A_1501] : memref<16x512xf32, #tpu.memory_space<vmem>> -> memref<1x128xf32, #tpu.memory_space<vmem>>
    %dma_wait3A_1503 = tpu.memref_squeeze %dma_wait3A_1502 : memref<1x128xf32, #tpu.memory_space<vmem>> -> memref<128xf32, #tpu.memory_space<vmem>>
    %dma_wait3A_1504 = arith.constant 0 : i32
    %dma_wait3A_1505 = tpu.memref_slice %arg12[%dma_wait3A_1499, %dma_wait3A_1504] : memref<4x128xi32, #tpu.memory_space<vmem>> -> memref<1x128xi32, #tpu.memory_space<vmem>>
    %dma_wait3A_1506 = tpu.memref_squeeze %dma_wait3A_1505 : memref<1x128xi32, #tpu.memory_space<vmem>> -> memref<128xi32, #tpu.memory_space<vmem>>
    %dma_wait3A_1507 = arith.constant 0 : i32
    %dma_wait3A_1508 = tpu.memref_slice %arg6[%dma_wait3A_1498, %dma_wait3A_1507] : memref<4x1000000xf32, #tpu.memory_space<hbm>> -> memref<1x1000000xf32, #tpu.memory_space<hbm>>
    %dma_wait3A_1509 = tpu.memref_squeeze %dma_wait3A_1508 : memref<1x1000000xf32, #tpu.memory_space<hbm>> -> memref<1000000xf32, #tpu.memory_space<hbm>>
    %dma_wait3A_1510 = arith.constant 0 : i32
    %dma_wait3A_1511 = tpu.memref_slice %dma_wait3A_1509[%dma_wait3A_1510] : memref<1000000xf32, #tpu.memory_space<hbm>> -> memref<1000000xf32, #tpu.memory_space<hbm>>
    tpu.wait_indirect_dma semaphore(%arg21 : memref<!tpu.dma_semaphore, #tpu.memory_space<semaphore_mem>>) src(%dma_wait3A_1511 : memref<1000000xf32, #tpu.memory_space<hbm>>) dst(%dma_wait3A_1503 : memref<128xf32, #tpu.memory_space<vmem>>)
    %dma_wait3A_1512 = arith.constant 3 : i32
    %dma_wait3A_1513 = arith.constant 2 : i32
    %dma_wait3A_1514 = arith.constant 11 : i32
    %dma_wait3A_1515 = arith.constant 256 : i32
    %dma_wait3A_1516 = tpu.memref_slice %arg14[%dma_wait3A_1514, %dma_wait3A_1515] : memref<16x512xf32, #tpu.memory_space<vmem>> -> memref<1x128xf32, #tpu.memory_space<vmem>>
    %dma_wait3A_1517 = tpu.memref_squeeze %dma_wait3A_1516 : memref<1x128xf32, #tpu.memory_space<vmem>> -> memref<128xf32, #tpu.memory_space<vmem>>
    %dma_wait3A_1518 = arith.constant 0 : i32
    %dma_wait3A_1519 = tpu.memref_slice %arg12[%dma_wait3A_1513, %dma_wait3A_1518] : memref<4x128xi32, #tpu.memory_space<vmem>> -> memref<1x128xi32, #tpu.memory_space<vmem>>
    %dma_wait3A_1520 = tpu.memref_squeeze %dma_wait3A_1519 : memref<1x128xi32, #tpu.memory_space<vmem>> -> memref<128xi32, #tpu.memory_space<vmem>>
    %dma_wait3A_1521 = arith.constant 0 : i32
    %dma_wait3A_1522 = tpu.memref_slice %arg6[%dma_wait3A_1512, %dma_wait3A_1521] : memref<4x1000000xf32, #tpu.memory_space<hbm>> -> memref<1x1000000xf32, #tpu.memory_space<hbm>>
    %dma_wait3A_1523 = tpu.memref_squeeze %dma_wait3A_1522 : memref<1x1000000xf32, #tpu.memory_space<hbm>> -> memref<1000000xf32, #tpu.memory_space<hbm>>
    %dma_wait3A_1524 = arith.constant 0 : i32
    %dma_wait3A_1525 = tpu.memref_slice %dma_wait3A_1523[%dma_wait3A_1524] : memref<1000000xf32, #tpu.memory_space<hbm>> -> memref<1000000xf32, #tpu.memory_space<hbm>>
    tpu.wait_indirect_dma semaphore(%arg21 : memref<!tpu.dma_semaphore, #tpu.memory_space<semaphore_mem>>) src(%dma_wait3A_1525 : memref<1000000xf32, #tpu.memory_space<hbm>>) dst(%dma_wait3A_1517 : memref<128xf32, #tpu.memory_space<vmem>>)
    %dma_wait3A_1526 = arith.constant 0 : i32
    %dma_wait3A_1527 = arith.constant 2 : i32
    %dma_wait3A_1528 = arith.constant 12 : i32
    %dma_wait3A_1529 = arith.constant 256 : i32
    %dma_wait3A_1530 = tpu.memref_slice %arg14[%dma_wait3A_1528, %dma_wait3A_1529] : memref<16x512xf32, #tpu.memory_space<vmem>> -> memref<1x128xf32, #tpu.memory_space<vmem>>
    %dma_wait3A_1531 = tpu.memref_squeeze %dma_wait3A_1530 : memref<1x128xf32, #tpu.memory_space<vmem>> -> memref<128xf32, #tpu.memory_space<vmem>>
    %dma_wait3A_1532 = arith.constant 0 : i32
    %dma_wait3A_1533 = tpu.memref_slice %arg12[%dma_wait3A_1527, %dma_wait3A_1532] : memref<4x128xi32, #tpu.memory_space<vmem>> -> memref<1x128xi32, #tpu.memory_space<vmem>>
    %dma_wait3A_1534 = tpu.memref_squeeze %dma_wait3A_1533 : memref<1x128xi32, #tpu.memory_space<vmem>> -> memref<128xi32, #tpu.memory_space<vmem>>
    %dma_wait3A_1535 = arith.constant 0 : i32
    %dma_wait3A_1536 = tpu.memref_slice %arg7[%dma_wait3A_1526, %dma_wait3A_1535] : memref<4x1000000xf32, #tpu.memory_space<hbm>> -> memref<1x1000000xf32, #tpu.memory_space<hbm>>
    %dma_wait3A_1537 = tpu.memref_squeeze %dma_wait3A_1536 : memref<1x1000000xf32, #tpu.memory_space<hbm>> -> memref<1000000xf32, #tpu.memory_space<hbm>>
    %dma_wait3A_1538 = arith.constant 0 : i32
    %dma_wait3A_1539 = tpu.memref_slice %dma_wait3A_1537[%dma_wait3A_1538] : memref<1000000xf32, #tpu.memory_space<hbm>> -> memref<1000000xf32, #tpu.memory_space<hbm>>
    tpu.wait_indirect_dma semaphore(%arg21 : memref<!tpu.dma_semaphore, #tpu.memory_space<semaphore_mem>>) src(%dma_wait3A_1539 : memref<1000000xf32, #tpu.memory_space<hbm>>) dst(%dma_wait3A_1531 : memref<128xf32, #tpu.memory_space<vmem>>)
    %dma_wait3A_1540 = arith.constant 1 : i32
    %dma_wait3A_1541 = arith.constant 2 : i32
    %dma_wait3A_1542 = arith.constant 13 : i32
    %dma_wait3A_1543 = arith.constant 256 : i32
    %dma_wait3A_1544 = tpu.memref_slice %arg14[%dma_wait3A_1542, %dma_wait3A_1543] : memref<16x512xf32, #tpu.memory_space<vmem>> -> memref<1x128xf32, #tpu.memory_space<vmem>>
    %dma_wait3A_1545 = tpu.memref_squeeze %dma_wait3A_1544 : memref<1x128xf32, #tpu.memory_space<vmem>> -> memref<128xf32, #tpu.memory_space<vmem>>
    %dma_wait3A_1546 = arith.constant 0 : i32
    %dma_wait3A_1547 = tpu.memref_slice %arg12[%dma_wait3A_1541, %dma_wait3A_1546] : memref<4x128xi32, #tpu.memory_space<vmem>> -> memref<1x128xi32, #tpu.memory_space<vmem>>
    %dma_wait3A_1548 = tpu.memref_squeeze %dma_wait3A_1547 : memref<1x128xi32, #tpu.memory_space<vmem>> -> memref<128xi32, #tpu.memory_space<vmem>>
    %dma_wait3A_1549 = arith.constant 0 : i32
    %dma_wait3A_1550 = tpu.memref_slice %arg7[%dma_wait3A_1540, %dma_wait3A_1549] : memref<4x1000000xf32, #tpu.memory_space<hbm>> -> memref<1x1000000xf32, #tpu.memory_space<hbm>>
    %dma_wait3A_1551 = tpu.memref_squeeze %dma_wait3A_1550 : memref<1x1000000xf32, #tpu.memory_space<hbm>> -> memref<1000000xf32, #tpu.memory_space<hbm>>
    %dma_wait3A_1552 = arith.constant 0 : i32
    %dma_wait3A_1553 = tpu.memref_slice %dma_wait3A_1551[%dma_wait3A_1552] : memref<1000000xf32, #tpu.memory_space<hbm>> -> memref<1000000xf32, #tpu.memory_space<hbm>>
    tpu.wait_indirect_dma semaphore(%arg21 : memref<!tpu.dma_semaphore, #tpu.memory_space<semaphore_mem>>) src(%dma_wait3A_1553 : memref<1000000xf32, #tpu.memory_space<hbm>>) dst(%dma_wait3A_1545 : memref<128xf32, #tpu.memory_space<vmem>>)
    %dma_wait3A_1554 = arith.constant 2 : i32
    %dma_wait3A_1555 = arith.constant 2 : i32
    %dma_wait3A_1556 = arith.constant 14 : i32
    %dma_wait3A_1557 = arith.constant 256 : i32
    %dma_wait3A_1558 = tpu.memref_slice %arg14[%dma_wait3A_1556, %dma_wait3A_1557] : memref<16x512xf32, #tpu.memory_space<vmem>> -> memref<1x128xf32, #tpu.memory_space<vmem>>
    %dma_wait3A_1559 = tpu.memref_squeeze %dma_wait3A_1558 : memref<1x128xf32, #tpu.memory_space<vmem>> -> memref<128xf32, #tpu.memory_space<vmem>>
    %dma_wait3A_1560 = arith.constant 0 : i32
    %dma_wait3A_1561 = tpu.memref_slice %arg12[%dma_wait3A_1555, %dma_wait3A_1560] : memref<4x128xi32, #tpu.memory_space<vmem>> -> memref<1x128xi32, #tpu.memory_space<vmem>>
    %dma_wait3A_1562 = tpu.memref_squeeze %dma_wait3A_1561 : memref<1x128xi32, #tpu.memory_space<vmem>> -> memref<128xi32, #tpu.memory_space<vmem>>
    %dma_wait3A_1563 = arith.constant 0 : i32
    %dma_wait3A_1564 = tpu.memref_slice %arg7[%dma_wait3A_1554, %dma_wait3A_1563] : memref<4x1000000xf32, #tpu.memory_space<hbm>> -> memref<1x1000000xf32, #tpu.memory_space<hbm>>
    %dma_wait3A_1565 = tpu.memref_squeeze %dma_wait3A_1564 : memref<1x1000000xf32, #tpu.memory_space<hbm>> -> memref<1000000xf32, #tpu.memory_space<hbm>>
    %dma_wait3A_1566 = arith.constant 0 : i32
    %dma_wait3A_1567 = tpu.memref_slice %dma_wait3A_1565[%dma_wait3A_1566] : memref<1000000xf32, #tpu.memory_space<hbm>> -> memref<1000000xf32, #tpu.memory_space<hbm>>
    tpu.wait_indirect_dma semaphore(%arg21 : memref<!tpu.dma_semaphore, #tpu.memory_space<semaphore_mem>>) src(%dma_wait3A_1567 : memref<1000000xf32, #tpu.memory_space<hbm>>) dst(%dma_wait3A_1559 : memref<128xf32, #tpu.memory_space<vmem>>)
    %dma_wait3A_1568 = arith.constant 3 : i32
    %dma_wait3A_1569 = arith.constant 2 : i32
    %dma_wait3A_1570 = arith.constant 15 : i32
    %dma_wait3A_1571 = arith.constant 256 : i32
    %dma_wait3A_1572 = tpu.memref_slice %arg14[%dma_wait3A_1570, %dma_wait3A_1571] : memref<16x512xf32, #tpu.memory_space<vmem>> -> memref<1x128xf32, #tpu.memory_space<vmem>>
    %dma_wait3A_1573 = tpu.memref_squeeze %dma_wait3A_1572 : memref<1x128xf32, #tpu.memory_space<vmem>> -> memref<128xf32, #tpu.memory_space<vmem>>
    %dma_wait3A_1574 = arith.constant 0 : i32
    %dma_wait3A_1575 = tpu.memref_slice %arg12[%dma_wait3A_1569, %dma_wait3A_1574] : memref<4x128xi32, #tpu.memory_space<vmem>> -> memref<1x128xi32, #tpu.memory_space<vmem>>
    %dma_wait3A_1576 = tpu.memref_squeeze %dma_wait3A_1575 : memref<1x128xi32, #tpu.memory_space<vmem>> -> memref<128xi32, #tpu.memory_space<vmem>>
    %dma_wait3A_1577 = arith.constant 0 : i32
    %dma_wait3A_1578 = tpu.memref_slice %arg7[%dma_wait3A_1568, %dma_wait3A_1577] : memref<4x1000000xf32, #tpu.memory_space<hbm>> -> memref<1x1000000xf32, #tpu.memory_space<hbm>>
    %dma_wait3A_1579 = tpu.memref_squeeze %dma_wait3A_1578 : memref<1x1000000xf32, #tpu.memory_space<hbm>> -> memref<1000000xf32, #tpu.memory_space<hbm>>
    %dma_wait3A_1580 = arith.constant 0 : i32
    %dma_wait3A_1581 = tpu.memref_slice %dma_wait3A_1579[%dma_wait3A_1580] : memref<1000000xf32, #tpu.memory_space<hbm>> -> memref<1000000xf32, #tpu.memory_space<hbm>>
    tpu.wait_indirect_dma semaphore(%arg21 : memref<!tpu.dma_semaphore, #tpu.memory_space<semaphore_mem>>) src(%dma_wait3A_1581 : memref<1000000xf32, #tpu.memory_space<hbm>>) dst(%dma_wait3A_1573 : memref<128xf32, #tpu.memory_space<vmem>>)
    %scan3A_1582 = arith.constant 0 : i32
    %scan3A_1583 = arith.constant 16 : i32
    %scan3A_1584 = arith.constant 8 : i32
    %scan3A_1585 = arith.addi %scan3A_1583, %scan3A_1584 : i32
    %scan3A_1586 = arith.constant 1 : i32
    scf.for %scan3A_1818 = %scan3A_1583 to %scan3A_1585 step %scan3A_1586  : i32 {
      %mul3A_1819 = arith.constant 16 : i32
      %mul3A_1820 = arith.muli %scan3A_1818, %mul3A_1819 : i32
      %add3A_1821 = vector.broadcast %mul3A_1820 : i32 to vector<16xi32>
      %add3A_1822 = arith.addi %add3A_1821, %iota3A : vector<16xi32>
      %mul3A_1823 = arith.constant 16 : i32
      %mul3A_1824 = arith.muli %scan3A_1818, %mul3A_1823 : i32
      %get3A = arith.index_cast %mul3A_1824 : i32 to index
      %get3A_1825 = tpu.vector_load %arg13[%get3A] {strides = array<i32>} : memref<512xi32, #tpu.memory_space<vmem>>, vector<16xi32>,
      %broadcast_in_dim3A = arith.constant 0 : i32
      %broadcast_in_dim3A_1826 = vector.broadcast %broadcast_in_dim3A : i32 to vector<16xi32>
      %gather3A = tpu.vector_load_idx %arg16[%get3A_1825, %broadcast_in_dim3A_1826] : memref<8x16xf32, #tpu.memory_space<vmem>>[vector<16xi32>, vector<16xi32>], vector<16xf32>,
      %broadcast_in_dim3A_1827 = arith.constant 0 : i32
      %broadcast_in_dim3A_1828 = vector.broadcast %broadcast_in_dim3A_1827 : i32 to vector<16xi32>
      tpu.vector_store_idx %arg18[%add3A_1822, %broadcast_in_dim3A_1828], %gather3A : memref<512x16xf32, #tpu.memory_space<vmem>>[vector<16xi32>, vector<16xi32>], vector<16xf32>,
      %broadcast_in_dim3A_1829 = arith.constant 1 : i32
      %broadcast_in_dim3A_1830 = vector.broadcast %broadcast_in_dim3A_1829 : i32 to vector<16xi32>
      %gather3A_1831 = tpu.vector_load_idx %arg16[%get3A_1825, %broadcast_in_dim3A_1830] : memref<8x16xf32, #tpu.memory_space<vmem>>[vector<16xi32>, vector<16xi32>], vector<16xf32>,
      %broadcast_in_dim3A_1832 = arith.constant 1 : i32
      %broadcast_in_dim3A_1833 = vector.broadcast %broadcast_in_dim3A_1832 : i32 to vector<16xi32>
      tpu.vector_store_idx %arg18[%add3A_1822, %broadcast_in_dim3A_1833], %gather3A_1831 : memref<512x16xf32, #tpu.memory_space<vmem>>[vector<16xi32>, vector<16xi32>], vector<16xf32>,
      %broadcast_in_dim3A_1834 = arith.constant 2 : i32
      %broadcast_in_dim3A_1835 = vector.broadcast %broadcast_in_dim3A_1834 : i32 to vector<16xi32>
      %gather3A_1836 = tpu.vector_load_idx %arg16[%get3A_1825, %broadcast_in_dim3A_1835] : memref<8x16xf32, #tpu.memory_space<vmem>>[vector<16xi32>, vector<16xi32>], vector<16xf32>,
      %broadcast_in_dim3A_1837 = arith.constant 2 : i32
      %broadcast_in_dim3A_1838 = vector.broadcast %broadcast_in_dim3A_1837 : i32 to vector<16xi32>
      tpu.vector_store_idx %arg18[%add3A_1822, %broadcast_in_dim3A_1838], %gather3A_1836 : memref<512x16xf32, #tpu.memory_space<vmem>>[vector<16xi32>, vector<16xi32>], vector<16xf32>,
      %broadcast_in_dim3A_1839 = arith.constant 3 : i32
      %broadcast_in_dim3A_1840 = vector.broadcast %broadcast_in_dim3A_1839 : i32 to vector<16xi32>
      %gather3A_1841 = tpu.vector_load_idx %arg16[%get3A_1825, %broadcast_in_dim3A_1840] : memref<8x16xf32, #tpu.memory_space<vmem>>[vector<16xi32>, vector<16xi32>], vector<16xf32>,
      %broadcast_in_dim3A_1842 = arith.constant 3 : i32
      %broadcast_in_dim3A_1843 = vector.broadcast %broadcast_in_dim3A_1842 : i32 to vector<16xi32>
      tpu.vector_store_idx %arg18[%add3A_1822, %broadcast_in_dim3A_1843], %gather3A_1841 : memref<512x16xf32, #tpu.memory_space<vmem>>[vector<16xi32>, vector<16xi32>], vector<16xf32>,
      %broadcast_in_dim3A_1844 = arith.constant 4 : i32
      %broadcast_in_dim3A_1845 = vector.broadcast %broadcast_in_dim3A_1844 : i32 to vector<16xi32>
      %gather3A_1846 = tpu.vector_load_idx %arg16[%get3A_1825, %broadcast_in_dim3A_1845] : memref<8x16xf32, #tpu.memory_space<vmem>>[vector<16xi32>, vector<16xi32>], vector<16xf32>,
      %broadcast_in_dim3A_1847 = arith.constant 4 : i32
      %broadcast_in_dim3A_1848 = vector.broadcast %broadcast_in_dim3A_1847 : i32 to vector<16xi32>
      tpu.vector_store_idx %arg18[%add3A_1822, %broadcast_in_dim3A_1848], %gather3A_1846 : memref<512x16xf32, #tpu.memory_space<vmem>>[vector<16xi32>, vector<16xi32>], vector<16xf32>,
      %broadcast_in_dim3A_1849 = arith.constant 5 : i32
      %broadcast_in_dim3A_1850 = vector.broadcast %broadcast_in_dim3A_1849 : i32 to vector<16xi32>
      %gather3A_1851 = tpu.vector_load_idx %arg16[%get3A_1825, %broadcast_in_dim3A_1850] : memref<8x16xf32, #tpu.memory_space<vmem>>[vector<16xi32>, vector<16xi32>], vector<16xf32>,
      %broadcast_in_dim3A_1852 = arith.constant 5 : i32
      %broadcast_in_dim3A_1853 = vector.broadcast %broadcast_in_dim3A_1852 : i32 to vector<16xi32>
      tpu.vector_store_idx %arg18[%add3A_1822, %broadcast_in_dim3A_1853], %gather3A_1851 : memref<512x16xf32, #tpu.memory_space<vmem>>[vector<16xi32>, vector<16xi32>], vector<16xf32>,
      %broadcast_in_dim3A_1854 = arith.constant 6 : i32
      %broadcast_in_dim3A_1855 = vector.broadcast %broadcast_in_dim3A_1854 : i32 to vector<16xi32>
      %gather3A_1856 = tpu.vector_load_idx %arg16[%get3A_1825, %broadcast_in_dim3A_1855] : memref<8x16xf32, #tpu.memory_space<vmem>>[vector<16xi32>, vector<16xi32>], vector<16xf32>,
      %broadcast_in_dim3A_1857 = arith.constant 6 : i32
      %broadcast_in_dim3A_1858 = vector.broadcast %broadcast_in_dim3A_1857 : i32 to vector<16xi32>
      tpu.vector_store_idx %arg18[%add3A_1822, %broadcast_in_dim3A_1858], %gather3A_1856 : memref<512x16xf32, #tpu.memory_space<vmem>>[vector<16xi32>, vector<16xi32>], vector<16xf32>,
      %broadcast_in_dim3A_1859 = arith.constant 7 : i32
      %broadcast_in_dim3A_1860 = vector.broadcast %broadcast_in_dim3A_1859 : i32 to vector<16xi32>
      %gather3A_1861 = tpu.vector_load_idx %arg16[%get3A_1825, %broadcast_in_dim3A_1860] : memref<8x16xf32, #tpu.memory_space<vmem>>[vector<16xi32>, vector<16xi32>], vector<16xf32>,
      %broadcast_in_dim3A_1862 = arith.constant 7 : i32
      %broadcast_in_dim3A_1863 = vector.broadcast %broadcast_in_dim3A_1862 : i32 to vector<16xi32>
      tpu.vector_store_idx %arg18[%add3A_1822, %broadcast_in_dim3A_1863], %gather3A_1861 : memref<512x16xf32, #tpu.memory_space<vmem>>[vector<16xi32>, vector<16xi32>], vector<16xf32>,
      %broadcast_in_dim3A_1864 = arith.constant 8 : i32
      %broadcast_in_dim3A_1865 = vector.broadcast %broadcast_in_dim3A_1864 : i32 to vector<16xi32>
      %gather3A_1866 = tpu.vector_load_idx %arg16[%get3A_1825, %broadcast_in_dim3A_1865] : memref<8x16xf32, #tpu.memory_space<vmem>>[vector<16xi32>, vector<16xi32>], vector<16xf32>,
      %broadcast_in_dim3A_1867 = arith.constant 8 : i32
      %broadcast_in_dim3A_1868 = vector.broadcast %broadcast_in_dim3A_1867 : i32 to vector<16xi32>
      tpu.vector_store_idx %arg18[%add3A_1822, %broadcast_in_dim3A_1868], %gather3A_1866 : memref<512x16xf32, #tpu.memory_space<vmem>>[vector<16xi32>, vector<16xi32>], vector<16xf32>,
      %mul3A_1869 = arith.constant 16 : i32
      %mul3A_1870 = arith.muli %scan3A_1818, %mul3A_1869 : i32
      %get3A_1871 = arith.constant 0 : i32
      %get3A_1872 = arith.index_cast %get3A_1871 : i32 to index
      %get3A_1873 = arith.index_cast %mul3A_1870 : i32 to index
      %get3A_1874 = tpu.vector_load %arg14[%get3A_1872, %get3A_1873] {strides = array<i32>} : memref<16x512xf32, #tpu.memory_space<vmem>>, vector<16xf32>,
      %mul3A_1875 = arith.constant 16 : i32
      %mul3A_1876 = arith.muli %scan3A_1818, %mul3A_1875 : i32
      %get3A_1877 = arith.constant 1 : i32
      %get3A_1878 = arith.index_cast %get3A_1877 : i32 to index
      %get3A_1879 = arith.index_cast %mul3A_1876 : i32 to index
      %get3A_1880 = tpu.vector_load %arg14[%get3A_1878, %get3A_1879] {strides = array<i32>} : memref<16x512xf32, #tpu.memory_space<vmem>>, vector<16xf32>,
      %mul3A_1881 = arith.constant 16 : i32
      %mul3A_1882 = arith.muli %scan3A_1818, %mul3A_1881 : i32
      %get3A_1883 = arith.constant 2 : i32
      %get3A_1884 = arith.index_cast %get3A_1883 : i32 to index
      %get3A_1885 = arith.index_cast %mul3A_1882 : i32 to index
      %get3A_1886 = tpu.vector_load %arg14[%get3A_1884, %get3A_1885] {strides = array<i32>} : memref<16x512xf32, #tpu.memory_space<vmem>>, vector<16xf32>,
      %mul3A_1887 = arith.constant 16 : i32
      %mul3A_1888 = arith.muli %scan3A_1818, %mul3A_1887 : i32
      %get3A_1889 = arith.constant 3 : i32
      %get3A_1890 = arith.index_cast %get3A_1889 : i32 to index
      %get3A_1891 = arith.index_cast %mul3A_1888 : i32 to index
      %get3A_1892 = tpu.vector_load %arg14[%get3A_1890, %get3A_1891] {strides = array<i32>} : memref<16x512xf32, #tpu.memory_space<vmem>>, vector<16xf32>,
      %mul3A_1893 = arith.constant 16 : i32
      %mul3A_1894 = arith.muli %scan3A_1818, %mul3A_1893 : i32
      %get3A_1895 = arith.constant 4 : i32
      %get3A_1896 = arith.index_cast %get3A_1895 : i32 to index
      %get3A_1897 = arith.index_cast %mul3A_1894 : i32 to index
      %get3A_1898 = tpu.vector_load %arg14[%get3A_1896, %get3A_1897] {strides = array<i32>} : memref<16x512xf32, #tpu.memory_space<vmem>>, vector<16xf32>,
      %mul3A_1899 = arith.constant 16 : i32
      %mul3A_1900 = arith.muli %scan3A_1818, %mul3A_1899 : i32
      %get3A_1901 = arith.constant 5 : i32
      %get3A_1902 = arith.index_cast %get3A_1901 : i32 to index
      %get3A_1903 = arith.index_cast %mul3A_1900 : i32 to index
      %get3A_1904 = tpu.vector_load %arg14[%get3A_1902, %get3A_1903] {strides = array<i32>} : memref<16x512xf32, #tpu.memory_space<vmem>>, vector<16xf32>,
      %mul3A_1905 = arith.constant 16 : i32
      %mul3A_1906 = arith.muli %scan3A_1818, %mul3A_1905 : i32
      %get3A_1907 = arith.constant 6 : i32
      %get3A_1908 = arith.index_cast %get3A_1907 : i32 to index
      %get3A_1909 = arith.index_cast %mul3A_1906 : i32 to index
      %get3A_1910 = tpu.vector_load %arg14[%get3A_1908, %get3A_1909] {strides = array<i32>} : memref<16x512xf32, #tpu.memory_space<vmem>>, vector<16xf32>,
      %mul3A_1911 = arith.constant 16 : i32
      %mul3A_1912 = arith.muli %scan3A_1818, %mul3A_1911 : i32
      %get3A_1913 = arith.constant 7 : i32
      %get3A_1914 = arith.index_cast %get3A_1913 : i32 to index
      %get3A_1915 = arith.index_cast %mul3A_1912 : i32 to index
      %get3A_1916 = tpu.vector_load %arg14[%get3A_1914, %get3A_1915] {strides = array<i32>} : memref<16x512xf32, #tpu.memory_space<vmem>>, vector<16xf32>,
      %mul3A_1917 = arith.constant 16 : i32
      %mul3A_1918 = arith.muli %scan3A_1818, %mul3A_1917 : i32
      %get3A_1919 = arith.constant 8 : i32
      %get3A_1920 = arith.index_cast %get3A_1919 : i32 to index
      %get3A_1921 = arith.index_cast %mul3A_1918 : i32 to index
      %get3A_1922 = tpu.vector_load %arg14[%get3A_1920, %get3A_1921] {strides = array<i32>} : memref<16x512xf32, #tpu.memory_space<vmem>>, vector<16xf32>,
      %mul3A_1923 = arith.constant 16 : i32
      %mul3A_1924 = arith.muli %scan3A_1818, %mul3A_1923 : i32
      %get3A_1925 = arith.constant 9 : i32
      %get3A_1926 = arith.index_cast %get3A_1925 : i32 to index
      %get3A_1927 = arith.index_cast %mul3A_1924 : i32 to index
      %get3A_1928 = tpu.vector_load %arg14[%get3A_1926, %get3A_1927] {strides = array<i32>} : memref<16x512xf32, #tpu.memory_space<vmem>>, vector<16xf32>,
      %mul3A_1929 = arith.constant 16 : i32
      %mul3A_1930 = arith.muli %scan3A_1818, %mul3A_1929 : i32
      %get3A_1931 = arith.constant 10 : i32
      %get3A_1932 = arith.index_cast %get3A_1931 : i32 to index
      %get3A_1933 = arith.index_cast %mul3A_1930 : i32 to index
      %get3A_1934 = tpu.vector_load %arg14[%get3A_1932, %get3A_1933] {strides = array<i32>} : memref<16x512xf32, #tpu.memory_space<vmem>>, vector<16xf32>,
      %mul3A_1935 = arith.constant 16 : i32
      %mul3A_1936 = arith.muli %scan3A_1818, %mul3A_1935 : i32
      %get3A_1937 = arith.constant 11 : i32
      %get3A_1938 = arith.index_cast %get3A_1937 : i32 to index
      %get3A_1939 = arith.index_cast %mul3A_1936 : i32 to index
      %get3A_1940 = tpu.vector_load %arg14[%get3A_1938, %get3A_1939] {strides = array<i32>} : memref<16x512xf32, #tpu.memory_space<vmem>>, vector<16xf32>,
      %mul3A_1941 = arith.constant 16 : i32
      %mul3A_1942 = arith.muli %scan3A_1818, %mul3A_1941 : i32
      %get3A_1943 = arith.constant 12 : i32
      %get3A_1944 = arith.index_cast %get3A_1943 : i32 to index
      %get3A_1945 = arith.index_cast %mul3A_1942 : i32 to index
      %get3A_1946 = tpu.vector_load %arg14[%get3A_1944, %get3A_1945] {strides = array<i32>} : memref<16x512xf32, #tpu.memory_space<vmem>>, vector<16xf32>,
      %mul3A_1947 = arith.constant 16 : i32
      %mul3A_1948 = arith.muli %scan3A_1818, %mul3A_1947 : i32
      %get3A_1949 = arith.constant 13 : i32
      %get3A_1950 = arith.index_cast %get3A_1949 : i32 to index
      %get3A_1951 = arith.index_cast %mul3A_1948 : i32 to index
      %get3A_1952 = tpu.vector_load %arg14[%get3A_1950, %get3A_1951] {strides = array<i32>} : memref<16x512xf32, #tpu.memory_space<vmem>>, vector<16xf32>,
      %mul3A_1953 = arith.constant 16 : i32
      %mul3A_1954 = arith.muli %scan3A_1818, %mul3A_1953 : i32
      %get3A_1955 = arith.constant 14 : i32
      %get3A_1956 = arith.index_cast %get3A_1955 : i32 to index
      %get3A_1957 = arith.index_cast %mul3A_1954 : i32 to index
      %get3A_1958 = tpu.vector_load %arg14[%get3A_1956, %get3A_1957] {strides = array<i32>} : memref<16x512xf32, #tpu.memory_space<vmem>>, vector<16xf32>,
      %mul3A_1959 = arith.constant 16 : i32
      %mul3A_1960 = arith.muli %scan3A_1818, %mul3A_1959 : i32
      %get3A_1961 = arith.constant 15 : i32
      %get3A_1962 = arith.index_cast %get3A_1961 : i32 to index
      %get3A_1963 = arith.index_cast %mul3A_1960 : i32 to index
      %get3A_1964 = tpu.vector_load %arg14[%get3A_1962, %get3A_1963] {strides = array<i32>} : memref<16x512xf32, #tpu.memory_space<vmem>>, vector<16xf32>,
      %broadcast_in_dim3A_1965 = arith.constant 0 : i32
      %broadcast_in_dim3A_1966 = vector.broadcast %broadcast_in_dim3A_1965 : i32 to vector<16xi32>
      %gather3A_1967 = tpu.vector_load_idx %arg15[%get3A_1825, %broadcast_in_dim3A_1966] : memref<8x16xf32, #tpu.memory_space<vmem>>[vector<16xi32>, vector<16xi32>], vector<16xf32>,
      %broadcast_in_dim3A_1968 = arith.constant 1 : i32
      %broadcast_in_dim3A_1969 = vector.broadcast %broadcast_in_dim3A_1968 : i32 to vector<16xi32>
      %gather3A_1970 = tpu.vector_load_idx %arg15[%get3A_1825, %broadcast_in_dim3A_1969] : memref<8x16xf32, #tpu.memory_space<vmem>>[vector<16xi32>, vector<16xi32>], vector<16xf32>,
      %broadcast_in_dim3A_1971 = arith.constant 2 : i32
      %broadcast_in_dim3A_1972 = vector.broadcast %broadcast_in_dim3A_1971 : i32 to vector<16xi32>
      %gather3A_1973 = tpu.vector_load_idx %arg15[%get3A_1825, %broadcast_in_dim3A_1972] : memref<8x16xf32, #tpu.memory_space<vmem>>[vector<16xi32>, vector<16xi32>], vector<16xf32>,
      %broadcast_in_dim3A_1974 = arith.constant 3 : i32
      %broadcast_in_dim3A_1975 = vector.broadcast %broadcast_in_dim3A_1974 : i32 to vector<16xi32>
      %gather3A_1976 = tpu.vector_load_idx %arg15[%get3A_1825, %broadcast_in_dim3A_1975] : memref<8x16xf32, #tpu.memory_space<vmem>>[vector<16xi32>, vector<16xi32>], vector<16xf32>,
      %mul3A_1977 = arith.mulf %gather3A_1967, %get3A_1874 : vector<16xf32>
      %mul3A_1978 = arith.mulf %gather3A_1970, %get3A_1898 : vector<16xf32>
      %add3A_1979 = arith.addf %mul3A_1977, %mul3A_1978 : vector<16xf32>
      %mul3A_1980 = arith.mulf %gather3A_1973, %get3A_1922 : vector<16xf32>
      %add3A_1981 = arith.addf %add3A_1979, %mul3A_1980 : vector<16xf32>
      %mul3A_1982 = arith.mulf %gather3A_1976, %get3A_1946 : vector<16xf32>
      %add3A_1983 = arith.addf %add3A_1981, %mul3A_1982 : vector<16xf32>
      %broadcast_in_dim3A_1984 = arith.constant 0 : i32
      %broadcast_in_dim3A_1985 = vector.broadcast %broadcast_in_dim3A_1984 : i32 to vector<16xi32>
      tpu.vector_store_idx %arg17[%add3A_1822, %broadcast_in_dim3A_1985], %add3A_1983 : memref<512x16xf32, #tpu.memory_space<vmem>>[vector<16xi32>, vector<16xi32>], vector<16xf32>,
      %mul3A_1986 = arith.mulf %gather3A_1967, %get3A_1880 : vector<16xf32>
      %mul3A_1987 = arith.mulf %gather3A_1970, %get3A_1904 : vector<16xf32>
      %add3A_1988 = arith.addf %mul3A_1986, %mul3A_1987 : vector<16xf32>
      %mul3A_1989 = arith.mulf %gather3A_1973, %get3A_1928 : vector<16xf32>
      %add3A_1990 = arith.addf %add3A_1988, %mul3A_1989 : vector<16xf32>
      %mul3A_1991 = arith.mulf %gather3A_1976, %get3A_1952 : vector<16xf32>
      %add3A_1992 = arith.addf %add3A_1990, %mul3A_1991 : vector<16xf32>
      %broadcast_in_dim3A_1993 = arith.constant 1 : i32
      %broadcast_in_dim3A_1994 = vector.broadcast %broadcast_in_dim3A_1993 : i32 to vector<16xi32>
      tpu.vector_store_idx %arg17[%add3A_1822, %broadcast_in_dim3A_1994], %add3A_1992 : memref<512x16xf32, #tpu.memory_space<vmem>>[vector<16xi32>, vector<16xi32>], vector<16xf32>,
      %mul3A_1995 = arith.mulf %gather3A_1967, %get3A_1886 : vector<16xf32>
      %mul3A_1996 = arith.mulf %gather3A_1970, %get3A_1910 : vector<16xf32>
      %add3A_1997 = arith.addf %mul3A_1995, %mul3A_1996 : vector<16xf32>
      %mul3A_1998 = arith.mulf %gather3A_1973, %get3A_1934 : vector<16xf32>
      %add3A_1999 = arith.addf %add3A_1997, %mul3A_1998 : vector<16xf32>
      %mul3A_2000 = arith.mulf %gather3A_1976, %get3A_1958 : vector<16xf32>
      %add3A_2001 = arith.addf %add3A_1999, %mul3A_2000 : vector<16xf32>
      %broadcast_in_dim3A_2002 = arith.constant 2 : i32
      %broadcast_in_dim3A_2003 = vector.broadcast %broadcast_in_dim3A_2002 : i32 to vector<16xi32>
      tpu.vector_store_idx %arg17[%add3A_1822, %broadcast_in_dim3A_2003], %add3A_2001 : memref<512x16xf32, #tpu.memory_space<vmem>>[vector<16xi32>, vector<16xi32>], vector<16xf32>,
      %mul3A_2004 = arith.mulf %gather3A_1967, %get3A_1892 : vector<16xf32>
      %mul3A_2005 = arith.mulf %gather3A_1970, %get3A_1916 : vector<16xf32>
      %add3A_2006 = arith.addf %mul3A_2004, %mul3A_2005 : vector<16xf32>
      %mul3A_2007 = arith.mulf %gather3A_1973, %get3A_1940 : vector<16xf32>
      %add3A_2008 = arith.addf %add3A_2006, %mul3A_2007 : vector<16xf32>
      %mul3A_2009 = arith.mulf %gather3A_1976, %get3A_1964 : vector<16xf32>
      %add3A_2010 = arith.addf %add3A_2008, %mul3A_2009 : vector<16xf32>
      %broadcast_in_dim3A_2011 = arith.constant 3 : i32
      %broadcast_in_dim3A_2012 = vector.broadcast %broadcast_in_dim3A_2011 : i32 to vector<16xi32>
      tpu.vector_store_idx %arg17[%add3A_1822, %broadcast_in_dim3A_2012], %add3A_2010 : memref<512x16xf32, #tpu.memory_space<vmem>>[vector<16xi32>, vector<16xi32>], vector<16xf32>,
      %broadcast_in_dim3A_2013 = arith.constant 4 : i32
      %broadcast_in_dim3A_2014 = vector.broadcast %broadcast_in_dim3A_2013 : i32 to vector<16xi32>
      %gather3A_2015 = tpu.vector_load_idx %arg15[%get3A_1825, %broadcast_in_dim3A_2014] : memref<8x16xf32, #tpu.memory_space<vmem>>[vector<16xi32>, vector<16xi32>], vector<16xf32>,
      %broadcast_in_dim3A_2016 = arith.constant 5 : i32
      %broadcast_in_dim3A_2017 = vector.broadcast %broadcast_in_dim3A_2016 : i32 to vector<16xi32>
      %gather3A_2018 = tpu.vector_load_idx %arg15[%get3A_1825, %broadcast_in_dim3A_2017] : memref<8x16xf32, #tpu.memory_space<vmem>>[vector<16xi32>, vector<16xi32>], vector<16xf32>,
      %broadcast_in_dim3A_2019 = arith.constant 6 : i32
      %broadcast_in_dim3A_2020 = vector.broadcast %broadcast_in_dim3A_2019 : i32 to vector<16xi32>
      %gather3A_2021 = tpu.vector_load_idx %arg15[%get3A_1825, %broadcast_in_dim3A_2020] : memref<8x16xf32, #tpu.memory_space<vmem>>[vector<16xi32>, vector<16xi32>], vector<16xf32>,
      %broadcast_in_dim3A_2022 = arith.constant 7 : i32
      %broadcast_in_dim3A_2023 = vector.broadcast %broadcast_in_dim3A_2022 : i32 to vector<16xi32>
      %gather3A_2024 = tpu.vector_load_idx %arg15[%get3A_1825, %broadcast_in_dim3A_2023] : memref<8x16xf32, #tpu.memory_space<vmem>>[vector<16xi32>, vector<16xi32>], vector<16xf32>,
      %mul3A_2025 = arith.mulf %gather3A_2015, %get3A_1874 : vector<16xf32>
      %mul3A_2026 = arith.mulf %gather3A_2018, %get3A_1898 : vector<16xf32>
      %add3A_2027 = arith.addf %mul3A_2025, %mul3A_2026 : vector<16xf32>
      %mul3A_2028 = arith.mulf %gather3A_2021, %get3A_1922 : vector<16xf32>
      %add3A_2029 = arith.addf %add3A_2027, %mul3A_2028 : vector<16xf32>
      %mul3A_2030 = arith.mulf %gather3A_2024, %get3A_1946 : vector<16xf32>
      %add3A_2031 = arith.addf %add3A_2029, %mul3A_2030 : vector<16xf32>
      %broadcast_in_dim3A_2032 = arith.constant 4 : i32
      %broadcast_in_dim3A_2033 = vector.broadcast %broadcast_in_dim3A_2032 : i32 to vector<16xi32>
      tpu.vector_store_idx %arg17[%add3A_1822, %broadcast_in_dim3A_2033], %add3A_2031 : memref<512x16xf32, #tpu.memory_space<vmem>>[vector<16xi32>, vector<16xi32>], vector<16xf32>,
      %mul3A_2034 = arith.mulf %gather3A_2015, %get3A_1880 : vector<16xf32>
      %mul3A_2035 = arith.mulf %gather3A_2018, %get3A_1904 : vector<16xf32>
      %add3A_2036 = arith.addf %mul3A_2034, %mul3A_2035 : vector<16xf32>
      %mul3A_2037 = arith.mulf %gather3A_2021, %get3A_1928 : vector<16xf32>
      %add3A_2038 = arith.addf %add3A_2036, %mul3A_2037 : vector<16xf32>
      %mul3A_2039 = arith.mulf %gather3A_2024, %get3A_1952 : vector<16xf32>
      %add3A_2040 = arith.addf %add3A_2038, %mul3A_2039 : vector<16xf32>
      %broadcast_in_dim3A_2041 = arith.constant 5 : i32
      %broadcast_in_dim3A_2042 = vector.broadcast %broadcast_in_dim3A_2041 : i32 to vector<16xi32>
      tpu.vector_store_idx %arg17[%add3A_1822, %broadcast_in_dim3A_2042], %add3A_2040 : memref<512x16xf32, #tpu.memory_space<vmem>>[vector<16xi32>, vector<16xi32>], vector<16xf32>,
      %mul3A_2043 = arith.mulf %gather3A_2015, %get3A_1886 : vector<16xf32>
      %mul3A_2044 = arith.mulf %gather3A_2018, %get3A_1910 : vector<16xf32>
      %add3A_2045 = arith.addf %mul3A_2043, %mul3A_2044 : vector<16xf32>
      %mul3A_2046 = arith.mulf %gather3A_2021, %get3A_1934 : vector<16xf32>
      %add3A_2047 = arith.addf %add3A_2045, %mul3A_2046 : vector<16xf32>
      %mul3A_2048 = arith.mulf %gather3A_2024, %get3A_1958 : vector<16xf32>
      %add3A_2049 = arith.addf %add3A_2047, %mul3A_2048 : vector<16xf32>
      %broadcast_in_dim3A_2050 = arith.constant 6 : i32
      %broadcast_in_dim3A_2051 = vector.broadcast %broadcast_in_dim3A_2050 : i32 to vector<16xi32>
      tpu.vector_store_idx %arg17[%add3A_1822, %broadcast_in_dim3A_2051], %add3A_2049 : memref<512x16xf32, #tpu.memory_space<vmem>>[vector<16xi32>, vector<16xi32>], vector<16xf32>,
      %mul3A_2052 = arith.mulf %gather3A_2015, %get3A_1892 : vector<16xf32>
      %mul3A_2053 = arith.mulf %gather3A_2018, %get3A_1916 : vector<16xf32>
      %add3A_2054 = arith.addf %mul3A_2052, %mul3A_2053 : vector<16xf32>
      %mul3A_2055 = arith.mulf %gather3A_2021, %get3A_1940 : vector<16xf32>
      %add3A_2056 = arith.addf %add3A_2054, %mul3A_2055 : vector<16xf32>
      %mul3A_2057 = arith.mulf %gather3A_2024, %get3A_1964 : vector<16xf32>
      %add3A_2058 = arith.addf %add3A_2056, %mul3A_2057 : vector<16xf32>
      %broadcast_in_dim3A_2059 = arith.constant 7 : i32
      %broadcast_in_dim3A_2060 = vector.broadcast %broadcast_in_dim3A_2059 : i32 to vector<16xi32>
      tpu.vector_store_idx %arg17[%add3A_1822, %broadcast_in_dim3A_2060], %add3A_2058 : memref<512x16xf32, #tpu.memory_space<vmem>>[vector<16xi32>, vector<16xi32>], vector<16xf32>,
      %broadcast_in_dim3A_2061 = arith.constant 8 : i32
      %broadcast_in_dim3A_2062 = vector.broadcast %broadcast_in_dim3A_2061 : i32 to vector<16xi32>
      %gather3A_2063 = tpu.vector_load_idx %arg15[%get3A_1825, %broadcast_in_dim3A_2062] : memref<8x16xf32, #tpu.memory_space<vmem>>[vector<16xi32>, vector<16xi32>], vector<16xf32>,
      %broadcast_in_dim3A_2064 = arith.constant 9 : i32
      %broadcast_in_dim3A_2065 = vector.broadcast %broadcast_in_dim3A_2064 : i32 to vector<16xi32>
      %gather3A_2066 = tpu.vector_load_idx %arg15[%get3A_1825, %broadcast_in_dim3A_2065] : memref<8x16xf32, #tpu.memory_space<vmem>>[vector<16xi32>, vector<16xi32>], vector<16xf32>,
      %broadcast_in_dim3A_2067 = arith.constant 10 : i32
      %broadcast_in_dim3A_2068 = vector.broadcast %broadcast_in_dim3A_2067 : i32 to vector<16xi32>
      %gather3A_2069 = tpu.vector_load_idx %arg15[%get3A_1825, %broadcast_in_dim3A_2068] : memref<8x16xf32, #tpu.memory_space<vmem>>[vector<16xi32>, vector<16xi32>], vector<16xf32>,
      %broadcast_in_dim3A_2070 = arith.constant 11 : i32
      %broadcast_in_dim3A_2071 = vector.broadcast %broadcast_in_dim3A_2070 : i32 to vector<16xi32>
      %gather3A_2072 = tpu.vector_load_idx %arg15[%get3A_1825, %broadcast_in_dim3A_2071] : memref<8x16xf32, #tpu.memory_space<vmem>>[vector<16xi32>, vector<16xi32>], vector<16xf32>,
      %mul3A_2073 = arith.mulf %gather3A_2063, %get3A_1874 : vector<16xf32>
      %mul3A_2074 = arith.mulf %gather3A_2066, %get3A_1898 : vector<16xf32>
      %add3A_2075 = arith.addf %mul3A_2073, %mul3A_2074 : vector<16xf32>
      %mul3A_2076 = arith.mulf %gather3A_2069, %get3A_1922 : vector<16xf32>
      %add3A_2077 = arith.addf %add3A_2075, %mul3A_2076 : vector<16xf32>
      %mul3A_2078 = arith.mulf %gather3A_2072, %get3A_1946 : vector<16xf32>
      %add3A_2079 = arith.addf %add3A_2077, %mul3A_2078 : vector<16xf32>
      %broadcast_in_dim3A_2080 = arith.constant 8 : i32
      %broadcast_in_dim3A_2081 = vector.broadcast %broadcast_in_dim3A_2080 : i32 to vector<16xi32>
      tpu.vector_store_idx %arg17[%add3A_1822, %broadcast_in_dim3A_2081], %add3A_2079 : memref<512x16xf32, #tpu.memory_space<vmem>>[vector<16xi32>, vector<16xi32>], vector<16xf32>,
      %mul3A_2082 = arith.mulf %gather3A_2063, %get3A_1880 : vector<16xf32>
      %mul3A_2083 = arith.mulf %gather3A_2066, %get3A_1904 : vector<16xf32>
      %add3A_2084 = arith.addf %mul3A_2082, %mul3A_2083 : vector<16xf32>
      %mul3A_2085 = arith.mulf %gather3A_2069, %get3A_1928 : vector<16xf32>
      %add3A_2086 = arith.addf %add3A_2084, %mul3A_2085 : vector<16xf32>
      %mul3A_2087 = arith.mulf %gather3A_2072, %get3A_1952 : vector<16xf32>
      %add3A_2088 = arith.addf %add3A_2086, %mul3A_2087 : vector<16xf32>
      %broadcast_in_dim3A_2089 = arith.constant 9 : i32
      %broadcast_in_dim3A_2090 = vector.broadcast %broadcast_in_dim3A_2089 : i32 to vector<16xi32>
      tpu.vector_store_idx %arg17[%add3A_1822, %broadcast_in_dim3A_2090], %add3A_2088 : memref<512x16xf32, #tpu.memory_space<vmem>>[vector<16xi32>, vector<16xi32>], vector<16xf32>,
      %mul3A_2091 = arith.mulf %gather3A_2063, %get3A_1886 : vector<16xf32>
      %mul3A_2092 = arith.mulf %gather3A_2066, %get3A_1910 : vector<16xf32>
      %add3A_2093 = arith.addf %mul3A_2091, %mul3A_2092 : vector<16xf32>
      %mul3A_2094 = arith.mulf %gather3A_2069, %get3A_1934 : vector<16xf32>
      %add3A_2095 = arith.addf %add3A_2093, %mul3A_2094 : vector<16xf32>
      %mul3A_2096 = arith.mulf %gather3A_2072, %get3A_1958 : vector<16xf32>
      %add3A_2097 = arith.addf %add3A_2095, %mul3A_2096 : vector<16xf32>
      %broadcast_in_dim3A_2098 = arith.constant 10 : i32
      %broadcast_in_dim3A_2099 = vector.broadcast %broadcast_in_dim3A_2098 : i32 to vector<16xi32>
      tpu.vector_store_idx %arg17[%add3A_1822, %broadcast_in_dim3A_2099], %add3A_2097 : memref<512x16xf32, #tpu.memory_space<vmem>>[vector<16xi32>, vector<16xi32>], vector<16xf32>,
      %mul3A_2100 = arith.mulf %gather3A_2063, %get3A_1892 : vector<16xf32>
      %mul3A_2101 = arith.mulf %gather3A_2066, %get3A_1916 : vector<16xf32>
      %add3A_2102 = arith.addf %mul3A_2100, %mul3A_2101 : vector<16xf32>
      %mul3A_2103 = arith.mulf %gather3A_2069, %get3A_1940 : vector<16xf32>
      %add3A_2104 = arith.addf %add3A_2102, %mul3A_2103 : vector<16xf32>
      %mul3A_2105 = arith.mulf %gather3A_2072, %get3A_1964 : vector<16xf32>
      %add3A_2106 = arith.addf %add3A_2104, %mul3A_2105 : vector<16xf32>
      %broadcast_in_dim3A_2107 = arith.constant 11 : i32
      %broadcast_in_dim3A_2108 = vector.broadcast %broadcast_in_dim3A_2107 : i32 to vector<16xi32>
      tpu.vector_store_idx %arg17[%add3A_1822, %broadcast_in_dim3A_2108], %add3A_2106 : memref<512x16xf32, #tpu.memory_space<vmem>>[vector<16xi32>, vector<16xi32>], vector<16xf32>,
      %broadcast_in_dim3A_2109 = arith.constant 12 : i32
      %broadcast_in_dim3A_2110 = vector.broadcast %broadcast_in_dim3A_2109 : i32 to vector<16xi32>
      %gather3A_2111 = tpu.vector_load_idx %arg15[%get3A_1825, %broadcast_in_dim3A_2110] : memref<8x16xf32, #tpu.memory_space<vmem>>[vector<16xi32>, vector<16xi32>], vector<16xf32>,
      %broadcast_in_dim3A_2112 = arith.constant 13 : i32
      %broadcast_in_dim3A_2113 = vector.broadcast %broadcast_in_dim3A_2112 : i32 to vector<16xi32>
      %gather3A_2114 = tpu.vector_load_idx %arg15[%get3A_1825, %broadcast_in_dim3A_2113] : memref<8x16xf32, #tpu.memory_space<vmem>>[vector<16xi32>, vector<16xi32>], vector<16xf32>,
      %broadcast_in_dim3A_2115 = arith.constant 14 : i32
      %broadcast_in_dim3A_2116 = vector.broadcast %broadcast_in_dim3A_2115 : i32 to vector<16xi32>
      %gather3A_2117 = tpu.vector_load_idx %arg15[%get3A_1825, %broadcast_in_dim3A_2116] : memref<8x16xf32, #tpu.memory_space<vmem>>[vector<16xi32>, vector<16xi32>], vector<16xf32>,
      %broadcast_in_dim3A_2118 = arith.constant 15 : i32
      %broadcast_in_dim3A_2119 = vector.broadcast %broadcast_in_dim3A_2118 : i32 to vector<16xi32>
      %gather3A_2120 = tpu.vector_load_idx %arg15[%get3A_1825, %broadcast_in_dim3A_2119] : memref<8x16xf32, #tpu.memory_space<vmem>>[vector<16xi32>, vector<16xi32>], vector<16xf32>,
      %mul3A_2121 = arith.mulf %gather3A_2111, %get3A_1874 : vector<16xf32>
      %mul3A_2122 = arith.mulf %gather3A_2114, %get3A_1898 : vector<16xf32>
      %add3A_2123 = arith.addf %mul3A_2121, %mul3A_2122 : vector<16xf32>
      %mul3A_2124 = arith.mulf %gather3A_2117, %get3A_1922 : vector<16xf32>
      %add3A_2125 = arith.addf %add3A_2123, %mul3A_2124 : vector<16xf32>
      %mul3A_2126 = arith.mulf %gather3A_2120, %get3A_1946 : vector<16xf32>
      %add3A_2127 = arith.addf %add3A_2125, %mul3A_2126 : vector<16xf32>
      %broadcast_in_dim3A_2128 = arith.constant 12 : i32
      %broadcast_in_dim3A_2129 = vector.broadcast %broadcast_in_dim3A_2128 : i32 to vector<16xi32>
      tpu.vector_store_idx %arg17[%add3A_1822, %broadcast_in_dim3A_2129], %add3A_2127 : memref<512x16xf32, #tpu.memory_space<vmem>>[vector<16xi32>, vector<16xi32>], vector<16xf32>,
      %mul3A_2130 = arith.mulf %gather3A_2111, %get3A_1880 : vector<16xf32>
      %mul3A_2131 = arith.mulf %gather3A_2114, %get3A_1904 : vector<16xf32>
      %add3A_2132 = arith.addf %mul3A_2130, %mul3A_2131 : vector<16xf32>
      %mul3A_2133 = arith.mulf %gather3A_2117, %get3A_1928 : vector<16xf32>
      %add3A_2134 = arith.addf %add3A_2132, %mul3A_2133 : vector<16xf32>
      %mul3A_2135 = arith.mulf %gather3A_2120, %get3A_1952 : vector<16xf32>
      %add3A_2136 = arith.addf %add3A_2134, %mul3A_2135 : vector<16xf32>
      %broadcast_in_dim3A_2137 = arith.constant 13 : i32
      %broadcast_in_dim3A_2138 = vector.broadcast %broadcast_in_dim3A_2137 : i32 to vector<16xi32>
      tpu.vector_store_idx %arg17[%add3A_1822, %broadcast_in_dim3A_2138], %add3A_2136 : memref<512x16xf32, #tpu.memory_space<vmem>>[vector<16xi32>, vector<16xi32>], vector<16xf32>,
      %mul3A_2139 = arith.mulf %gather3A_2111, %get3A_1886 : vector<16xf32>
      %mul3A_2140 = arith.mulf %gather3A_2114, %get3A_1910 : vector<16xf32>
      %add3A_2141 = arith.addf %mul3A_2139, %mul3A_2140 : vector<16xf32>
      %mul3A_2142 = arith.mulf %gather3A_2117, %get3A_1934 : vector<16xf32>
      %add3A_2143 = arith.addf %add3A_2141, %mul3A_2142 : vector<16xf32>
      %mul3A_2144 = arith.mulf %gather3A_2120, %get3A_1958 : vector<16xf32>
      %add3A_2145 = arith.addf %add3A_2143, %mul3A_2144 : vector<16xf32>
      %broadcast_in_dim3A_2146 = arith.constant 14 : i32
      %broadcast_in_dim3A_2147 = vector.broadcast %broadcast_in_dim3A_2146 : i32 to vector<16xi32>
      tpu.vector_store_idx %arg17[%add3A_1822, %broadcast_in_dim3A_2147], %add3A_2145 : memref<512x16xf32, #tpu.memory_space<vmem>>[vector<16xi32>, vector<16xi32>], vector<16xf32>,
      %mul3A_2148 = arith.mulf %gather3A_2111, %get3A_1892 : vector<16xf32>
      %mul3A_2149 = arith.mulf %gather3A_2114, %get3A_1916 : vector<16xf32>
      %add3A_2150 = arith.addf %mul3A_2148, %mul3A_2149 : vector<16xf32>
      %mul3A_2151 = arith.mulf %gather3A_2117, %get3A_1940 : vector<16xf32>
      %add3A_2152 = arith.addf %add3A_2150, %mul3A_2151 : vector<16xf32>
      %mul3A_2153 = arith.mulf %gather3A_2120, %get3A_1964 : vector<16xf32>
      %add3A_2154 = arith.addf %add3A_2152, %mul3A_2153 : vector<16xf32>
      %broadcast_in_dim3A_2155 = arith.constant 15 : i32
      %broadcast_in_dim3A_2156 = vector.broadcast %broadcast_in_dim3A_2155 : i32 to vector<16xi32>
      tpu.vector_store_idx %arg17[%add3A_1822, %broadcast_in_dim3A_2156], %add3A_2154 : memref<512x16xf32, #tpu.memory_space<vmem>>[vector<16xi32>, vector<16xi32>], vector<16xf32>,
    }
    %scan3A_1587 = arith.constant 8 : i32
    %dma_wait3A_1588 = arith.constant 0 : i32
    %dma_wait3A_1589 = arith.constant 3 : i32
    %dma_wait3A_1590 = arith.constant 0 : i32
    %dma_wait3A_1591 = arith.constant 384 : i32
    %dma_wait3A_1592 = tpu.memref_slice %arg14[%dma_wait3A_1590, %dma_wait3A_1591] : memref<16x512xf32, #tpu.memory_space<vmem>> -> memref<1x128xf32, #tpu.memory_space<vmem>>
    %dma_wait3A_1593 = tpu.memref_squeeze %dma_wait3A_1592 : memref<1x128xf32, #tpu.memory_space<vmem>> -> memref<128xf32, #tpu.memory_space<vmem>>
    %dma_wait3A_1594 = arith.constant 0 : i32
    %dma_wait3A_1595 = tpu.memref_slice %arg12[%dma_wait3A_1589, %dma_wait3A_1594] : memref<4x128xi32, #tpu.memory_space<vmem>> -> memref<1x128xi32, #tpu.memory_space<vmem>>
    %dma_wait3A_1596 = tpu.memref_squeeze %dma_wait3A_1595 : memref<1x128xi32, #tpu.memory_space<vmem>> -> memref<128xi32, #tpu.memory_space<vmem>>
    %dma_wait3A_1597 = arith.constant 0 : i32
    %dma_wait3A_1598 = tpu.memref_slice %arg4[%dma_wait3A_1588, %dma_wait3A_1597] : memref<4x1000000xf32, #tpu.memory_space<hbm>> -> memref<1x1000000xf32, #tpu.memory_space<hbm>>
    %dma_wait3A_1599 = tpu.memref_squeeze %dma_wait3A_1598 : memref<1x1000000xf32, #tpu.memory_space<hbm>> -> memref<1000000xf32, #tpu.memory_space<hbm>>
    %dma_wait3A_1600 = arith.constant 0 : i32
    %dma_wait3A_1601 = tpu.memref_slice %dma_wait3A_1599[%dma_wait3A_1600] : memref<1000000xf32, #tpu.memory_space<hbm>> -> memref<1000000xf32, #tpu.memory_space<hbm>>
    tpu.wait_indirect_dma semaphore(%arg22 : memref<!tpu.dma_semaphore, #tpu.memory_space<semaphore_mem>>) src(%dma_wait3A_1601 : memref<1000000xf32, #tpu.memory_space<hbm>>) dst(%dma_wait3A_1593 : memref<128xf32, #tpu.memory_space<vmem>>)
    %dma_wait3A_1602 = arith.constant 1 : i32
    %dma_wait3A_1603 = arith.constant 3 : i32
    %dma_wait3A_1604 = arith.constant 1 : i32
    %dma_wait3A_1605 = arith.constant 384 : i32
    %dma_wait3A_1606 = tpu.memref_slice %arg14[%dma_wait3A_1604, %dma_wait3A_1605] : memref<16x512xf32, #tpu.memory_space<vmem>> -> memref<1x128xf32, #tpu.memory_space<vmem>>
    %dma_wait3A_1607 = tpu.memref_squeeze %dma_wait3A_1606 : memref<1x128xf32, #tpu.memory_space<vmem>> -> memref<128xf32, #tpu.memory_space<vmem>>
    %dma_wait3A_1608 = arith.constant 0 : i32
    %dma_wait3A_1609 = tpu.memref_slice %arg12[%dma_wait3A_1603, %dma_wait3A_1608] : memref<4x128xi32, #tpu.memory_space<vmem>> -> memref<1x128xi32, #tpu.memory_space<vmem>>
    %dma_wait3A_1610 = tpu.memref_squeeze %dma_wait3A_1609 : memref<1x128xi32, #tpu.memory_space<vmem>> -> memref<128xi32, #tpu.memory_space<vmem>>
    %dma_wait3A_1611 = arith.constant 0 : i32
    %dma_wait3A_1612 = tpu.memref_slice %arg4[%dma_wait3A_1602, %dma_wait3A_1611] : memref<4x1000000xf32, #tpu.memory_space<hbm>> -> memref<1x1000000xf32, #tpu.memory_space<hbm>>
    %dma_wait3A_1613 = tpu.memref_squeeze %dma_wait3A_1612 : memref<1x1000000xf32, #tpu.memory_space<hbm>> -> memref<1000000xf32, #tpu.memory_space<hbm>>
    %dma_wait3A_1614 = arith.constant 0 : i32
    %dma_wait3A_1615 = tpu.memref_slice %dma_wait3A_1613[%dma_wait3A_1614] : memref<1000000xf32, #tpu.memory_space<hbm>> -> memref<1000000xf32, #tpu.memory_space<hbm>>
    tpu.wait_indirect_dma semaphore(%arg22 : memref<!tpu.dma_semaphore, #tpu.memory_space<semaphore_mem>>) src(%dma_wait3A_1615 : memref<1000000xf32, #tpu.memory_space<hbm>>) dst(%dma_wait3A_1607 : memref<128xf32, #tpu.memory_space<vmem>>)
    %dma_wait3A_1616 = arith.constant 2 : i32
    %dma_wait3A_1617 = arith.constant 3 : i32
    %dma_wait3A_1618 = arith.constant 2 : i32
    %dma_wait3A_1619 = arith.constant 384 : i32
    %dma_wait3A_1620 = tpu.memref_slice %arg14[%dma_wait3A_1618, %dma_wait3A_1619] : memref<16x512xf32, #tpu.memory_space<vmem>> -> memref<1x128xf32, #tpu.memory_space<vmem>>
    %dma_wait3A_1621 = tpu.memref_squeeze %dma_wait3A_1620 : memref<1x128xf32, #tpu.memory_space<vmem>> -> memref<128xf32, #tpu.memory_space<vmem>>
    %dma_wait3A_1622 = arith.constant 0 : i32
    %dma_wait3A_1623 = tpu.memref_slice %arg12[%dma_wait3A_1617, %dma_wait3A_1622] : memref<4x128xi32, #tpu.memory_space<vmem>> -> memref<1x128xi32, #tpu.memory_space<vmem>>
    %dma_wait3A_1624 = tpu.memref_squeeze %dma_wait3A_1623 : memref<1x128xi32, #tpu.memory_space<vmem>> -> memref<128xi32, #tpu.memory_space<vmem>>
    %dma_wait3A_1625 = arith.constant 0 : i32
    %dma_wait3A_1626 = tpu.memref_slice %arg4[%dma_wait3A_1616, %dma_wait3A_1625] : memref<4x1000000xf32, #tpu.memory_space<hbm>> -> memref<1x1000000xf32, #tpu.memory_space<hbm>>
    %dma_wait3A_1627 = tpu.memref_squeeze %dma_wait3A_1626 : memref<1x1000000xf32, #tpu.memory_space<hbm>> -> memref<1000000xf32, #tpu.memory_space<hbm>>
    %dma_wait3A_1628 = arith.constant 0 : i32
    %dma_wait3A_1629 = tpu.memref_slice %dma_wait3A_1627[%dma_wait3A_1628] : memref<1000000xf32, #tpu.memory_space<hbm>> -> memref<1000000xf32, #tpu.memory_space<hbm>>
    tpu.wait_indirect_dma semaphore(%arg22 : memref<!tpu.dma_semaphore, #tpu.memory_space<semaphore_mem>>) src(%dma_wait3A_1629 : memref<1000000xf32, #tpu.memory_space<hbm>>) dst(%dma_wait3A_1621 : memref<128xf32, #tpu.memory_space<vmem>>)
    %dma_wait3A_1630 = arith.constant 3 : i32
    %dma_wait3A_1631 = arith.constant 3 : i32
    %dma_wait3A_1632 = arith.constant 3 : i32
    %dma_wait3A_1633 = arith.constant 384 : i32
    %dma_wait3A_1634 = tpu.memref_slice %arg14[%dma_wait3A_1632, %dma_wait3A_1633] : memref<16x512xf32, #tpu.memory_space<vmem>> -> memref<1x128xf32, #tpu.memory_space<vmem>>
    %dma_wait3A_1635 = tpu.memref_squeeze %dma_wait3A_1634 : memref<1x128xf32, #tpu.memory_space<vmem>> -> memref<128xf32, #tpu.memory_space<vmem>>
    %dma_wait3A_1636 = arith.constant 0 : i32
    %dma_wait3A_1637 = tpu.memref_slice %arg12[%dma_wait3A_1631, %dma_wait3A_1636] : memref<4x128xi32, #tpu.memory_space<vmem>> -> memref<1x128xi32, #tpu.memory_space<vmem>>
    %dma_wait3A_1638 = tpu.memref_squeeze %dma_wait3A_1637 : memref<1x128xi32, #tpu.memory_space<vmem>> -> memref<128xi32, #tpu.memory_space<vmem>>
    %dma_wait3A_1639 = arith.constant 0 : i32
    %dma_wait3A_1640 = tpu.memref_slice %arg4[%dma_wait3A_1630, %dma_wait3A_1639] : memref<4x1000000xf32, #tpu.memory_space<hbm>> -> memref<1x1000000xf32, #tpu.memory_space<hbm>>
    %dma_wait3A_1641 = tpu.memref_squeeze %dma_wait3A_1640 : memref<1x1000000xf32, #tpu.memory_space<hbm>> -> memref<1000000xf32, #tpu.memory_space<hbm>>
    %dma_wait3A_1642 = arith.constant 0 : i32
    %dma_wait3A_1643 = tpu.memref_slice %dma_wait3A_1641[%dma_wait3A_1642] : memref<1000000xf32, #tpu.memory_space<hbm>> -> memref<1000000xf32, #tpu.memory_space<hbm>>
    tpu.wait_indirect_dma semaphore(%arg22 : memref<!tpu.dma_semaphore, #tpu.memory_space<semaphore_mem>>) src(%dma_wait3A_1643 : memref<1000000xf32, #tpu.memory_space<hbm>>) dst(%dma_wait3A_1635 : memref<128xf32, #tpu.memory_space<vmem>>)
    %dma_wait3A_1644 = arith.constant 0 : i32
    %dma_wait3A_1645 = arith.constant 3 : i32
    %dma_wait3A_1646 = arith.constant 4 : i32
    %dma_wait3A_1647 = arith.constant 384 : i32
    %dma_wait3A_1648 = tpu.memref_slice %arg14[%dma_wait3A_1646, %dma_wait3A_1647] : memref<16x512xf32, #tpu.memory_space<vmem>> -> memref<1x128xf32, #tpu.memory_space<vmem>>
    %dma_wait3A_1649 = tpu.memref_squeeze %dma_wait3A_1648 : memref<1x128xf32, #tpu.memory_space<vmem>> -> memref<128xf32, #tpu.memory_space<vmem>>
    %dma_wait3A_1650 = arith.constant 0 : i32
    %dma_wait3A_1651 = tpu.memref_slice %arg12[%dma_wait3A_1645, %dma_wait3A_1650] : memref<4x128xi32, #tpu.memory_space<vmem>> -> memref<1x128xi32, #tpu.memory_space<vmem>>
    %dma_wait3A_1652 = tpu.memref_squeeze %dma_wait3A_1651 : memref<1x128xi32, #tpu.memory_space<vmem>> -> memref<128xi32, #tpu.memory_space<vmem>>
    %dma_wait3A_1653 = arith.constant 0 : i32
    %dma_wait3A_1654 = tpu.memref_slice %arg5[%dma_wait3A_1644, %dma_wait3A_1653] : memref<4x1000000xf32, #tpu.memory_space<hbm>> -> memref<1x1000000xf32, #tpu.memory_space<hbm>>
    %dma_wait3A_1655 = tpu.memref_squeeze %dma_wait3A_1654 : memref<1x1000000xf32, #tpu.memory_space<hbm>> -> memref<1000000xf32, #tpu.memory_space<hbm>>
    %dma_wait3A_1656 = arith.constant 0 : i32
    %dma_wait3A_1657 = tpu.memref_slice %dma_wait3A_1655[%dma_wait3A_1656] : memref<1000000xf32, #tpu.memory_space<hbm>> -> memref<1000000xf32, #tpu.memory_space<hbm>>
    tpu.wait_indirect_dma semaphore(%arg22 : memref<!tpu.dma_semaphore, #tpu.memory_space<semaphore_mem>>) src(%dma_wait3A_1657 : memref<1000000xf32, #tpu.memory_space<hbm>>) dst(%dma_wait3A_1649 : memref<128xf32, #tpu.memory_space<vmem>>)
    %dma_wait3A_1658 = arith.constant 1 : i32
    %dma_wait3A_1659 = arith.constant 3 : i32
    %dma_wait3A_1660 = arith.constant 5 : i32
    %dma_wait3A_1661 = arith.constant 384 : i32
    %dma_wait3A_1662 = tpu.memref_slice %arg14[%dma_wait3A_1660, %dma_wait3A_1661] : memref<16x512xf32, #tpu.memory_space<vmem>> -> memref<1x128xf32, #tpu.memory_space<vmem>>
    %dma_wait3A_1663 = tpu.memref_squeeze %dma_wait3A_1662 : memref<1x128xf32, #tpu.memory_space<vmem>> -> memref<128xf32, #tpu.memory_space<vmem>>
    %dma_wait3A_1664 = arith.constant 0 : i32
    %dma_wait3A_1665 = tpu.memref_slice %arg12[%dma_wait3A_1659, %dma_wait3A_1664] : memref<4x128xi32, #tpu.memory_space<vmem>> -> memref<1x128xi32, #tpu.memory_space<vmem>>
    %dma_wait3A_1666 = tpu.memref_squeeze %dma_wait3A_1665 : memref<1x128xi32, #tpu.memory_space<vmem>> -> memref<128xi32, #tpu.memory_space<vmem>>
    %dma_wait3A_1667 = arith.constant 0 : i32
    %dma_wait3A_1668 = tpu.memref_slice %arg5[%dma_wait3A_1658, %dma_wait3A_1667] : memref<4x1000000xf32, #tpu.memory_space<hbm>> -> memref<1x1000000xf32, #tpu.memory_space<hbm>>
    %dma_wait3A_1669 = tpu.memref_squeeze %dma_wait3A_1668 : memref<1x1000000xf32, #tpu.memory_space<hbm>> -> memref<1000000xf32, #tpu.memory_space<hbm>>
    %dma_wait3A_1670 = arith.constant 0 : i32
    %dma_wait3A_1671 = tpu.memref_slice %dma_wait3A_1669[%dma_wait3A_1670] : memref<1000000xf32, #tpu.memory_space<hbm>> -> memref<1000000xf32, #tpu.memory_space<hbm>>
    tpu.wait_indirect_dma semaphore(%arg22 : memref<!tpu.dma_semaphore, #tpu.memory_space<semaphore_mem>>) src(%dma_wait3A_1671 : memref<1000000xf32, #tpu.memory_space<hbm>>) dst(%dma_wait3A_1663 : memref<128xf32, #tpu.memory_space<vmem>>)
    %dma_wait3A_1672 = arith.constant 2 : i32
    %dma_wait3A_1673 = arith.constant 3 : i32
    %dma_wait3A_1674 = arith.constant 6 : i32
    %dma_wait3A_1675 = arith.constant 384 : i32
    %dma_wait3A_1676 = tpu.memref_slice %arg14[%dma_wait3A_1674, %dma_wait3A_1675] : memref<16x512xf32, #tpu.memory_space<vmem>> -> memref<1x128xf32, #tpu.memory_space<vmem>>
    %dma_wait3A_1677 = tpu.memref_squeeze %dma_wait3A_1676 : memref<1x128xf32, #tpu.memory_space<vmem>> -> memref<128xf32, #tpu.memory_space<vmem>>
    %dma_wait3A_1678 = arith.constant 0 : i32
    %dma_wait3A_1679 = tpu.memref_slice %arg12[%dma_wait3A_1673, %dma_wait3A_1678] : memref<4x128xi32, #tpu.memory_space<vmem>> -> memref<1x128xi32, #tpu.memory_space<vmem>>
    %dma_wait3A_1680 = tpu.memref_squeeze %dma_wait3A_1679 : memref<1x128xi32, #tpu.memory_space<vmem>> -> memref<128xi32, #tpu.memory_space<vmem>>
    %dma_wait3A_1681 = arith.constant 0 : i32
    %dma_wait3A_1682 = tpu.memref_slice %arg5[%dma_wait3A_1672, %dma_wait3A_1681] : memref<4x1000000xf32, #tpu.memory_space<hbm>> -> memref<1x1000000xf32, #tpu.memory_space<hbm>>
    %dma_wait3A_1683 = tpu.memref_squeeze %dma_wait3A_1682 : memref<1x1000000xf32, #tpu.memory_space<hbm>> -> memref<1000000xf32, #tpu.memory_space<hbm>>
    %dma_wait3A_1684 = arith.constant 0 : i32
    %dma_wait3A_1685 = tpu.memref_slice %dma_wait3A_1683[%dma_wait3A_1684] : memref<1000000xf32, #tpu.memory_space<hbm>> -> memref<1000000xf32, #tpu.memory_space<hbm>>
    tpu.wait_indirect_dma semaphore(%arg22 : memref<!tpu.dma_semaphore, #tpu.memory_space<semaphore_mem>>) src(%dma_wait3A_1685 : memref<1000000xf32, #tpu.memory_space<hbm>>) dst(%dma_wait3A_1677 : memref<128xf32, #tpu.memory_space<vmem>>)
    %dma_wait3A_1686 = arith.constant 3 : i32
    %dma_wait3A_1687 = arith.constant 3 : i32
    %dma_wait3A_1688 = arith.constant 7 : i32
    %dma_wait3A_1689 = arith.constant 384 : i32
    %dma_wait3A_1690 = tpu.memref_slice %arg14[%dma_wait3A_1688, %dma_wait3A_1689] : memref<16x512xf32, #tpu.memory_space<vmem>> -> memref<1x128xf32, #tpu.memory_space<vmem>>
    %dma_wait3A_1691 = tpu.memref_squeeze %dma_wait3A_1690 : memref<1x128xf32, #tpu.memory_space<vmem>> -> memref<128xf32, #tpu.memory_space<vmem>>
    %dma_wait3A_1692 = arith.constant 0 : i32
    %dma_wait3A_1693 = tpu.memref_slice %arg12[%dma_wait3A_1687, %dma_wait3A_1692] : memref<4x128xi32, #tpu.memory_space<vmem>> -> memref<1x128xi32, #tpu.memory_space<vmem>>
    %dma_wait3A_1694 = tpu.memref_squeeze %dma_wait3A_1693 : memref<1x128xi32, #tpu.memory_space<vmem>> -> memref<128xi32, #tpu.memory_space<vmem>>
    %dma_wait3A_1695 = arith.constant 0 : i32
    %dma_wait3A_1696 = tpu.memref_slice %arg5[%dma_wait3A_1686, %dma_wait3A_1695] : memref<4x1000000xf32, #tpu.memory_space<hbm>> -> memref<1x1000000xf32, #tpu.memory_space<hbm>>
    %dma_wait3A_1697 = tpu.memref_squeeze %dma_wait3A_1696 : memref<1x1000000xf32, #tpu.memory_space<hbm>> -> memref<1000000xf32, #tpu.memory_space<hbm>>
    %dma_wait3A_1698 = arith.constant 0 : i32
    %dma_wait3A_1699 = tpu.memref_slice %dma_wait3A_1697[%dma_wait3A_1698] : memref<1000000xf32, #tpu.memory_space<hbm>> -> memref<1000000xf32, #tpu.memory_space<hbm>>
    tpu.wait_indirect_dma semaphore(%arg22 : memref<!tpu.dma_semaphore, #tpu.memory_space<semaphore_mem>>) src(%dma_wait3A_1699 : memref<1000000xf32, #tpu.memory_space<hbm>>) dst(%dma_wait3A_1691 : memref<128xf32, #tpu.memory_space<vmem>>)
    %dma_wait3A_1700 = arith.constant 0 : i32
    %dma_wait3A_1701 = arith.constant 3 : i32
    %dma_wait3A_1702 = arith.constant 8 : i32
    %dma_wait3A_1703 = arith.constant 384 : i32
    %dma_wait3A_1704 = tpu.memref_slice %arg14[%dma_wait3A_1702, %dma_wait3A_1703] : memref<16x512xf32, #tpu.memory_space<vmem>> -> memref<1x128xf32, #tpu.memory_space<vmem>>
    %dma_wait3A_1705 = tpu.memref_squeeze %dma_wait3A_1704 : memref<1x128xf32, #tpu.memory_space<vmem>> -> memref<128xf32, #tpu.memory_space<vmem>>
    %dma_wait3A_1706 = arith.constant 0 : i32
    %dma_wait3A_1707 = tpu.memref_slice %arg12[%dma_wait3A_1701, %dma_wait3A_1706] : memref<4x128xi32, #tpu.memory_space<vmem>> -> memref<1x128xi32, #tpu.memory_space<vmem>>
    %dma_wait3A_1708 = tpu.memref_squeeze %dma_wait3A_1707 : memref<1x128xi32, #tpu.memory_space<vmem>> -> memref<128xi32, #tpu.memory_space<vmem>>
    %dma_wait3A_1709 = arith.constant 0 : i32
    %dma_wait3A_1710 = tpu.memref_slice %arg6[%dma_wait3A_1700, %dma_wait3A_1709] : memref<4x1000000xf32, #tpu.memory_space<hbm>> -> memref<1x1000000xf32, #tpu.memory_space<hbm>>
    %dma_wait3A_1711 = tpu.memref_squeeze %dma_wait3A_1710 : memref<1x1000000xf32, #tpu.memory_space<hbm>> -> memref<1000000xf32, #tpu.memory_space<hbm>>
    %dma_wait3A_1712 = arith.constant 0 : i32
    %dma_wait3A_1713 = tpu.memref_slice %dma_wait3A_1711[%dma_wait3A_1712] : memref<1000000xf32, #tpu.memory_space<hbm>> -> memref<1000000xf32, #tpu.memory_space<hbm>>
    tpu.wait_indirect_dma semaphore(%arg22 : memref<!tpu.dma_semaphore, #tpu.memory_space<semaphore_mem>>) src(%dma_wait3A_1713 : memref<1000000xf32, #tpu.memory_space<hbm>>) dst(%dma_wait3A_1705 : memref<128xf32, #tpu.memory_space<vmem>>)
    %dma_wait3A_1714 = arith.constant 1 : i32
    %dma_wait3A_1715 = arith.constant 3 : i32
    %dma_wait3A_1716 = arith.constant 9 : i32
    %dma_wait3A_1717 = arith.constant 384 : i32
    %dma_wait3A_1718 = tpu.memref_slice %arg14[%dma_wait3A_1716, %dma_wait3A_1717] : memref<16x512xf32, #tpu.memory_space<vmem>> -> memref<1x128xf32, #tpu.memory_space<vmem>>
    %dma_wait3A_1719 = tpu.memref_squeeze %dma_wait3A_1718 : memref<1x128xf32, #tpu.memory_space<vmem>> -> memref<128xf32, #tpu.memory_space<vmem>>
    %dma_wait3A_1720 = arith.constant 0 : i32
    %dma_wait3A_1721 = tpu.memref_slice %arg12[%dma_wait3A_1715, %dma_wait3A_1720] : memref<4x128xi32, #tpu.memory_space<vmem>> -> memref<1x128xi32, #tpu.memory_space<vmem>>
    %dma_wait3A_1722 = tpu.memref_squeeze %dma_wait3A_1721 : memref<1x128xi32, #tpu.memory_space<vmem>> -> memref<128xi32, #tpu.memory_space<vmem>>
    %dma_wait3A_1723 = arith.constant 0 : i32
    %dma_wait3A_1724 = tpu.memref_slice %arg6[%dma_wait3A_1714, %dma_wait3A_1723] : memref<4x1000000xf32, #tpu.memory_space<hbm>> -> memref<1x1000000xf32, #tpu.memory_space<hbm>>
    %dma_wait3A_1725 = tpu.memref_squeeze %dma_wait3A_1724 : memref<1x1000000xf32, #tpu.memory_space<hbm>> -> memref<1000000xf32, #tpu.memory_space<hbm>>
    %dma_wait3A_1726 = arith.constant 0 : i32
    %dma_wait3A_1727 = tpu.memref_slice %dma_wait3A_1725[%dma_wait3A_1726] : memref<1000000xf32, #tpu.memory_space<hbm>> -> memref<1000000xf32, #tpu.memory_space<hbm>>
    tpu.wait_indirect_dma semaphore(%arg22 : memref<!tpu.dma_semaphore, #tpu.memory_space<semaphore_mem>>) src(%dma_wait3A_1727 : memref<1000000xf32, #tpu.memory_space<hbm>>) dst(%dma_wait3A_1719 : memref<128xf32, #tpu.memory_space<vmem>>)
    %dma_wait3A_1728 = arith.constant 2 : i32
    %dma_wait3A_1729 = arith.constant 3 : i32
    %dma_wait3A_1730 = arith.constant 10 : i32
    %dma_wait3A_1731 = arith.constant 384 : i32
    %dma_wait3A_1732 = tpu.memref_slice %arg14[%dma_wait3A_1730, %dma_wait3A_1731] : memref<16x512xf32, #tpu.memory_space<vmem>> -> memref<1x128xf32, #tpu.memory_space<vmem>>
    %dma_wait3A_1733 = tpu.memref_squeeze %dma_wait3A_1732 : memref<1x128xf32, #tpu.memory_space<vmem>> -> memref<128xf32, #tpu.memory_space<vmem>>
    %dma_wait3A_1734 = arith.constant 0 : i32
    %dma_wait3A_1735 = tpu.memref_slice %arg12[%dma_wait3A_1729, %dma_wait3A_1734] : memref<4x128xi32, #tpu.memory_space<vmem>> -> memref<1x128xi32, #tpu.memory_space<vmem>>
    %dma_wait3A_1736 = tpu.memref_squeeze %dma_wait3A_1735 : memref<1x128xi32, #tpu.memory_space<vmem>> -> memref<128xi32, #tpu.memory_space<vmem>>
    %dma_wait3A_1737 = arith.constant 0 : i32
    %dma_wait3A_1738 = tpu.memref_slice %arg6[%dma_wait3A_1728, %dma_wait3A_1737] : memref<4x1000000xf32, #tpu.memory_space<hbm>> -> memref<1x1000000xf32, #tpu.memory_space<hbm>>
    %dma_wait3A_1739 = tpu.memref_squeeze %dma_wait3A_1738 : memref<1x1000000xf32, #tpu.memory_space<hbm>> -> memref<1000000xf32, #tpu.memory_space<hbm>>
    %dma_wait3A_1740 = arith.constant 0 : i32
    %dma_wait3A_1741 = tpu.memref_slice %dma_wait3A_1739[%dma_wait3A_1740] : memref<1000000xf32, #tpu.memory_space<hbm>> -> memref<1000000xf32, #tpu.memory_space<hbm>>
    tpu.wait_indirect_dma semaphore(%arg22 : memref<!tpu.dma_semaphore, #tpu.memory_space<semaphore_mem>>) src(%dma_wait3A_1741 : memref<1000000xf32, #tpu.memory_space<hbm>>) dst(%dma_wait3A_1733 : memref<128xf32, #tpu.memory_space<vmem>>)
    %dma_wait3A_1742 = arith.constant 3 : i32
    %dma_wait3A_1743 = arith.constant 3 : i32
    %dma_wait3A_1744 = arith.constant 11 : i32
    %dma_wait3A_1745 = arith.constant 384 : i32
    %dma_wait3A_1746 = tpu.memref_slice %arg14[%dma_wait3A_1744, %dma_wait3A_1745] : memref<16x512xf32, #tpu.memory_space<vmem>> -> memref<1x128xf32, #tpu.memory_space<vmem>>
    %dma_wait3A_1747 = tpu.memref_squeeze %dma_wait3A_1746 : memref<1x128xf32, #tpu.memory_space<vmem>> -> memref<128xf32, #tpu.memory_space<vmem>>
    %dma_wait3A_1748 = arith.constant 0 : i32
    %dma_wait3A_1749 = tpu.memref_slice %arg12[%dma_wait3A_1743, %dma_wait3A_1748] : memref<4x128xi32, #tpu.memory_space<vmem>> -> memref<1x128xi32, #tpu.memory_space<vmem>>
    %dma_wait3A_1750 = tpu.memref_squeeze %dma_wait3A_1749 : memref<1x128xi32, #tpu.memory_space<vmem>> -> memref<128xi32, #tpu.memory_space<vmem>>
    %dma_wait3A_1751 = arith.constant 0 : i32
    %dma_wait3A_1752 = tpu.memref_slice %arg6[%dma_wait3A_1742, %dma_wait3A_1751] : memref<4x1000000xf32, #tpu.memory_space<hbm>> -> memref<1x1000000xf32, #tpu.memory_space<hbm>>
    %dma_wait3A_1753 = tpu.memref_squeeze %dma_wait3A_1752 : memref<1x1000000xf32, #tpu.memory_space<hbm>> -> memref<1000000xf32, #tpu.memory_space<hbm>>
    %dma_wait3A_1754 = arith.constant 0 : i32
    %dma_wait3A_1755 = tpu.memref_slice %dma_wait3A_1753[%dma_wait3A_1754] : memref<1000000xf32, #tpu.memory_space<hbm>> -> memref<1000000xf32, #tpu.memory_space<hbm>>
    tpu.wait_indirect_dma semaphore(%arg22 : memref<!tpu.dma_semaphore, #tpu.memory_space<semaphore_mem>>) src(%dma_wait3A_1755 : memref<1000000xf32, #tpu.memory_space<hbm>>) dst(%dma_wait3A_1747 : memref<128xf32, #tpu.memory_space<vmem>>)
    %dma_wait3A_1756 = arith.constant 0 : i32
    %dma_wait3A_1757 = arith.constant 3 : i32
    %dma_wait3A_1758 = arith.constant 12 : i32
    %dma_wait3A_1759 = arith.constant 384 : i32
    %dma_wait3A_1760 = tpu.memref_slice %arg14[%dma_wait3A_1758, %dma_wait3A_1759] : memref<16x512xf32, #tpu.memory_space<vmem>> -> memref<1x128xf32, #tpu.memory_space<vmem>>
    %dma_wait3A_1761 = tpu.memref_squeeze %dma_wait3A_1760 : memref<1x128xf32, #tpu.memory_space<vmem>> -> memref<128xf32, #tpu.memory_space<vmem>>
    %dma_wait3A_1762 = arith.constant 0 : i32
    %dma_wait3A_1763 = tpu.memref_slice %arg12[%dma_wait3A_1757, %dma_wait3A_1762] : memref<4x128xi32, #tpu.memory_space<vmem>> -> memref<1x128xi32, #tpu.memory_space<vmem>>
    %dma_wait3A_1764 = tpu.memref_squeeze %dma_wait3A_1763 : memref<1x128xi32, #tpu.memory_space<vmem>> -> memref<128xi32, #tpu.memory_space<vmem>>
    %dma_wait3A_1765 = arith.constant 0 : i32
    %dma_wait3A_1766 = tpu.memref_slice %arg7[%dma_wait3A_1756, %dma_wait3A_1765] : memref<4x1000000xf32, #tpu.memory_space<hbm>> -> memref<1x1000000xf32, #tpu.memory_space<hbm>>
    %dma_wait3A_1767 = tpu.memref_squeeze %dma_wait3A_1766 : memref<1x1000000xf32, #tpu.memory_space<hbm>> -> memref<1000000xf32, #tpu.memory_space<hbm>>
    %dma_wait3A_1768 = arith.constant 0 : i32
    %dma_wait3A_1769 = tpu.memref_slice %dma_wait3A_1767[%dma_wait3A_1768] : memref<1000000xf32, #tpu.memory_space<hbm>> -> memref<1000000xf32, #tpu.memory_space<hbm>>
    tpu.wait_indirect_dma semaphore(%arg22 : memref<!tpu.dma_semaphore, #tpu.memory_space<semaphore_mem>>) src(%dma_wait3A_1769 : memref<1000000xf32, #tpu.memory_space<hbm>>) dst(%dma_wait3A_1761 : memref<128xf32, #tpu.memory_space<vmem>>)
    %dma_wait3A_1770 = arith.constant 1 : i32
    %dma_wait3A_1771 = arith.constant 3 : i32
    %dma_wait3A_1772 = arith.constant 13 : i32
    %dma_wait3A_1773 = arith.constant 384 : i32
    %dma_wait3A_1774 = tpu.memref_slice %arg14[%dma_wait3A_1772, %dma_wait3A_1773] : memref<16x512xf32, #tpu.memory_space<vmem>> -> memref<1x128xf32, #tpu.memory_space<vmem>>
    %dma_wait3A_1775 = tpu.memref_squeeze %dma_wait3A_1774 : memref<1x128xf32, #tpu.memory_space<vmem>> -> memref<128xf32, #tpu.memory_space<vmem>>
    %dma_wait3A_1776 = arith.constant 0 : i32
    %dma_wait3A_1777 = tpu.memref_slice %arg12[%dma_wait3A_1771, %dma_wait3A_1776] : memref<4x128xi32, #tpu.memory_space<vmem>> -> memref<1x128xi32, #tpu.memory_space<vmem>>
    %dma_wait3A_1778 = tpu.memref_squeeze %dma_wait3A_1777 : memref<1x128xi32, #tpu.memory_space<vmem>> -> memref<128xi32, #tpu.memory_space<vmem>>
    %dma_wait3A_1779 = arith.constant 0 : i32
    %dma_wait3A_1780 = tpu.memref_slice %arg7[%dma_wait3A_1770, %dma_wait3A_1779] : memref<4x1000000xf32, #tpu.memory_space<hbm>> -> memref<1x1000000xf32, #tpu.memory_space<hbm>>
    %dma_wait3A_1781 = tpu.memref_squeeze %dma_wait3A_1780 : memref<1x1000000xf32, #tpu.memory_space<hbm>> -> memref<1000000xf32, #tpu.memory_space<hbm>>
    %dma_wait3A_1782 = arith.constant 0 : i32
    %dma_wait3A_1783 = tpu.memref_slice %dma_wait3A_1781[%dma_wait3A_1782] : memref<1000000xf32, #tpu.memory_space<hbm>> -> memref<1000000xf32, #tpu.memory_space<hbm>>
    tpu.wait_indirect_dma semaphore(%arg22 : memref<!tpu.dma_semaphore, #tpu.memory_space<semaphore_mem>>) src(%dma_wait3A_1783 : memref<1000000xf32, #tpu.memory_space<hbm>>) dst(%dma_wait3A_1775 : memref<128xf32, #tpu.memory_space<vmem>>)
    %dma_wait3A_1784 = arith.constant 2 : i32
    %dma_wait3A_1785 = arith.constant 3 : i32
    %dma_wait3A_1786 = arith.constant 14 : i32
    %dma_wait3A_1787 = arith.constant 384 : i32
    %dma_wait3A_1788 = tpu.memref_slice %arg14[%dma_wait3A_1786, %dma_wait3A_1787] : memref<16x512xf32, #tpu.memory_space<vmem>> -> memref<1x128xf32, #tpu.memory_space<vmem>>
    %dma_wait3A_1789 = tpu.memref_squeeze %dma_wait3A_1788 : memref<1x128xf32, #tpu.memory_space<vmem>> -> memref<128xf32, #tpu.memory_space<vmem>>
    %dma_wait3A_1790 = arith.constant 0 : i32
    %dma_wait3A_1791 = tpu.memref_slice %arg12[%dma_wait3A_1785, %dma_wait3A_1790] : memref<4x128xi32, #tpu.memory_space<vmem>> -> memref<1x128xi32, #tpu.memory_space<vmem>>
    %dma_wait3A_1792 = tpu.memref_squeeze %dma_wait3A_1791 : memref<1x128xi32, #tpu.memory_space<vmem>> -> memref<128xi32, #tpu.memory_space<vmem>>
    %dma_wait3A_1793 = arith.constant 0 : i32
    %dma_wait3A_1794 = tpu.memref_slice %arg7[%dma_wait3A_1784, %dma_wait3A_1793] : memref<4x1000000xf32, #tpu.memory_space<hbm>> -> memref<1x1000000xf32, #tpu.memory_space<hbm>>
    %dma_wait3A_1795 = tpu.memref_squeeze %dma_wait3A_1794 : memref<1x1000000xf32, #tpu.memory_space<hbm>> -> memref<1000000xf32, #tpu.memory_space<hbm>>
    %dma_wait3A_1796 = arith.constant 0 : i32
    %dma_wait3A_1797 = tpu.memref_slice %dma_wait3A_1795[%dma_wait3A_1796] : memref<1000000xf32, #tpu.memory_space<hbm>> -> memref<1000000xf32, #tpu.memory_space<hbm>>
    tpu.wait_indirect_dma semaphore(%arg22 : memref<!tpu.dma_semaphore, #tpu.memory_space<semaphore_mem>>) src(%dma_wait3A_1797 : memref<1000000xf32, #tpu.memory_space<hbm>>) dst(%dma_wait3A_1789 : memref<128xf32, #tpu.memory_space<vmem>>)
    %dma_wait3A_1798 = arith.constant 3 : i32
    %dma_wait3A_1799 = arith.constant 3 : i32
    %dma_wait3A_1800 = arith.constant 15 : i32
    %dma_wait3A_1801 = arith.constant 384 : i32
    %dma_wait3A_1802 = tpu.memref_slice %arg14[%dma_wait3A_1800, %dma_wait3A_1801] : memref<16x512xf32, #tpu.memory_space<vmem>> -> memref<1x128xf32, #tpu.memory_space<vmem>>
    %dma_wait3A_1803 = tpu.memref_squeeze %dma_wait3A_1802 : memref<1x128xf32, #tpu.memory_space<vmem>> -> memref<128xf32, #tpu.memory_space<vmem>>
    %dma_wait3A_1804 = arith.constant 0 : i32
    %dma_wait3A_1805 = tpu.memref_slice %arg12[%dma_wait3A_1799, %dma_wait3A_1804] : memref<4x128xi32, #tpu.memory_space<vmem>> -> memref<1x128xi32, #tpu.memory_space<vmem>>
    %dma_wait3A_1806 = tpu.memref_squeeze %dma_wait3A_1805 : memref<1x128xi32, #tpu.memory_space<vmem>> -> memref<128xi32, #tpu.memory_space<vmem>>
    %dma_wait3A_1807 = arith.constant 0 : i32
    %dma_wait3A_1808 = tpu.memref_slice %arg7[%dma_wait3A_1798, %dma_wait3A_1807] : memref<4x1000000xf32, #tpu.memory_space<hbm>> -> memref<1x1000000xf32, #tpu.memory_space<hbm>>
    %dma_wait3A_1809 = tpu.memref_squeeze %dma_wait3A_1808 : memref<1x1000000xf32, #tpu.memory_space<hbm>> -> memref<1000000xf32, #tpu.memory_space<hbm>>
    %dma_wait3A_1810 = arith.constant 0 : i32
    %dma_wait3A_1811 = tpu.memref_slice %dma_wait3A_1809[%dma_wait3A_1810] : memref<1000000xf32, #tpu.memory_space<hbm>> -> memref<1000000xf32, #tpu.memory_space<hbm>>
    tpu.wait_indirect_dma semaphore(%arg22 : memref<!tpu.dma_semaphore, #tpu.memory_space<semaphore_mem>>) src(%dma_wait3A_1811 : memref<1000000xf32, #tpu.memory_space<hbm>>) dst(%dma_wait3A_1803 : memref<128xf32, #tpu.memory_space<vmem>>)
    %scan3A_1812 = arith.constant 0 : i32
    %scan3A_1813 = arith.constant 24 : i32
    %scan3A_1814 = arith.constant 8 : i32
    %scan3A_1815 = arith.addi %scan3A_1813, %scan3A_1814 : i32
    %scan3A_1816 = arith.constant 1 : i32
    scf.for %scan3A_1818 = %scan3A_1813 to %scan3A_1815 step %scan3A_1816  : i32 {
      %mul3A_1819 = arith.constant 16 : i32
      %mul3A_1820 = arith.muli %scan3A_1818, %mul3A_1819 : i32
      %add3A_1821 = vector.broadcast %mul3A_1820 : i32 to vector<16xi32>
      %add3A_1822 = arith.addi %add3A_1821, %iota3A : vector<16xi32>
      %mul3A_1823 = arith.constant 16 : i32
      %mul3A_1824 = arith.muli %scan3A_1818, %mul3A_1823 : i32
      %get3A = arith.index_cast %mul3A_1824 : i32 to index
      %get3A_1825 = tpu.vector_load %arg13[%get3A] {strides = array<i32>} : memref<512xi32, #tpu.memory_space<vmem>>, vector<16xi32>,
      %broadcast_in_dim3A = arith.constant 0 : i32
      %broadcast_in_dim3A_1826 = vector.broadcast %broadcast_in_dim3A : i32 to vector<16xi32>
      %gather3A = tpu.vector_load_idx %arg16[%get3A_1825, %broadcast_in_dim3A_1826] : memref<8x16xf32, #tpu.memory_space<vmem>>[vector<16xi32>, vector<16xi32>], vector<16xf32>,
      %broadcast_in_dim3A_1827 = arith.constant 0 : i32
      %broadcast_in_dim3A_1828 = vector.broadcast %broadcast_in_dim3A_1827 : i32 to vector<16xi32>
      tpu.vector_store_idx %arg18[%add3A_1822, %broadcast_in_dim3A_1828], %gather3A : memref<512x16xf32, #tpu.memory_space<vmem>>[vector<16xi32>, vector<16xi32>], vector<16xf32>,
      %broadcast_in_dim3A_1829 = arith.constant 1 : i32
      %broadcast_in_dim3A_1830 = vector.broadcast %broadcast_in_dim3A_1829 : i32 to vector<16xi32>
      %gather3A_1831 = tpu.vector_load_idx %arg16[%get3A_1825, %broadcast_in_dim3A_1830] : memref<8x16xf32, #tpu.memory_space<vmem>>[vector<16xi32>, vector<16xi32>], vector<16xf32>,
      %broadcast_in_dim3A_1832 = arith.constant 1 : i32
      %broadcast_in_dim3A_1833 = vector.broadcast %broadcast_in_dim3A_1832 : i32 to vector<16xi32>
      tpu.vector_store_idx %arg18[%add3A_1822, %broadcast_in_dim3A_1833], %gather3A_1831 : memref<512x16xf32, #tpu.memory_space<vmem>>[vector<16xi32>, vector<16xi32>], vector<16xf32>,
      %broadcast_in_dim3A_1834 = arith.constant 2 : i32
      %broadcast_in_dim3A_1835 = vector.broadcast %broadcast_in_dim3A_1834 : i32 to vector<16xi32>
      %gather3A_1836 = tpu.vector_load_idx %arg16[%get3A_1825, %broadcast_in_dim3A_1835] : memref<8x16xf32, #tpu.memory_space<vmem>>[vector<16xi32>, vector<16xi32>], vector<16xf32>,
      %broadcast_in_dim3A_1837 = arith.constant 2 : i32
      %broadcast_in_dim3A_1838 = vector.broadcast %broadcast_in_dim3A_1837 : i32 to vector<16xi32>
      tpu.vector_store_idx %arg18[%add3A_1822, %broadcast_in_dim3A_1838], %gather3A_1836 : memref<512x16xf32, #tpu.memory_space<vmem>>[vector<16xi32>, vector<16xi32>], vector<16xf32>,
      %broadcast_in_dim3A_1839 = arith.constant 3 : i32
      %broadcast_in_dim3A_1840 = vector.broadcast %broadcast_in_dim3A_1839 : i32 to vector<16xi32>
      %gather3A_1841 = tpu.vector_load_idx %arg16[%get3A_1825, %broadcast_in_dim3A_1840] : memref<8x16xf32, #tpu.memory_space<vmem>>[vector<16xi32>, vector<16xi32>], vector<16xf32>,
      %broadcast_in_dim3A_1842 = arith.constant 3 : i32
      %broadcast_in_dim3A_1843 = vector.broadcast %broadcast_in_dim3A_1842 : i32 to vector<16xi32>
      tpu.vector_store_idx %arg18[%add3A_1822, %broadcast_in_dim3A_1843], %gather3A_1841 : memref<512x16xf32, #tpu.memory_space<vmem>>[vector<16xi32>, vector<16xi32>], vector<16xf32>,
      %broadcast_in_dim3A_1844 = arith.constant 4 : i32
      %broadcast_in_dim3A_1845 = vector.broadcast %broadcast_in_dim3A_1844 : i32 to vector<16xi32>
      %gather3A_1846 = tpu.vector_load_idx %arg16[%get3A_1825, %broadcast_in_dim3A_1845] : memref<8x16xf32, #tpu.memory_space<vmem>>[vector<16xi32>, vector<16xi32>], vector<16xf32>,
      %broadcast_in_dim3A_1847 = arith.constant 4 : i32
      %broadcast_in_dim3A_1848 = vector.broadcast %broadcast_in_dim3A_1847 : i32 to vector<16xi32>
      tpu.vector_store_idx %arg18[%add3A_1822, %broadcast_in_dim3A_1848], %gather3A_1846 : memref<512x16xf32, #tpu.memory_space<vmem>>[vector<16xi32>, vector<16xi32>], vector<16xf32>,
      %broadcast_in_dim3A_1849 = arith.constant 5 : i32
      %broadcast_in_dim3A_1850 = vector.broadcast %broadcast_in_dim3A_1849 : i32 to vector<16xi32>
      %gather3A_1851 = tpu.vector_load_idx %arg16[%get3A_1825, %broadcast_in_dim3A_1850] : memref<8x16xf32, #tpu.memory_space<vmem>>[vector<16xi32>, vector<16xi32>], vector<16xf32>,
      %broadcast_in_dim3A_1852 = arith.constant 5 : i32
      %broadcast_in_dim3A_1853 = vector.broadcast %broadcast_in_dim3A_1852 : i32 to vector<16xi32>
      tpu.vector_store_idx %arg18[%add3A_1822, %broadcast_in_dim3A_1853], %gather3A_1851 : memref<512x16xf32, #tpu.memory_space<vmem>>[vector<16xi32>, vector<16xi32>], vector<16xf32>,
      %broadcast_in_dim3A_1854 = arith.constant 6 : i32
      %broadcast_in_dim3A_1855 = vector.broadcast %broadcast_in_dim3A_1854 : i32 to vector<16xi32>
      %gather3A_1856 = tpu.vector_load_idx %arg16[%get3A_1825, %broadcast_in_dim3A_1855] : memref<8x16xf32, #tpu.memory_space<vmem>>[vector<16xi32>, vector<16xi32>], vector<16xf32>,
      %broadcast_in_dim3A_1857 = arith.constant 6 : i32
      %broadcast_in_dim3A_1858 = vector.broadcast %broadcast_in_dim3A_1857 : i32 to vector<16xi32>
      tpu.vector_store_idx %arg18[%add3A_1822, %broadcast_in_dim3A_1858], %gather3A_1856 : memref<512x16xf32, #tpu.memory_space<vmem>>[vector<16xi32>, vector<16xi32>], vector<16xf32>,
      %broadcast_in_dim3A_1859 = arith.constant 7 : i32
      %broadcast_in_dim3A_1860 = vector.broadcast %broadcast_in_dim3A_1859 : i32 to vector<16xi32>
      %gather3A_1861 = tpu.vector_load_idx %arg16[%get3A_1825, %broadcast_in_dim3A_1860] : memref<8x16xf32, #tpu.memory_space<vmem>>[vector<16xi32>, vector<16xi32>], vector<16xf32>,
      %broadcast_in_dim3A_1862 = arith.constant 7 : i32
      %broadcast_in_dim3A_1863 = vector.broadcast %broadcast_in_dim3A_1862 : i32 to vector<16xi32>
      tpu.vector_store_idx %arg18[%add3A_1822, %broadcast_in_dim3A_1863], %gather3A_1861 : memref<512x16xf32, #tpu.memory_space<vmem>>[vector<16xi32>, vector<16xi32>], vector<16xf32>,
      %broadcast_in_dim3A_1864 = arith.constant 8 : i32
      %broadcast_in_dim3A_1865 = vector.broadcast %broadcast_in_dim3A_1864 : i32 to vector<16xi32>
      %gather3A_1866 = tpu.vector_load_idx %arg16[%get3A_1825, %broadcast_in_dim3A_1865] : memref<8x16xf32, #tpu.memory_space<vmem>>[vector<16xi32>, vector<16xi32>], vector<16xf32>,
      %broadcast_in_dim3A_1867 = arith.constant 8 : i32
      %broadcast_in_dim3A_1868 = vector.broadcast %broadcast_in_dim3A_1867 : i32 to vector<16xi32>
      tpu.vector_store_idx %arg18[%add3A_1822, %broadcast_in_dim3A_1868], %gather3A_1866 : memref<512x16xf32, #tpu.memory_space<vmem>>[vector<16xi32>, vector<16xi32>], vector<16xf32>,
      %mul3A_1869 = arith.constant 16 : i32
      %mul3A_1870 = arith.muli %scan3A_1818, %mul3A_1869 : i32
      %get3A_1871 = arith.constant 0 : i32
      %get3A_1872 = arith.index_cast %get3A_1871 : i32 to index
      %get3A_1873 = arith.index_cast %mul3A_1870 : i32 to index
      %get3A_1874 = tpu.vector_load %arg14[%get3A_1872, %get3A_1873] {strides = array<i32>} : memref<16x512xf32, #tpu.memory_space<vmem>>, vector<16xf32>,
      %mul3A_1875 = arith.constant 16 : i32
      %mul3A_1876 = arith.muli %scan3A_1818, %mul3A_1875 : i32
      %get3A_1877 = arith.constant 1 : i32
      %get3A_1878 = arith.index_cast %get3A_1877 : i32 to index
      %get3A_1879 = arith.index_cast %mul3A_1876 : i32 to index
      %get3A_1880 = tpu.vector_load %arg14[%get3A_1878, %get3A_1879] {strides = array<i32>} : memref<16x512xf32, #tpu.memory_space<vmem>>, vector<16xf32>,
      %mul3A_1881 = arith.constant 16 : i32
      %mul3A_1882 = arith.muli %scan3A_1818, %mul3A_1881 : i32
      %get3A_1883 = arith.constant 2 : i32
      %get3A_1884 = arith.index_cast %get3A_1883 : i32 to index
      %get3A_1885 = arith.index_cast %mul3A_1882 : i32 to index
      %get3A_1886 = tpu.vector_load %arg14[%get3A_1884, %get3A_1885] {strides = array<i32>} : memref<16x512xf32, #tpu.memory_space<vmem>>, vector<16xf32>,
      %mul3A_1887 = arith.constant 16 : i32
      %mul3A_1888 = arith.muli %scan3A_1818, %mul3A_1887 : i32
      %get3A_1889 = arith.constant 3 : i32
      %get3A_1890 = arith.index_cast %get3A_1889 : i32 to index
      %get3A_1891 = arith.index_cast %mul3A_1888 : i32 to index
      %get3A_1892 = tpu.vector_load %arg14[%get3A_1890, %get3A_1891] {strides = array<i32>} : memref<16x512xf32, #tpu.memory_space<vmem>>, vector<16xf32>,
      %mul3A_1893 = arith.constant 16 : i32
      %mul3A_1894 = arith.muli %scan3A_1818, %mul3A_1893 : i32
      %get3A_1895 = arith.constant 4 : i32
      %get3A_1896 = arith.index_cast %get3A_1895 : i32 to index
      %get3A_1897 = arith.index_cast %mul3A_1894 : i32 to index
      %get3A_1898 = tpu.vector_load %arg14[%get3A_1896, %get3A_1897] {strides = array<i32>} : memref<16x512xf32, #tpu.memory_space<vmem>>, vector<16xf32>,
      %mul3A_1899 = arith.constant 16 : i32
      %mul3A_1900 = arith.muli %scan3A_1818, %mul3A_1899 : i32
      %get3A_1901 = arith.constant 5 : i32
      %get3A_1902 = arith.index_cast %get3A_1901 : i32 to index
      %get3A_1903 = arith.index_cast %mul3A_1900 : i32 to index
      %get3A_1904 = tpu.vector_load %arg14[%get3A_1902, %get3A_1903] {strides = array<i32>} : memref<16x512xf32, #tpu.memory_space<vmem>>, vector<16xf32>,
      %mul3A_1905 = arith.constant 16 : i32
      %mul3A_1906 = arith.muli %scan3A_1818, %mul3A_1905 : i32
      %get3A_1907 = arith.constant 6 : i32
      %get3A_1908 = arith.index_cast %get3A_1907 : i32 to index
      %get3A_1909 = arith.index_cast %mul3A_1906 : i32 to index
      %get3A_1910 = tpu.vector_load %arg14[%get3A_1908, %get3A_1909] {strides = array<i32>} : memref<16x512xf32, #tpu.memory_space<vmem>>, vector<16xf32>,
      %mul3A_1911 = arith.constant 16 : i32
      %mul3A_1912 = arith.muli %scan3A_1818, %mul3A_1911 : i32
      %get3A_1913 = arith.constant 7 : i32
      %get3A_1914 = arith.index_cast %get3A_1913 : i32 to index
      %get3A_1915 = arith.index_cast %mul3A_1912 : i32 to index
      %get3A_1916 = tpu.vector_load %arg14[%get3A_1914, %get3A_1915] {strides = array<i32>} : memref<16x512xf32, #tpu.memory_space<vmem>>, vector<16xf32>,
      %mul3A_1917 = arith.constant 16 : i32
      %mul3A_1918 = arith.muli %scan3A_1818, %mul3A_1917 : i32
      %get3A_1919 = arith.constant 8 : i32
      %get3A_1920 = arith.index_cast %get3A_1919 : i32 to index
      %get3A_1921 = arith.index_cast %mul3A_1918 : i32 to index
      %get3A_1922 = tpu.vector_load %arg14[%get3A_1920, %get3A_1921] {strides = array<i32>} : memref<16x512xf32, #tpu.memory_space<vmem>>, vector<16xf32>,
      %mul3A_1923 = arith.constant 16 : i32
      %mul3A_1924 = arith.muli %scan3A_1818, %mul3A_1923 : i32
      %get3A_1925 = arith.constant 9 : i32
      %get3A_1926 = arith.index_cast %get3A_1925 : i32 to index
      %get3A_1927 = arith.index_cast %mul3A_1924 : i32 to index
      %get3A_1928 = tpu.vector_load %arg14[%get3A_1926, %get3A_1927] {strides = array<i32>} : memref<16x512xf32, #tpu.memory_space<vmem>>, vector<16xf32>,
      %mul3A_1929 = arith.constant 16 : i32
      %mul3A_1930 = arith.muli %scan3A_1818, %mul3A_1929 : i32
      %get3A_1931 = arith.constant 10 : i32
      %get3A_1932 = arith.index_cast %get3A_1931 : i32 to index
      %get3A_1933 = arith.index_cast %mul3A_1930 : i32 to index
      %get3A_1934 = tpu.vector_load %arg14[%get3A_1932, %get3A_1933] {strides = array<i32>} : memref<16x512xf32, #tpu.memory_space<vmem>>, vector<16xf32>,
      %mul3A_1935 = arith.constant 16 : i32
      %mul3A_1936 = arith.muli %scan3A_1818, %mul3A_1935 : i32
      %get3A_1937 = arith.constant 11 : i32
      %get3A_1938 = arith.index_cast %get3A_1937 : i32 to index
      %get3A_1939 = arith.index_cast %mul3A_1936 : i32 to index
      %get3A_1940 = tpu.vector_load %arg14[%get3A_1938, %get3A_1939] {strides = array<i32>} : memref<16x512xf32, #tpu.memory_space<vmem>>, vector<16xf32>,
      %mul3A_1941 = arith.constant 16 : i32
      %mul3A_1942 = arith.muli %scan3A_1818, %mul3A_1941 : i32
      %get3A_1943 = arith.constant 12 : i32
      %get3A_1944 = arith.index_cast %get3A_1943 : i32 to index
      %get3A_1945 = arith.index_cast %mul3A_1942 : i32 to index
      %get3A_1946 = tpu.vector_load %arg14[%get3A_1944, %get3A_1945] {strides = array<i32>} : memref<16x512xf32, #tpu.memory_space<vmem>>, vector<16xf32>,
      %mul3A_1947 = arith.constant 16 : i32
      %mul3A_1948 = arith.muli %scan3A_1818, %mul3A_1947 : i32
      %get3A_1949 = arith.constant 13 : i32
      %get3A_1950 = arith.index_cast %get3A_1949 : i32 to index
      %get3A_1951 = arith.index_cast %mul3A_1948 : i32 to index
      %get3A_1952 = tpu.vector_load %arg14[%get3A_1950, %get3A_1951] {strides = array<i32>} : memref<16x512xf32, #tpu.memory_space<vmem>>, vector<16xf32>,
      %mul3A_1953 = arith.constant 16 : i32
      %mul3A_1954 = arith.muli %scan3A_1818, %mul3A_1953 : i32
      %get3A_1955 = arith.constant 14 : i32
      %get3A_1956 = arith.index_cast %get3A_1955 : i32 to index
      %get3A_1957 = arith.index_cast %mul3A_1954 : i32 to index
      %get3A_1958 = tpu.vector_load %arg14[%get3A_1956, %get3A_1957] {strides = array<i32>} : memref<16x512xf32, #tpu.memory_space<vmem>>, vector<16xf32>,
      %mul3A_1959 = arith.constant 16 : i32
      %mul3A_1960 = arith.muli %scan3A_1818, %mul3A_1959 : i32
      %get3A_1961 = arith.constant 15 : i32
      %get3A_1962 = arith.index_cast %get3A_1961 : i32 to index
      %get3A_1963 = arith.index_cast %mul3A_1960 : i32 to index
      %get3A_1964 = tpu.vector_load %arg14[%get3A_1962, %get3A_1963] {strides = array<i32>} : memref<16x512xf32, #tpu.memory_space<vmem>>, vector<16xf32>,
      %broadcast_in_dim3A_1965 = arith.constant 0 : i32
      %broadcast_in_dim3A_1966 = vector.broadcast %broadcast_in_dim3A_1965 : i32 to vector<16xi32>
      %gather3A_1967 = tpu.vector_load_idx %arg15[%get3A_1825, %broadcast_in_dim3A_1966] : memref<8x16xf32, #tpu.memory_space<vmem>>[vector<16xi32>, vector<16xi32>], vector<16xf32>,
      %broadcast_in_dim3A_1968 = arith.constant 1 : i32
      %broadcast_in_dim3A_1969 = vector.broadcast %broadcast_in_dim3A_1968 : i32 to vector<16xi32>
      %gather3A_1970 = tpu.vector_load_idx %arg15[%get3A_1825, %broadcast_in_dim3A_1969] : memref<8x16xf32, #tpu.memory_space<vmem>>[vector<16xi32>, vector<16xi32>], vector<16xf32>,
      %broadcast_in_dim3A_1971 = arith.constant 2 : i32
      %broadcast_in_dim3A_1972 = vector.broadcast %broadcast_in_dim3A_1971 : i32 to vector<16xi32>
      %gather3A_1973 = tpu.vector_load_idx %arg15[%get3A_1825, %broadcast_in_dim3A_1972] : memref<8x16xf32, #tpu.memory_space<vmem>>[vector<16xi32>, vector<16xi32>], vector<16xf32>,
      %broadcast_in_dim3A_1974 = arith.constant 3 : i32
      %broadcast_in_dim3A_1975 = vector.broadcast %broadcast_in_dim3A_1974 : i32 to vector<16xi32>
      %gather3A_1976 = tpu.vector_load_idx %arg15[%get3A_1825, %broadcast_in_dim3A_1975] : memref<8x16xf32, #tpu.memory_space<vmem>>[vector<16xi32>, vector<16xi32>], vector<16xf32>,
      %mul3A_1977 = arith.mulf %gather3A_1967, %get3A_1874 : vector<16xf32>
      %mul3A_1978 = arith.mulf %gather3A_1970, %get3A_1898 : vector<16xf32>
      %add3A_1979 = arith.addf %mul3A_1977, %mul3A_1978 : vector<16xf32>
      %mul3A_1980 = arith.mulf %gather3A_1973, %get3A_1922 : vector<16xf32>
      %add3A_1981 = arith.addf %add3A_1979, %mul3A_1980 : vector<16xf32>
      %mul3A_1982 = arith.mulf %gather3A_1976, %get3A_1946 : vector<16xf32>
      %add3A_1983 = arith.addf %add3A_1981, %mul3A_1982 : vector<16xf32>
      %broadcast_in_dim3A_1984 = arith.constant 0 : i32
      %broadcast_in_dim3A_1985 = vector.broadcast %broadcast_in_dim3A_1984 : i32 to vector<16xi32>
      tpu.vector_store_idx %arg17[%add3A_1822, %broadcast_in_dim3A_1985], %add3A_1983 : memref<512x16xf32, #tpu.memory_space<vmem>>[vector<16xi32>, vector<16xi32>], vector<16xf32>,
      %mul3A_1986 = arith.mulf %gather3A_1967, %get3A_1880 : vector<16xf32>
      %mul3A_1987 = arith.mulf %gather3A_1970, %get3A_1904 : vector<16xf32>
      %add3A_1988 = arith.addf %mul3A_1986, %mul3A_1987 : vector<16xf32>
      %mul3A_1989 = arith.mulf %gather3A_1973, %get3A_1928 : vector<16xf32>
      %add3A_1990 = arith.addf %add3A_1988, %mul3A_1989 : vector<16xf32>
      %mul3A_1991 = arith.mulf %gather3A_1976, %get3A_1952 : vector<16xf32>
      %add3A_1992 = arith.addf %add3A_1990, %mul3A_1991 : vector<16xf32>
      %broadcast_in_dim3A_1993 = arith.constant 1 : i32
      %broadcast_in_dim3A_1994 = vector.broadcast %broadcast_in_dim3A_1993 : i32 to vector<16xi32>
      tpu.vector_store_idx %arg17[%add3A_1822, %broadcast_in_dim3A_1994], %add3A_1992 : memref<512x16xf32, #tpu.memory_space<vmem>>[vector<16xi32>, vector<16xi32>], vector<16xf32>,
      %mul3A_1995 = arith.mulf %gather3A_1967, %get3A_1886 : vector<16xf32>
      %mul3A_1996 = arith.mulf %gather3A_1970, %get3A_1910 : vector<16xf32>
      %add3A_1997 = arith.addf %mul3A_1995, %mul3A_1996 : vector<16xf32>
      %mul3A_1998 = arith.mulf %gather3A_1973, %get3A_1934 : vector<16xf32>
      %add3A_1999 = arith.addf %add3A_1997, %mul3A_1998 : vector<16xf32>
      %mul3A_2000 = arith.mulf %gather3A_1976, %get3A_1958 : vector<16xf32>
      %add3A_2001 = arith.addf %add3A_1999, %mul3A_2000 : vector<16xf32>
      %broadcast_in_dim3A_2002 = arith.constant 2 : i32
      %broadcast_in_dim3A_2003 = vector.broadcast %broadcast_in_dim3A_2002 : i32 to vector<16xi32>
      tpu.vector_store_idx %arg17[%add3A_1822, %broadcast_in_dim3A_2003], %add3A_2001 : memref<512x16xf32, #tpu.memory_space<vmem>>[vector<16xi32>, vector<16xi32>], vector<16xf32>,
      %mul3A_2004 = arith.mulf %gather3A_1967, %get3A_1892 : vector<16xf32>
      %mul3A_2005 = arith.mulf %gather3A_1970, %get3A_1916 : vector<16xf32>
      %add3A_2006 = arith.addf %mul3A_2004, %mul3A_2005 : vector<16xf32>
      %mul3A_2007 = arith.mulf %gather3A_1973, %get3A_1940 : vector<16xf32>
      %add3A_2008 = arith.addf %add3A_2006, %mul3A_2007 : vector<16xf32>
      %mul3A_2009 = arith.mulf %gather3A_1976, %get3A_1964 : vector<16xf32>
      %add3A_2010 = arith.addf %add3A_2008, %mul3A_2009 : vector<16xf32>
      %broadcast_in_dim3A_2011 = arith.constant 3 : i32
      %broadcast_in_dim3A_2012 = vector.broadcast %broadcast_in_dim3A_2011 : i32 to vector<16xi32>
      tpu.vector_store_idx %arg17[%add3A_1822, %broadcast_in_dim3A_2012], %add3A_2010 : memref<512x16xf32, #tpu.memory_space<vmem>>[vector<16xi32>, vector<16xi32>], vector<16xf32>,
      %broadcast_in_dim3A_2013 = arith.constant 4 : i32
      %broadcast_in_dim3A_2014 = vector.broadcast %broadcast_in_dim3A_2013 : i32 to vector<16xi32>
      %gather3A_2015 = tpu.vector_load_idx %arg15[%get3A_1825, %broadcast_in_dim3A_2014] : memref<8x16xf32, #tpu.memory_space<vmem>>[vector<16xi32>, vector<16xi32>], vector<16xf32>,
      %broadcast_in_dim3A_2016 = arith.constant 5 : i32
      %broadcast_in_dim3A_2017 = vector.broadcast %broadcast_in_dim3A_2016 : i32 to vector<16xi32>
      %gather3A_2018 = tpu.vector_load_idx %arg15[%get3A_1825, %broadcast_in_dim3A_2017] : memref<8x16xf32, #tpu.memory_space<vmem>>[vector<16xi32>, vector<16xi32>], vector<16xf32>,
      %broadcast_in_dim3A_2019 = arith.constant 6 : i32
      %broadcast_in_dim3A_2020 = vector.broadcast %broadcast_in_dim3A_2019 : i32 to vector<16xi32>
      %gather3A_2021 = tpu.vector_load_idx %arg15[%get3A_1825, %broadcast_in_dim3A_2020] : memref<8x16xf32, #tpu.memory_space<vmem>>[vector<16xi32>, vector<16xi32>], vector<16xf32>,
      %broadcast_in_dim3A_2022 = arith.constant 7 : i32
      %broadcast_in_dim3A_2023 = vector.broadcast %broadcast_in_dim3A_2022 : i32 to vector<16xi32>
      %gather3A_2024 = tpu.vector_load_idx %arg15[%get3A_1825, %broadcast_in_dim3A_2023] : memref<8x16xf32, #tpu.memory_space<vmem>>[vector<16xi32>, vector<16xi32>], vector<16xf32>,
      %mul3A_2025 = arith.mulf %gather3A_2015, %get3A_1874 : vector<16xf32>
      %mul3A_2026 = arith.mulf %gather3A_2018, %get3A_1898 : vector<16xf32>
      %add3A_2027 = arith.addf %mul3A_2025, %mul3A_2026 : vector<16xf32>
      %mul3A_2028 = arith.mulf %gather3A_2021, %get3A_1922 : vector<16xf32>
      %add3A_2029 = arith.addf %add3A_2027, %mul3A_2028 : vector<16xf32>
      %mul3A_2030 = arith.mulf %gather3A_2024, %get3A_1946 : vector<16xf32>
      %add3A_2031 = arith.addf %add3A_2029, %mul3A_2030 : vector<16xf32>
      %broadcast_in_dim3A_2032 = arith.constant 4 : i32
      %broadcast_in_dim3A_2033 = vector.broadcast %broadcast_in_dim3A_2032 : i32 to vector<16xi32>
      tpu.vector_store_idx %arg17[%add3A_1822, %broadcast_in_dim3A_2033], %add3A_2031 : memref<512x16xf32, #tpu.memory_space<vmem>>[vector<16xi32>, vector<16xi32>], vector<16xf32>,
      %mul3A_2034 = arith.mulf %gather3A_2015, %get3A_1880 : vector<16xf32>
      %mul3A_2035 = arith.mulf %gather3A_2018, %get3A_1904 : vector<16xf32>
      %add3A_2036 = arith.addf %mul3A_2034, %mul3A_2035 : vector<16xf32>
      %mul3A_2037 = arith.mulf %gather3A_2021, %get3A_1928 : vector<16xf32>
      %add3A_2038 = arith.addf %add3A_2036, %mul3A_2037 : vector<16xf32>
      %mul3A_2039 = arith.mulf %gather3A_2024, %get3A_1952 : vector<16xf32>
      %add3A_2040 = arith.addf %add3A_2038, %mul3A_2039 : vector<16xf32>
      %broadcast_in_dim3A_2041 = arith.constant 5 : i32
      %broadcast_in_dim3A_2042 = vector.broadcast %broadcast_in_dim3A_2041 : i32 to vector<16xi32>
      tpu.vector_store_idx %arg17[%add3A_1822, %broadcast_in_dim3A_2042], %add3A_2040 : memref<512x16xf32, #tpu.memory_space<vmem>>[vector<16xi32>, vector<16xi32>], vector<16xf32>,
      %mul3A_2043 = arith.mulf %gather3A_2015, %get3A_1886 : vector<16xf32>
      %mul3A_2044 = arith.mulf %gather3A_2018, %get3A_1910 : vector<16xf32>
      %add3A_2045 = arith.addf %mul3A_2043, %mul3A_2044 : vector<16xf32>
      %mul3A_2046 = arith.mulf %gather3A_2021, %get3A_1934 : vector<16xf32>
      %add3A_2047 = arith.addf %add3A_2045, %mul3A_2046 : vector<16xf32>
      %mul3A_2048 = arith.mulf %gather3A_2024, %get3A_1958 : vector<16xf32>
      %add3A_2049 = arith.addf %add3A_2047, %mul3A_2048 : vector<16xf32>
      %broadcast_in_dim3A_2050 = arith.constant 6 : i32
      %broadcast_in_dim3A_2051 = vector.broadcast %broadcast_in_dim3A_2050 : i32 to vector<16xi32>
      tpu.vector_store_idx %arg17[%add3A_1822, %broadcast_in_dim3A_2051], %add3A_2049 : memref<512x16xf32, #tpu.memory_space<vmem>>[vector<16xi32>, vector<16xi32>], vector<16xf32>,
      %mul3A_2052 = arith.mulf %gather3A_2015, %get3A_1892 : vector<16xf32>
      %mul3A_2053 = arith.mulf %gather3A_2018, %get3A_1916 : vector<16xf32>
      %add3A_2054 = arith.addf %mul3A_2052, %mul3A_2053 : vector<16xf32>
      %mul3A_2055 = arith.mulf %gather3A_2021, %get3A_1940 : vector<16xf32>
      %add3A_2056 = arith.addf %add3A_2054, %mul3A_2055 : vector<16xf32>
      %mul3A_2057 = arith.mulf %gather3A_2024, %get3A_1964 : vector<16xf32>
      %add3A_2058 = arith.addf %add3A_2056, %mul3A_2057 : vector<16xf32>
      %broadcast_in_dim3A_2059 = arith.constant 7 : i32
      %broadcast_in_dim3A_2060 = vector.broadcast %broadcast_in_dim3A_2059 : i32 to vector<16xi32>
      tpu.vector_store_idx %arg17[%add3A_1822, %broadcast_in_dim3A_2060], %add3A_2058 : memref<512x16xf32, #tpu.memory_space<vmem>>[vector<16xi32>, vector<16xi32>], vector<16xf32>,
      %broadcast_in_dim3A_2061 = arith.constant 8 : i32
      %broadcast_in_dim3A_2062 = vector.broadcast %broadcast_in_dim3A_2061 : i32 to vector<16xi32>
      %gather3A_2063 = tpu.vector_load_idx %arg15[%get3A_1825, %broadcast_in_dim3A_2062] : memref<8x16xf32, #tpu.memory_space<vmem>>[vector<16xi32>, vector<16xi32>], vector<16xf32>,
      %broadcast_in_dim3A_2064 = arith.constant 9 : i32
      %broadcast_in_dim3A_2065 = vector.broadcast %broadcast_in_dim3A_2064 : i32 to vector<16xi32>
      %gather3A_2066 = tpu.vector_load_idx %arg15[%get3A_1825, %broadcast_in_dim3A_2065] : memref<8x16xf32, #tpu.memory_space<vmem>>[vector<16xi32>, vector<16xi32>], vector<16xf32>,
      %broadcast_in_dim3A_2067 = arith.constant 10 : i32
      %broadcast_in_dim3A_2068 = vector.broadcast %broadcast_in_dim3A_2067 : i32 to vector<16xi32>
      %gather3A_2069 = tpu.vector_load_idx %arg15[%get3A_1825, %broadcast_in_dim3A_2068] : memref<8x16xf32, #tpu.memory_space<vmem>>[vector<16xi32>, vector<16xi32>], vector<16xf32>,
      %broadcast_in_dim3A_2070 = arith.constant 11 : i32
      %broadcast_in_dim3A_2071 = vector.broadcast %broadcast_in_dim3A_2070 : i32 to vector<16xi32>
      %gather3A_2072 = tpu.vector_load_idx %arg15[%get3A_1825, %broadcast_in_dim3A_2071] : memref<8x16xf32, #tpu.memory_space<vmem>>[vector<16xi32>, vector<16xi32>], vector<16xf32>,
      %mul3A_2073 = arith.mulf %gather3A_2063, %get3A_1874 : vector<16xf32>
      %mul3A_2074 = arith.mulf %gather3A_2066, %get3A_1898 : vector<16xf32>
      %add3A_2075 = arith.addf %mul3A_2073, %mul3A_2074 : vector<16xf32>
      %mul3A_2076 = arith.mulf %gather3A_2069, %get3A_1922 : vector<16xf32>
      %add3A_2077 = arith.addf %add3A_2075, %mul3A_2076 : vector<16xf32>
      %mul3A_2078 = arith.mulf %gather3A_2072, %get3A_1946 : vector<16xf32>
      %add3A_2079 = arith.addf %add3A_2077, %mul3A_2078 : vector<16xf32>
      %broadcast_in_dim3A_2080 = arith.constant 8 : i32
      %broadcast_in_dim3A_2081 = vector.broadcast %broadcast_in_dim3A_2080 : i32 to vector<16xi32>
      tpu.vector_store_idx %arg17[%add3A_1822, %broadcast_in_dim3A_2081], %add3A_2079 : memref<512x16xf32, #tpu.memory_space<vmem>>[vector<16xi32>, vector<16xi32>], vector<16xf32>,
      %mul3A_2082 = arith.mulf %gather3A_2063, %get3A_1880 : vector<16xf32>
      %mul3A_2083 = arith.mulf %gather3A_2066, %get3A_1904 : vector<16xf32>
      %add3A_2084 = arith.addf %mul3A_2082, %mul3A_2083 : vector<16xf32>
      %mul3A_2085 = arith.mulf %gather3A_2069, %get3A_1928 : vector<16xf32>
      %add3A_2086 = arith.addf %add3A_2084, %mul3A_2085 : vector<16xf32>
      %mul3A_2087 = arith.mulf %gather3A_2072, %get3A_1952 : vector<16xf32>
      %add3A_2088 = arith.addf %add3A_2086, %mul3A_2087 : vector<16xf32>
      %broadcast_in_dim3A_2089 = arith.constant 9 : i32
      %broadcast_in_dim3A_2090 = vector.broadcast %broadcast_in_dim3A_2089 : i32 to vector<16xi32>
      tpu.vector_store_idx %arg17[%add3A_1822, %broadcast_in_dim3A_2090], %add3A_2088 : memref<512x16xf32, #tpu.memory_space<vmem>>[vector<16xi32>, vector<16xi32>], vector<16xf32>,
      %mul3A_2091 = arith.mulf %gather3A_2063, %get3A_1886 : vector<16xf32>
      %mul3A_2092 = arith.mulf %gather3A_2066, %get3A_1910 : vector<16xf32>
      %add3A_2093 = arith.addf %mul3A_2091, %mul3A_2092 : vector<16xf32>
      %mul3A_2094 = arith.mulf %gather3A_2069, %get3A_1934 : vector<16xf32>
      %add3A_2095 = arith.addf %add3A_2093, %mul3A_2094 : vector<16xf32>
      %mul3A_2096 = arith.mulf %gather3A_2072, %get3A_1958 : vector<16xf32>
      %add3A_2097 = arith.addf %add3A_2095, %mul3A_2096 : vector<16xf32>
      %broadcast_in_dim3A_2098 = arith.constant 10 : i32
      %broadcast_in_dim3A_2099 = vector.broadcast %broadcast_in_dim3A_2098 : i32 to vector<16xi32>
      tpu.vector_store_idx %arg17[%add3A_1822, %broadcast_in_dim3A_2099], %add3A_2097 : memref<512x16xf32, #tpu.memory_space<vmem>>[vector<16xi32>, vector<16xi32>], vector<16xf32>,
      %mul3A_2100 = arith.mulf %gather3A_2063, %get3A_1892 : vector<16xf32>
      %mul3A_2101 = arith.mulf %gather3A_2066, %get3A_1916 : vector<16xf32>
      %add3A_2102 = arith.addf %mul3A_2100, %mul3A_2101 : vector<16xf32>
      %mul3A_2103 = arith.mulf %gather3A_2069, %get3A_1940 : vector<16xf32>
      %add3A_2104 = arith.addf %add3A_2102, %mul3A_2103 : vector<16xf32>
      %mul3A_2105 = arith.mulf %gather3A_2072, %get3A_1964 : vector<16xf32>
      %add3A_2106 = arith.addf %add3A_2104, %mul3A_2105 : vector<16xf32>
      %broadcast_in_dim3A_2107 = arith.constant 11 : i32
      %broadcast_in_dim3A_2108 = vector.broadcast %broadcast_in_dim3A_2107 : i32 to vector<16xi32>
      tpu.vector_store_idx %arg17[%add3A_1822, %broadcast_in_dim3A_2108], %add3A_2106 : memref<512x16xf32, #tpu.memory_space<vmem>>[vector<16xi32>, vector<16xi32>], vector<16xf32>,
      %broadcast_in_dim3A_2109 = arith.constant 12 : i32
      %broadcast_in_dim3A_2110 = vector.broadcast %broadcast_in_dim3A_2109 : i32 to vector<16xi32>
      %gather3A_2111 = tpu.vector_load_idx %arg15[%get3A_1825, %broadcast_in_dim3A_2110] : memref<8x16xf32, #tpu.memory_space<vmem>>[vector<16xi32>, vector<16xi32>], vector<16xf32>,
      %broadcast_in_dim3A_2112 = arith.constant 13 : i32
      %broadcast_in_dim3A_2113 = vector.broadcast %broadcast_in_dim3A_2112 : i32 to vector<16xi32>
      %gather3A_2114 = tpu.vector_load_idx %arg15[%get3A_1825, %broadcast_in_dim3A_2113] : memref<8x16xf32, #tpu.memory_space<vmem>>[vector<16xi32>, vector<16xi32>], vector<16xf32>,
      %broadcast_in_dim3A_2115 = arith.constant 14 : i32
      %broadcast_in_dim3A_2116 = vector.broadcast %broadcast_in_dim3A_2115 : i32 to vector<16xi32>
      %gather3A_2117 = tpu.vector_load_idx %arg15[%get3A_1825, %broadcast_in_dim3A_2116] : memref<8x16xf32, #tpu.memory_space<vmem>>[vector<16xi32>, vector<16xi32>], vector<16xf32>,
      %broadcast_in_dim3A_2118 = arith.constant 15 : i32
      %broadcast_in_dim3A_2119 = vector.broadcast %broadcast_in_dim3A_2118 : i32 to vector<16xi32>
      %gather3A_2120 = tpu.vector_load_idx %arg15[%get3A_1825, %broadcast_in_dim3A_2119] : memref<8x16xf32, #tpu.memory_space<vmem>>[vector<16xi32>, vector<16xi32>], vector<16xf32>,
      %mul3A_2121 = arith.mulf %gather3A_2111, %get3A_1874 : vector<16xf32>
      %mul3A_2122 = arith.mulf %gather3A_2114, %get3A_1898 : vector<16xf32>
      %add3A_2123 = arith.addf %mul3A_2121, %mul3A_2122 : vector<16xf32>
      %mul3A_2124 = arith.mulf %gather3A_2117, %get3A_1922 : vector<16xf32>
      %add3A_2125 = arith.addf %add3A_2123, %mul3A_2124 : vector<16xf32>
      %mul3A_2126 = arith.mulf %gather3A_2120, %get3A_1946 : vector<16xf32>
      %add3A_2127 = arith.addf %add3A_2125, %mul3A_2126 : vector<16xf32>
      %broadcast_in_dim3A_2128 = arith.constant 12 : i32
      %broadcast_in_dim3A_2129 = vector.broadcast %broadcast_in_dim3A_2128 : i32 to vector<16xi32>
      tpu.vector_store_idx %arg17[%add3A_1822, %broadcast_in_dim3A_2129], %add3A_2127 : memref<512x16xf32, #tpu.memory_space<vmem>>[vector<16xi32>, vector<16xi32>], vector<16xf32>,
      %mul3A_2130 = arith.mulf %gather3A_2111, %get3A_1880 : vector<16xf32>
      %mul3A_2131 = arith.mulf %gather3A_2114, %get3A_1904 : vector<16xf32>
      %add3A_2132 = arith.addf %mul3A_2130, %mul3A_2131 : vector<16xf32>
      %mul3A_2133 = arith.mulf %gather3A_2117, %get3A_1928 : vector<16xf32>
      %add3A_2134 = arith.addf %add3A_2132, %mul3A_2133 : vector<16xf32>
      %mul3A_2135 = arith.mulf %gather3A_2120, %get3A_1952 : vector<16xf32>
      %add3A_2136 = arith.addf %add3A_2134, %mul3A_2135 : vector<16xf32>
      %broadcast_in_dim3A_2137 = arith.constant 13 : i32
      %broadcast_in_dim3A_2138 = vector.broadcast %broadcast_in_dim3A_2137 : i32 to vector<16xi32>
      tpu.vector_store_idx %arg17[%add3A_1822, %broadcast_in_dim3A_2138], %add3A_2136 : memref<512x16xf32, #tpu.memory_space<vmem>>[vector<16xi32>, vector<16xi32>], vector<16xf32>,
      %mul3A_2139 = arith.mulf %gather3A_2111, %get3A_1886 : vector<16xf32>
      %mul3A_2140 = arith.mulf %gather3A_2114, %get3A_1910 : vector<16xf32>
      %add3A_2141 = arith.addf %mul3A_2139, %mul3A_2140 : vector<16xf32>
      %mul3A_2142 = arith.mulf %gather3A_2117, %get3A_1934 : vector<16xf32>
      %add3A_2143 = arith.addf %add3A_2141, %mul3A_2142 : vector<16xf32>
      %mul3A_2144 = arith.mulf %gather3A_2120, %get3A_1958 : vector<16xf32>
      %add3A_2145 = arith.addf %add3A_2143, %mul3A_2144 : vector<16xf32>
      %broadcast_in_dim3A_2146 = arith.constant 14 : i32
      %broadcast_in_dim3A_2147 = vector.broadcast %broadcast_in_dim3A_2146 : i32 to vector<16xi32>
      tpu.vector_store_idx %arg17[%add3A_1822, %broadcast_in_dim3A_2147], %add3A_2145 : memref<512x16xf32, #tpu.memory_space<vmem>>[vector<16xi32>, vector<16xi32>], vector<16xf32>,
      %mul3A_2148 = arith.mulf %gather3A_2111, %get3A_1892 : vector<16xf32>
      %mul3A_2149 = arith.mulf %gather3A_2114, %get3A_1916 : vector<16xf32>
      %add3A_2150 = arith.addf %mul3A_2148, %mul3A_2149 : vector<16xf32>
      %mul3A_2151 = arith.mulf %gather3A_2117, %get3A_1940 : vector<16xf32>
      %add3A_2152 = arith.addf %add3A_2150, %mul3A_2151 : vector<16xf32>
      %mul3A_2153 = arith.mulf %gather3A_2120, %get3A_1964 : vector<16xf32>
      %add3A_2154 = arith.addf %add3A_2152, %mul3A_2153 : vector<16xf32>
      %broadcast_in_dim3A_2155 = arith.constant 15 : i32
      %broadcast_in_dim3A_2156 = vector.broadcast %broadcast_in_dim3A_2155 : i32 to vector<16xi32>
      tpu.vector_store_idx %arg17[%add3A_1822, %broadcast_in_dim3A_2156], %add3A_2154 : memref<512x16xf32, #tpu.memory_space<vmem>>[vector<16xi32>, vector<16xi32>], vector<16xf32>,
    }
    %scan3A_1817 = arith.constant 8 : i32
    "tpu.region"() ({
      %run_scoped3A = tpu.sem_alloc : memref<!tpu.dma_semaphore, #tpu.memory_space<semaphore_mem>>
      %dma_start3A_1818 = arith.constant 0 : i32
      %dma_start3A_1819 = tpu.memref_slice %arg10[%mul3A_2, %dma_start3A_1818] : memref<16384x16xf32, #tpu.memory_space<hbm>> -> memref<512x16xf32, #tpu.memory_space<hbm>>
      %dma_start3A_1820 = arith.constant 0 : i32
      %dma_start3A_1821 = tpu.memref_slice %arg10[%mul3A_2, %dma_start3A_1820] : memref<16384x16xf32, #tpu.memory_space<hbm>> -> memref<512x16xf32, #tpu.memory_space<hbm>>
      tpu.enqueue_dma source(%arg17 : memref<512x16xf32, #tpu.memory_space<vmem>>) target(%dma_start3A_1821 : memref<512x16xf32, #tpu.memory_space<hbm>>) target_semaphore(%run_scoped3A : memref<!tpu.dma_semaphore, #tpu.memory_space<semaphore_mem>>)
      %dma_wait3A_1822 = arith.constant 0 : i32
      %dma_wait3A_1823 = tpu.memref_slice %arg10[%mul3A_2, %dma_wait3A_1822] : memref<16384x16xf32, #tpu.memory_space<hbm>> -> memref<512x16xf32, #tpu.memory_space<hbm>>
      %dma_wait3A_1824 = arith.constant 0 : i32
      %dma_wait3A_1825 = tpu.memref_slice %arg10[%mul3A_2, %dma_wait3A_1824] : memref<16384x16xf32, #tpu.memory_space<hbm>> -> memref<512x16xf32, #tpu.memory_space<hbm>>
      tpu.wait_dma2 semaphore(%run_scoped3A : memref<!tpu.dma_semaphore, #tpu.memory_space<semaphore_mem>>) src(%arg17 : memref<512x16xf32, #tpu.memory_space<vmem>>) dst(%dma_wait3A_1825 : memref<512x16xf32, #tpu.memory_space<hbm>>)
      tpu.yield
    }) : () -> ()
    "tpu.region"() ({
      %run_scoped3A = tpu.sem_alloc : memref<!tpu.dma_semaphore, #tpu.memory_space<semaphore_mem>>
      %dma_start3A_1818 = arith.constant 0 : i32
      %dma_start3A_1819 = tpu.memref_slice %arg11[%mul3A_2, %dma_start3A_1818] : memref<16384x16xf32, #tpu.memory_space<hbm>> -> memref<512x16xf32, #tpu.memory_space<hbm>>
      %dma_start3A_1820 = arith.constant 0 : i32
      %dma_start3A_1821 = tpu.memref_slice %arg11[%mul3A_2, %dma_start3A_1820] : memref<16384x16xf32, #tpu.memory_space<hbm>> -> memref<512x16xf32, #tpu.memory_space<hbm>>
      tpu.enqueue_dma source(%arg18 : memref<512x16xf32, #tpu.memory_space<vmem>>) target(%dma_start3A_1821 : memref<512x16xf32, #tpu.memory_space<hbm>>) target_semaphore(%run_scoped3A : memref<!tpu.dma_semaphore, #tpu.memory_space<semaphore_mem>>)
      %dma_wait3A_1822 = arith.constant 0 : i32
      %dma_wait3A_1823 = tpu.memref_slice %arg11[%mul3A_2, %dma_wait3A_1822] : memref<16384x16xf32, #tpu.memory_space<hbm>> -> memref<512x16xf32, #tpu.memory_space<hbm>>
      %dma_wait3A_1824 = arith.constant 0 : i32
      %dma_wait3A_1825 = tpu.memref_slice %arg11[%mul3A_2, %dma_wait3A_1824] : memref<16384x16xf32, #tpu.memory_space<hbm>> -> memref<512x16xf32, #tpu.memory_space<hbm>>
      tpu.wait_dma2 semaphore(%run_scoped3A : memref<!tpu.dma_semaphore, #tpu.memory_space<semaphore_mem>>) src(%arg18 : memref<512x16xf32, #tpu.memory_space<vmem>>) dst(%dma_wait3A_1825 : memref<512x16xf32, #tpu.memory_space<hbm>>)
      tpu.yield
    }) : () -> ()
    return
  }
}

</mosaic_0001>

<sc_bundles>
// kernel: kernel.3.cloned.1.call-start
scs
__scs_entry_jumppad:
0x0: {  	(pc) =	sbr.rel $0x88, $3  }
0x1: {  	(tag) =	ssettag $0x0;
	lr =	simm.s32 $0x1  }
0x2: {  	[smem:$0x3F9D] =	sst lr;
	_ =	strace $0xD0000000  }
0x3: {  	_ = 	snop  }
0x4: {  	_ = 	snop  }
0x5: {  	_ = 	snop  }
0x6: {  	_ = 	snop  }
0x7: {  	_ = 	snop  }
__scs_overlays_trampoline_lowered:
0x8: {  	[smem:$0x3FAC] =	sst s0  }
0x9: {  	[smem:$0x3FAD] =	sst s1  }
0xa: {  	[smem:$0x3FAE] =	sst s2  }
0xb: {  	[smem:$0x3FAF] =	sst s3  }
0xc: {  	[smem:$0x3FB0] =	sst s4  }
0xd: {  	[smem:$0x3FB1] =	sst s5  }
0xe: {  	[smem:$0x3FB2] =	sst s6  }
0xf: {  	[smem:$0x3FB3] =	sst s7  }
0x10: {  	[smem:$0x3FB4] =	sst s8  }
0x11: {  	[smem:$0x3FB5] =	sst s9;
	s0 =	simm.s32 @!p0 $0x0  }
0x12: {  	s1 =	sld [smem:$0x3F9B];
	s0 =	simm.s32 @p0 $0x1  }
0x13: {  	[smem:$0x3FB6] =	sst s0;
	s0 =	simm.s32 @!p1 $0x0  }
0x14: {  	s2 =	sld [smem:$0x3F9A];
	s0 =	simm.s32 @p1 $0x1  }
0x15: {  	[smem:$0x3FB7] =	sst s0;
	s0 =	simm.s32 @!p2 $0x0  }
0x16: {  	s3 =	sld [smem:$0x3FDB];
	s0 =	simm.s32 @p2 $0x1  }
0x17: {  	s4 =	simm.s32 $0x1BF5;
	[smem:$0x3FB9] =	sst s0  }
0x18: {  	s0 =	sld [smem:$0x3F9C];
	_ =	swait.ge [sflag:s4], $0x0  }
0x19: {  	s7 =	sld [smem:$0x3F9D]  }
0x1a: {  	s8 =	sadd.s32 $0xFFFFE003, lr  }
0x1b: {  	s9 =	sadd.s32 $0xFFFFFEF7, lr;
	s5 =	simm.s32 $0xFFFFFFFF;
	p2 =	slt.u32 s8, $0xFFFFF086  }
0x1c: {  	p1 =	slt.u32 s9, $0xF7A;
	s5 =	simm.s32 @!p2 $0x0  }
0x1d: {  	s5 =	simm.s32 @p1 $0x1;
	p0 =	seq.s32 s7, s2  }
0x1e: {  	s7 =	smul.u32 @!p0 $0xF7A, s2;
	p2 =	seq.s32 @!p0 s5, $0x0  }
0x1f: {  	s9 =	smul.u32 $0xF7A, s1;
	s8 =	simm.s32 @!p0 $0x1BF5;
	p2 =	por !p2, p0  }
0x20: {  	[sflag:s8] =	ssyncset.s32 @!p0 $0xFFFFF086;
	s6 =	sadd.s32 @!p0 s3, s7;
	s7 =	simm.s32 @!p0 $0x108  }
0x21: {  	s3 =	sadd.s32 s3, s9;
	s6 =	sadd.s32 @!p0 $0x88, s6;
	s7 =	simm.s32 @p2 $0x1082  }
0x22: {  	[simem:s7], [sflag:s8] =	dma.local @!p0 [hbm:s6], $0xF7A  }
0x23: {  	s9 =	sor.u32 $0xD0000000, s2;
	s6 =	simm.s32 $0x108;
	_ =	swait.ge @!p0 [sflag:s8], $0x0  }
0x24: {  	s3 =	sadd.s32 $0x88, s3;
	s6 =	simm.s32 @!p1 $0x1082;
	[sflag:s4] =	ssyncset.s32 $0xFFFFF086  }
0x25: {  	[simem:s6], [sflag:s4] =	dma.local [hbm:s3], $0xF7A  }
0x26: {  	[smem:$0x3F9D] =	sst s1;
	(tag) =	ssettag s2;
	_ =	strace s9  }
0x27: {  	s1 =	sld [smem:$0x3FAD]  }
0x28: {  	s2 =	sld [smem:$0x3FAE]  }
0x29: {  	s4 =	sld [smem:$0x3FB0]  }
0x2a: {  	p0 =	seq.s32 s5, $0x0;
	s5 =	sld [smem:$0x3FB1]  }
0x2b: {  	s6 =	sld [smem:$0x3FB2]  }
0x2c: {  	s7 =	sld [smem:$0x3FB3]  }
0x2d: {  	s3 =	simm.s32 $0x108;
	s8 =	sld [smem:$0x3FB4]  }
0x2e: {  	s3 =	simm.s32 @!p0 $0x1082;
	s9 =	sld [smem:$0x3FB5]  }
0x2f: {  	lr =	sadd.s32 s0, s3;
	s0 =	sld [smem:$0x3FAC]  }
0x30: {  	s3 =	sld [smem:$0x3FAF]  }
0x31: {  	[smem:$0x3FB8] =	sst s10  }
0x32: {  	s10 =	sld [smem:$0x3FB6];
	_ =	sdelay $0x3  }
0x33: {  	p0 =	seq.s32 s10, $0x1;
	s10 =	sld [smem:$0x3FB8];
	_ =	sdelay $0x3  }
0x34: {  	[smem:$0x3FB8] =	sst s10  }
0x35: {  	s10 =	sld [smem:$0x3FB7];
	_ =	sdelay $0x3  }
0x36: {  	p1 =	seq.s32 s10, $0x1;
	s10 =	sld [smem:$0x3FB8];
	_ =	sdelay $0x3  }
0x37: {  	[smem:$0x3FB8] =	sst s10  }
0x38: {  	s10 =	sld [smem:$0x3FB9]  }
0x39: {  	_ = 	snop;
	(pc) =	sbr.ind lr, $3  }
0x3a: {  	_ = 	snop  }
0x3b: {  	_ = 	snop  }
0x3c: {  	p2 =	seq.s32 s10, $0x1;
	s10 =	sld [smem:$0x3FB8]  }
0x3d: {  	_ =	shalt  }
0x3e: {  	_ =	shalt  }
0x3f: {  	_ =	shalt  }
0x40: {  	_ =	shalt  }
0x41: {  	_ =	shalt  }
0x42: {  	_ =	shalt  }
0x43: {  	_ =	shalt  }
0x44: {  	_ =	shalt  }
0x45: {  	_ =	shalt  }
0x46: {  	_ =	shalt  }
0x47: {  	_ =	shalt  }
0x48: {  	_ =	shalt  }
0x49: {  	_ =	shalt  }
0x4a: {  	_ =	shalt  }
0x4b: {  	_ =	shalt  }
0x4c: {  	_ =	shalt  }
0x4d: {  	_ =	shalt  }
0x4e: {  	_ =	shalt  }
0x4f: {  	_ =	shalt  }
0x50: {  	_ =	shalt  }
0x51: {  	_ =	shalt  }
0x52: {  	_ =	shalt  }
0x53: {  	_ =	shalt  }
0x54: {  	_ =	shalt  }
0x55: {  	_ =	shalt  }
0x56: {  	_ =	shalt  }
0x57: {  	_ =	shalt  }
0x58: {  	_ =	shalt  }
0x59: {  	_ =	shalt  }
0x5a: {  	_ =	shalt  }
0x5b: {  	_ =	shalt  }
0x5c: {  	_ =	shalt  }
0x5d: {  	_ =	shalt  }
0x5e: {  	_ =	shalt  }
0x5f: {  	_ =	shalt  }
0x60: {  	_ =	shalt  }
0x61: {  	_ =	shalt  }
0x62: {  	_ =	shalt  }
0x63: {  	_ =	shalt  }
0x64: {  	_ =	shalt  }
0x65: {  	_ =	shalt  }
0x66: {  	_ =	shalt  }
0x67: {  	_ =	shalt  }
0x68: {  	_ =	shalt  }
0x69: {  	_ =	shalt  }
0x6a: {  	_ =	shalt  }
0x6b: {  	_ =	shalt  }
0x6c: {  	_ =	shalt  }
0x6d: {  	_ =	shalt  }
0x6e: {  	_ =	shalt  }
0x6f: {  	_ =	shalt  }
0x70: {  	_ =	shalt  }
0x71: {  	_ =	shalt  }
0x72: {  	_ =	shalt  }
0x73: {  	_ =	shalt  }
0x74: {  	_ =	shalt  }
0x75: {  	_ =	shalt  }
0x76: {  	_ =	shalt  }
0x77: {  	_ =	shalt  }
0x78: {  	_ =	shalt  }
0x79: {  	_ =	shalt  }
0x7a: {  	_ =	shalt  }
0x7b: {  	_ =	shalt  }
0x7c: {  	_ =	shalt  }
0x7d: {  	_ =	shalt  }
0x7e: {  	_ =	shalt  }
0x7f: {  	_ =	shalt  }
0x80: {  	_ =	shalt  }
0x81: {  	_ =	shalt  }
0x82: {  	_ =	shalt  }
0x83: {  	_ =	shalt  }
0x84: {  	_ =	shalt  }
0x85: {  	_ =	shalt  }
0x86: {  	_ =	shalt  }
0x87: {  	_ =	shalt  }
.Lfunc_end0:
.L_simem_size_0:
called_computation_lowered:
.L_overlay_start_0:
0x88: {  	s2 =	sld [smem:$0x3FD9]  }
0x89: {  	s3 =	sld [smem:$0x3FFE];
	_ =	sdelay $0x1  }
0x8a: {  	s1 =	srdreg.scid  }
0x8b: {  	s0 =	sand.u32 $0x1, s1  }
0x8c: {  	s14 =	sshll.u32 s0, $0xA;
	s2 =	sadd.s32 s3, s2  }
0x8d: {  	s2 =	sadd.s32 s2, s14  }
0x8e: {  	[smem:$0x3FC4] =	sst s2  }
0x8f: {  	_ = 	snop  }
0x90: {  	s2 =	sld [smem:$0x3FD0];
	_ =	sdelay $0x2  }
0x91: {  	s15 =	simm.s32 $0xA;
	s4 =	simm.s32 $0x10  }
0x92: {  	[smem:s4], [sflag:s15] =	dma.local [hbm:s2], $0x1  }
0x93: {  	_ =	swait.eq [sflag:s15], $0x1  }
0x94: {  	[sflag:s15] =	ssyncset.done $0x0  }
0x95: {  	s16 =	sld [smem:$0x10];
	[sflag:s15] =	ssyncadd.s32 $0xFFFFFFFF  }
0x96: {  	s17 =	sld [smem:$0x11];
	(tm) =	ssettm $0x1  }
0x97: {  	s18 =	sld [smem:$0x3FFB];
	_ =	sdelay $0x3  }
0x98: {  	_ =	strace s18  }
0x99: {  	s4 =	sld [smem:$0x3FFC];
	_ =	sdelay $0x3  }
0x9a: {  	_ =	strace s4  }
0x9b: {  	s4 =	sld [smem:$0x3FFD];
	_ =	sdelay $0x3  }
0x9c: {  	_ =	strace s4  }
0x9d: {  	_ =	strace $0x8FFFFFFF  }
0x9e: {  	s19 =	sld [smem:$0x3FDB];
	_ =	sdelay $0x1  }
0x9f: {  	s5 =	simm.s32 $_scs_section_size  }
0xa0: {  	s6 =	simm.s32 $_size__tile_overlayer_lowered;
	s7 =	simm.s32 $_tile_overlayer_lowered  }
0xa1: {  	s22 =	simm.s32 $0x1BFF;
	s21 =	sshll.u32 s7, $0x1;
	s4 =	sadd.s32 s5, s19  }
0xa2: {  	s8 =	simm.s32 $0x0;
	s20 =	sshll.u32 s6, $0x1;
	s6 =	sadd.s32 s21, s4  }
0xa3: {  	[timem:s8], [sflag:s22] =	dma.local [hbm:s6], s20  }
0xa4: {  	_ =	swait.ge [sflag:s22], s20  }
0xa5: {  	s5 =	ssub.s32 $0x0, s20;
	[sflag:s22] =	ssyncset.done $0x0  }
0xa6: {  	[sflag:s22] =	ssyncadd.s32 s5;
	_ =	sdelay $0x1  }
0xa7: {  	s23 =	simm.s32 $0x1B8B  }
0xa8: {  	_ =	swait.ge [sflag:s23], $0x1  }
0xa9: {  	[sflag:s23] =	ssyncset.done $0x0  }
0xaa: {  	s25 =	simm.s32 $0x1B8E;
	s24 =	sld [smem:$0x3FFE];
	[sflag:s23] =	ssyncadd.s32 $0xFFFFFFFF  }
0xab: {  	s26 =	simm.s32 $execute0_lowered;
	[smem:$0x3FD2] =	sst s25  }
0xac: {  	s6 =	sshll.u32 s26, $0x1;
	_ =	strace $0x80000046;
	[dreg:$0x1] =	wrdreg $0xFFFFFFFF  }
0xad: {  	s28 =	simm.s32 $_size_execute0_lowered;
	s4 =	sadd.s32 s4, s6;
	[dreg:$0x0] =	wrdreg $0x0  }
0xae: {  	s6 =	sshll.u32 s28, $0x1;
	[dreg:$0x2] =	wrdreg s4  }
0xaf: {  	[dreg:$0x3] =	wrdreg s6  }
0xb0: {  	[dreg:$0x4] =	wrdreg $0xC0  }
0xb1: {  	_ =	task [dreg:s8], $0x5FFFF  }
0xb2: {  	[dreg:$0x1] =	wrdreg $0xFFFFFFFF  }
0xb3: {  	[dreg:$0x0] =	wrdreg $0x60  }
0xb4: {  	[dreg:$0x2] =	wrdreg s24  }
0xb5: {  	[dreg:$0x3] =	wrdreg s17  }
0xb6: {  	[dreg:$0x4] =	wrdreg s16  }
0xb7: {  	[dreg:$0x5] =	wrdreg $0x9  }
0xb8: {  	_ =	task.clear_ibuf [dreg:s8], $0x6FFFF;
	_ =	strace $0x90000046  }
0xb9: {  	s29 =	simm.s32 $0x9;
	_ =	strace $0x80000048  }
0xba: {  	_ =	swait.ge [sflag:s29], $0x1  }
0xbb: {  	[sflag:s29] =	ssyncadd.s32 $0xFFFFFFFF  }
0xbc: {  	_ =	strace $0x90000048  }
0xbd: {  	_ =	sfence  }
0xbe: {  	s30 =	sld [smem:$0x0];
	_ =	sdelay $0x2  }
0xbf: {  	s31 =	sshll.u32 s1, $0xD;
	s1 =	sshrl.u32 s1, $0x2  }
0xc0: {  	s3 =	sand.u32 $0x4000, s31;
	s1 =	sadd.s32 s1, s30  }
0xc1: {  	s0 =	sor.u32 s3, s0;
	s1 =	sshll.u32 s1, $0x11  }
0xc2: {  	s0 =	sor.u32 s1, s0  }
0xc3: {  	s0 =	sadd.s32 $0x8F2B, s0  }
0xc4: {  	[sflag:s0] =	ssyncadd.remote.s32 $0x1  }
0xc5: {  	_ =	sfence.sel $0xFFFF  }
0xc6: {  	[dreg:$0x0] =	wrdreg $0xFFFFFFFF;
	(pc) =	sbr.abs _section_cstart, $3  }
0xc7: {  	[dreg:$0x1] =	wrdreg $0xFFFFFFFF  }
0xc8: {  	_ =	task.clear_ibuf [dreg:s8], $0x2FFFF;
	_ =	strace $0x9FFFFFFF  }
0xc9: {  	(tm) =	ssettm $0x7FFFFFFF  }
tec
execute0_lowered:
.L_overlay_start_1:
0x0: {  	(tag) =	ssettag $0x1  }
0x1: {  	s0 =	rddreg [dreg:$0x0]  }
0x2: {  	s1 =	rddreg [dreg:$0x1]  }
0x3: {  	s3 =	rddreg [dreg:$0x2];
	s2 =	simm.s32 $0x0  }
0x4: {  	[smem:$0x7FF] =	sst s2;
	s23 =	sadd.s32 $0x1E9C00, s0  }
0x5: {  	s24 =	sadd.s32 $0x1400, s0;
	_ =	strace $0x80000047;
	[dreg:$0x4] =	wrdreg s23  }
0x6: {  	s25 =	sadd.s32 $0x16FA00, s0;
	[dreg:$0x5] =	wrdreg s24  }
0x7: {  	s26 =	sadd.s32 $0xF5800, s0;
	[dreg:$0xd] =	wrdreg s25  }
0x8: {  	s10 =	sadd.s32 $0x7C000, s0;
	[dreg:$0xe] =	wrdreg s26  }
0x9: {  	s6 =	sadd.s32 $0x7BE00, s0;
	[dreg:$0x6] =	wrdreg s10  }
0xa: {  	s4 =	srdreg.scid;
	s11 =	sadd.s32 $0x208448, s0;
	[dreg:$0x7] =	wrdreg s6  }
0xb: {  	s5 =	stileid.u32;
	s13 =	sadd.s32 $0x226C90, s0;
	[dreg:$0xf] =	wrdreg s11  }
0xc: {  	s28 =	simm.s32 $0x80;
	s14 =	sadd.s32 $0x2454D8, s0;
	[dreg:$0x10] =	wrdreg s13  }
0xd: {  	s30 =	simm.s32 $0x100;
	s15 =	sadd.s32 $0x1FC48, s0;
	[dreg:$0x11] =	wrdreg s14  }
0xe: {  	s31 =	simm.s32 $0x180;
	s16 =	sadd.s32 $0x3E490, s0;
	[dreg:$0x12] =	wrdreg s15  }
0xf: {  	s29 =	simm.s32 $0x2480;
	s17 =	sadd.s32 $0x5CCD8, s0;
	[dreg:$0x13] =	wrdreg s16  }
0x10: {  	s4 =	sand.u32 $0x1, s4;
	s18 =	sadd.s32 $0x18E248, s0;
	[dreg:$0x14] =	wrdreg s17  }
0x11: {  	s5 =	sshll.u32 s5, $0x1;
	s20 =	sadd.s32 $0x1ACA90, s0;
	[dreg:$0x15] =	wrdreg s18  }
0x12: {  	s21 =	sadd.s32 $0x1CB2D8, s0;
	s22 =	sadd.s32 $0x114048, s0;
	[dreg:$0x16] =	wrdreg s20  }
0x13: {  	s7 =	sor.u32 s4, s5;
	s4 =	ssub.s32 $0x2, s4;
	[dreg:$0x17] =	wrdreg s21  }
0x14: {  	[dreg:$0x18] =	wrdreg s22;
	s24 =	sadd.s32 $0x132890, s0;
	s21 =	simm.s32 $0x4  }
0x15: {  	s8 =	sshll.u32 s7, $0x6;
	s7 =	sshll.u32 s7, $0xA;
	s12 =	sshrl.u32 s4, $0x1  }
0x16: {  	[dreg:$0x19] =	wrdreg s24;
	s9 =	sadd.s32 s8, s0;
	s19 =	sadd.s32 s7, s0  }
0x17: {  	s4 =	ssub.s32 s4, s12;
	s1 =	sadd.s32 s1, s8;
	s23 =	sadd.s32 s3, s7  }
0x18: {  	s0 =	sadd.s32 $0x1510D8, s0;
	s7 =	simm.s32 $0x4500;
	[dreg:$0x9] =	wrdreg s1  }
0x19: {  	s8 =	simm.s32 $0x2500;
	s9 =	sadd.s32 $0x7B600, s9;
	[dreg:$0xa] =	wrdreg s23  }
0x1a: {  	[dreg:$0x1a] =	wrdreg s0;
	s25 =	sadd.s32 $0x7C200, s19;
	s26 =	smax.u32 s4, $0x1  }
0x1b: {  	s1 =	simm.s32 $0x2400;
	s0 =	simm.s32 $0x1;
	[dreg:$0x8] =	wrdreg s9  }
0x1c: {  	v0 =	vlaneseq.u32;
	s19 =	simm.s32 $0x3;
	s4 =	simm.s32 $0x0;
	[dreg:$0xb] =	wrdreg s25  }
0x1d: {  	v0 =	vmul.u32 $0x10, v0;
	[dreg:$0xc] =	wrdreg s26;
	s26 =	simm.s32 $0x5;
	s9 =	simm.s32 $0x2  }
.LBB2_1:
0x1e: {  	[dreg:$0x1b] =	wrdreg s4  }
0x1f: {  	s3 =	rddreg [dreg:$0x8]  }
0x20: {  	[tilespmem:s2], [sflag:$0x5] =	stream.linear.gather [hbm4b:s3+s2], $0x200, $0x38;
	[tilespmem:$0x6500] =	vst v63  }
0x21: {  	_ =	swait.ge [sflag:s26], $0x200  }
0x22: {  	[sflag:s26] =	ssyncset.done $0x0  }
0x23: {  	s13 =	simm.s32 $0x400;
	s3 =	rddreg [dreg:$0x4];
	[sflag:s26] =	ssyncadd.s32 $0xFFFFFE00  }
0x24: {  	[tilespmem:s13], [sflag:$0x1] =	stream.indirect.gather [hbm4b:s3+s28], $0x1, s2, s28, $0xb8;
	[tilespmem:$0x6500] =	vst v63  }
0x25: {  	s14 =	simm.s32 $0x600;
	s11 =	rddreg [dreg:$0xf]  }
0x26: {  	[tilespmem:s14], [sflag:$0x1] =	stream.indirect.gather [hbm4b:s11+s28], $0x1, s2, s28, $0xb8;
	[tilespmem:$0x6500] =	vst v63  }
0x27: {  	s15 =	simm.s32 $0x800;
	s12 =	rddreg [dreg:$0x10]  }
0x28: {  	[tilespmem:s15], [sflag:$0x1] =	stream.indirect.gather [hbm4b:s12+s28], $0x1, s2, s28, $0xb8;
	[tilespmem:$0x6500] =	vst v63  }
0x29: {  	s16 =	simm.s32 $0xA00;
	s13 =	rddreg [dreg:$0x11]  }
0x2a: {  	[tilespmem:s16], [sflag:$0x1] =	stream.indirect.gather [hbm4b:s13+s28], $0x1, s2, s28, $0xb8;
	[tilespmem:$0x6500] =	vst v63  }
0x2b: {  	s25 =	simm.s32 $0xC00;
	s4 =	rddreg [dreg:$0x5]  }
0x2c: {  	[tilespmem:s25], [sflag:$0x1] =	stream.indirect.gather [hbm4b:s4+s28], $0x1, s2, s28, $0xb8;
	[tilespmem:$0x6500] =	vst v63  }
0x2d: {  	s17 =	simm.s32 $0xE00;
	s14 =	rddreg [dreg:$0x12]  }
0x2e: {  	[tilespmem:s17], [sflag:$0x1] =	stream.indirect.gather [hbm4b:s14+s28], $0x1, s2, s28, $0xb8;
	[tilespmem:$0x6500] =	vst v63  }
0x2f: {  	s18 =	simm.s32 $0x1000;
	s15 =	rddreg [dreg:$0x13]  }
0x30: {  	[tilespmem:s18], [sflag:$0x1] =	stream.indirect.gather [hbm4b:s15+s28], $0x1, s2, s28, $0xb8;
	[tilespmem:$0x6500] =	vst v63  }
0x31: {  	s20 =	simm.s32 $0x1200;
	s16 =	rddreg [dreg:$0x14]  }
0x32: {  	[tilespmem:s20], [sflag:$0x1] =	stream.indirect.gather [hbm4b:s16+s28], $0x1, s2, s28, $0xb8;
	[tilespmem:$0x6500] =	vst v63  }
0x33: {  	s6 =	rddreg [dreg:$0xd];
	s25 =	simm.s32 $0x1400  }
0x34: {  	[tilespmem:s25], [sflag:$0x1] =	stream.indirect.gather [hbm4b:s6+s28], $0x1, s2, s28, $0xb8;
	[tilespmem:$0x6500] =	vst v63  }
0x35: {  	s5 =	simm.s32 $0x1600;
	s17 =	rddreg [dreg:$0x15]  }
0x36: {  	[tilespmem:s5], [sflag:$0x1] =	stream.indirect.gather [hbm4b:s17+s28], $0x1, s2, s28, $0xb8;
	[tilespmem:$0x6500] =	vst v63  }
0x37: {  	s22 =	simm.s32 $0x1800;
	s18 =	rddreg [dreg:$0x16]  }
0x38: {  	[tilespmem:s22], [sflag:$0x1] =	stream.indirect.gather [hbm4b:s18+s28], $0x1, s2, s28, $0xb8;
	[tilespmem:$0x6500] =	vst v63  }
0x39: {  	s23 =	simm.s32 $0x1A00;
	s20 =	rddreg [dreg:$0x17]  }
0x3a: {  	[tilespmem:s23], [sflag:$0x1] =	stream.indirect.gather [hbm4b:s20+s28], $0x1, s2, s28, $0xb8;
	[tilespmem:$0x6500] =	vst v63  }
0x3b: {  	s10 =	simm.s32 $0x1C00;
	s5 =	rddreg [dreg:$0xe]  }
0x3c: {  	[tilespmem:s10], [sflag:$0x1] =	stream.indirect.gather [hbm4b:s5+s28], $0x1, s2, s28, $0xb8;
	[tilespmem:$0x6500] =	vst v63  }
0x3d: {  	s22 =	simm.s32 $0x1E00;
	s10 =	rddreg [dreg:$0x18]  }
0x3e: {  	[tilespmem:s22], [sflag:$0x1] =	stream.indirect.gather [hbm4b:s10+s28], $0x1, s2, s28, $0xb8;
	[tilespmem:$0x6500] =	vst v63  }
0x3f: {  	s23 =	simm.s32 $0x2000;
	s22 =	rddreg [dreg:$0x19]  }
0x40: {  	[tilespmem:s23], [sflag:$0x1] =	stream.indirect.gather [hbm4b:s22+s28], $0x1, s2, s28, $0xb8;
	[tilespmem:$0x6500] =	vst v63  }
0x41: {  	s24 =	simm.s32 $0x2200;
	s23 =	rddreg [dreg:$0x1a]  }
0x42: {  	[tilespmem:s24], [sflag:$0x1] =	stream.indirect.gather [hbm4b:s23+s28], $0x1, s2, s28, $0xb8;
	[tilespmem:$0x6500] =	vst v63  }
0x43: {  	s24 =	simm.s32 $0x480  }
0x44: {  	[tilespmem:s24], [sflag:$0x2] =	stream.indirect.gather [hbm4b:s3+s28], $0x1, s28, s28, $0xb8;
	[tilespmem:$0x6500] =	vst v63  }
0x45: {  	s24 =	simm.s32 $0x680  }
0x46: {  	[tilespmem:s24], [sflag:$0x2] =	stream.indirect.gather [hbm4b:s11+s28], $0x1, s28, s28, $0xb8;
	[tilespmem:$0x6500] =	vst v63  }
0x47: {  	s24 =	simm.s32 $0x880  }
0x48: {  	[tilespmem:s24], [sflag:$0x2] =	stream.indirect.gather [hbm4b:s12+s28], $0x1, s28, s28, $0xb8;
	[tilespmem:$0x6500] =	vst v63  }
0x49: {  	s24 =	simm.s32 $0xA80  }
0x4a: {  	[tilespmem:s24], [sflag:$0x2] =	stream.indirect.gather [hbm4b:s13+s28], $0x1, s28, s28, $0xb8;
	[tilespmem:$0x6500] =	vst v63  }
0x4b: {  	s24 =	simm.s32 $0xC80  }
0x4c: {  	[tilespmem:s24], [sflag:$0x2] =	stream.indirect.gather [hbm4b:s4+s28], $0x1, s28, s28, $0xb8;
	[tilespmem:$0x6500] =	vst v63  }
0x4d: {  	s24 =	simm.s32 $0xE80  }
0x4e: {  	[tilespmem:s24], [sflag:$0x2] =	stream.indirect.gather [hbm4b:s14+s28], $0x1, s28, s28, $0xb8;
	[tilespmem:$0x6500] =	vst v63  }
0x4f: {  	s24 =	simm.s32 $0x1080  }
0x50: {  	[tilespmem:s24], [sflag:$0x2] =	stream.indirect.gather [hbm4b:s15+s28], $0x1, s28, s28, $0xb8;
	[tilespmem:$0x6500] =	vst v63  }
0x51: {  	s24 =	simm.s32 $0x1280  }
0x52: {  	[tilespmem:s24], [sflag:$0x2] =	stream.indirect.gather [hbm4b:s16+s28], $0x1, s28, s28, $0xb8;
	[tilespmem:$0x6500] =	vst v63  }
0x53: {  	s24 =	simm.s32 $0x1480  }
0x54: {  	[tilespmem:s24], [sflag:$0x2] =	stream.indirect.gather [hbm4b:s6+s28], $0x1, s28, s28, $0xb8;
	[tilespmem:$0x6500] =	vst v63  }
0x55: {  	s24 =	simm.s32 $0x1680  }
0x56: {  	[tilespmem:s24], [sflag:$0x2] =	stream.indirect.gather [hbm4b:s17+s28], $0x1, s28, s28, $0xb8;
	[tilespmem:$0x6500] =	vst v63  }
0x57: {  	s24 =	simm.s32 $0x1880  }
0x58: {  	[tilespmem:s24], [sflag:$0x2] =	stream.indirect.gather [hbm4b:s18+s28], $0x1, s28, s28, $0xb8;
	[tilespmem:$0x6500] =	vst v63  }
0x59: {  	s24 =	simm.s32 $0x1A80  }
0x5a: {  	[tilespmem:s24], [sflag:$0x2] =	stream.indirect.gather [hbm4b:s20+s28], $0x1, s28, s28, $0xb8;
	[tilespmem:$0x6500] =	vst v63  }
0x5b: {  	s24 =	simm.s32 $0x1C80  }
0x5c: {  	[tilespmem:s24], [sflag:$0x2] =	stream.indirect.gather [hbm4b:s5+s28], $0x1, s28, s28, $0xb8;
	[tilespmem:$0x6500] =	vst v63  }
0x5d: {  	s24 =	simm.s32 $0x1E80  }
0x5e: {  	[tilespmem:s24], [sflag:$0x2] =	stream.indirect.gather [hbm4b:s10+s28], $0x1, s28, s28, $0xb8;
	[tilespmem:$0x6500] =	vst v63  }
0x5f: {  	s24 =	simm.s32 $0x2080  }
0x60: {  	[tilespmem:s24], [sflag:$0x2] =	stream.indirect.gather [hbm4b:s22+s28], $0x1, s28, s28, $0xb8;
	[tilespmem:$0x6500] =	vst v63  }
0x61: {  	s24 =	simm.s32 $0x2280  }
0x62: {  	[tilespmem:s24], [sflag:$0x2] =	stream.indirect.gather [hbm4b:s23+s28], $0x1, s28, s28, $0xb8;
	[tilespmem:$0x6500] =	vst v63  }
0x63: {  	s24 =	simm.s32 $0x500  }
0x64: {  	[tilespmem:s24], [sflag:$0x3] =	stream.indirect.gather [hbm4b:s3+s28], $0x1, s30, s28, $0xb8;
	[tilespmem:$0x6500] =	vst v63  }
0x65: {  	s24 =	simm.s32 $0x700  }
0x66: {  	[tilespmem:s24], [sflag:$0x3] =	stream.indirect.gather [hbm4b:s11+s28], $0x1, s30, s28, $0xb8;
	[tilespmem:$0x6500] =	vst v63  }
0x67: {  	s24 =	simm.s32 $0x900  }
0x68: {  	[tilespmem:s24], [sflag:$0x3] =	stream.indirect.gather [hbm4b:s12+s28], $0x1, s30, s28, $0xb8;
	[tilespmem:$0x6500] =	vst v63  }
0x69: {  	s24 =	simm.s32 $0xB00  }
0x6a: {  	[tilespmem:s24], [sflag:$0x3] =	stream.indirect.gather [hbm4b:s13+s28], $0x1, s30, s28, $0xb8;
	[tilespmem:$0x6500] =	vst v63  }
0x6b: {  	s24 =	simm.s32 $0xD00  }
0x6c: {  	[tilespmem:s24], [sflag:$0x3] =	stream.indirect.gather [hbm4b:s4+s28], $0x1, s30, s28, $0xb8;
	[tilespmem:$0x6500] =	vst v63  }
0x6d: {  	s24 =	simm.s32 $0xF00  }
0x6e: {  	[tilespmem:s24], [sflag:$0x3] =	stream.indirect.gather [hbm4b:s14+s28], $0x1, s30, s28, $0xb8;
	[tilespmem:$0x6500] =	vst v63  }
0x6f: {  	s24 =	simm.s32 $0x1100  }
0x70: {  	[tilespmem:s24], [sflag:$0x3] =	stream.indirect.gather [hbm4b:s15+s28], $0x1, s30, s28, $0xb8;
	[tilespmem:$0x6500] =	vst v63  }
0x71: {  	s24 =	simm.s32 $0x1300  }
0x72: {  	[tilespmem:s24], [sflag:$0x3] =	stream.indirect.gather [hbm4b:s16+s28], $0x1, s30, s28, $0xb8;
	[tilespmem:$0x6500] =	vst v63  }
0x73: {  	s24 =	simm.s32 $0x1500  }
0x74: {  	[tilespmem:s24], [sflag:$0x3] =	stream.indirect.gather [hbm4b:s6+s28], $0x1, s30, s28, $0xb8;
	[tilespmem:$0x6500] =	vst v63  }
0x75: {  	s24 =	simm.s32 $0x1700  }
0x76: {  	[tilespmem:s24], [sflag:$0x3] =	stream.indirect.gather [hbm4b:s17+s28], $0x1, s30, s28, $0xb8;
	[tilespmem:$0x6500] =	vst v63  }
0x77: {  	s24 =	simm.s32 $0x1900  }
0x78: {  	[tilespmem:s24], [sflag:$0x3] =	stream.indirect.gather [hbm4b:s18+s28], $0x1, s30, s28, $0xb8;
	[tilespmem:$0x6500] =	vst v63  }
0x79: {  	s24 =	simm.s32 $0x1B00  }
0x7a: {  	[tilespmem:s24], [sflag:$0x3] =	stream.indirect.gather [hbm4b:s20+s28], $0x1, s30, s28, $0xb8;
	[tilespmem:$0x6500] =	vst v63  }
0x7b: {  	s24 =	simm.s32 $0x1D00  }
0x7c: {  	[tilespmem:s24], [sflag:$0x3] =	stream.indirect.gather [hbm4b:s5+s28], $0x1, s30, s28, $0xb8;
	[tilespmem:$0x6500] =	vst v63  }
0x7d: {  	s24 =	simm.s32 $0x1F00  }
0x7e: {  	[tilespmem:s24], [sflag:$0x3] =	stream.indirect.gather [hbm4b:s10+s28], $0x1, s30, s28, $0xb8;
	[tilespmem:$0x6500] =	vst v63  }
0x7f: {  	s24 =	simm.s32 $0x2100  }
0x80: {  	[tilespmem:s24], [sflag:$0x3] =	stream.indirect.gather [hbm4b:s22+s28], $0x1, s30, s28, $0xb8;
	[tilespmem:$0x6500] =	vst v63  }
0x81: {  	s24 =	simm.s32 $0x2300  }
0x82: {  	[tilespmem:s24], [sflag:$0x3] =	stream.indirect.gather [hbm4b:s23+s28], $0x1, s30, s28, $0xb8;
	[tilespmem:$0x6500] =	vst v63  }
0x83: {  	s24 =	simm.s32 $0x580  }
0x84: {  	[tilespmem:s24], [sflag:$0x4] =	stream.indirect.gather [hbm4b:s3+s28], $0x1, s31, s28, $0xb8;
	[tilespmem:$0x6500] =	vst v63  }
0x85: {  	s24 =	simm.s32 $0x780  }
0x86: {  	[tilespmem:s24], [sflag:$0x4] =	stream.indirect.gather [hbm4b:s11+s28], $0x1, s31, s28, $0xb8;
	[tilespmem:$0x6500] =	vst v63  }
0x87: {  	s11 =	simm.s32 $0x980  }
0x88: {  	[tilespmem:s11], [sflag:$0x4] =	stream.indirect.gather [hbm4b:s12+s28], $0x1, s31, s28, $0xb8;
	[tilespmem:$0x6500] =	vst v63  }
0x89: {  	s12 =	simm.s32 $0xB80  }
0x8a: {  	[tilespmem:s12], [sflag:$0x4] =	stream.indirect.gather [hbm4b:s13+s28], $0x1, s31, s28, $0xb8;
	[tilespmem:$0x6500] =	vst v63  }
0x8b: {  	s13 =	simm.s32 $0xD80  }
0x8c: {  	[tilespmem:s13], [sflag:$0x4] =	stream.indirect.gather [hbm4b:s4+s28], $0x1, s31, s28, $0xb8;
	[tilespmem:$0x6500] =	vst v63  }
0x8d: {  	s24 =	simm.s32 $0xF80  }
0x8e: {  	[tilespmem:s24], [sflag:$0x4] =	stream.indirect.gather [hbm4b:s14+s28], $0x1, s31, s28, $0xb8;
	[tilespmem:$0x6500] =	vst v63  }
0x8f: {  	s4 =	simm.s32 $0x1180  }
0x90: {  	[tilespmem:s4], [sflag:$0x4] =	stream.indirect.gather [hbm4b:s15+s28], $0x1, s31, s28, $0xb8;
	[tilespmem:$0x6500] =	vst v63  }
0x91: {  	s11 =	simm.s32 $0x1380  }
0x92: {  	[tilespmem:s11], [sflag:$0x4] =	stream.indirect.gather [hbm4b:s16+s28], $0x1, s31, s28, $0xb8;
	[tilespmem:$0x6500] =	vst v63  }
0x93: {  	s12 =	simm.s32 $0x1580  }
0x94: {  	[tilespmem:s12], [sflag:$0x4] =	stream.indirect.gather [hbm4b:s6+s28], $0x1, s31, s28, $0xb8;
	[tilespmem:$0x6500] =	vst v63  }
0x95: {  	s13 =	simm.s32 $0x1780  }
0x96: {  	[tilespmem:s13], [sflag:$0x4] =	stream.indirect.gather [hbm4b:s17+s28], $0x1, s31, s28, $0xb8;
	[tilespmem:$0x6500] =	vst v63  }
0x97: {  	s14 =	simm.s32 $0x1980  }
0x98: {  	[tilespmem:s14], [sflag:$0x4] =	stream.indirect.gather [hbm4b:s18+s28], $0x1, s31, s28, $0xb8;
	[tilespmem:$0x6500] =	vst v63  }
0x99: {  	s15 =	simm.s32 $0x1B80  }
0x9a: {  	[tilespmem:s15], [sflag:$0x4] =	stream.indirect.gather [hbm4b:s20+s28], $0x1, s31, s28, $0xb8;
	[tilespmem:$0x6500] =	vst v63  }
0x9b: {  	s16 =	simm.s32 $0x1D80  }
0x9c: {  	[tilespmem:s16], [sflag:$0x4] =	stream.indirect.gather [hbm4b:s5+s28], $0x1, s31, s28, $0xb8;
	[tilespmem:$0x6500] =	vst v63  }
0x9d: {  	s17 =	simm.s32 $0x1F80  }
0x9e: {  	[tilespmem:s17], [sflag:$0x4] =	stream.indirect.gather [hbm4b:s10+s28], $0x1, s31, s28, $0xb8;
	[tilespmem:$0x6500] =	vst v63  }
0x9f: {  	s18 =	simm.s32 $0x2180  }
0xa0: {  	[tilespmem:s18], [sflag:$0x4] =	stream.indirect.gather [hbm4b:s22+s28], $0x1, s31, s28, $0xb8;
	[tilespmem:$0x6500] =	vst v63  }
0xa1: {  	s20 =	simm.s32 $0x2380  }
0xa2: {  	[tilespmem:s20], [sflag:$0x4] =	stream.indirect.gather [hbm4b:s23+s28], $0x1, s31, s28, $0xb8;
	[tilespmem:$0x6500] =	vst v63  }
0xa3: {  	s3 =	simm.s32 $0x200;
	s22 =	rddreg [dreg:$0x9]  }
0xa4: {  	[tilespmem:s3], [sflag:$0x5] =	stream.linear.gather [hbm4b:s22+s2], $0x200, $0x38;
	[tilespmem:$0x6500] =	vst v63  }
0xa5: {  	_ =	swait.ge [sflag:s26], $0x200  }
0xa6: {  	[sflag:s26] =	ssyncset.done $0x0  }
0xa7: {  	s23 =	rddreg [dreg:$0x6];
	[sflag:s26] =	ssyncadd.s32 $0xFFFFFE00  }
0xa8: {  	[tilespmem:s1], [sflag:$0x5] =	stream.linear.gather [hbm4b:s23+s2], $0x80, $0x38;
	[tilespmem:$0x6500] =	vst v63  }
0xa9: {  	_ =	swait.ge [sflag:s26], $0x80  }
0xaa: {  	[sflag:s26] =	ssyncset.done $0x0  }
0xab: {  	s24 =	rddreg [dreg:$0x7];
	[sflag:s26] =	ssyncadd.s32 $0xFFFFFF80  }
0xac: {  	[tilespmem:s29], [sflag:$0x5] =	stream.linear.gather [hbm4b:s24+s2], $0x80, $0x38;
	[tilespmem:$0x6500] =	vst v63  }
0xad: {  	_ =	swait.ge [sflag:s26], $0x80  }
0xae: {  	[sflag:s26] =	ssyncset.done $0x0  }
0xaf: {  	[sflag:s26] =	ssyncadd.s32 $0xFFFFFF80  }
0xb0: {  	_ =	swait.ge [sflag:s0], $0x80  }
0xb1: {  	[sflag:s0] =	ssyncset.done $0x0  }
0xb2: {  	[sflag:s0] =	ssyncadd.s32 $0xFFFFFF80  }
0xb3: {  	_ =	swait.ge [sflag:s0], $0x80  }
0xb4: {  	[sflag:s0] =	ssyncset.done $0x0  }
0xb5: {  	[sflag:s0] =	ssyncadd.s32 $0xFFFFFF80  }
0xb6: {  	_ =	swait.ge [sflag:s0], $0x80  }
0xb7: {  	[sflag:s0] =	ssyncset.done $0x0  }
0xb8: {  	[sflag:s0] =	ssyncadd.s32 $0xFFFFFF80  }
0xb9: {  	_ =	swait.ge [sflag:s0], $0x80  }
0xba: {  	[sflag:s0] =	ssyncset.done $0x0  }
0xbb: {  	[sflag:s0] =	ssyncadd.s32 $0xFFFFFF80  }
0xbc: {  	_ =	swait.ge [sflag:s0], $0x80  }
0xbd: {  	[sflag:s0] =	ssyncset.done $0x0  }
0xbe: {  	[sflag:s0] =	ssyncadd.s32 $0xFFFFFF80  }
0xbf: {  	_ =	swait.ge [sflag:s0], $0x80  }
0xc0: {  	[sflag:s0] =	ssyncset.done $0x0  }
0xc1: {  	[sflag:s0] =	ssyncadd.s32 $0xFFFFFF80  }
0xc2: {  	_ =	swait.ge [sflag:s0], $0x80  }
0xc3: {  	[sflag:s0] =	ssyncset.done $0x0  }
0xc4: {  	[sflag:s0] =	ssyncadd.s32 $0xFFFFFF80  }
0xc5: {  	_ =	swait.ge [sflag:s0], $0x80  }
0xc6: {  	[sflag:s0] =	ssyncset.done $0x0  }
0xc7: {  	[sflag:s0] =	ssyncadd.s32 $0xFFFFFF80  }
0xc8: {  	_ =	swait.ge [sflag:s0], $0x80  }
0xc9: {  	[sflag:s0] =	ssyncset.done $0x0  }
0xca: {  	[sflag:s0] =	ssyncadd.s32 $0xFFFFFF80  }
0xcb: {  	_ =	swait.ge [sflag:s0], $0x80  }
0xcc: {  	[sflag:s0] =	ssyncset.done $0x0  }
0xcd: {  	[sflag:s0] =	ssyncadd.s32 $0xFFFFFF80  }
0xce: {  	_ =	swait.ge [sflag:s0], $0x80  }
0xcf: {  	[sflag:s0] =	ssyncset.done $0x0  }
0xd0: {  	[sflag:s0] =	ssyncadd.s32 $0xFFFFFF80  }
0xd1: {  	_ =	swait.ge [sflag:s0], $0x80  }
0xd2: {  	[sflag:s0] =	ssyncset.done $0x0  }
0xd3: {  	[sflag:s0] =	ssyncadd.s32 $0xFFFFFF80  }
0xd4: {  	_ =	swait.ge [sflag:s0], $0x80  }
0xd5: {  	[sflag:s0] =	ssyncset.done $0x0  }
0xd6: {  	[sflag:s0] =	ssyncadd.s32 $0xFFFFFF80  }
0xd7: {  	_ =	swait.ge [sflag:s0], $0x80  }
0xd8: {  	[sflag:s0] =	ssyncset.done $0x0  }
0xd9: {  	[sflag:s0] =	ssyncadd.s32 $0xFFFFFF80  }
0xda: {  	_ =	swait.ge [sflag:s0], $0x80  }
0xdb: {  	[sflag:s0] =	ssyncset.done $0x0  }
0xdc: {  	[sflag:s0] =	ssyncadd.s32 $0xFFFFFF80  }
0xdd: {  	_ =	swait.ge [sflag:s0], $0x80  }
0xde: {  	[sflag:s0] =	ssyncset.done $0x0  }
0xdf: {  	s4 =	simm.s32 $0x0;
	[sflag:s0] =	ssyncadd.s32 $0xFFFFFF80  }
.LBB2_2:
0xe0: {  	v1 =	vld [tilespmem:s3+$0x0];
	_ =	sdelay $0x4  }
0xe1: {  	v2 =	vshll.u32 v1, $0x4;
	_ =	sdelay $0x2  }
0xe2: {  	v1 =	vmov s4  }
0xe3: {  	v1 =	vshll.u32 v1, $0x4  }
0xe4: {  	v1 =	vor.u32 v0, v1;
	v3 =	vld.idx.msk [tilespmem:v2+s29+$0x0], $0xffff  }
0xe5: {  	v6 =	vor.u32 $0x1, v2;
	_ =	sdelay $0x3  }
0xe6: {  	[tilespmem:v1+s7+$0x0] =	vst.idx.msk $0xffff, v3  }
0xe7: {  	v17 =	vor.u32 $0x1, v1;
	v3 =	vld.idx.msk [tilespmem:v6+s29+$0x0], $0xffff  }
0xe8: {  	v8 =	vor.u32 $0x2, v2;
	_ =	sdelay $0x3  }
0xe9: {  	[tilespmem:v17+s7+$0x0] =	vst.idx.msk $0xffff, v3  }
0xea: {  	v18 =	vor.u32 $0x2, v1;
	v3 =	vld.idx.msk [tilespmem:v8+s29+$0x0], $0xffff  }
0xeb: {  	v11 =	vor.u32 $0x3, v2;
	_ =	sdelay $0x3  }
0xec: {  	[tilespmem:v18+s7+$0x0] =	vst.idx.msk $0xffff, v3  }
0xed: {  	v19 =	vor.u32 $0x3, v1;
	v3 =	vld.idx.msk [tilespmem:v11+s29+$0x0], $0xffff  }
0xee: {  	v20 =	vor.u32 $0x4, v2;
	_ =	sdelay $0x3  }
0xef: {  	[tilespmem:v19+s7+$0x0] =	vst.idx.msk $0xffff, v3  }
0xf0: {  	v21 =	vor.u32 $0x4, v1;
	v3 =	vld.idx.msk [tilespmem:v20+s29+$0x0], $0xffff  }
0xf1: {  	v22 =	vor.u32 $0x5, v2;
	_ =	sdelay $0x3  }
0xf2: {  	[tilespmem:v21+s7+$0x0] =	vst.idx.msk $0xffff, v3  }
0xf3: {  	v23 =	vor.u32 $0x5, v1;
	v3 =	vld.idx.msk [tilespmem:v22+s29+$0x0], $0xffff  }
0xf4: {  	v24 =	vor.u32 $0x6, v2;
	_ =	sdelay $0x3  }
0xf5: {  	[tilespmem:v23+s7+$0x0] =	vst.idx.msk $0xffff, v3  }
0xf6: {  	v25 =	vor.u32 $0x6, v1;
	v3 =	vld.idx.msk [tilespmem:v24+s29+$0x0], $0xffff  }
0xf7: {  	v26 =	vor.u32 $0x7, v2;
	_ =	sdelay $0x3  }
0xf8: {  	[tilespmem:v25+s7+$0x0] =	vst.idx.msk $0xffff, v3  }
0xf9: {  	v27 =	vor.u32 $0x7, v1;
	v3 =	vld.idx.msk [tilespmem:v26+s29+$0x0], $0xffff  }
0xfa: {  	v28 =	vor.u32 $0x8, v2;
	_ =	sdelay $0x3  }
0xfb: {  	[tilespmem:v27+s7+$0x0] =	vst.idx.msk $0xffff, v3  }
0xfc: {  	v29 =	vor.u32 $0x8, v1;
	v3 =	vld.idx.msk [tilespmem:v28+s29+$0x0], $0xffff;
	_ =	sdelay $0x4  }
0xfd: {  	[tilespmem:v29+s7+$0x0] =	vst.idx.msk $0xffff, v3  }
0xfe: {  	v13 =	vld [tilespmem:s25+$0xFFFFF000]  }
0xff: {  	v9 =	vld [tilespmem:s25+$0xFFFFF200]  }
0x100: {  	v4 =	vld [tilespmem:s25+$0xFFFFF400]  }
0x101: {  	v3 =	vld [tilespmem:s25+$0xFFFFF600]  }
0x102: {  	v15 =	vld [tilespmem:s25+$0xFFFFF800]  }
0x103: {  	v10 =	vld [tilespmem:s25+$0xFFFFFA00]  }
0x104: {  	v7 =	vld [tilespmem:s25+$0xFFFFFC00]  }
0x105: {  	v5 =	vld [tilespmem:s25+$0xFFFFFE00]  }
0x106: {  	v16 =	vld [tilespmem:s25+$0x0]  }
0x107: {  	v30 =	vld.idx.msk [tilespmem:v2+s1+$0x0], $0xffff  }
0x108: {  	v31 =	vld.idx.msk [tilespmem:v6+s1+$0x0], $0xffff  }
0x109: {  	v14 =	vld [tilespmem:s25+$0x200]  }
0x10a: {  	v32 =	vld.idx.msk [tilespmem:v8+s1+$0x0], $0xffff  }
0x10b: {  	v8 =	vld [tilespmem:s25+$0x400]  }
0x10c: {  	v33 =	vld [tilespmem:s25+$0x800]  }
0x10d: {  	v35 =	vld.idx.msk [tilespmem:v11+s1+$0x0], $0xffff;
	v12 =	vmul.f32 v30, v13;
	v34 =	vmul.f32 v31, v15  }
0x10e: {  	v37 =	vld [tilespmem:s25+$0xA00];
	v58 =	vmul.f32 v30, v9;
	v36 =	vmul.f32 v31, v10  }
0x10f: {  	v6 =	vld [tilespmem:s25+$0x600];
	v38 =	vmul.f32 v32, v16;
	v39 =	vmul.f32 v32, v14  }
0x110: {  	v59 =	vmul.f32 v30, v4;
	v40 =	vmul.f32 v31, v7;
	v34 =	vadd.f32 v34, v12;
	v12 =	vld [tilespmem:s25+$0xC00]  }
0x111: {  	v11 =	vld [tilespmem:s25+$0xE00];
	v30 =	vmul.f32 v30, v3;
	v31 =	vmul.f32 v31, v5  }
0x112: {  	v60 =	vmul.f32 v35, v33;
	v61 =	vmul.f32 v32, v8;
	v36 =	vadd.f32 v36, v58  }
0x113: {  	v62 =	vmul.f32 v35, v37;
	v34 =	vadd.f32 v38, v34;
	v38 =	vadd.f32 v40, v59  }
0x114: {  	v32 =	vmul.f32 v32, v6;
	v30 =	vadd.f32 v31, v30;
	v36 =	vadd.f32 v39, v36  }
0x115: {  	v34 =	vadd.f32 v60, v34;
	v38 =	vadd.f32 v61, v38;
	v63 =	vmul.f32 v35, v12  }
0x116: {  	v41 =	vmul.f32 v35, v11;
	v30 =	vadd.f32 v32, v30;
	v31 =	vadd.f32 v62, v36  }
0x117: {  	[tilespmem:v1+s8+$0x0] =	vst.idx.msk $0xffff, v34;
	v42 =	vadd.f32 v63, v38  }
0x118: {  	v43 =	vadd.f32 v41, v30;
	[tilespmem:v17+s8+$0x0] =	vst.idx.msk $0xffff, v31  }
0x119: {  	[tilespmem:v18+s8+$0x0] =	vst.idx.msk $0xffff, v42  }
0x11a: {  	[tilespmem:v19+s8+$0x0] =	vst.idx.msk $0xffff, v43  }
0x11b: {  	v17 =	vld.idx.msk [tilespmem:v20+s1+$0x0], $0xffff  }
0x11c: {  	v18 =	vld.idx.msk [tilespmem:v22+s1+$0x0], $0xffff  }
0x11d: {  	v19 =	vld.idx.msk [tilespmem:v24+s1+$0x0], $0xffff  }
0x11e: {  	v44 =	vld.idx.msk [tilespmem:v26+s1+$0x0], $0xffff;
	_ =	sdelay $0x2  }
0x11f: {  	v45 =	vmul.f32 v17, v13;
	v46 =	vmul.f32 v18, v15  }
0x120: {  	v47 =	vmul.f32 v19, v16;
	v48 =	vmul.f32 v17, v9  }
0x121: {  	v49 =	vmul.f32 v18, v10;
	v50 =	vmul.f32 v44, v33  }
0x122: {  	v51 =	vmul.f32 v19, v14;
	v52 =	vmul.f32 v17, v4  }
0x123: {  	v53 =	vmul.f32 v18, v7;
	v17 =	vmul.f32 v17, v3;
	v22 =	vadd.f32 v46, v45  }
0x124: {  	v18 =	vmul.f32 v18, v5;
	v56 =	vmul.f32 v19, v8;
	v30 =	vadd.f32 v49, v48  }
0x125: {  	v57 =	vmul.f32 v44, v37;
	v55 =	vadd.f32 v53, v52;
	v22 =	vadd.f32 v47, v22  }
0x126: {  	v58 =	vmul.f32 v19, v6;
	v17 =	vadd.f32 v18, v17;
	v54 =	vadd.f32 v51, v30  }
0x127: {  	v61 =	vmul.f32 v44, v12;
	v60 =	vadd.f32 v56, v55;
	v59 =	vadd.f32 v50, v22  }
0x128: {  	v62 =	vmul.f32 v44, v11;
	v17 =	vadd.f32 v58, v17;
	v26 =	vadd.f32 v57, v54  }
0x129: {  	v24 =	vor.u32 $0x9, v2;
	v63 =	vadd.f32 v61, v60;
	[tilespmem:v21+s8+$0x0] =	vst.idx.msk $0xffff, v59  }
0x12a: {  	v17 =	vadd.f32 v62, v17;
	[tilespmem:v23+s8+$0x0] =	vst.idx.msk $0xffff, v26  }
0x12b: {  	[tilespmem:v25+s8+$0x0] =	vst.idx.msk $0xffff, v63  }
0x12c: {  	[tilespmem:v27+s8+$0x0] =	vst.idx.msk $0xffff, v17  }
0x12d: {  	v26 =	vor.u32 $0xA, v2;
	v17 =	vld.idx.msk [tilespmem:v28+s1+$0x0], $0xffff  }
0x12e: {  	v20 =	vld.idx.msk [tilespmem:v24+s1+$0x0], $0xffff  }
0x12f: {  	v28 =	vor.u32 $0xB, v2;
	_ =	sdelay $0x2  }
0x130: {  	v18 =	vld.idx.msk [tilespmem:v26+s1+$0x0], $0xffff  }
0x131: {  	v42 =	vor.u32 $0x9, v1;
	v30 =	vmul.f32 v17, v13;
	v31 =	vmul.f32 v20, v15  }
0x132: {  	v44 =	vor.u32 $0xA, v1;
	v19 =	vld.idx.msk [tilespmem:v28+s1+$0x0], $0xffff;
	v32 =	vmul.f32 v17, v9;
	v34 =	vmul.f32 v20, v10  }
0x133: {  	v49 =	vor.u32 $0xC, v2;
	v40 =	vmul.f32 v17, v4;
	v41 =	vmul.f32 v20, v7  }
0x134: {  	v47 =	vor.u32 $0xB, v1;
	v17 =	vmul.f32 v17, v3;
	v20 =	vmul.f32 v20, v5  }
0x135: {  	v21 =	vadd.f32 v31, v30;
	v35 =	vmul.f32 v18, v16;
	v23 =	vadd.f32 v34, v32  }
0x136: {  	v36 =	vmul.f32 v18, v14;
	v22 =	vadd.f32 v41, v40;
	v43 =	vmul.f32 v18, v8  }
0x137: {  	v17 =	vadd.f32 v20, v17;
	v21 =	vadd.f32 v35, v21;
	v38 =	vmul.f32 v19, v33  }
0x138: {  	v18 =	vmul.f32 v18, v6;
	v23 =	vadd.f32 v36, v23;
	v39 =	vmul.f32 v19, v37  }
0x139: {  	v45 =	vadd.f32 v43, v22;
	v46 =	vmul.f32 v19, v12;
	v21 =	vadd.f32 v38, v21  }
0x13a: {  	v17 =	vadd.f32 v18, v17;
	v48 =	vmul.f32 v19, v11;
	v23 =	vadd.f32 v39, v23  }
0x13b: {  	v50 =	vor.u32 $0xD, v2;
	v20 =	vadd.f32 v46, v45;
	[tilespmem:v29+s8+$0x0] =	vst.idx.msk $0xffff, v21  }
0x13c: {  	v51 =	vor.u32 $0xE, v2;
	v17 =	vadd.f32 v48, v17;
	[tilespmem:v42+s8+$0x0] =	vst.idx.msk $0xffff, v23  }
0x13d: {  	v2 =	vor.u32 $0xF, v2;
	[tilespmem:v44+s8+$0x0] =	vst.idx.msk $0xffff, v20  }
0x13e: {  	[tilespmem:v47+s8+$0x0] =	vst.idx.msk $0xffff, v17  }
0x13f: {  	v17 =	vld.idx.msk [tilespmem:v49+s1+$0x0], $0xffff  }
0x140: {  	v52 =	vld.idx.msk [tilespmem:v50+s1+$0x0], $0xffff  }
0x141: {  	v18 =	vld.idx.msk [tilespmem:v51+s1+$0x0], $0xffff  }
0x142: {  	v2 =	vld.idx.msk [tilespmem:v2+s1+$0x0], $0xffff;
	_ =	sdelay $0x3  }
0x143: {  	v58 =	vor.u32 $0xD, v1;
	v13 =	vmul.f32 v17, v13;
	v15 =	vmul.f32 v52, v15  }
0x144: {  	v57 =	vor.u32 $0xC, v1;
	v53 =	vmul.f32 v18, v16;
	v54 =	vmul.f32 v2, v33  }
0x145: {  	v60 =	vor.u32 $0xE, v1;
	v9 =	vmul.f32 v17, v9;
	v10 =	vmul.f32 v52, v10  }
0x146: {  	v1 =	vor.u32 $0xF, v1;
	v55 =	vmul.f32 v18, v14;
	v56 =	vmul.f32 v2, v37  }
0x147: {  	v4 =	vmul.f32 v17, v4;
	v7 =	vmul.f32 v52, v7;
	v13 =	vadd.f32 v15, v13  }
0x148: {  	v3 =	vmul.f32 v17, v3;
	v5 =	vmul.f32 v52, v5;
	v9 =	vadd.f32 v10, v9  }
0x149: {  	v59 =	vmul.f32 v18, v8;
	v4 =	vadd.f32 v7, v4;
	v13 =	vadd.f32 v53, v13  }
0x14a: {  	v61 =	vmul.f32 v18, v6;
	v3 =	vadd.f32 v5, v3;
	v9 =	vadd.f32 v55, v9  }
0x14b: {  	p0 =	sne.s32 s4, $0x70;
	v62 =	vmul.f32 v2, v12;
	v4 =	vadd.f32 v59, v4;
	v13 =	vadd.f32 v54, v13  }
.Ltmp0:
0x14c: {  	v2 =	vmul.f32 v2, v11;
	v3 =	vadd.f32 v61, v3;
	v63 =	vadd.f32 v56, v9;
	(pc) =	sbr.rel @p0 .LBB2_2-.Ltmp0, $4  }
0x14d: {  	v4 =	vadd.f32 v62, v4;
	[tilespmem:v57+s8+$0x0] =	vst.idx.msk $0xffff, v13  }
0x14e: {  	v2 =	vadd.f32 v2, v3;
	[tilespmem:v58+s8+$0x0] =	vst.idx.msk $0xffff, v63  }
0x14f: {  	[tilespmem:v60+s8+$0x0] =	vst.idx.msk $0xffff, v4  }
0x150: {  	s3 =	sadd.s32 $0x10, s3;
	s4 =	sadd.s32 $0x10, s4;
	s25 =	sadd.s32 $0x10, s25;
	[tilespmem:v1+s8+$0x0] =	vst.idx.msk $0xffff, v2  }
0x151: {  	_ =	swait.ge [sflag:s9], $0x80  }
0x152: {  	[sflag:s9] =	ssyncset.done $0x0  }
0x153: {  	[sflag:s9] =	ssyncadd.s32 $0xFFFFFF80  }
0x154: {  	_ =	swait.ge [sflag:s9], $0x80  }
0x155: {  	[sflag:s9] =	ssyncset.done $0x0  }
0x156: {  	[sflag:s9] =	ssyncadd.s32 $0xFFFFFF80  }
0x157: {  	_ =	swait.ge [sflag:s9], $0x80  }
0x158: {  	[sflag:s9] =	ssyncset.done $0x0  }
0x159: {  	[sflag:s9] =	ssyncadd.s32 $0xFFFFFF80  }
0x15a: {  	_ =	swait.ge [sflag:s9], $0x80  }
0x15b: {  	[sflag:s9] =	ssyncset.done $0x0  }
0x15c: {  	[sflag:s9] =	ssyncadd.s32 $0xFFFFFF80  }
0x15d: {  	_ =	swait.ge [sflag:s9], $0x80  }
0x15e: {  	[sflag:s9] =	ssyncset.done $0x0  }
0x15f: {  	[sflag:s9] =	ssyncadd.s32 $0xFFFFFF80  }
0x160: {  	_ =	swait.ge [sflag:s9], $0x80  }
0x161: {  	[sflag:s9] =	ssyncset.done $0x0  }
0x162: {  	[sflag:s9] =	ssyncadd.s32 $0xFFFFFF80  }
0x163: {  	_ =	swait.ge [sflag:s9], $0x80  }
0x164: {  	[sflag:s9] =	ssyncset.done $0x0  }
0x165: {  	[sflag:s9] =	ssyncadd.s32 $0xFFFFFF80  }
0x166: {  	_ =	swait.ge [sflag:s9], $0x80  }
0x167: {  	[sflag:s9] =	ssyncset.done $0x0  }
0x168: {  	[sflag:s9] =	ssyncadd.s32 $0xFFFFFF80  }
0x169: {  	_ =	swait.ge [sflag:s9], $0x80  }
0x16a: {  	[sflag:s9] =	ssyncset.done $0x0  }
0x16b: {  	[sflag:s9] =	ssyncadd.s32 $0xFFFFFF80  }
0x16c: {  	_ =	swait.ge [sflag:s9], $0x80  }
0x16d: {  	[sflag:s9] =	ssyncset.done $0x0  }
0x16e: {  	[sflag:s9] =	ssyncadd.s32 $0xFFFFFF80  }
0x16f: {  	_ =	swait.ge [sflag:s9], $0x80  }
0x170: {  	[sflag:s9] =	ssyncset.done $0x0  }
0x171: {  	[sflag:s9] =	ssyncadd.s32 $0xFFFFFF80  }
0x172: {  	_ =	swait.ge [sflag:s9], $0x80  }
0x173: {  	[sflag:s9] =	ssyncset.done $0x0  }
0x174: {  	[sflag:s9] =	ssyncadd.s32 $0xFFFFFF80  }
0x175: {  	_ =	swait.ge [sflag:s9], $0x80  }
0x176: {  	[sflag:s9] =	ssyncset.done $0x0  }
0x177: {  	[sflag:s9] =	ssyncadd.s32 $0xFFFFFF80  }
0x178: {  	_ =	swait.ge [sflag:s9], $0x80  }
0x179: {  	[sflag:s9] =	ssyncset.done $0x0  }
0x17a: {  	[sflag:s9] =	ssyncadd.s32 $0xFFFFFF80  }
0x17b: {  	_ =	swait.ge [sflag:s9], $0x80  }
0x17c: {  	[sflag:s9] =	ssyncset.done $0x0  }
0x17d: {  	[sflag:s9] =	ssyncadd.s32 $0xFFFFFF80  }
0x17e: {  	_ =	swait.ge [sflag:s9], $0x80  }
0x17f: {  	s3 =	simm.s32 $0x80;
	[sflag:s9] =	ssyncset.done $0x0  }
0x180: {  	s25 =	simm.s32 $0x280;
	s4 =	simm.s32 $0x1480;
	[sflag:s9] =	ssyncadd.s32 $0xFFFFFF80  }
.LBB2_4:
0x181: {  	v1 =	vld [tilespmem:s25+$0x0];
	_ =	sdelay $0x4  }
0x182: {  	v2 =	vshll.u32 v1, $0x4;
	_ =	sdelay $0x2  }
0x183: {  	v1 =	vmov s3  }
0x184: {  	v1 =	vshll.u32 v1, $0x4  }
0x185: {  	v1 =	vor.u32 v0, v1;
	v3 =	vld.idx.msk [tilespmem:v2+s29+$0x0], $0xffff  }
0x186: {  	v6 =	vor.u32 $0x1, v2;
	_ =	sdelay $0x3  }
0x187: {  	[tilespmem:v1+s7+$0x0] =	vst.idx.msk $0xffff, v3  }
0x188: {  	v17 =	vor.u32 $0x1, v1;
	v3 =	vld.idx.msk [tilespmem:v6+s29+$0x0], $0xffff  }
0x189: {  	v8 =	vor.u32 $0x2, v2;
	_ =	sdelay $0x3  }
0x18a: {  	[tilespmem:v17+s7+$0x0] =	vst.idx.msk $0xffff, v3  }
0x18b: {  	v18 =	vor.u32 $0x2, v1;
	v3 =	vld.idx.msk [tilespmem:v8+s29+$0x0], $0xffff  }
0x18c: {  	v11 =	vor.u32 $0x3, v2;
	_ =	sdelay $0x3  }
0x18d: {  	[tilespmem:v18+s7+$0x0] =	vst.idx.msk $0xffff, v3  }
0x18e: {  	v19 =	vor.u32 $0x3, v1;
	v3 =	vld.idx.msk [tilespmem:v11+s29+$0x0], $0xffff  }
0x18f: {  	v20 =	vor.u32 $0x4, v2;
	_ =	sdelay $0x3  }
0x190: {  	[tilespmem:v19+s7+$0x0] =	vst.idx.msk $0xffff, v3  }
0x191: {  	v21 =	vor.u32 $0x4, v1;
	v3 =	vld.idx.msk [tilespmem:v20+s29+$0x0], $0xffff  }
0x192: {  	v22 =	vor.u32 $0x5, v2;
	_ =	sdelay $0x3  }
0x193: {  	[tilespmem:v21+s7+$0x0] =	vst.idx.msk $0xffff, v3  }
0x194: {  	v23 =	vor.u32 $0x5, v1;
	v3 =	vld.idx.msk [tilespmem:v22+s29+$0x0], $0xffff  }
0x195: {  	v24 =	vor.u32 $0x6, v2;
	_ =	sdelay $0x3  }
0x196: {  	[tilespmem:v23+s7+$0x0] =	vst.idx.msk $0xffff, v3  }
0x197: {  	v25 =	vor.u32 $0x6, v1;
	v3 =	vld.idx.msk [tilespmem:v24+s29+$0x0], $0xffff  }
0x198: {  	v26 =	vor.u32 $0x7, v2;
	_ =	sdelay $0x3  }
0x199: {  	[tilespmem:v25+s7+$0x0] =	vst.idx.msk $0xffff, v3  }
0x19a: {  	v27 =	vor.u32 $0x7, v1;
	v3 =	vld.idx.msk [tilespmem:v26+s29+$0x0], $0xffff  }
0x19b: {  	v28 =	vor.u32 $0x8, v2;
	_ =	sdelay $0x3  }
0x19c: {  	[tilespmem:v27+s7+$0x0] =	vst.idx.msk $0xffff, v3  }
0x19d: {  	v29 =	vor.u32 $0x8, v1;
	v3 =	vld.idx.msk [tilespmem:v28+s29+$0x0], $0xffff;
	_ =	sdelay $0x4  }
0x19e: {  	[tilespmem:v29+s7+$0x0] =	vst.idx.msk $0xffff, v3  }
0x19f: {  	v13 =	vld [tilespmem:s4+$0xFFFFF000]  }
0x1a0: {  	v9 =	vld [tilespmem:s4+$0xFFFFF200]  }
0x1a1: {  	v4 =	vld [tilespmem:s4+$0xFFFFF400]  }
0x1a2: {  	v3 =	vld [tilespmem:s4+$0xFFFFF600]  }
0x1a3: {  	v15 =	vld [tilespmem:s4+$0xFFFFF800]  }
0x1a4: {  	v10 =	vld [tilespmem:s4+$0xFFFFFA00]  }
0x1a5: {  	v7 =	vld [tilespmem:s4+$0xFFFFFC00]  }
0x1a6: {  	v5 =	vld [tilespmem:s4+$0xFFFFFE00]  }
0x1a7: {  	v16 =	vld [tilespmem:s4+$0x0]  }
0x1a8: {  	v30 =	vld.idx.msk [tilespmem:v2+s1+$0x0], $0xffff  }
0x1a9: {  	v31 =	vld.idx.msk [tilespmem:v6+s1+$0x0], $0xffff  }
0x1aa: {  	v14 =	vld [tilespmem:s4+$0x200]  }
0x1ab: {  	v32 =	vld.idx.msk [tilespmem:v8+s1+$0x0], $0xffff  }
0x1ac: {  	v8 =	vld [tilespmem:s4+$0x400]  }
0x1ad: {  	v33 =	vld [tilespmem:s4+$0x800]  }
0x1ae: {  	v35 =	vld.idx.msk [tilespmem:v11+s1+$0x0], $0xffff;
	v12 =	vmul.f32 v30, v13;
	v34 =	vmul.f32 v31, v15  }
0x1af: {  	v37 =	vld [tilespmem:s4+$0xA00];
	v58 =	vmul.f32 v30, v9;
	v36 =	vmul.f32 v31, v10  }
0x1b0: {  	v6 =	vld [tilespmem:s4+$0x600];
	v38 =	vmul.f32 v32, v16;
	v39 =	vmul.f32 v32, v14  }
0x1b1: {  	v59 =	vmul.f32 v30, v4;
	v40 =	vmul.f32 v31, v7;
	v34 =	vadd.f32 v34, v12;
	v12 =	vld [tilespmem:s4+$0xC00]  }
0x1b2: {  	v11 =	vld [tilespmem:s4+$0xE00];
	v30 =	vmul.f32 v30, v3;
	v31 =	vmul.f32 v31, v5  }
0x1b3: {  	v60 =	vmul.f32 v35, v33;
	v61 =	vmul.f32 v32, v8;
	v36 =	vadd.f32 v36, v58  }
0x1b4: {  	v62 =	vmul.f32 v35, v37;
	v34 =	vadd.f32 v38, v34;
	v38 =	vadd.f32 v40, v59  }
0x1b5: {  	v32 =	vmul.f32 v32, v6;
	v30 =	vadd.f32 v31, v30;
	v36 =	vadd.f32 v39, v36  }
0x1b6: {  	v34 =	vadd.f32 v60, v34;
	v38 =	vadd.f32 v61, v38;
	v63 =	vmul.f32 v35, v12  }
0x1b7: {  	v41 =	vmul.f32 v35, v11;
	v30 =	vadd.f32 v32, v30;
	v31 =	vadd.f32 v62, v36  }
0x1b8: {  	[tilespmem:v1+s8+$0x0] =	vst.idx.msk $0xffff, v34;
	v42 =	vadd.f32 v63, v38  }
0x1b9: {  	v43 =	vadd.f32 v41, v30;
	[tilespmem:v17+s8+$0x0] =	vst.idx.msk $0xffff, v31  }
0x1ba: {  	[tilespmem:v18+s8+$0x0] =	vst.idx.msk $0xffff, v42  }
0x1bb: {  	[tilespmem:v19+s8+$0x0] =	vst.idx.msk $0xffff, v43  }
0x1bc: {  	v17 =	vld.idx.msk [tilespmem:v20+s1+$0x0], $0xffff  }
0x1bd: {  	v18 =	vld.idx.msk [tilespmem:v22+s1+$0x0], $0xffff  }
0x1be: {  	v19 =	vld.idx.msk [tilespmem:v24+s1+$0x0], $0xffff  }
0x1bf: {  	v44 =	vld.idx.msk [tilespmem:v26+s1+$0x0], $0xffff;
	_ =	sdelay $0x2  }
0x1c0: {  	v45 =	vmul.f32 v17, v13;
	v46 =	vmul.f32 v18, v15  }
0x1c1: {  	v47 =	vmul.f32 v19, v16;
	v48 =	vmul.f32 v17, v9  }
0x1c2: {  	v49 =	vmul.f32 v18, v10;
	v50 =	vmul.f32 v44, v33  }
0x1c3: {  	v51 =	vmul.f32 v19, v14;
	v52 =	vmul.f32 v17, v4  }
0x1c4: {  	v53 =	vmul.f32 v18, v7;
	v17 =	vmul.f32 v17, v3;
	v22 =	vadd.f32 v46, v45  }
0x1c5: {  	v18 =	vmul.f32 v18, v5;
	v56 =	vmul.f32 v19, v8;
	v30 =	vadd.f32 v49, v48  }
0x1c6: {  	v57 =	vmul.f32 v44, v37;
	v55 =	vadd.f32 v53, v52;
	v22 =	vadd.f32 v47, v22  }
0x1c7: {  	v58 =	vmul.f32 v19, v6;
	v17 =	vadd.f32 v18, v17;
	v54 =	vadd.f32 v51, v30  }
0x1c8: {  	v61 =	vmul.f32 v44, v12;
	v60 =	vadd.f32 v56, v55;
	v59 =	vadd.f32 v50, v22  }
0x1c9: {  	v62 =	vmul.f32 v44, v11;
	v17 =	vadd.f32 v58, v17;
	v26 =	vadd.f32 v57, v54  }
0x1ca: {  	v24 =	vor.u32 $0x9, v2;
	v63 =	vadd.f32 v61, v60;
	[tilespmem:v21+s8+$0x0] =	vst.idx.msk $0xffff, v59  }
0x1cb: {  	v17 =	vadd.f32 v62, v17;
	[tilespmem:v23+s8+$0x0] =	vst.idx.msk $0xffff, v26  }
0x1cc: {  	[tilespmem:v25+s8+$0x0] =	vst.idx.msk $0xffff, v63  }
0x1cd: {  	[tilespmem:v27+s8+$0x0] =	vst.idx.msk $0xffff, v17  }
0x1ce: {  	v26 =	vor.u32 $0xA, v2;
	v17 =	vld.idx.msk [tilespmem:v28+s1+$0x0], $0xffff  }
0x1cf: {  	v20 =	vld.idx.msk [tilespmem:v24+s1+$0x0], $0xffff  }
0x1d0: {  	v28 =	vor.u32 $0xB, v2;
	_ =	sdelay $0x2  }
0x1d1: {  	v18 =	vld.idx.msk [tilespmem:v26+s1+$0x0], $0xffff  }
0x1d2: {  	v42 =	vor.u32 $0x9, v1;
	v30 =	vmul.f32 v17, v13;
	v31 =	vmul.f32 v20, v15  }
0x1d3: {  	v44 =	vor.u32 $0xA, v1;
	v19 =	vld.idx.msk [tilespmem:v28+s1+$0x0], $0xffff;
	v32 =	vmul.f32 v17, v9;
	v34 =	vmul.f32 v20, v10  }
0x1d4: {  	v49 =	vor.u32 $0xC, v2;
	v40 =	vmul.f32 v17, v4;
	v41 =	vmul.f32 v20, v7  }
0x1d5: {  	v47 =	vor.u32 $0xB, v1;
	v17 =	vmul.f32 v17, v3;
	v20 =	vmul.f32 v20, v5  }
0x1d6: {  	v21 =	vadd.f32 v31, v30;
	v35 =	vmul.f32 v18, v16;
	v23 =	vadd.f32 v34, v32  }
0x1d7: {  	v36 =	vmul.f32 v18, v14;
	v22 =	vadd.f32 v41, v40;
	v43 =	vmul.f32 v18, v8  }
0x1d8: {  	v17 =	vadd.f32 v20, v17;
	v21 =	vadd.f32 v35, v21;
	v38 =	vmul.f32 v19, v33  }
0x1d9: {  	v18 =	vmul.f32 v18, v6;
	v23 =	vadd.f32 v36, v23;
	v39 =	vmul.f32 v19, v37  }
0x1da: {  	v45 =	vadd.f32 v43, v22;
	v46 =	vmul.f32 v19, v12;
	v21 =	vadd.f32 v38, v21  }
0x1db: {  	v17 =	vadd.f32 v18, v17;
	v48 =	vmul.f32 v19, v11;
	v23 =	vadd.f32 v39, v23  }
0x1dc: {  	v50 =	vor.u32 $0xD, v2;
	v20 =	vadd.f32 v46, v45;
	[tilespmem:v29+s8+$0x0] =	vst.idx.msk $0xffff, v21  }
0x1dd: {  	v51 =	vor.u32 $0xE, v2;
	v17 =	vadd.f32 v48, v17;
	[tilespmem:v42+s8+$0x0] =	vst.idx.msk $0xffff, v23  }
0x1de: {  	v2 =	vor.u32 $0xF, v2;
	[tilespmem:v44+s8+$0x0] =	vst.idx.msk $0xffff, v20  }
0x1df: {  	[tilespmem:v47+s8+$0x0] =	vst.idx.msk $0xffff, v17  }
0x1e0: {  	v17 =	vld.idx.msk [tilespmem:v49+s1+$0x0], $0xffff  }
0x1e1: {  	v52 =	vld.idx.msk [tilespmem:v50+s1+$0x0], $0xffff  }
0x1e2: {  	v18 =	vld.idx.msk [tilespmem:v51+s1+$0x0], $0xffff  }
0x1e3: {  	v2 =	vld.idx.msk [tilespmem:v2+s1+$0x0], $0xffff;
	_ =	sdelay $0x3  }
0x1e4: {  	v58 =	vor.u32 $0xD, v1;
	v13 =	vmul.f32 v17, v13;
	v15 =	vmul.f32 v52, v15  }
0x1e5: {  	v57 =	vor.u32 $0xC, v1;
	v53 =	vmul.f32 v18, v16;
	v54 =	vmul.f32 v2, v33  }
0x1e6: {  	v60 =	vor.u32 $0xE, v1;
	v9 =	vmul.f32 v17, v9;
	v10 =	vmul.f32 v52, v10  }
0x1e7: {  	v1 =	vor.u32 $0xF, v1;
	v55 =	vmul.f32 v18, v14;
	v56 =	vmul.f32 v2, v37  }
0x1e8: {  	v4 =	vmul.f32 v17, v4;
	v7 =	vmul.f32 v52, v7;
	v13 =	vadd.f32 v15, v13  }
0x1e9: {  	v3 =	vmul.f32 v17, v3;
	v5 =	vmul.f32 v52, v5;
	v9 =	vadd.f32 v10, v9  }
0x1ea: {  	v59 =	vmul.f32 v18, v8;
	v4 =	vadd.f32 v7, v4;
	v13 =	vadd.f32 v53, v13  }
0x1eb: {  	v61 =	vmul.f32 v18, v6;
	v3 =	vadd.f32 v5, v3;
	v9 =	vadd.f32 v55, v9  }
0x1ec: {  	p0 =	sne.s32 s3, $0xF0;
	v62 =	vmul.f32 v2, v12;
	v4 =	vadd.f32 v59, v4;
	v13 =	vadd.f32 v54, v13  }
.Ltmp1:
0x1ed: {  	v2 =	vmul.f32 v2, v11;
	v3 =	vadd.f32 v61, v3;
	v63 =	vadd.f32 v56, v9;
	(pc) =	sbr.rel @p0 .LBB2_4-.Ltmp1, $4  }
0x1ee: {  	v4 =	vadd.f32 v62, v4;
	[tilespmem:v57+s8+$0x0] =	vst.idx.msk $0xffff, v13  }
0x1ef: {  	v2 =	vadd.f32 v2, v3;
	[tilespmem:v58+s8+$0x0] =	vst.idx.msk $0xffff, v63  }
0x1f0: {  	[tilespmem:v60+s8+$0x0] =	vst.idx.msk $0xffff, v4  }
0x1f1: {  	s25 =	sadd.s32 $0x10, s25;
	s3 =	sadd.s32 $0x10, s3;
	s4 =	sadd.s32 $0x10, s4;
	[tilespmem:v1+s8+$0x0] =	vst.idx.msk $0xffff, v2  }
0x1f2: {  	_ =	swait.ge [sflag:s19], $0x80  }
0x1f3: {  	[sflag:s19] =	ssyncset.done $0x0  }
0x1f4: {  	[sflag:s19] =	ssyncadd.s32 $0xFFFFFF80  }
0x1f5: {  	_ =	swait.ge [sflag:s19], $0x80  }
0x1f6: {  	[sflag:s19] =	ssyncset.done $0x0  }
0x1f7: {  	[sflag:s19] =	ssyncadd.s32 $0xFFFFFF80  }
0x1f8: {  	_ =	swait.ge [sflag:s19], $0x80  }
0x1f9: {  	[sflag:s19] =	ssyncset.done $0x0  }
0x1fa: {  	[sflag:s19] =	ssyncadd.s32 $0xFFFFFF80  }
0x1fb: {  	_ =	swait.ge [sflag:s19], $0x80  }
0x1fc: {  	[sflag:s19] =	ssyncset.done $0x0  }
0x1fd: {  	[sflag:s19] =	ssyncadd.s32 $0xFFFFFF80  }
0x1fe: {  	_ =	swait.ge [sflag:s19], $0x80  }
0x1ff: {  	[sflag:s19] =	ssyncset.done $0x0  }
0x200: {  	[sflag:s19] =	ssyncadd.s32 $0xFFFFFF80  }
0x201: {  	_ =	swait.ge [sflag:s19], $0x80  }
0x202: {  	[sflag:s19] =	ssyncset.done $0x0  }
0x203: {  	[sflag:s19] =	ssyncadd.s32 $0xFFFFFF80  }
0x204: {  	_ =	swait.ge [sflag:s19], $0x80  }
0x205: {  	[sflag:s19] =	ssyncset.done $0x0  }
0x206: {  	[sflag:s19] =	ssyncadd.s32 $0xFFFFFF80  }
0x207: {  	_ =	swait.ge [sflag:s19], $0x80  }
0x208: {  	[sflag:s19] =	ssyncset.done $0x0  }
0x209: {  	[sflag:s19] =	ssyncadd.s32 $0xFFFFFF80  }
0x20a: {  	_ =	swait.ge [sflag:s19], $0x80  }
0x20b: {  	[sflag:s19] =	ssyncset.done $0x0  }
0x20c: {  	[sflag:s19] =	ssyncadd.s32 $0xFFFFFF80  }
0x20d: {  	_ =	swait.ge [sflag:s19], $0x80  }
0x20e: {  	[sflag:s19] =	ssyncset.done $0x0  }
0x20f: {  	[sflag:s19] =	ssyncadd.s32 $0xFFFFFF80  }
0x210: {  	_ =	swait.ge [sflag:s19], $0x80  }
0x211: {  	[sflag:s19] =	ssyncset.done $0x0  }
0x212: {  	[sflag:s19] =	ssyncadd.s32 $0xFFFFFF80  }
0x213: {  	_ =	swait.ge [sflag:s19], $0x80  }
0x214: {  	[sflag:s19] =	ssyncset.done $0x0  }
0x215: {  	[sflag:s19] =	ssyncadd.s32 $0xFFFFFF80  }
0x216: {  	_ =	swait.ge [sflag:s19], $0x80  }
0x217: {  	[sflag:s19] =	ssyncset.done $0x0  }
0x218: {  	[sflag:s19] =	ssyncadd.s32 $0xFFFFFF80  }
0x219: {  	_ =	swait.ge [sflag:s19], $0x80  }
0x21a: {  	[sflag:s19] =	ssyncset.done $0x0  }
0x21b: {  	[sflag:s19] =	ssyncadd.s32 $0xFFFFFF80  }
0x21c: {  	_ =	swait.ge [sflag:s19], $0x80  }
0x21d: {  	[sflag:s19] =	ssyncset.done $0x0  }
0x21e: {  	[sflag:s19] =	ssyncadd.s32 $0xFFFFFF80  }
0x21f: {  	_ =	swait.ge [sflag:s19], $0x80  }
0x220: {  	s3 =	simm.s32 $0x100;
	[sflag:s19] =	ssyncset.done $0x0  }
0x221: {  	s25 =	simm.s32 $0x300;
	s4 =	simm.s32 $0x1500;
	[sflag:s19] =	ssyncadd.s32 $0xFFFFFF80  }
.LBB2_6:
0x222: {  	v1 =	vld [tilespmem:s25+$0x0];
	_ =	sdelay $0x4  }
0x223: {  	v2 =	vshll.u32 v1, $0x4;
	_ =	sdelay $0x2  }
0x224: {  	v1 =	vmov s3  }
0x225: {  	v1 =	vshll.u32 v1, $0x4  }
0x226: {  	v1 =	vor.u32 v0, v1;
	v3 =	vld.idx.msk [tilespmem:v2+s29+$0x0], $0xffff  }
0x227: {  	v6 =	vor.u32 $0x1, v2;
	_ =	sdelay $0x3  }
0x228: {  	[tilespmem:v1+s7+$0x0] =	vst.idx.msk $0xffff, v3  }
0x229: {  	v17 =	vor.u32 $0x1, v1;
	v3 =	vld.idx.msk [tilespmem:v6+s29+$0x0], $0xffff  }
0x22a: {  	v8 =	vor.u32 $0x2, v2;
	_ =	sdelay $0x3  }
0x22b: {  	[tilespmem:v17+s7+$0x0] =	vst.idx.msk $0xffff, v3  }
0x22c: {  	v18 =	vor.u32 $0x2, v1;
	v3 =	vld.idx.msk [tilespmem:v8+s29+$0x0], $0xffff  }
0x22d: {  	v11 =	vor.u32 $0x3, v2;
	_ =	sdelay $0x3  }
0x22e: {  	[tilespmem:v18+s7+$0x0] =	vst.idx.msk $0xffff, v3  }
0x22f: {  	v19 =	vor.u32 $0x3, v1;
	v3 =	vld.idx.msk [tilespmem:v11+s29+$0x0], $0xffff  }
0x230: {  	v20 =	vor.u32 $0x4, v2;
	_ =	sdelay $0x3  }
0x231: {  	[tilespmem:v19+s7+$0x0] =	vst.idx.msk $0xffff, v3  }
0x232: {  	v21 =	vor.u32 $0x4, v1;
	v3 =	vld.idx.msk [tilespmem:v20+s29+$0x0], $0xffff  }
0x233: {  	v22 =	vor.u32 $0x5, v2;
	_ =	sdelay $0x3  }
0x234: {  	[tilespmem:v21+s7+$0x0] =	vst.idx.msk $0xffff, v3  }
0x235: {  	v23 =	vor.u32 $0x5, v1;
	v3 =	vld.idx.msk [tilespmem:v22+s29+$0x0], $0xffff  }
0x236: {  	v24 =	vor.u32 $0x6, v2;
	_ =	sdelay $0x3  }
0x237: {  	[tilespmem:v23+s7+$0x0] =	vst.idx.msk $0xffff, v3  }
0x238: {  	v25 =	vor.u32 $0x6, v1;
	v3 =	vld.idx.msk [tilespmem:v24+s29+$0x0], $0xffff  }
0x239: {  	v26 =	vor.u32 $0x7, v2;
	_ =	sdelay $0x3  }
0x23a: {  	[tilespmem:v25+s7+$0x0] =	vst.idx.msk $0xffff, v3  }
0x23b: {  	v27 =	vor.u32 $0x7, v1;
	v3 =	vld.idx.msk [tilespmem:v26+s29+$0x0], $0xffff  }
0x23c: {  	v28 =	vor.u32 $0x8, v2;
	_ =	sdelay $0x3  }
0x23d: {  	[tilespmem:v27+s7+$0x0] =	vst.idx.msk $0xffff, v3  }
0x23e: {  	v29 =	vor.u32 $0x8, v1;
	v3 =	vld.idx.msk [tilespmem:v28+s29+$0x0], $0xffff;
	_ =	sdelay $0x4  }
0x23f: {  	[tilespmem:v29+s7+$0x0] =	vst.idx.msk $0xffff, v3  }
0x240: {  	v13 =	vld [tilespmem:s4+$0xFFFFF000]  }
0x241: {  	v9 =	vld [tilespmem:s4+$0xFFFFF200]  }
0x242: {  	v4 =	vld [tilespmem:s4+$0xFFFFF400]  }
0x243: {  	v3 =	vld [tilespmem:s4+$0xFFFFF600]  }
0x244: {  	v15 =	vld [tilespmem:s4+$0xFFFFF800]  }
0x245: {  	v10 =	vld [tilespmem:s4+$0xFFFFFA00]  }
0x246: {  	v7 =	vld [tilespmem:s4+$0xFFFFFC00]  }
0x247: {  	v5 =	vld [tilespmem:s4+$0xFFFFFE00]  }
0x248: {  	v16 =	vld [tilespmem:s4+$0x0]  }
0x249: {  	v30 =	vld.idx.msk [tilespmem:v2+s1+$0x0], $0xffff  }
0x24a: {  	v31 =	vld.idx.msk [tilespmem:v6+s1+$0x0], $0xffff  }
0x24b: {  	v14 =	vld [tilespmem:s4+$0x200]  }
0x24c: {  	v32 =	vld.idx.msk [tilespmem:v8+s1+$0x0], $0xffff  }
0x24d: {  	v8 =	vld [tilespmem:s4+$0x400]  }
0x24e: {  	v33 =	vld [tilespmem:s4+$0x800]  }
0x24f: {  	v35 =	vld.idx.msk [tilespmem:v11+s1+$0x0], $0xffff;
	v12 =	vmul.f32 v30, v13;
	v34 =	vmul.f32 v31, v15  }
0x250: {  	v37 =	vld [tilespmem:s4+$0xA00];
	v58 =	vmul.f32 v30, v9;
	v36 =	vmul.f32 v31, v10  }
0x251: {  	v6 =	vld [tilespmem:s4+$0x600];
	v38 =	vmul.f32 v32, v16;
	v39 =	vmul.f32 v32, v14  }
0x252: {  	v59 =	vmul.f32 v30, v4;
	v40 =	vmul.f32 v31, v7;
	v34 =	vadd.f32 v34, v12;
	v12 =	vld [tilespmem:s4+$0xC00]  }
0x253: {  	v11 =	vld [tilespmem:s4+$0xE00];
	v30 =	vmul.f32 v30, v3;
	v31 =	vmul.f32 v31, v5  }
0x254: {  	v60 =	vmul.f32 v35, v33;
	v61 =	vmul.f32 v32, v8;
	v36 =	vadd.f32 v36, v58  }
0x255: {  	v62 =	vmul.f32 v35, v37;
	v34 =	vadd.f32 v38, v34;
	v38 =	vadd.f32 v40, v59  }
0x256: {  	v32 =	vmul.f32 v32, v6;
	v30 =	vadd.f32 v31, v30;
	v36 =	vadd.f32 v39, v36  }
0x257: {  	v34 =	vadd.f32 v60, v34;
	v38 =	vadd.f32 v61, v38;
	v63 =	vmul.f32 v35, v12  }
0x258: {  	v41 =	vmul.f32 v35, v11;
	v30 =	vadd.f32 v32, v30;
	v31 =	vadd.f32 v62, v36  }
0x259: {  	[tilespmem:v1+s8+$0x0] =	vst.idx.msk $0xffff, v34;
	v42 =	vadd.f32 v63, v38  }
0x25a: {  	v43 =	vadd.f32 v41, v30;
	[tilespmem:v17+s8+$0x0] =	vst.idx.msk $0xffff, v31  }
0x25b: {  	[tilespmem:v18+s8+$0x0] =	vst.idx.msk $0xffff, v42  }
0x25c: {  	[tilespmem:v19+s8+$0x0] =	vst.idx.msk $0xffff, v43  }
0x25d: {  	v17 =	vld.idx.msk [tilespmem:v20+s1+$0x0], $0xffff  }
0x25e: {  	v18 =	vld.idx.msk [tilespmem:v22+s1+$0x0], $0xffff  }
0x25f: {  	v19 =	vld.idx.msk [tilespmem:v24+s1+$0x0], $0xffff  }
0x260: {  	v44 =	vld.idx.msk [tilespmem:v26+s1+$0x0], $0xffff;
	_ =	sdelay $0x2  }
0x261: {  	v45 =	vmul.f32 v17, v13;
	v46 =	vmul.f32 v18, v15  }
0x262: {  	v47 =	vmul.f32 v19, v16;
	v48 =	vmul.f32 v17, v9  }
0x263: {  	v49 =	vmul.f32 v18, v10;
	v50 =	vmul.f32 v44, v33  }
0x264: {  	v51 =	vmul.f32 v19, v14;
	v52 =	vmul.f32 v17, v4  }
0x265: {  	v53 =	vmul.f32 v18, v7;
	v17 =	vmul.f32 v17, v3;
	v22 =	vadd.f32 v46, v45  }
0x266: {  	v18 =	vmul.f32 v18, v5;
	v56 =	vmul.f32 v19, v8;
	v30 =	vadd.f32 v49, v48  }
0x267: {  	v57 =	vmul.f32 v44, v37;
	v55 =	vadd.f32 v53, v52;
	v22 =	vadd.f32 v47, v22  }
0x268: {  	v58 =	vmul.f32 v19, v6;
	v17 =	vadd.f32 v18, v17;
	v54 =	vadd.f32 v51, v30  }
0x269: {  	v61 =	vmul.f32 v44, v12;
	v60 =	vadd.f32 v56, v55;
	v59 =	vadd.f32 v50, v22  }
0x26a: {  	v62 =	vmul.f32 v44, v11;
	v17 =	vadd.f32 v58, v17;
	v26 =	vadd.f32 v57, v54  }
0x26b: {  	v24 =	vor.u32 $0x9, v2;
	v63 =	vadd.f32 v61, v60;
	[tilespmem:v21+s8+$0x0] =	vst.idx.msk $0xffff, v59  }
0x26c: {  	v17 =	vadd.f32 v62, v17;
	[tilespmem:v23+s8+$0x0] =	vst.idx.msk $0xffff, v26  }
0x26d: {  	[tilespmem:v25+s8+$0x0] =	vst.idx.msk $0xffff, v63  }
0x26e: {  	[tilespmem:v27+s8+$0x0] =	vst.idx.msk $0xffff, v17  }
0x26f: {  	v26 =	vor.u32 $0xA, v2;
	v17 =	vld.idx.msk [tilespmem:v28+s1+$0x0], $0xffff  }
0x270: {  	v20 =	vld.idx.msk [tilespmem:v24+s1+$0x0], $0xffff  }
0x271: {  	v28 =	vor.u32 $0xB, v2;
	_ =	sdelay $0x2  }
0x272: {  	v18 =	vld.idx.msk [tilespmem:v26+s1+$0x0], $0xffff  }
0x273: {  	v42 =	vor.u32 $0x9, v1;
	v30 =	vmul.f32 v17, v13;
	v31 =	vmul.f32 v20, v15  }
0x274: {  	v44 =	vor.u32 $0xA, v1;
	v19 =	vld.idx.msk [tilespmem:v28+s1+$0x0], $0xffff;
	v32 =	vmul.f32 v17, v9;
	v34 =	vmul.f32 v20, v10  }
0x275: {  	v49 =	vor.u32 $0xC, v2;
	v40 =	vmul.f32 v17, v4;
	v41 =	vmul.f32 v20, v7  }
0x276: {  	v47 =	vor.u32 $0xB, v1;
	v17 =	vmul.f32 v17, v3;
	v20 =	vmul.f32 v20, v5  }
0x277: {  	v21 =	vadd.f32 v31, v30;
	v35 =	vmul.f32 v18, v16;
	v23 =	vadd.f32 v34, v32  }
0x278: {  	v36 =	vmul.f32 v18, v14;
	v22 =	vadd.f32 v41, v40;
	v43 =	vmul.f32 v18, v8  }
0x279: {  	v17 =	vadd.f32 v20, v17;
	v21 =	vadd.f32 v35, v21;
	v38 =	vmul.f32 v19, v33  }
0x27a: {  	v18 =	vmul.f32 v18, v6;
	v23 =	vadd.f32 v36, v23;
	v39 =	vmul.f32 v19, v37  }
0x27b: {  	v45 =	vadd.f32 v43, v22;
	v46 =	vmul.f32 v19, v12;
	v21 =	vadd.f32 v38, v21  }
0x27c: {  	v17 =	vadd.f32 v18, v17;
	v48 =	vmul.f32 v19, v11;
	v23 =	vadd.f32 v39, v23  }
0x27d: {  	v50 =	vor.u32 $0xD, v2;
	v20 =	vadd.f32 v46, v45;
	[tilespmem:v29+s8+$0x0] =	vst.idx.msk $0xffff, v21  }
0x27e: {  	v51 =	vor.u32 $0xE, v2;
	v17 =	vadd.f32 v48, v17;
	[tilespmem:v42+s8+$0x0] =	vst.idx.msk $0xffff, v23  }
0x27f: {  	v2 =	vor.u32 $0xF, v2;
	[tilespmem:v44+s8+$0x0] =	vst.idx.msk $0xffff, v20  }
0x280: {  	[tilespmem:v47+s8+$0x0] =	vst.idx.msk $0xffff, v17  }
0x281: {  	v17 =	vld.idx.msk [tilespmem:v49+s1+$0x0], $0xffff  }
0x282: {  	v52 =	vld.idx.msk [tilespmem:v50+s1+$0x0], $0xffff  }
0x283: {  	v18 =	vld.idx.msk [tilespmem:v51+s1+$0x0], $0xffff  }
0x284: {  	v2 =	vld.idx.msk [tilespmem:v2+s1+$0x0], $0xffff;
	_ =	sdelay $0x3  }
0x285: {  	v58 =	vor.u32 $0xD, v1;
	v13 =	vmul.f32 v17, v13;
	v15 =	vmul.f32 v52, v15  }
0x286: {  	v57 =	vor.u32 $0xC, v1;
	v53 =	vmul.f32 v18, v16;
	v54 =	vmul.f32 v2, v33  }
0x287: {  	v60 =	vor.u32 $0xE, v1;
	v9 =	vmul.f32 v17, v9;
	v10 =	vmul.f32 v52, v10  }
0x288: {  	v1 =	vor.u32 $0xF, v1;
	v55 =	vmul.f32 v18, v14;
	v56 =	vmul.f32 v2, v37  }
0x289: {  	v4 =	vmul.f32 v17, v4;
	v7 =	vmul.f32 v52, v7;
	v13 =	vadd.f32 v15, v13  }
0x28a: {  	v3 =	vmul.f32 v17, v3;
	v5 =	vmul.f32 v52, v5;
	v9 =	vadd.f32 v10, v9  }
0x28b: {  	v59 =	vmul.f32 v18, v8;
	v4 =	vadd.f32 v7, v4;
	v13 =	vadd.f32 v53, v13  }
0x28c: {  	v61 =	vmul.f32 v18, v6;
	v3 =	vadd.f32 v5, v3;
	v9 =	vadd.f32 v55, v9  }
0x28d: {  	p0 =	sne.s32 s3, $0x170;
	v62 =	vmul.f32 v2, v12;
	v4 =	vadd.f32 v59, v4;
	v13 =	vadd.f32 v54, v13  }
.Ltmp2:
0x28e: {  	v2 =	vmul.f32 v2, v11;
	v3 =	vadd.f32 v61, v3;
	v63 =	vadd.f32 v56, v9;
	(pc) =	sbr.rel @p0 .LBB2_6-.Ltmp2, $4  }
0x28f: {  	v4 =	vadd.f32 v62, v4;
	[tilespmem:v57+s8+$0x0] =	vst.idx.msk $0xffff, v13  }
0x290: {  	v2 =	vadd.f32 v2, v3;
	[tilespmem:v58+s8+$0x0] =	vst.idx.msk $0xffff, v63  }
0x291: {  	[tilespmem:v60+s8+$0x0] =	vst.idx.msk $0xffff, v4  }
0x292: {  	s25 =	sadd.s32 $0x10, s25;
	s3 =	sadd.s32 $0x10, s3;
	s4 =	sadd.s32 $0x10, s4;
	[tilespmem:v1+s8+$0x0] =	vst.idx.msk $0xffff, v2  }
0x293: {  	_ =	swait.ge [sflag:s21], $0x80  }
0x294: {  	[sflag:s21] =	ssyncset.done $0x0  }
0x295: {  	[sflag:s21] =	ssyncadd.s32 $0xFFFFFF80  }
0x296: {  	_ =	swait.ge [sflag:s21], $0x80  }
0x297: {  	[sflag:s21] =	ssyncset.done $0x0  }
0x298: {  	[sflag:s21] =	ssyncadd.s32 $0xFFFFFF80  }
0x299: {  	_ =	swait.ge [sflag:s21], $0x80  }
0x29a: {  	[sflag:s21] =	ssyncset.done $0x0  }
0x29b: {  	[sflag:s21] =	ssyncadd.s32 $0xFFFFFF80  }
0x29c: {  	_ =	swait.ge [sflag:s21], $0x80  }
0x29d: {  	[sflag:s21] =	ssyncset.done $0x0  }
0x29e: {  	[sflag:s21] =	ssyncadd.s32 $0xFFFFFF80  }
0x29f: {  	_ =	swait.ge [sflag:s21], $0x80  }
0x2a0: {  	[sflag:s21] =	ssyncset.done $0x0  }
0x2a1: {  	[sflag:s21] =	ssyncadd.s32 $0xFFFFFF80  }
0x2a2: {  	_ =	swait.ge [sflag:s21], $0x80  }
0x2a3: {  	[sflag:s21] =	ssyncset.done $0x0  }
0x2a4: {  	[sflag:s21] =	ssyncadd.s32 $0xFFFFFF80  }
0x2a5: {  	_ =	swait.ge [sflag:s21], $0x80  }
0x2a6: {  	[sflag:s21] =	ssyncset.done $0x0  }
0x2a7: {  	[sflag:s21] =	ssyncadd.s32 $0xFFFFFF80  }
0x2a8: {  	_ =	swait.ge [sflag:s21], $0x80  }
0x2a9: {  	[sflag:s21] =	ssyncset.done $0x0  }
0x2aa: {  	[sflag:s21] =	ssyncadd.s32 $0xFFFFFF80  }
0x2ab: {  	_ =	swait.ge [sflag:s21], $0x80  }
0x2ac: {  	[sflag:s21] =	ssyncset.done $0x0  }
0x2ad: {  	[sflag:s21] =	ssyncadd.s32 $0xFFFFFF80  }
0x2ae: {  	_ =	swait.ge [sflag:s21], $0x80  }
0x2af: {  	[sflag:s21] =	ssyncset.done $0x0  }
0x2b0: {  	[sflag:s21] =	ssyncadd.s32 $0xFFFFFF80  }
0x2b1: {  	_ =	swait.ge [sflag:s21], $0x80  }
0x2b2: {  	[sflag:s21] =	ssyncset.done $0x0  }
0x2b3: {  	[sflag:s21] =	ssyncadd.s32 $0xFFFFFF80  }
0x2b4: {  	_ =	swait.ge [sflag:s21], $0x80  }
0x2b5: {  	[sflag:s21] =	ssyncset.done $0x0  }
0x2b6: {  	[sflag:s21] =	ssyncadd.s32 $0xFFFFFF80  }
0x2b7: {  	_ =	swait.ge [sflag:s21], $0x80  }
0x2b8: {  	[sflag:s21] =	ssyncset.done $0x0  }
0x2b9: {  	[sflag:s21] =	ssyncadd.s32 $0xFFFFFF80  }
0x2ba: {  	_ =	swait.ge [sflag:s21], $0x80  }
0x2bb: {  	[sflag:s21] =	ssyncset.done $0x0  }
0x2bc: {  	[sflag:s21] =	ssyncadd.s32 $0xFFFFFF80  }
0x2bd: {  	_ =	swait.ge [sflag:s21], $0x80  }
0x2be: {  	[sflag:s21] =	ssyncset.done $0x0  }
0x2bf: {  	[sflag:s21] =	ssyncadd.s32 $0xFFFFFF80  }
0x2c0: {  	_ =	swait.ge [sflag:s21], $0x80  }
0x2c1: {  	s3 =	simm.s32 $0x180;
	[sflag:s21] =	ssyncset.done $0x0  }
0x2c2: {  	s25 =	simm.s32 $0x380;
	s4 =	simm.s32 $0x1580;
	[sflag:s21] =	ssyncadd.s32 $0xFFFFFF80  }
.LBB2_8:
0x2c3: {  	v1 =	vld [tilespmem:s25+$0x0];
	_ =	sdelay $0x4  }
0x2c4: {  	v2 =	vshll.u32 v1, $0x4;
	_ =	sdelay $0x2  }
0x2c5: {  	v1 =	vmov s3  }
0x2c6: {  	v1 =	vshll.u32 v1, $0x4  }
0x2c7: {  	v1 =	vor.u32 v0, v1;
	v3 =	vld.idx.msk [tilespmem:v2+s29+$0x0], $0xffff  }
0x2c8: {  	v6 =	vor.u32 $0x1, v2;
	_ =	sdelay $0x3  }
0x2c9: {  	[tilespmem:v1+s7+$0x0] =	vst.idx.msk $0xffff, v3  }
0x2ca: {  	v17 =	vor.u32 $0x1, v1;
	v3 =	vld.idx.msk [tilespmem:v6+s29+$0x0], $0xffff  }
0x2cb: {  	v8 =	vor.u32 $0x2, v2;
	_ =	sdelay $0x3  }
0x2cc: {  	[tilespmem:v17+s7+$0x0] =	vst.idx.msk $0xffff, v3  }
0x2cd: {  	v18 =	vor.u32 $0x2, v1;
	v3 =	vld.idx.msk [tilespmem:v8+s29+$0x0], $0xffff  }
0x2ce: {  	v11 =	vor.u32 $0x3, v2;
	_ =	sdelay $0x3  }
0x2cf: {  	[tilespmem:v18+s7+$0x0] =	vst.idx.msk $0xffff, v3  }
0x2d0: {  	v19 =	vor.u32 $0x3, v1;
	v3 =	vld.idx.msk [tilespmem:v11+s29+$0x0], $0xffff  }
0x2d1: {  	v20 =	vor.u32 $0x4, v2;
	_ =	sdelay $0x3  }
0x2d2: {  	[tilespmem:v19+s7+$0x0] =	vst.idx.msk $0xffff, v3  }
0x2d3: {  	v21 =	vor.u32 $0x4, v1;
	v3 =	vld.idx.msk [tilespmem:v20+s29+$0x0], $0xffff  }
0x2d4: {  	v22 =	vor.u32 $0x5, v2;
	_ =	sdelay $0x3  }
0x2d5: {  	[tilespmem:v21+s7+$0x0] =	vst.idx.msk $0xffff, v3  }
0x2d6: {  	v23 =	vor.u32 $0x5, v1;
	v3 =	vld.idx.msk [tilespmem:v22+s29+$0x0], $0xffff  }
0x2d7: {  	v24 =	vor.u32 $0x6, v2;
	_ =	sdelay $0x3  }
0x2d8: {  	[tilespmem:v23+s7+$0x0] =	vst.idx.msk $0xffff, v3  }
0x2d9: {  	v25 =	vor.u32 $0x6, v1;
	v3 =	vld.idx.msk [tilespmem:v24+s29+$0x0], $0xffff  }
0x2da: {  	v26 =	vor.u32 $0x7, v2;
	_ =	sdelay $0x3  }
0x2db: {  	[tilespmem:v25+s7+$0x0] =	vst.idx.msk $0xffff, v3  }
0x2dc: {  	v27 =	vor.u32 $0x7, v1;
	v3 =	vld.idx.msk [tilespmem:v26+s29+$0x0], $0xffff  }
0x2dd: {  	v28 =	vor.u32 $0x8, v2;
	_ =	sdelay $0x3  }
0x2de: {  	[tilespmem:v27+s7+$0x0] =	vst.idx.msk $0xffff, v3  }
0x2df: {  	v29 =	vor.u32 $0x8, v1;
	v3 =	vld.idx.msk [tilespmem:v28+s29+$0x0], $0xffff;
	_ =	sdelay $0x4  }
0x2e0: {  	[tilespmem:v29+s7+$0x0] =	vst.idx.msk $0xffff, v3  }
0x2e1: {  	v13 =	vld [tilespmem:s4+$0xFFFFF000]  }
0x2e2: {  	v9 =	vld [tilespmem:s4+$0xFFFFF200]  }
0x2e3: {  	v4 =	vld [tilespmem:s4+$0xFFFFF400]  }
0x2e4: {  	v3 =	vld [tilespmem:s4+$0xFFFFF600]  }
0x2e5: {  	v15 =	vld [tilespmem:s4+$0xFFFFF800]  }
0x2e6: {  	v10 =	vld [tilespmem:s4+$0xFFFFFA00]  }
0x2e7: {  	v7 =	vld [tilespmem:s4+$0xFFFFFC00]  }
0x2e8: {  	v5 =	vld [tilespmem:s4+$0xFFFFFE00]  }
0x2e9: {  	v16 =	vld [tilespmem:s4+$0x0]  }
0x2ea: {  	v30 =	vld.idx.msk [tilespmem:v2+s1+$0x0], $0xffff  }
0x2eb: {  	v31 =	vld.idx.msk [tilespmem:v6+s1+$0x0], $0xffff  }
0x2ec: {  	v14 =	vld [tilespmem:s4+$0x200]  }
0x2ed: {  	v32 =	vld.idx.msk [tilespmem:v8+s1+$0x0], $0xffff  }
0x2ee: {  	v8 =	vld [tilespmem:s4+$0x400]  }
0x2ef: {  	v33 =	vld [tilespmem:s4+$0x800]  }
0x2f0: {  	v35 =	vld.idx.msk [tilespmem:v11+s1+$0x0], $0xffff;
	v12 =	vmul.f32 v30, v13;
	v34 =	vmul.f32 v31, v15  }
0x2f1: {  	v37 =	vld [tilespmem:s4+$0xA00];
	v58 =	vmul.f32 v30, v9;
	v36 =	vmul.f32 v31, v10  }
0x2f2: {  	v6 =	vld [tilespmem:s4+$0x600];
	v38 =	vmul.f32 v32, v16;
	v39 =	vmul.f32 v32, v14  }
0x2f3: {  	v59 =	vmul.f32 v30, v4;
	v40 =	vmul.f32 v31, v7;
	v34 =	vadd.f32 v34, v12;
	v12 =	vld [tilespmem:s4+$0xC00]  }
0x2f4: {  	v11 =	vld [tilespmem:s4+$0xE00];
	v30 =	vmul.f32 v30, v3;
	v31 =	vmul.f32 v31, v5  }
0x2f5: {  	v60 =	vmul.f32 v35, v33;
	v61 =	vmul.f32 v32, v8;
	v36 =	vadd.f32 v36, v58  }
0x2f6: {  	v62 =	vmul.f32 v35, v37;
	v34 =	vadd.f32 v38, v34;
	v38 =	vadd.f32 v40, v59  }
0x2f7: {  	v32 =	vmul.f32 v32, v6;
	v30 =	vadd.f32 v31, v30;
	v36 =	vadd.f32 v39, v36  }
0x2f8: {  	v34 =	vadd.f32 v60, v34;
	v38 =	vadd.f32 v61, v38;
	v63 =	vmul.f32 v35, v12  }
0x2f9: {  	v41 =	vmul.f32 v35, v11;
	v30 =	vadd.f32 v32, v30;
	v31 =	vadd.f32 v62, v36  }
0x2fa: {  	[tilespmem:v1+s8+$0x0] =	vst.idx.msk $0xffff, v34;
	v42 =	vadd.f32 v63, v38  }
0x2fb: {  	v43 =	vadd.f32 v41, v30;
	[tilespmem:v17+s8+$0x0] =	vst.idx.msk $0xffff, v31  }
0x2fc: {  	[tilespmem:v18+s8+$0x0] =	vst.idx.msk $0xffff, v42  }
0x2fd: {  	[tilespmem:v19+s8+$0x0] =	vst.idx.msk $0xffff, v43  }
0x2fe: {  	v17 =	vld.idx.msk [tilespmem:v20+s1+$0x0], $0xffff  }
0x2ff: {  	v18 =	vld.idx.msk [tilespmem:v22+s1+$0x0], $0xffff  }
0x300: {  	v19 =	vld.idx.msk [tilespmem:v24+s1+$0x0], $0xffff  }
0x301: {  	v44 =	vld.idx.msk [tilespmem:v26+s1+$0x0], $0xffff;
	_ =	sdelay $0x2  }
0x302: {  	v45 =	vmul.f32 v17, v13;
	v46 =	vmul.f32 v18, v15  }
0x303: {  	v47 =	vmul.f32 v19, v16;
	v48 =	vmul.f32 v17, v9  }
0x304: {  	v49 =	vmul.f32 v18, v10;
	v50 =	vmul.f32 v44, v33  }
0x305: {  	v51 =	vmul.f32 v19, v14;
	v52 =	vmul.f32 v17, v4  }
0x306: {  	v53 =	vmul.f32 v18, v7;
	v17 =	vmul.f32 v17, v3;
	v22 =	vadd.f32 v46, v45  }
0x307: {  	v18 =	vmul.f32 v18, v5;
	v56 =	vmul.f32 v19, v8;
	v30 =	vadd.f32 v49, v48  }
0x308: {  	v57 =	vmul.f32 v44, v37;
	v55 =	vadd.f32 v53, v52;
	v22 =	vadd.f32 v47, v22  }
0x309: {  	v58 =	vmul.f32 v19, v6;
	v17 =	vadd.f32 v18, v17;
	v54 =	vadd.f32 v51, v30  }
0x30a: {  	v61 =	vmul.f32 v44, v12;
	v60 =	vadd.f32 v56, v55;
	v59 =	vadd.f32 v50, v22  }
0x30b: {  	v62 =	vmul.f32 v44, v11;
	v17 =	vadd.f32 v58, v17;
	v26 =	vadd.f32 v57, v54  }
0x30c: {  	v24 =	vor.u32 $0x9, v2;
	v63 =	vadd.f32 v61, v60;
	[tilespmem:v21+s8+$0x0] =	vst.idx.msk $0xffff, v59  }
0x30d: {  	v17 =	vadd.f32 v62, v17;
	[tilespmem:v23+s8+$0x0] =	vst.idx.msk $0xffff, v26  }
0x30e: {  	[tilespmem:v25+s8+$0x0] =	vst.idx.msk $0xffff, v63  }
0x30f: {  	[tilespmem:v27+s8+$0x0] =	vst.idx.msk $0xffff, v17  }
0x310: {  	v26 =	vor.u32 $0xA, v2;
	v17 =	vld.idx.msk [tilespmem:v28+s1+$0x0], $0xffff  }
0x311: {  	v20 =	vld.idx.msk [tilespmem:v24+s1+$0x0], $0xffff  }
0x312: {  	v28 =	vor.u32 $0xB, v2;
	_ =	sdelay $0x2  }
0x313: {  	v18 =	vld.idx.msk [tilespmem:v26+s1+$0x0], $0xffff  }
0x314: {  	v42 =	vor.u32 $0x9, v1;
	v30 =	vmul.f32 v17, v13;
	v31 =	vmul.f32 v20, v15  }
0x315: {  	v44 =	vor.u32 $0xA, v1;
	v19 =	vld.idx.msk [tilespmem:v28+s1+$0x0], $0xffff;
	v32 =	vmul.f32 v17, v9;
	v34 =	vmul.f32 v20, v10  }
0x316: {  	v49 =	vor.u32 $0xC, v2;
	v40 =	vmul.f32 v17, v4;
	v41 =	vmul.f32 v20, v7  }
0x317: {  	v47 =	vor.u32 $0xB, v1;
	v17 =	vmul.f32 v17, v3;
	v20 =	vmul.f32 v20, v5  }
0x318: {  	v21 =	vadd.f32 v31, v30;
	v35 =	vmul.f32 v18, v16;
	v23 =	vadd.f32 v34, v32  }
0x319: {  	v36 =	vmul.f32 v18, v14;
	v22 =	vadd.f32 v41, v40;
	v43 =	vmul.f32 v18, v8  }
0x31a: {  	v17 =	vadd.f32 v20, v17;
	v21 =	vadd.f32 v35, v21;
	v38 =	vmul.f32 v19, v33  }
0x31b: {  	v18 =	vmul.f32 v18, v6;
	v23 =	vadd.f32 v36, v23;
	v39 =	vmul.f32 v19, v37  }
0x31c: {  	v45 =	vadd.f32 v43, v22;
	v46 =	vmul.f32 v19, v12;
	v21 =	vadd.f32 v38, v21  }
0x31d: {  	v17 =	vadd.f32 v18, v17;
	v48 =	vmul.f32 v19, v11;
	v23 =	vadd.f32 v39, v23  }
0x31e: {  	v50 =	vor.u32 $0xD, v2;
	v20 =	vadd.f32 v46, v45;
	[tilespmem:v29+s8+$0x0] =	vst.idx.msk $0xffff, v21  }
0x31f: {  	v51 =	vor.u32 $0xE, v2;
	v17 =	vadd.f32 v48, v17;
	[tilespmem:v42+s8+$0x0] =	vst.idx.msk $0xffff, v23  }
0x320: {  	v2 =	vor.u32 $0xF, v2;
	[tilespmem:v44+s8+$0x0] =	vst.idx.msk $0xffff, v20  }
0x321: {  	[tilespmem:v47+s8+$0x0] =	vst.idx.msk $0xffff, v17  }
0x322: {  	v17 =	vld.idx.msk [tilespmem:v49+s1+$0x0], $0xffff  }
0x323: {  	v52 =	vld.idx.msk [tilespmem:v50+s1+$0x0], $0xffff  }
0x324: {  	v18 =	vld.idx.msk [tilespmem:v51+s1+$0x0], $0xffff  }
0x325: {  	v2 =	vld.idx.msk [tilespmem:v2+s1+$0x0], $0xffff;
	_ =	sdelay $0x3  }
0x326: {  	v58 =	vor.u32 $0xD, v1;
	v13 =	vmul.f32 v17, v13;
	v15 =	vmul.f32 v52, v15  }
0x327: {  	v57 =	vor.u32 $0xC, v1;
	v53 =	vmul.f32 v18, v16;
	v54 =	vmul.f32 v2, v33  }
0x328: {  	v60 =	vor.u32 $0xE, v1;
	v9 =	vmul.f32 v17, v9;
	v10 =	vmul.f32 v52, v10  }
0x329: {  	v1 =	vor.u32 $0xF, v1;
	v55 =	vmul.f32 v18, v14;
	v56 =	vmul.f32 v2, v37  }
0x32a: {  	v4 =	vmul.f32 v17, v4;
	v7 =	vmul.f32 v52, v7;
	v13 =	vadd.f32 v15, v13  }
0x32b: {  	v3 =	vmul.f32 v17, v3;
	v5 =	vmul.f32 v52, v5;
	v9 =	vadd.f32 v10, v9  }
0x32c: {  	v59 =	vmul.f32 v18, v8;
	v4 =	vadd.f32 v7, v4;
	v13 =	vadd.f32 v53, v13  }
0x32d: {  	v61 =	vmul.f32 v18, v6;
	v3 =	vadd.f32 v5, v3;
	v9 =	vadd.f32 v55, v9  }
0x32e: {  	p0 =	sne.s32 s3, $0x1F0;
	v62 =	vmul.f32 v2, v12;
	v4 =	vadd.f32 v59, v4;
	v13 =	vadd.f32 v54, v13  }
.Ltmp3:
0x32f: {  	v2 =	vmul.f32 v2, v11;
	v3 =	vadd.f32 v61, v3;
	v63 =	vadd.f32 v56, v9;
	(pc) =	sbr.rel @p0 .LBB2_8-.Ltmp3, $4  }
0x330: {  	v4 =	vadd.f32 v62, v4;
	[tilespmem:v57+s8+$0x0] =	vst.idx.msk $0xffff, v13  }
0x331: {  	v2 =	vadd.f32 v2, v3;
	[tilespmem:v58+s8+$0x0] =	vst.idx.msk $0xffff, v63  }
0x332: {  	[tilespmem:v60+s8+$0x0] =	vst.idx.msk $0xffff, v4  }
0x333: {  	s25 =	sadd.s32 $0x10, s25;
	s3 =	sadd.s32 $0x10, s3;
	s4 =	sadd.s32 $0x10, s4;
	[tilespmem:v1+s8+$0x0] =	vst.idx.msk $0xffff, v2  }
0x334: {  	s3 =	rddreg [dreg:$0xa]  }
0x335: {  	[hbm4b:s3+s2] =	stream.linear.scatter [tilespmem:s8], [sflag:$0x5], $0x2000, $0x38;
	[tilespmem:$0x6500] =	vst v63  }
0x336: {  	_ =	swait.ge [sflag:s26], $0x2000  }
0x337: {  	[sflag:s26] =	ssyncset.done $0x0  }
0x338: {  	s24 =	rddreg [dreg:$0xb];
	[sflag:s26] =	ssyncadd.s32 $0xFFFFE000  }
0x339: {  	[hbm4b:s24+s2] =	stream.linear.scatter [tilespmem:s7], [sflag:$0x5], $0x2000, $0x38;
	[tilespmem:$0x6500] =	vst v63  }
0x33a: {  	_ =	swait.ge [sflag:s26], $0x2000  }
0x33b: {  	s4 =	rddreg [dreg:$0x1b]  }
0x33c: {  	s25 =	rddreg [dreg:$0xc];
	s4 =	sadd.s32 $0x1, s4  }
0x33d: {  	p0 =	sne.s32 s4, s25  }
.Ltmp4:
0x33e: {  	_ = 	snop;
	(pc) =	sbr.rel @p0 .LBB2_1-.Ltmp4, $3  }
0x33f: {  	_ =	sdelay $0x1  }
0x340: {  	[sflag:s26] =	ssyncset.done $0x0  }
0x341: {  	[sflag:s26] =	ssyncadd.s32 $0xFFFFE000  }
0x342: {  	_ =	sfence.sel $0x180000  }
0x343: {  	[bflag:$0x0] =	sbarrier.arrive $0xFFFF  }
0x344: {  	_ =	strace $0x90000047  }
0x345: {  	s0 =	stileid.u32;
	[bflag:$0x2] =	sbarrier.arrive $0xFFFF  }
0x346: {  	p0 =	sne.s32 s0, $0x0;
	s0 =	rddreg [dreg:$0x3]  }
0x347: {  	s0 =	sadd.s32 @!p0 $0x100000, s0  }
0x348: {  	[sflag:s0] =	ssyncadd.tile.s32 @!p0 $0x1;
	_ =	shalt  }
.Lfunc_end2:
_tile_overlayer_lowered:
.L_overlay_start_2:
0x349: {  	(tag) =	ssettag $0x2  }
0x34a: {  	s0 =	rddreg [dreg:$0x0];
	s2 =	stileid.u32  }
0x34b: {  	s1 =	rddreg [dreg:$0x1];
	p0 =	sne.s32 s2, $0x0  }
0x34c: {  	s3 =	rddreg [dreg:$0x2];
	[bflag:$0x3] =	sbarrier.arrive $0xFFFF;
	s2 =	simm.s32 @!p0 $0x1C05  }
0x34d: {  	[timem:s3], [sflag:s2] =	dma.local @!p0 [hbm:s0], s1  }
0x34e: {  	s0 =	simm.s32 @!p0 $0x5  }
0x34f: {  	_ =	swait.ge @!p0 [sflag:s0], s1  }
0x350: {  	s1 =	ssub.s32 @!p0 $0x0, s1;
	[sflag:s0] =	ssyncset.done @!p0 $0x0  }
0x351: {  	[sflag:s0] =	ssyncadd.s32 @!p0 s1  }
0x352: {  	[bflag:$0x3] =	sbarrier.arrive $0xFFFF  }
0x353: {  	_ =	shalt  }

</sc_bundles>
